<compile_context>
chip_gen: v7x
topology: tpu7x:2x2x1
jax: 0.10.2.dev20260603
libtpu: 0.0.44.dev20260713+nightly
codegen_flags: <defaults>
</compile_context>

<pallas_src>
import functools

import jax
import jax.numpy as jnp
from jax import lax
from jax.experimental import pallas as pl
from jax.experimental.pallas import tpu as pltpu
from jax.experimental.pallas import tpu_sc as plsc

N = 10000
E = 320000
D = 128
R = 4
NB = 4
T = 2

NW = 16
NPAD = 10240
RPT = NPAD // NW
EPW = 20480
CH = 32
BN = 1000
GRID = N // BN

_f32 = jnp.float32
_i32 = jnp.int32

_sc_mesh = plsc.VectorSubcoreMesh(core_axis_name="c", subcore_axis_name="s",
                                  num_cores=1)
_sc_mesh2 = plsc.VectorSubcoreMesh(core_axis_name="c", subcore_axis_name="s",
                                   num_cores=2)

HALF = 5000
HPAD = 5248
PDUMP = 5003
RPT2 = HPAD // NW
PBLK = 1024
PNB = EPW // PBLK



@functools.partial(
    pl.kernel,
    out_type=(
        jax.ShapeDtypeStruct((2, NW, EPW), _i32),
        jax.ShapeDtypeStruct((2, NW, EPW), _i32),
        jax.ShapeDtypeStruct((NW, NPAD), _f32),
    ),
    mesh=_sc_mesh,
    compiler_params=pltpu.CompilerParams(needs_layout_passes=False),
    scratch_types=[
        pltpu.VMEM((PBLK,), _i32),
        pltpu.VMEM((PBLK,), _i32),
        pltpu.VMEM((EPW,), _i32),
        pltpu.VMEM((EPW,), _i32),
        pltpu.VMEM((EPW,), _i32),
        pltpu.VMEM((EPW,), _i32),
        pltpu.VMEM((NPAD,), _f32),
    ],
)
def _sc_part(gidx_h, dst_h, fillg_h, filld_h, zvec_h,
             gout, dout, deg_out,
             g_blk, d_blk, lo_g, lo_d, hi_g, hi_d, deg_local):
    wid = lax.axis_index("s")
    pltpu.sync_copy(fillg_h, lo_g)
    pltpu.sync_copy(fillg_h, hi_g)
    pltpu.sync_copy(filld_h, lo_d)
    pltpu.sync_copy(filld_h, hi_d)
    pltpu.sync_copy(zvec_h, deg_local)
    ones16 = jnp.ones((16,), _f32)

    def _block(b, ptrs):
        pltpu.sync_copy(gidx_h.at[wid, b], g_blk)
        pltpu.sync_copy(dst_h.at[wid, b], d_blk)

        def _vec(i, p):
            plo, phi = p
            gv = g_blk[pl.ds(i * 16, 16)]
            dv = d_blk[pl.ds(i * 16, 16)]
            mlo = dv < HALF
            mhi = jnp.logical_and(dv >= HALF, dv < N)
            plsc.store_compressed(lo_g.at[pl.ds(plo, 16)], gv, mask=mlo)
            plsc.store_compressed(lo_d.at[pl.ds(plo, 16)], dv, mask=mlo)
            plsc.store_compressed(hi_g.at[pl.ds(phi, 16)], gv, mask=mhi)
            plsc.store_compressed(hi_d.at[pl.ds(phi, 16)], dv - HALF, mask=mhi)
            plsc.addupdate_scatter(deg_local, [dv], ones16)
            plo = plo + jnp.sum(mlo.astype(_i32))
            phi = phi + jnp.sum(mhi.astype(_i32))
            return (plo, phi)

        return lax.fori_loop(0, PBLK // 16, _vec, ptrs)

    lax.fori_loop(0, PNB, _block, (jnp.int32(0), jnp.int32(0)))
    pltpu.sync_copy(lo_g, gout.at[0, wid])
    pltpu.sync_copy(lo_d, dout.at[0, wid])
    pltpu.sync_copy(hi_g, gout.at[1, wid])
    pltpu.sync_copy(hi_d, dout.at[1, wid])
    pltpu.sync_copy(deg_local, deg_out.at[wid])



NSLOT2 = 2
ICH2 = PBLK // CH


@functools.partial(
    pl.kernel,
    out_type=jax.ShapeDtypeStruct((2, HPAD, D), _f32),
    mesh=_sc_mesh2,
    compiler_params=pltpu.CompilerParams(needs_layout_passes=False),
    scratch_types=[
        pltpu.VMEM((ICH2, CH), _i32),
        pltpu.VMEM((ICH2, CH), _i32),
        [pltpu.VMEM((CH, D), _f32)] * NSLOT2,
        [pltpu.SemaphoreType.DMA] * NSLOT2,
        [pltpu.SemaphoreType.DMA] * NSLOT2,
        pltpu.VMEM_SHARED((HPAD, D), _f32),
    ],
)
def _sc_agg2(table, gidx_h, dst_h, z_h,
             acc_out,
             gidx_v, dst_v, bufs, sem_g, sem_c, acc_sh):
    cid = lax.axis_index("c")
    wid = lax.axis_index("s")

    pltpu.sync_copy(z_h, bufs[0])
    base = wid * RPT2

    def _zero(i, carry):
        pltpu.sync_copy(bufs[0], acc_sh.at[pl.ds(base + i * CH, CH)])
        return carry

    lax.fori_loop(0, RPT2 // CH, _zero, 0)
    pltpu.sync_copy(bufs[0].at[pl.ds(0, RPT2 - (RPT2 // CH) * CH)],
                    acc_sh.at[pl.ds(base + (RPT2 // CH) * CH,
                                    RPT2 - (RPT2 // CH) * CH)])
    plsc.subcore_barrier()

    iota16 = lax.iota(_i32, 16)
    zeros16 = iota16 * 0

    def _block(b, carry):
        pltpu.sync_copy(gidx_h.at[cid, wid, b], gidx_v)
        pltpu.sync_copy(dst_h.at[cid, wid, b], dst_v)
        f1 = plsc.load_gather(dst_v, [iota16, zeros16])
        f2 = plsc.load_gather(dst_v, [iota16 + 16, zeros16])
        nch = (jnp.sum((f1 < HALF).astype(_i32))
               + jnp.sum((f2 < HALF).astype(_i32)))
        ngrp = (nch + NSLOT2 - 1) // NSLOT2

        @pl.when(ngrp > 0)
        def _prime():
            for s in range(NSLOT2):
                pltpu.async_copy(table.at[gidx_v.at[s]], bufs[s], sem_g[s])

        def _group(g, c):
            j0 = g * NSLOT2
            for s in range(NSLOT2):
                pltpu.make_async_copy(table.at[gidx_v.at[j0 + s]],
                                      bufs[s], sem_g[s]).wait()
                pltpu.async_copy(bufs[s], acc_sh.at[dst_v.at[j0 + s]],
                                 sem_c[s], add=True)
            for s in range(NSLOT2):
                pltpu.make_async_copy(bufs[s], acc_sh.at[dst_v.at[j0 + s]],
                                      sem_c[s]).wait()

                @pl.when(g < ngrp - 1)
                def _prefetch(s=s, j0=j0):
                    pltpu.async_copy(
                        table.at[gidx_v.at[j0 + NSLOT2 + s]],
                        bufs[s], sem_g[s])

            return c

        lax.fori_loop(0, ngrp, _group, 0)
        return carry

    lax.fori_loop(0, PNB, _block, 0)
    plsc.subcore_barrier()
    pltpu.sync_copy(acc_sh.at[pl.ds(base, RPT2)],
                    acc_out.at[cid, pl.ds(base, RPT2)])



def _wcomb_body(c0_ref, b0_ref, c1_ref, b1_ref, w0_ref, w1_ref):
    w0_ref[...] = jnp.dot(c0_ref[...], b0_ref[...],
                          preferred_element_type=_f32)
    w1_ref[...] = jnp.dot(c1_ref[...], b1_ref[...],
                          preferred_element_type=_f32)


def _combine_weights(coeffs0, bases0, coeffs1, bases1):
    w0, w1 = pl.pallas_call(
        _wcomb_body,
        out_shape=(jax.ShapeDtypeStruct((R, D * D), _f32),
                   jax.ShapeDtypeStruct((R, D * D), _f32)),
    )(coeffs0, bases0.reshape(NB, D * D), coeffs1, bases1.reshape(NB, D * D))
    return w0.reshape(R, D, D), w1.reshape(R, D, D)


def _prep_body(x_ref, w_ref, wself_ref, xw_ref, self_ref):
    x = x_ref[...]
    for r in range(R):
        xw_ref[r] = jnp.dot(x, w_ref[r], preferred_element_type=_f32)
    self_ref[...] = jnp.dot(x, wself_ref[...], preferred_element_type=_f32)


def _prep(x, w, wself):
    return pl.pallas_call(
        _prep_body,
        grid=(GRID,),
        in_specs=[
            pl.BlockSpec((BN, D), lambda i: (i, 0)),
            pl.BlockSpec((R, D, D), lambda i: (0, 0, 0)),
            pl.BlockSpec((D, D), lambda i: (0, 0)),
        ],
        out_specs=(
            pl.BlockSpec((R, BN, D), lambda i: (0, i, 0)),
            pl.BlockSpec((BN, D), lambda i: (i, 0)),
        ),
        out_shape=(jax.ShapeDtypeStruct((R, N, D), _f32),
                   jax.ShapeDtypeStruct((N, D), _f32)),
    )(x, w, wself)


def _acc_spec():
    per_half = HALF // BN
    return pl.BlockSpec((1, BN, D),
                        lambda i: (i // per_half, i % per_half, 0))


def _mid_body(acc_ref, deg_ref, self_ref, w_ref, wself_ref,
              xw_ref, self1_ref):
    deg = jnp.sum(deg_ref[...], axis=1, keepdims=True)
    degc = jnp.maximum(deg, 1.0)
    x1 = acc_ref[0] / degc + self_ref[...]
    x1 = jnp.maximum(x1, 0.0)
    for r in range(R):
        xw_ref[r] = jnp.dot(x1, w_ref[r], preferred_element_type=_f32)
    self1_ref[...] = jnp.dot(x1, wself_ref[...], preferred_element_type=_f32)


def _mid(acc, degcol, self0, w, wself):
    return pl.pallas_call(
        _mid_body,
        grid=(GRID,),
        in_specs=[
            _acc_spec(),
            pl.BlockSpec((BN, NW), lambda i: (i, 0)),
            pl.BlockSpec((BN, D), lambda i: (i, 0)),
            pl.BlockSpec((R, D, D), lambda i: (0, 0, 0)),
            pl.BlockSpec((D, D), lambda i: (0, 0)),
        ],
        out_specs=(
            pl.BlockSpec((R, BN, D), lambda i: (0, i, 0)),
            pl.BlockSpec((BN, D), lambda i: (i, 0)),
        ),
        out_shape=(jax.ShapeDtypeStruct((R, N, D), _f32),
                   jax.ShapeDtypeStruct((N, D), _f32)),
    )(acc, degcol, self0, w, wself)


def _post_body(acc_ref, deg_ref, self_ref, out_ref):
    deg = jnp.sum(deg_ref[...], axis=1, keepdims=True)
    degc = jnp.maximum(deg, 1.0)
    out_ref[...] = acc_ref[0] / degc + self_ref[...]


def _post(acc, degcol, self1):
    return pl.pallas_call(
        _post_body,
        grid=(GRID,),
        in_specs=[
            _acc_spec(),
            pl.BlockSpec((BN, NW), lambda i: (i, 0)),
            pl.BlockSpec((BN, D), lambda i: (i, 0)),
        ],
        out_specs=pl.BlockSpec((BN, D), lambda i: (i, 0)),
        out_shape=jax.ShapeDtypeStruct((N, D), _f32),
    )(acc, degcol, self1)



def kernel(feature_list, adj_list, alignment_list, train_year,
           bases0, coeffs0, wself0, bases1, coeffs1, wself1):
    del alignment_list
    w0, w1 = _combine_weights(coeffs0, bases0, coeffs1, bases1)

    z64 = jnp.zeros((CH, D), _f32)
    zvec = jnp.zeros((NPAD,), _f32)
    fillg = jnp.zeros((EPW,), _i32)
    filld = jnp.full((EPW,), PDUMP, _i32)

    pad = NW * EPW - E
    outs = []
    prev = None
    for t in range(T):
        x = feature_list[t]
        edges = adj_list[t].astype(jnp.int32)
        src, dst = edges[0], edges[1]
        rel = edges[2] % R
        gidx = rel * N + src
        gidxp = jnp.concatenate([gidx, jnp.zeros((pad,), jnp.int32)])
        dstp = jnp.concatenate([dst, jnp.full((pad,), N, jnp.int32)])
        gp = gidxp.reshape(NW, PNB, PBLK)
        dp = dstp.reshape(NW, PNB, PBLK)
        if prev is not None:
            gp, dp, _ = lax.optimization_barrier((gp, dp, prev))

        pg, pd, deg = _sc_part(gp, dp, fillg, filld, zvec)
        degt = deg[:, :N].T
        xw0, s0 = _prep(x, w0, wself0)
        pg4 = pg.reshape(2, NW, PNB, ICH2, CH)
        pd4 = pd.reshape(2, NW, PNB, ICH2, CH)
        acc0 = _sc_agg2(xw0.reshape(R * N, D), pg4, pd4, z64)
        xw1, s1 = _mid(acc0, degt, s0, w1, wself1)
        acc1 = _sc_agg2(xw1.reshape(R * N, D), pg4, pd4, z64)
        outs.append(_post(acc1, degt, s1))
        prev = acc1

    emb = jnp.stack(outs)
    mask = (jnp.arange(T) < train_year).astype(emb.dtype)
    return emb * mask[:, None, None]

# --- scband reference (transcript-rebuilt; emitter-appended) ---
"""Pipeline reference for scband-rgcn-model-53214644798142 (READ-ONLY COPY).

The authoritative reference and input builder live on the scoring server;
editing this copy changes nothing except your own understanding.
"""

import jax, jax.numpy as jnp
import numpy as np

N_NODES = 10000
N_EDGES = 320000
T = 2
D = 128
NUM_REL = 4
NUM_BASES = 4


def _rgcn_layer(x, bases, coeffs, w_self, src, dst, rel, n, num_rel):
    # basis decomposition: W_r = sum_b coeffs[r,b] * bases[b]
    W = jnp.einsum('rb,bio->rio', coeffs, bases)          # [R, in, out]
    xw = jnp.einsum('ni,rio->rno', x, W)                  # [R, N, out]
    msg = xw[rel, src]                                    # gather per-edge transformed features [E, out]
    deg = jax.ops.segment_sum(jnp.ones(src.shape[0], dtype=x.dtype), dst, num_segments=n)
    agg = jax.ops.segment_sum(msg, dst, num_segments=n)   # scatter-add to dst nodes
    agg = agg / jnp.clip(deg, 1.0)[:, None]
    return agg + x @ w_self                               # self-loop term


def setup_inputs(seed: int = 0) -> dict:
    key = jax.random.key(seed)
    k1, k2, k3, k4, k5, k6, k7, k8, k9 = jax.random.split(key, 9)
    feature_list = jax.random.normal(k1, (T, N_NODES, D), dtype=jnp.float32)
    adj_list = jax.random.randint(k2, (T, 3, N_EDGES), 0, N_NODES, dtype=jnp.int64)
    alignment_list = jax.random.randint(k3, (T, N_NODES), 0, N_NODES, dtype=jnp.int64)
    s = 1.0 / np.sqrt(D)
    bases0 = jax.random.normal(k4, (NUM_BASES, D, D), dtype=jnp.float32) * s
    coeffs0 = jax.random.normal(k5, (NUM_REL, NUM_BASES), dtype=jnp.float32)
    wself0 = jax.random.normal(k6, (D, D), dtype=jnp.float32) * s
    bases1 = jax.random.normal(k7, (NUM_BASES, D, D), dtype=jnp.float32) * s
    coeffs1 = jax.random.normal(k8, (NUM_REL, NUM_BASES), dtype=jnp.float32)
    wself1 = jax.random.normal(k9, (D, D), dtype=jnp.float32) * s
    return {'feature_list': feature_list, 'adj_list': adj_list, 'alignment_list': alignment_list,
            'train_year': 2, 'bases0': bases0, 'coeffs0': coeffs0, 'wself0': wself0,
            'bases1': bases1, 'coeffs1': coeffs1, 'wself1': wself1}


def reference(feature_list, adj_list, alignment_list, train_year, bases0, coeffs0, wself0, bases1, coeffs1, wself1):
    # alignment_list is accepted but unused, matching the torch forward.
    embeddings = []
    n_steps = feature_list.shape[0]
    for t in range(n_steps):
        x = feature_list[t]
        edges = adj_list[t]
        src, dst = edges[0], edges[1]
        rel = edges[2] % NUM_REL
        # layer 0 (input -> hidden), relu; dropout p=0.0 in eval mode is a no-op
        x = _rgcn_layer(x, bases0, coeffs0, wself0, src, dst, rel, N_NODES, NUM_REL)
        x = jax.nn.relu(x)
        # layer 1 (hidden -> output), no relu on last layer
        x = _rgcn_layer(x, bases1, coeffs1, wself1, src, dst, rel, N_NODES, NUM_REL)
        step_mask = jnp.where(t < train_year, 1, 0).astype(x.dtype)
        embeddings.append(x * step_mask)
    return jnp.stack(embeddings)

if __name__ == "__main__":
    import jax
    _d = setup_inputs()
    print(jax.jit(kernel)(*tuple(_d.values())))

</pallas_src>

<mosaic_0001>
#map = affine_map<(d0, d1) -> (0, 0)>
#map1 = affine_map<(d0, d1) -> (0, 0, 0, 0, 0)>
#map2 = affine_map<(d0, d1) -> (0, 0, 0)>
module attributes {stable_mosaic.version = 14 : i64} {
  func.func @_sc_agg2(%arg0: i32, %arg1: i32, %arg2: memref<40000x128xf32, #tpu.memory_space<hbm>>, %arg3: memref<2x16x20x32x32xi32, #tpu.memory_space<hbm>>, %arg4: memref<2x16x20x32x32xi32, #tpu.memory_space<hbm>>, %arg5: memref<32x128xf32, #tpu.memory_space<hbm>>, %arg6: memref<2x5248x128xf32, #tpu.memory_space<hbm>>, %arg7: memref<32x32xi32, #tpu.memory_space<vmem>>, %arg8: memref<32x32xi32, #tpu.memory_space<vmem>>, %arg9: memref<32x128xf32, #tpu.memory_space<vmem>>, %arg10: memref<32x128xf32, #tpu.memory_space<vmem>>, %arg11: memref<!tpu.dma_semaphore, #tpu.memory_space<semaphore_mem>>, %arg12: memref<!tpu.dma_semaphore, #tpu.memory_space<semaphore_mem>>, %arg13: memref<!tpu.dma_semaphore, #tpu.memory_space<semaphore_mem>>, %arg14: memref<!tpu.dma_semaphore, #tpu.memory_space<semaphore_mem>>, %arg15: memref<5248x128xf32, #tpu.memory_space<vmem_shared>>) attributes {dimension_semantics = [#tpu.dimension_semantics<core_parallel>, #tpu.dimension_semantics<subcore_parallel>], iteration_bounds = array<i64: 2, 16>, scalar_prefetch = 0 : i64, scratch_operands = 9 : i64, tpu.core_type = #tpu.core_type<sc_vector_subcore>, window_params = [{transform_indices = #map}, {transform_indices = #map1}, {transform_indices = #map1}, {transform_indices = #map}, {transform_indices = #map2}]} {
    "tpu.region"() ({
      %run_scoped3A = tpu.sem_alloc : memref<!tpu.dma_semaphore, #tpu.memory_space<semaphore_mem>>
      tpu.enqueue_dma source(%arg5 : memref<32x128xf32, #tpu.memory_space<hbm>>) target(%arg9 : memref<32x128xf32, #tpu.memory_space<vmem>>) target_semaphore(%run_scoped3A : memref<!tpu.dma_semaphore, #tpu.memory_space<semaphore_mem>>)
      tpu.wait_dma2 semaphore(%run_scoped3A : memref<!tpu.dma_semaphore, #tpu.memory_space<semaphore_mem>>) src(%arg5 : memref<32x128xf32, #tpu.memory_space<hbm>>) dst(%arg9 : memref<32x128xf32, #tpu.memory_space<vmem>>)
      tpu.yield
    }) : () -> ()
    %mul3A = arith.constant 328 : i32
    %mul3A_0 = arith.muli %arg1, %mul3A : i32
    %scan3A = arith.constant 0 : i32
    %scan3A_1 = arith.constant 0 : i32
    %scan3A_2 = arith.constant 10 : i32
    %scan3A_3 = arith.addi %scan3A_1, %scan3A_2 : i32
    %scan3A_4 = arith.constant 1 : i32
    scf.for %scan3A_17 = %scan3A_1 to %scan3A_3 step %scan3A_4  : i32 {
      %mul3A_18 = arith.constant 32 : i32
      %mul3A_19 = arith.muli %scan3A_17, %mul3A_18 : i32
      %add3A_20 = arith.addi %mul3A_0, %mul3A_19 : i32
      "tpu.region"() ({
        %run_scoped3A = tpu.sem_alloc : memref<!tpu.dma_semaphore, #tpu.memory_space<semaphore_mem>>
        %dma_start3A = arith.constant 0 : i32
        %dma_start3A_21 = tpu.memref_slice %arg15[%add3A_20, %dma_start3A] : memref<5248x128xf32, #tpu.memory_space<vmem_shared>> -> memref<32x128xf32, #tpu.memory_space<vmem_shared>>
        %dma_start3A_22 = arith.constant 0 : i32
        %dma_start3A_23 = tpu.memref_slice %arg15[%add3A_20, %dma_start3A_22] : memref<5248x128xf32, #tpu.memory_space<vmem_shared>> -> memref<32x128xf32, #tpu.memory_space<vmem_shared>>
        tpu.enqueue_dma source(%arg9 : memref<32x128xf32, #tpu.memory_space<vmem>>) target(%dma_start3A_23 : memref<32x128xf32, #tpu.memory_space<vmem_shared>>) target_semaphore(%run_scoped3A : memref<!tpu.dma_semaphore, #tpu.memory_space<semaphore_mem>>)
        %dma_wait3A = arith.constant 0 : i32
        %dma_wait3A_24 = tpu.memref_slice %arg15[%add3A_20, %dma_wait3A] : memref<5248x128xf32, #tpu.memory_space<vmem_shared>> -> memref<32x128xf32, #tpu.memory_space<vmem_shared>>
        %dma_wait3A_25 = arith.constant 0 : i32
        %dma_wait3A_26 = tpu.memref_slice %arg15[%add3A_20, %dma_wait3A_25] : memref<5248x128xf32, #tpu.memory_space<vmem_shared>> -> memref<32x128xf32, #tpu.memory_space<vmem_shared>>
        tpu.wait_dma2 semaphore(%run_scoped3A : memref<!tpu.dma_semaphore, #tpu.memory_space<semaphore_mem>>) src(%arg9 : memref<32x128xf32, #tpu.memory_space<vmem>>) dst(%dma_wait3A_26 : memref<32x128xf32, #tpu.memory_space<vmem_shared>>)
        tpu.yield
      }) : () -> ()
    }
    %scan3A_5 = arith.constant 10 : i32
    %add3A = arith.constant 320 : i32
    %add3A_6 = arith.addi %mul3A_0, %add3A : i32
    "tpu.region"() ({
      %run_scoped3A = tpu.sem_alloc : memref<!tpu.dma_semaphore, #tpu.memory_space<semaphore_mem>>
      %dma_start3A = arith.constant 0 : i32
      %dma_start3A_17 = arith.constant 0 : i32
      %dma_start3A_18 = tpu.memref_slice %arg9[%dma_start3A, %dma_start3A_17] : memref<32x128xf32, #tpu.memory_space<vmem>> -> memref<8x128xf32, #tpu.memory_space<vmem>>
      %dma_start3A_19 = arith.constant 0 : i32
      %dma_start3A_20 = tpu.memref_slice %arg15[%add3A_6, %dma_start3A_19] : memref<5248x128xf32, #tpu.memory_space<vmem_shared>> -> memref<8x128xf32, #tpu.memory_space<vmem_shared>>
      %dma_start3A_21 = arith.constant 0 : i32
      %dma_start3A_22 = tpu.memref_slice %arg15[%add3A_6, %dma_start3A_21] : memref<5248x128xf32, #tpu.memory_space<vmem_shared>> -> memref<8x128xf32, #tpu.memory_space<vmem_shared>>
      %dma_start3A_23 = arith.constant 0 : i32
      %dma_start3A_24 = arith.constant 0 : i32
      %dma_start3A_25 = tpu.memref_slice %arg9[%dma_start3A_23, %dma_start3A_24] : memref<32x128xf32, #tpu.memory_space<vmem>> -> memref<8x128xf32, #tpu.memory_space<vmem>>
      tpu.enqueue_dma source(%dma_start3A_25 : memref<8x128xf32, #tpu.memory_space<vmem>>) target(%dma_start3A_22 : memref<8x128xf32, #tpu.memory_space<vmem_shared>>) target_semaphore(%run_scoped3A : memref<!tpu.dma_semaphore, #tpu.memory_space<semaphore_mem>>)
      %dma_wait3A = arith.constant 0 : i32
      %dma_wait3A_26 = arith.constant 0 : i32
      %dma_wait3A_27 = tpu.memref_slice %arg9[%dma_wait3A, %dma_wait3A_26] : memref<32x128xf32, #tpu.memory_space<vmem>> -> memref<8x128xf32, #tpu.memory_space<vmem>>
      %dma_wait3A_28 = arith.constant 0 : i32
      %dma_wait3A_29 = tpu.memref_slice %arg15[%add3A_6, %dma_wait3A_28] : memref<5248x128xf32, #tpu.memory_space<vmem_shared>> -> memref<8x128xf32, #tpu.memory_space<vmem_shared>>
      %dma_wait3A_30 = arith.constant 0 : i32
      %dma_wait3A_31 = tpu.memref_slice %arg15[%add3A_6, %dma_wait3A_30] : memref<5248x128xf32, #tpu.memory_space<vmem_shared>> -> memref<8x128xf32, #tpu.memory_space<vmem_shared>>
      %dma_wait3A_32 = arith.constant 0 : i32
      %dma_wait3A_33 = arith.constant 0 : i32
      %dma_wait3A_34 = tpu.memref_slice %arg9[%dma_wait3A_32, %dma_wait3A_33] : memref<32x128xf32, #tpu.memory_space<vmem>> -> memref<8x128xf32, #tpu.memory_space<vmem>>
      tpu.wait_dma2 semaphore(%run_scoped3A : memref<!tpu.dma_semaphore, #tpu.memory_space<semaphore_mem>>) src(%dma_wait3A_34 : memref<8x128xf32, #tpu.memory_space<vmem>>) dst(%dma_wait3A_31 : memref<8x128xf32, #tpu.memory_space<vmem_shared>>)
      tpu.yield
    }) : () -> ()
    %barrier3A = arith.constant 0 : index
    tpu.barrier barrier_id(%barrier3A)
    %iota3A = tpu.iota {dimensions = array<i32: 0>} : vector<16xi32>
    %mul3A_7 = arith.constant 0 : i32
    %mul3A_8 = vector.broadcast %mul3A_7 : i32 to vector<16xi32>
    %mul3A_9 = arith.muli %iota3A, %mul3A_8 : vector<16xi32>
    %scan3A_10 = arith.constant 0 : i32
    %scan3A_11 = arith.constant 0 : i32
    %scan3A_12 = arith.constant 20 : i32
    %scan3A_13 = arith.addi %scan3A_11, %scan3A_12 : i32
    %scan3A_14 = arith.constant 1 : i32
    scf.for %scan3A_17 = %scan3A_11 to %scan3A_13 step %scan3A_14  : i32 {
      "tpu.region"() ({
        %run_scoped3A = tpu.sem_alloc : memref<!tpu.dma_semaphore, #tpu.memory_space<semaphore_mem>>
        %dma_start3A = arith.constant 0 : i32
        %dma_start3A_68 = arith.constant 0 : i32
        %dma_start3A_69 = tpu.memref_slice %arg3[%arg0, %arg1, %scan3A_17, %dma_start3A, %dma_start3A_68] : memref<2x16x20x32x32xi32, #tpu.memory_space<hbm>> -> memref<1x1x1x32x32xi32, #tpu.memory_space<hbm>>
        %dma_start3A_70 = tpu.memref_squeeze %dma_start3A_69 : memref<1x1x1x32x32xi32, #tpu.memory_space<hbm>> -> memref<32x32xi32, #tpu.memory_space<hbm>>
        %dma_start3A_71 = arith.constant 0 : i32
        %dma_start3A_72 = arith.constant 0 : i32
        %dma_start3A_73 = tpu.memref_slice %arg3[%arg0, %arg1, %scan3A_17, %dma_start3A_71, %dma_start3A_72] : memref<2x16x20x32x32xi32, #tpu.memory_space<hbm>> -> memref<1x1x1x32x32xi32, #tpu.memory_space<hbm>>
        %dma_start3A_74 = tpu.memref_squeeze %dma_start3A_73 : memref<1x1x1x32x32xi32, #tpu.memory_space<hbm>> -> memref<32x32xi32, #tpu.memory_space<hbm>>
        tpu.enqueue_dma source(%dma_start3A_74 : memref<32x32xi32, #tpu.memory_space<hbm>>) target(%arg7 : memref<32x32xi32, #tpu.memory_space<vmem>>) target_semaphore(%run_scoped3A : memref<!tpu.dma_semaphore, #tpu.memory_space<semaphore_mem>>)
        %dma_wait3A = arith.constant 0 : i32
        %dma_wait3A_75 = arith.constant 0 : i32
        %dma_wait3A_76 = tpu.memref_slice %arg3[%arg0, %arg1, %scan3A_17, %dma_wait3A, %dma_wait3A_75] : memref<2x16x20x32x32xi32, #tpu.memory_space<hbm>> -> memref<1x1x1x32x32xi32, #tpu.memory_space<hbm>>
        %dma_wait3A_77 = tpu.memref_squeeze %dma_wait3A_76 : memref<1x1x1x32x32xi32, #tpu.memory_space<hbm>> -> memref<32x32xi32, #tpu.memory_space<hbm>>
        %dma_wait3A_78 = arith.constant 0 : i32
        %dma_wait3A_79 = arith.constant 0 : i32
        %dma_wait3A_80 = tpu.memref_slice %arg3[%arg0, %arg1, %scan3A_17, %dma_wait3A_78, %dma_wait3A_79] : memref<2x16x20x32x32xi32, #tpu.memory_space<hbm>> -> memref<1x1x1x32x32xi32, #tpu.memory_space<hbm>>
        %dma_wait3A_81 = tpu.memref_squeeze %dma_wait3A_80 : memref<1x1x1x32x32xi32, #tpu.memory_space<hbm>> -> memref<32x32xi32, #tpu.memory_space<hbm>>
        tpu.wait_dma2 semaphore(%run_scoped3A : memref<!tpu.dma_semaphore, #tpu.memory_space<semaphore_mem>>) src(%dma_wait3A_81 : memref<32x32xi32, #tpu.memory_space<hbm>>) dst(%arg7 : memref<32x32xi32, #tpu.memory_space<vmem>>)
        tpu.yield
      }) : () -> ()
      "tpu.region"() ({
        %run_scoped3A = tpu.sem_alloc : memref<!tpu.dma_semaphore, #tpu.memory_space<semaphore_mem>>
        %dma_start3A = arith.constant 0 : i32
        %dma_start3A_68 = arith.constant 0 : i32
        %dma_start3A_69 = tpu.memref_slice %arg4[%arg0, %arg1, %scan3A_17, %dma_start3A, %dma_start3A_68] : memref<2x16x20x32x32xi32, #tpu.memory_space<hbm>> -> memref<1x1x1x32x32xi32, #tpu.memory_space<hbm>>
        %dma_start3A_70 = tpu.memref_squeeze %dma_start3A_69 : memref<1x1x1x32x32xi32, #tpu.memory_space<hbm>> -> memref<32x32xi32, #tpu.memory_space<hbm>>
        %dma_start3A_71 = arith.constant 0 : i32
        %dma_start3A_72 = arith.constant 0 : i32
        %dma_start3A_73 = tpu.memref_slice %arg4[%arg0, %arg1, %scan3A_17, %dma_start3A_71, %dma_start3A_72] : memref<2x16x20x32x32xi32, #tpu.memory_space<hbm>> -> memref<1x1x1x32x32xi32, #tpu.memory_space<hbm>>
        %dma_start3A_74 = tpu.memref_squeeze %dma_start3A_73 : memref<1x1x1x32x32xi32, #tpu.memory_space<hbm>> -> memref<32x32xi32, #tpu.memory_space<hbm>>
        tpu.enqueue_dma source(%dma_start3A_74 : memref<32x32xi32, #tpu.memory_space<hbm>>) target(%arg8 : memref<32x32xi32, #tpu.memory_space<vmem>>) target_semaphore(%run_scoped3A : memref<!tpu.dma_semaphore, #tpu.memory_space<semaphore_mem>>)
        %dma_wait3A = arith.constant 0 : i32
        %dma_wait3A_75 = arith.constant 0 : i32
        %dma_wait3A_76 = tpu.memref_slice %arg4[%arg0, %arg1, %scan3A_17, %dma_wait3A, %dma_wait3A_75] : memref<2x16x20x32x32xi32, #tpu.memory_space<hbm>> -> memref<1x1x1x32x32xi32, #tpu.memory_space<hbm>>
        %dma_wait3A_77 = tpu.memref_squeeze %dma_wait3A_76 : memref<1x1x1x32x32xi32, #tpu.memory_space<hbm>> -> memref<32x32xi32, #tpu.memory_space<hbm>>
        %dma_wait3A_78 = arith.constant 0 : i32
        %dma_wait3A_79 = arith.constant 0 : i32
        %dma_wait3A_80 = tpu.memref_slice %arg4[%arg0, %arg1, %scan3A_17, %dma_wait3A_78, %dma_wait3A_79] : memref<2x16x20x32x32xi32, #tpu.memory_space<hbm>> -> memref<1x1x1x32x32xi32, #tpu.memory_space<hbm>>
        %dma_wait3A_81 = tpu.memref_squeeze %dma_wait3A_80 : memref<1x1x1x32x32xi32, #tpu.memory_space<hbm>> -> memref<32x32xi32, #tpu.memory_space<hbm>>
        tpu.wait_dma2 semaphore(%run_scoped3A : memref<!tpu.dma_semaphore, #tpu.memory_space<semaphore_mem>>) src(%dma_wait3A_81 : memref<32x32xi32, #tpu.memory_space<hbm>>) dst(%arg8 : memref<32x32xi32, #tpu.memory_space<vmem>>)
        tpu.yield
      }) : () -> ()
      %gather3A = tpu.vector_load_idx %arg8[%iota3A, %mul3A_9] : memref<32x32xi32, #tpu.memory_space<vmem>>[vector<16xi32>, vector<16xi32>], vector<16xi32>,
      %add3A_18 = arith.constant 16 : i32
      %add3A_19 = vector.broadcast %add3A_18 : i32 to vector<16xi32>
      %add3A_20 = arith.addi %iota3A, %add3A_19 : vector<16xi32>
      %gather3A_21 = tpu.vector_load_idx %arg8[%add3A_20, %mul3A_9] : memref<32x32xi32, #tpu.memory_space<vmem>>[vector<16xi32>, vector<16xi32>], vector<16xi32>,
      %lt3A = arith.constant 5000 : i32
      %lt3A_22 = vector.broadcast %lt3A : i32 to vector<16xi32>
      %lt3A_23 = arith.cmpi slt, %gather3A, %lt3A_22 : vector<16xi32>
      %convert_element_type3A = arith.extui %lt3A_23 : vector<16xi1> to vector<16xi32>
      %reduce_sum3A = arith.constant true
      %reduce_sum3A_24 = vector.broadcast %reduce_sum3A : i1 to vector<16xi1>
      %reduce_sum3A_25 = tpu.scan <sum>, %convert_element_type3A masked %reduce_sum3A_24 : vector<16xi32>, vector<16xi1> -> vector<16xi32>
      %reduce_sum3A_26 = vector.extract %reduce_sum3A_25[15] : i32 from vector<16xi32>
      %lt3A_27 = arith.constant 5000 : i32
      %lt3A_28 = vector.broadcast %lt3A_27 : i32 to vector<16xi32>
      %lt3A_29 = arith.cmpi slt, %gather3A_21, %lt3A_28 : vector<16xi32>
      %convert_element_type3A_30 = arith.extui %lt3A_29 : vector<16xi1> to vector<16xi32>
      %reduce_sum3A_31 = arith.constant true
      %reduce_sum3A_32 = vector.broadcast %reduce_sum3A_31 : i1 to vector<16xi1>
      %reduce_sum3A_33 = tpu.scan <sum>, %convert_element_type3A_30 masked %reduce_sum3A_32 : vector<16xi32>, vector<16xi1> -> vector<16xi32>
      %reduce_sum3A_34 = vector.extract %reduce_sum3A_33[15] : i32 from vector<16xi32>
      %add3A_35 = arith.addi %reduce_sum3A_26, %reduce_sum3A_34 : i32
      %add3A_36 = arith.constant 2 : i32
      %add3A_37 = arith.addi %add3A_35, %add3A_36 : i32
      %sub3A = arith.constant 1 : i32
      %sub3A_38 = arith.subi %add3A_37, %sub3A : i32
      %jit3A = arith.constant 2 : i32
      %div3A = arith.divsi %sub3A_38, %jit3A : i32
      %sign3A = arith.constant 0 : i32
      %sign3A_39 = arith.cmpi sgt, %sub3A_38, %sign3A : i32
      %sign3A_40 = arith.extui %sign3A_39 : i1 to i32
      %sign3A_41 = arith.constant 0 : i32
      %sign3A_42 = arith.cmpi slt, %sub3A_38, %sign3A_41 : i32
      %sign3A_43 = arith.extui %sign3A_42 : i1 to i32
      %sign3A_44 = arith.subi %sign3A_40, %sign3A_43 : i32
      %sign3A_45 = arith.constant 0 : i32
      %sign3A_46 = arith.cmpi sgt, %jit3A, %sign3A_45 : i32
      %sign3A_47 = arith.extui %sign3A_46 : i1 to i32
      %sign3A_48 = arith.constant 0 : i32
      %sign3A_49 = arith.cmpi slt, %jit3A, %sign3A_48 : i32
      %sign3A_50 = arith.extui %sign3A_49 : i1 to i32
      %sign3A_51 = arith.subi %sign3A_47, %sign3A_50 : i32
      %ne3A = arith.cmpi ne, %sign3A_44, %sign3A_51 : i32
      %rem3A = arith.remsi %sub3A_38, %jit3A : i32
      %ne3A_52 = arith.constant 0 : i32
      %ne3A_53 = arith.cmpi ne, %rem3A, %ne3A_52 : i32
      %and3A = arith.andi %ne3A, %ne3A_53 : i1
      %sub3A_54 = arith.constant 1 : i32
      %sub3A_55 = arith.subi %div3A, %sub3A_54 : i32
      %select_n3A = arith.select %and3A, %sub3A_55, %div3A : i32
      %gt3A = arith.constant 0 : i32
      %gt3A_56 = arith.cmpi sgt, %select_n3A, %gt3A : i32
      %convert_element_type3A_57 = arith.extui %gt3A_56 : i1 to i32
      %cond3A = arith.constant 0 : i32
      %cond3A_58 = arith.cmpi ne, %convert_element_type3A_57, %cond3A : i32
      scf.if %cond3A_58 {
        %dma_start3A = arith.constant 0 : i32
        %dma_start3A_68 = arith.constant 0 : i32
        %dma_start3A_69 = tpu.memref_slice %arg7[%dma_start3A, %dma_start3A_68] : memref<32x32xi32, #tpu.memory_space<vmem>> -> memref<1x32xi32, #tpu.memory_space<vmem>>
        %dma_start3A_70 = tpu.memref_squeeze %dma_start3A_69 : memref<1x32xi32, #tpu.memory_space<vmem>> -> memref<32xi32, #tpu.memory_space<vmem>>
        %dma_start3A_71 = arith.constant 0 : i32
        %dma_start3A_72 = arith.constant 0 : i32
        %dma_start3A_73 = tpu.memref_slice %arg2[%dma_start3A_71, %dma_start3A_72] : memref<40000x128xf32, #tpu.memory_space<hbm>> -> memref<40000x128xf32, #tpu.memory_space<hbm>>
        tpu.enqueue_indirect_dma source(%dma_start3A_73 : memref<40000x128xf32, #tpu.memory_space<hbm>>) target(%arg9 : memref<32x128xf32, #tpu.memory_space<vmem>>) offsets(%dma_start3A_70 : memref<32xi32, #tpu.memory_space<vmem>>) semaphore(%arg11 : memref<!tpu.dma_semaphore, #tpu.memory_space<semaphore_mem>>)
        %dma_start3A_74 = arith.constant 1 : i32
        %dma_start3A_75 = arith.constant 0 : i32
        %dma_start3A_76 = tpu.memref_slice %arg7[%dma_start3A_74, %dma_start3A_75] : memref<32x32xi32, #tpu.memory_space<vmem>> -> memref<1x32xi32, #tpu.memory_space<vmem>>
        %dma_start3A_77 = tpu.memref_squeeze %dma_start3A_76 : memref<1x32xi32, #tpu.memory_space<vmem>> -> memref<32xi32, #tpu.memory_space<vmem>>
        %dma_start3A_78 = arith.constant 0 : i32
        %dma_start3A_79 = arith.constant 0 : i32
        %dma_start3A_80 = tpu.memref_slice %arg2[%dma_start3A_78, %dma_start3A_79] : memref<40000x128xf32, #tpu.memory_space<hbm>> -> memref<40000x128xf32, #tpu.memory_space<hbm>>
        tpu.enqueue_indirect_dma source(%dma_start3A_80 : memref<40000x128xf32, #tpu.memory_space<hbm>>) target(%arg10 : memref<32x128xf32, #tpu.memory_space<vmem>>) offsets(%dma_start3A_77 : memref<32xi32, #tpu.memory_space<vmem>>) semaphore(%arg12 : memref<!tpu.dma_semaphore, #tpu.memory_space<semaphore_mem>>)
      } else {
      }
      %while3A = arith.constant 0 : i32
      %while3A_59 = arith.constant 0 : i32
      %while3A_60 = arith.subi %select_n3A, %while3A_59 : i32
      %while3A_61 = arith.addi %while3A_59, %while3A_60 : i32
      %while3A_62 = arith.constant 1 : i32
      %while3A_63 = arith.divsi %while3A_60, %while3A_62 : i32
      %while3A_64 = arith.muli %while3A_63, %while3A_62 : i32
      %while3A_65 = arith.addi %while3A_59, %while3A_64 : i32
      %while3A_66 = arith.constant 1 : i32
      scf.for %while3A_68 = %while3A_59 to %while3A_65 step %while3A_66  : i32 {
        %mul3A_69 = arith.constant 2 : i32
        %mul3A_70 = arith.muli %while3A_68, %mul3A_69 : i32
        %add3A_71 = arith.constant 0 : i32
        %add3A_72 = arith.addi %mul3A_70, %add3A_71 : i32
        %dma_wait3A = arith.constant 0 : i32
        %dma_wait3A_73 = tpu.memref_slice %arg7[%add3A_72, %dma_wait3A] : memref<32x32xi32, #tpu.memory_space<vmem>> -> memref<1x32xi32, #tpu.memory_space<vmem>>
        %dma_wait3A_74 = tpu.memref_squeeze %dma_wait3A_73 : memref<1x32xi32, #tpu.memory_space<vmem>> -> memref<32xi32, #tpu.memory_space<vmem>>
        %dma_wait3A_75 = arith.constant 0 : i32
        %dma_wait3A_76 = arith.constant 0 : i32
        %dma_wait3A_77 = tpu.memref_slice %arg2[%dma_wait3A_75, %dma_wait3A_76] : memref<40000x128xf32, #tpu.memory_space<hbm>> -> memref<40000x128xf32, #tpu.memory_space<hbm>>
        tpu.wait_indirect_dma semaphore(%arg11 : memref<!tpu.dma_semaphore, #tpu.memory_space<semaphore_mem>>) src(%dma_wait3A_77 : memref<40000x128xf32, #tpu.memory_space<hbm>>) dst(%arg9 : memref<32x128xf32, #tpu.memory_space<vmem>>)
        %add3A_78 = arith.constant 0 : i32
        %add3A_79 = arith.addi %mul3A_70, %add3A_78 : i32
        %dma_start3A = arith.constant 0 : i32
        %dma_start3A_80 = tpu.memref_slice %arg8[%add3A_79, %dma_start3A] : memref<32x32xi32, #tpu.memory_space<vmem>> -> memref<1x32xi32, #tpu.memory_space<vmem>>
        %dma_start3A_81 = tpu.memref_squeeze %dma_start3A_80 : memref<1x32xi32, #tpu.memory_space<vmem>> -> memref<32xi32, #tpu.memory_space<vmem>>
        %dma_start3A_82 = arith.constant 0 : i32
        %dma_start3A_83 = arith.constant 0 : i32
        %dma_start3A_84 = tpu.memref_slice %arg15[%dma_start3A_82, %dma_start3A_83] : memref<5248x128xf32, #tpu.memory_space<vmem_shared>> -> memref<5248x128xf32, #tpu.memory_space<vmem_shared>>
        tpu.enqueue_indirect_dma source(%arg9 : memref<32x128xf32, #tpu.memory_space<vmem>>) target(%dma_start3A_84 : memref<5248x128xf32, #tpu.memory_space<vmem_shared>>) offsets(%dma_start3A_81 : memref<32xi32, #tpu.memory_space<vmem>>) semaphore(%arg13 : memref<!tpu.dma_semaphore, #tpu.memory_space<semaphore_mem>>) {add = true}
        %add3A_85 = arith.constant 1 : i32
        %add3A_86 = arith.addi %mul3A_70, %add3A_85 : i32
        %dma_wait3A_87 = arith.constant 0 : i32
        %dma_wait3A_88 = tpu.memref_slice %arg7[%add3A_86, %dma_wait3A_87] : memref<32x32xi32, #tpu.memory_space<vmem>> -> memref<1x32xi32, #tpu.memory_space<vmem>>
        %dma_wait3A_89 = tpu.memref_squeeze %dma_wait3A_88 : memref<1x32xi32, #tpu.memory_space<vmem>> -> memref<32xi32, #tpu.memory_space<vmem>>
        %dma_wait3A_90 = arith.constant 0 : i32
        %dma_wait3A_91 = arith.constant 0 : i32
        %dma_wait3A_92 = tpu.memref_slice %arg2[%dma_wait3A_90, %dma_wait3A_91] : memref<40000x128xf32, #tpu.memory_space<hbm>> -> memref<40000x128xf32, #tpu.memory_space<hbm>>
        tpu.wait_indirect_dma semaphore(%arg12 : memref<!tpu.dma_semaphore, #tpu.memory_space<semaphore_mem>>) src(%dma_wait3A_92 : memref<40000x128xf32, #tpu.memory_space<hbm>>) dst(%arg10 : memref<32x128xf32, #tpu.memory_space<vmem>>)
        %add3A_93 = arith.constant 1 : i32
        %add3A_94 = arith.addi %mul3A_70, %add3A_93 : i32
        %dma_start3A_95 = arith.constant 0 : i32
        %dma_start3A_96 = tpu.memref_slice %arg8[%add3A_94, %dma_start3A_95] : memref<32x32xi32, #tpu.memory_space<vmem>> -> memref<1x32xi32, #tpu.memory_space<vmem>>
        %dma_start3A_97 = tpu.memref_squeeze %dma_start3A_96 : memref<1x32xi32, #tpu.memory_space<vmem>> -> memref<32xi32, #tpu.memory_space<vmem>>
        %dma_start3A_98 = arith.constant 0 : i32
        %dma_start3A_99 = arith.constant 0 : i32
        %dma_start3A_100 = tpu.memref_slice %arg15[%dma_start3A_98, %dma_start3A_99] : memref<5248x128xf32, #tpu.memory_space<vmem_shared>> -> memref<5248x128xf32, #tpu.memory_space<vmem_shared>>
        tpu.enqueue_indirect_dma source(%arg10 : memref<32x128xf32, #tpu.memory_space<vmem>>) target(%dma_start3A_100 : memref<5248x128xf32, #tpu.memory_space<vmem_shared>>) offsets(%dma_start3A_97 : memref<32xi32, #tpu.memory_space<vmem>>) semaphore(%arg14 : memref<!tpu.dma_semaphore, #tpu.memory_space<semaphore_mem>>) {add = true}
        %add3A_101 = arith.constant 0 : i32
        %add3A_102 = arith.addi %mul3A_70, %add3A_101 : i32
        %dma_wait3A_103 = arith.constant 0 : i32
        %dma_wait3A_104 = tpu.memref_slice %arg8[%add3A_102, %dma_wait3A_103] : memref<32x32xi32, #tpu.memory_space<vmem>> -> memref<1x32xi32, #tpu.memory_space<vmem>>
        %dma_wait3A_105 = tpu.memref_squeeze %dma_wait3A_104 : memref<1x32xi32, #tpu.memory_space<vmem>> -> memref<32xi32, #tpu.memory_space<vmem>>
        %dma_wait3A_106 = arith.constant 0 : i32
        %dma_wait3A_107 = arith.constant 0 : i32
        %dma_wait3A_108 = tpu.memref_slice %arg15[%dma_wait3A_106, %dma_wait3A_107] : memref<5248x128xf32, #tpu.memory_space<vmem_shared>> -> memref<5248x128xf32, #tpu.memory_space<vmem_shared>>
        tpu.wait_indirect_dma semaphore(%arg13 : memref<!tpu.dma_semaphore, #tpu.memory_space<semaphore_mem>>) src(%arg9 : memref<32x128xf32, #tpu.memory_space<vmem>>) dst(%dma_wait3A_108 : memref<5248x128xf32, #tpu.memory_space<vmem_shared>>)
        %sub3A_109 = arith.constant 1 : i32
        %sub3A_110 = arith.subi %select_n3A, %sub3A_109 : i32
        %lt3A_111 = arith.cmpi slt, %while3A_68, %sub3A_110 : i32
        %convert_element_type3A_112 = arith.extui %lt3A_111 : i1 to i32
        %cond3A_113 = arith.constant 0 : i32
        %cond3A_114 = arith.cmpi ne, %convert_element_type3A_112, %cond3A_113 : i32
        scf.if %cond3A_114 {
          %add3A_129 = arith.constant 2 : i32
          %add3A_130 = arith.addi %mul3A_70, %add3A_129 : i32
          %add3A_131 = arith.constant 0 : i32
          %add3A_132 = arith.addi %add3A_130, %add3A_131 : i32
          %dma_start3A_133 = arith.constant 0 : i32
          %dma_start3A_134 = tpu.memref_slice %arg7[%add3A_132, %dma_start3A_133] : memref<32x32xi32, #tpu.memory_space<vmem>> -> memref<1x32xi32, #tpu.memory_space<vmem>>
          %dma_start3A_135 = tpu.memref_squeeze %dma_start3A_134 : memref<1x32xi32, #tpu.memory_space<vmem>> -> memref<32xi32, #tpu.memory_space<vmem>>
          %dma_start3A_136 = arith.constant 0 : i32
          %dma_start3A_137 = arith.constant 0 : i32
          %dma_start3A_138 = tpu.memref_slice %arg2[%dma_start3A_136, %dma_start3A_137] : memref<40000x128xf32, #tpu.memory_space<hbm>> -> memref<40000x128xf32, #tpu.memory_space<hbm>>
          tpu.enqueue_indirect_dma source(%dma_start3A_138 : memref<40000x128xf32, #tpu.memory_space<hbm>>) target(%arg9 : memref<32x128xf32, #tpu.memory_space<vmem>>) offsets(%dma_start3A_135 : memref<32xi32, #tpu.memory_space<vmem>>) semaphore(%arg11 : memref<!tpu.dma_semaphore, #tpu.memory_space<semaphore_mem>>)
        } else {
        }
        %add3A_115 = arith.constant 1 : i32
        %add3A_116 = arith.addi %mul3A_70, %add3A_115 : i32
        %dma_wait3A_117 = arith.constant 0 : i32
        %dma_wait3A_118 = tpu.memref_slice %arg8[%add3A_116, %dma_wait3A_117] : memref<32x32xi32, #tpu.memory_space<vmem>> -> memref<1x32xi32, #tpu.memory_space<vmem>>
        %dma_wait3A_119 = tpu.memref_squeeze %dma_wait3A_118 : memref<1x32xi32, #tpu.memory_space<vmem>> -> memref<32xi32, #tpu.memory_space<vmem>>
        %dma_wait3A_120 = arith.constant 0 : i32
        %dma_wait3A_121 = arith.constant 0 : i32
        %dma_wait3A_122 = tpu.memref_slice %arg15[%dma_wait3A_120, %dma_wait3A_121] : memref<5248x128xf32, #tpu.memory_space<vmem_shared>> -> memref<5248x128xf32, #tpu.memory_space<vmem_shared>>
        tpu.wait_indirect_dma semaphore(%arg14 : memref<!tpu.dma_semaphore, #tpu.memory_space<semaphore_mem>>) src(%arg10 : memref<32x128xf32, #tpu.memory_space<vmem>>) dst(%dma_wait3A_122 : memref<5248x128xf32, #tpu.memory_space<vmem_shared>>)
        %sub3A_123 = arith.constant 1 : i32
        %sub3A_124 = arith.subi %select_n3A, %sub3A_123 : i32
        %lt3A_125 = arith.cmpi slt, %while3A_68, %sub3A_124 : i32
        %convert_element_type3A_126 = arith.extui %lt3A_125 : i1 to i32
        %cond3A_127 = arith.constant 0 : i32
        %cond3A_128 = arith.cmpi ne, %convert_element_type3A_126, %cond3A_127 : i32
        scf.if %cond3A_128 {
          %add3A_129 = arith.constant 2 : i32
          %add3A_130 = arith.addi %mul3A_70, %add3A_129 : i32
          %add3A_131 = arith.constant 1 : i32
          %add3A_132 = arith.addi %add3A_130, %add3A_131 : i32
          %dma_start3A_133 = arith.constant 0 : i32
          %dma_start3A_134 = tpu.memref_slice %arg7[%add3A_132, %dma_start3A_133] : memref<32x32xi32, #tpu.memory_space<vmem>> -> memref<1x32xi32, #tpu.memory_space<vmem>>
          %dma_start3A_135 = tpu.memref_squeeze %dma_start3A_134 : memref<1x32xi32, #tpu.memory_space<vmem>> -> memref<32xi32, #tpu.memory_space<vmem>>
          %dma_start3A_136 = arith.constant 0 : i32
          %dma_start3A_137 = arith.constant 0 : i32
          %dma_start3A_138 = tpu.memref_slice %arg2[%dma_start3A_136, %dma_start3A_137] : memref<40000x128xf32, #tpu.memory_space<hbm>> -> memref<40000x128xf32, #tpu.memory_space<hbm>>
          tpu.enqueue_indirect_dma source(%dma_start3A_138 : memref<40000x128xf32, #tpu.memory_space<hbm>>) target(%arg10 : memref<32x128xf32, #tpu.memory_space<vmem>>) offsets(%dma_start3A_135 : memref<32xi32, #tpu.memory_space<vmem>>) semaphore(%arg12 : memref<!tpu.dma_semaphore, #tpu.memory_space<semaphore_mem>>)
        } else {
        }
      }
      %while3A_67 = arith.constant 1 : i32
      scf.for %while3A_68 = %while3A_65 to %while3A_61 step %while3A_67  : i32 {
        %mul3A_69 = arith.constant 2 : i32
        %mul3A_70 = arith.muli %while3A_68, %mul3A_69 : i32
        %add3A_71 = arith.constant 0 : i32
        %add3A_72 = arith.addi %mul3A_70, %add3A_71 : i32
        %dma_wait3A = arith.constant 0 : i32
        %dma_wait3A_73 = tpu.memref_slice %arg7[%add3A_72, %dma_wait3A] : memref<32x32xi32, #tpu.memory_space<vmem>> -> memref<1x32xi32, #tpu.memory_space<vmem>>
        %dma_wait3A_74 = tpu.memref_squeeze %dma_wait3A_73 : memref<1x32xi32, #tpu.memory_space<vmem>> -> memref<32xi32, #tpu.memory_space<vmem>>
        %dma_wait3A_75 = arith.constant 0 : i32
        %dma_wait3A_76 = arith.constant 0 : i32
        %dma_wait3A_77 = tpu.memref_slice %arg2[%dma_wait3A_75, %dma_wait3A_76] : memref<40000x128xf32, #tpu.memory_space<hbm>> -> memref<40000x128xf32, #tpu.memory_space<hbm>>
        tpu.wait_indirect_dma semaphore(%arg11 : memref<!tpu.dma_semaphore, #tpu.memory_space<semaphore_mem>>) src(%dma_wait3A_77 : memref<40000x128xf32, #tpu.memory_space<hbm>>) dst(%arg9 : memref<32x128xf32, #tpu.memory_space<vmem>>)
        %add3A_78 = arith.constant 0 : i32
        %add3A_79 = arith.addi %mul3A_70, %add3A_78 : i32
        %dma_start3A = arith.constant 0 : i32
        %dma_start3A_80 = tpu.memref_slice %arg8[%add3A_79, %dma_start3A] : memref<32x32xi32, #tpu.memory_space<vmem>> -> memref<1x32xi32, #tpu.memory_space<vmem>>
        %dma_start3A_81 = tpu.memref_squeeze %dma_start3A_80 : memref<1x32xi32, #tpu.memory_space<vmem>> -> memref<32xi32, #tpu.memory_space<vmem>>
        %dma_start3A_82 = arith.constant 0 : i32
        %dma_start3A_83 = arith.constant 0 : i32
        %dma_start3A_84 = tpu.memref_slice %arg15[%dma_start3A_82, %dma_start3A_83] : memref<5248x128xf32, #tpu.memory_space<vmem_shared>> -> memref<5248x128xf32, #tpu.memory_space<vmem_shared>>
        tpu.enqueue_indirect_dma source(%arg9 : memref<32x128xf32, #tpu.memory_space<vmem>>) target(%dma_start3A_84 : memref<5248x128xf32, #tpu.memory_space<vmem_shared>>) offsets(%dma_start3A_81 : memref<32xi32, #tpu.memory_space<vmem>>) semaphore(%arg13 : memref<!tpu.dma_semaphore, #tpu.memory_space<semaphore_mem>>) {add = true}
        %add3A_85 = arith.constant 1 : i32
        %add3A_86 = arith.addi %mul3A_70, %add3A_85 : i32
        %dma_wait3A_87 = arith.constant 0 : i32
        %dma_wait3A_88 = tpu.memref_slice %arg7[%add3A_86, %dma_wait3A_87] : memref<32x32xi32, #tpu.memory_space<vmem>> -> memref<1x32xi32, #tpu.memory_space<vmem>>
        %dma_wait3A_89 = tpu.memref_squeeze %dma_wait3A_88 : memref<1x32xi32, #tpu.memory_space<vmem>> -> memref<32xi32, #tpu.memory_space<vmem>>
        %dma_wait3A_90 = arith.constant 0 : i32
        %dma_wait3A_91 = arith.constant 0 : i32
        %dma_wait3A_92 = tpu.memref_slice %arg2[%dma_wait3A_90, %dma_wait3A_91] : memref<40000x128xf32, #tpu.memory_space<hbm>> -> memref<40000x128xf32, #tpu.memory_space<hbm>>
        tpu.wait_indirect_dma semaphore(%arg12 : memref<!tpu.dma_semaphore, #tpu.memory_space<semaphore_mem>>) src(%dma_wait3A_92 : memref<40000x128xf32, #tpu.memory_space<hbm>>) dst(%arg10 : memref<32x128xf32, #tpu.memory_space<vmem>>)
        %add3A_93 = arith.constant 1 : i32
        %add3A_94 = arith.addi %mul3A_70, %add3A_93 : i32
        %dma_start3A_95 = arith.constant 0 : i32
        %dma_start3A_96 = tpu.memref_slice %arg8[%add3A_94, %dma_start3A_95] : memref<32x32xi32, #tpu.memory_space<vmem>> -> memref<1x32xi32, #tpu.memory_space<vmem>>
        %dma_start3A_97 = tpu.memref_squeeze %dma_start3A_96 : memref<1x32xi32, #tpu.memory_space<vmem>> -> memref<32xi32, #tpu.memory_space<vmem>>
        %dma_start3A_98 = arith.constant 0 : i32
        %dma_start3A_99 = arith.constant 0 : i32
        %dma_start3A_100 = tpu.memref_slice %arg15[%dma_start3A_98, %dma_start3A_99] : memref<5248x128xf32, #tpu.memory_space<vmem_shared>> -> memref<5248x128xf32, #tpu.memory_space<vmem_shared>>
        tpu.enqueue_indirect_dma source(%arg10 : memref<32x128xf32, #tpu.memory_space<vmem>>) target(%dma_start3A_100 : memref<5248x128xf32, #tpu.memory_space<vmem_shared>>) offsets(%dma_start3A_97 : memref<32xi32, #tpu.memory_space<vmem>>) semaphore(%arg14 : memref<!tpu.dma_semaphore, #tpu.memory_space<semaphore_mem>>) {add = true}
        %add3A_101 = arith.constant 0 : i32
        %add3A_102 = arith.addi %mul3A_70, %add3A_101 : i32
        %dma_wait3A_103 = arith.constant 0 : i32
        %dma_wait3A_104 = tpu.memref_slice %arg8[%add3A_102, %dma_wait3A_103] : memref<32x32xi32, #tpu.memory_space<vmem>> -> memref<1x32xi32, #tpu.memory_space<vmem>>
        %dma_wait3A_105 = tpu.memref_squeeze %dma_wait3A_104 : memref<1x32xi32, #tpu.memory_space<vmem>> -> memref<32xi32, #tpu.memory_space<vmem>>
        %dma_wait3A_106 = arith.constant 0 : i32
        %dma_wait3A_107 = arith.constant 0 : i32
        %dma_wait3A_108 = tpu.memref_slice %arg15[%dma_wait3A_106, %dma_wait3A_107] : memref<5248x128xf32, #tpu.memory_space<vmem_shared>> -> memref<5248x128xf32, #tpu.memory_space<vmem_shared>>
        tpu.wait_indirect_dma semaphore(%arg13 : memref<!tpu.dma_semaphore, #tpu.memory_space<semaphore_mem>>) src(%arg9 : memref<32x128xf32, #tpu.memory_space<vmem>>) dst(%dma_wait3A_108 : memref<5248x128xf32, #tpu.memory_space<vmem_shared>>)
        %sub3A_109 = arith.constant 1 : i32
        %sub3A_110 = arith.subi %select_n3A, %sub3A_109 : i32
        %lt3A_111 = arith.cmpi slt, %while3A_68, %sub3A_110 : i32
        %convert_element_type3A_112 = arith.extui %lt3A_111 : i1 to i32
        %cond3A_113 = arith.constant 0 : i32
        %cond3A_114 = arith.cmpi ne, %convert_element_type3A_112, %cond3A_113 : i32
        scf.if %cond3A_114 {
          %add3A_129 = arith.constant 2 : i32
          %add3A_130 = arith.addi %mul3A_70, %add3A_129 : i32
          %add3A_131 = arith.constant 0 : i32
          %add3A_132 = arith.addi %add3A_130, %add3A_131 : i32
          %dma_start3A_133 = arith.constant 0 : i32
          %dma_start3A_134 = tpu.memref_slice %arg7[%add3A_132, %dma_start3A_133] : memref<32x32xi32, #tpu.memory_space<vmem>> -> memref<1x32xi32, #tpu.memory_space<vmem>>
          %dma_start3A_135 = tpu.memref_squeeze %dma_start3A_134 : memref<1x32xi32, #tpu.memory_space<vmem>> -> memref<32xi32, #tpu.memory_space<vmem>>
          %dma_start3A_136 = arith.constant 0 : i32
          %dma_start3A_137 = arith.constant 0 : i32
          %dma_start3A_138 = tpu.memref_slice %arg2[%dma_start3A_136, %dma_start3A_137] : memref<40000x128xf32, #tpu.memory_space<hbm>> -> memref<40000x128xf32, #tpu.memory_space<hbm>>
          tpu.enqueue_indirect_dma source(%dma_start3A_138 : memref<40000x128xf32, #tpu.memory_space<hbm>>) target(%arg9 : memref<32x128xf32, #tpu.memory_space<vmem>>) offsets(%dma_start3A_135 : memref<32xi32, #tpu.memory_space<vmem>>) semaphore(%arg11 : memref<!tpu.dma_semaphore, #tpu.memory_space<semaphore_mem>>)
        } else {
        }
        %add3A_115 = arith.constant 1 : i32
        %add3A_116 = arith.addi %mul3A_70, %add3A_115 : i32
        %dma_wait3A_117 = arith.constant 0 : i32
        %dma_wait3A_118 = tpu.memref_slice %arg8[%add3A_116, %dma_wait3A_117] : memref<32x32xi32, #tpu.memory_space<vmem>> -> memref<1x32xi32, #tpu.memory_space<vmem>>
        %dma_wait3A_119 = tpu.memref_squeeze %dma_wait3A_118 : memref<1x32xi32, #tpu.memory_space<vmem>> -> memref<32xi32, #tpu.memory_space<vmem>>
        %dma_wait3A_120 = arith.constant 0 : i32
        %dma_wait3A_121 = arith.constant 0 : i32
        %dma_wait3A_122 = tpu.memref_slice %arg15[%dma_wait3A_120, %dma_wait3A_121] : memref<5248x128xf32, #tpu.memory_space<vmem_shared>> -> memref<5248x128xf32, #tpu.memory_space<vmem_shared>>
        tpu.wait_indirect_dma semaphore(%arg14 : memref<!tpu.dma_semaphore, #tpu.memory_space<semaphore_mem>>) src(%arg10 : memref<32x128xf32, #tpu.memory_space<vmem>>) dst(%dma_wait3A_122 : memref<5248x128xf32, #tpu.memory_space<vmem_shared>>)
        %sub3A_123 = arith.constant 1 : i32
        %sub3A_124 = arith.subi %select_n3A, %sub3A_123 : i32
        %lt3A_125 = arith.cmpi slt, %while3A_68, %sub3A_124 : i32
        %convert_element_type3A_126 = arith.extui %lt3A_125 : i1 to i32
        %cond3A_127 = arith.constant 0 : i32
        %cond3A_128 = arith.cmpi ne, %convert_element_type3A_126, %cond3A_127 : i32
        scf.if %cond3A_128 {
          %add3A_129 = arith.constant 2 : i32
          %add3A_130 = arith.addi %mul3A_70, %add3A_129 : i32
          %add3A_131 = arith.constant 1 : i32
          %add3A_132 = arith.addi %add3A_130, %add3A_131 : i32
          %dma_start3A_133 = arith.constant 0 : i32
          %dma_start3A_134 = tpu.memref_slice %arg7[%add3A_132, %dma_start3A_133] : memref<32x32xi32, #tpu.memory_space<vmem>> -> memref<1x32xi32, #tpu.memory_space<vmem>>
          %dma_start3A_135 = tpu.memref_squeeze %dma_start3A_134 : memref<1x32xi32, #tpu.memory_space<vmem>> -> memref<32xi32, #tpu.memory_space<vmem>>
          %dma_start3A_136 = arith.constant 0 : i32
          %dma_start3A_137 = arith.constant 0 : i32
          %dma_start3A_138 = tpu.memref_slice %arg2[%dma_start3A_136, %dma_start3A_137] : memref<40000x128xf32, #tpu.memory_space<hbm>> -> memref<40000x128xf32, #tpu.memory_space<hbm>>
          tpu.enqueue_indirect_dma source(%dma_start3A_138 : memref<40000x128xf32, #tpu.memory_space<hbm>>) target(%arg10 : memref<32x128xf32, #tpu.memory_space<vmem>>) offsets(%dma_start3A_135 : memref<32xi32, #tpu.memory_space<vmem>>) semaphore(%arg12 : memref<!tpu.dma_semaphore, #tpu.memory_space<semaphore_mem>>)
        } else {
        }
      }
    }
    %scan3A_15 = arith.constant 20 : i32
    %barrier3A_16 = arith.constant 0 : index
    tpu.barrier barrier_id(%barrier3A_16)
    "tpu.region"() ({
      %run_scoped3A = tpu.sem_alloc : memref<!tpu.dma_semaphore, #tpu.memory_space<semaphore_mem>>
      %dma_start3A = arith.constant 0 : i32
      %dma_start3A_17 = tpu.memref_slice %arg6[%arg0, %mul3A_0, %dma_start3A] : memref<2x5248x128xf32, #tpu.memory_space<hbm>> -> memref<1x328x128xf32, #tpu.memory_space<hbm>>
      %dma_start3A_18 = tpu.memref_squeeze %dma_start3A_17 : memref<1x328x128xf32, #tpu.memory_space<hbm>> -> memref<328x128xf32, #tpu.memory_space<hbm>>
      %dma_start3A_19 = arith.constant 0 : i32
      %dma_start3A_20 = tpu.memref_slice %arg15[%mul3A_0, %dma_start3A_19] : memref<5248x128xf32, #tpu.memory_space<vmem_shared>> -> memref<328x128xf32, #tpu.memory_space<vmem_shared>>
      tpu.enqueue_dma source(%dma_start3A_20 : memref<328x128xf32, #tpu.memory_space<vmem_shared>>) target(%dma_start3A_18 : memref<328x128xf32, #tpu.memory_space<hbm>>) target_semaphore(%run_scoped3A : memref<!tpu.dma_semaphore, #tpu.memory_space<semaphore_mem>>)
      %dma_wait3A = arith.constant 0 : i32
      %dma_wait3A_21 = tpu.memref_slice %arg6[%arg0, %mul3A_0, %dma_wait3A] : memref<2x5248x128xf32, #tpu.memory_space<hbm>> -> memref<1x328x128xf32, #tpu.memory_space<hbm>>
      %dma_wait3A_22 = tpu.memref_squeeze %dma_wait3A_21 : memref<1x328x128xf32, #tpu.memory_space<hbm>> -> memref<328x128xf32, #tpu.memory_space<hbm>>
      %dma_wait3A_23 = arith.constant 0 : i32
      %dma_wait3A_24 = tpu.memref_slice %arg15[%mul3A_0, %dma_wait3A_23] : memref<5248x128xf32, #tpu.memory_space<vmem_shared>> -> memref<328x128xf32, #tpu.memory_space<vmem_shared>>
      tpu.wait_dma2 semaphore(%run_scoped3A : memref<!tpu.dma_semaphore, #tpu.memory_space<semaphore_mem>>) src(%dma_wait3A_24 : memref<328x128xf32, #tpu.memory_space<vmem_shared>>) dst(%dma_wait3A_22 : memref<328x128xf32, #tpu.memory_space<hbm>>)
      tpu.yield
    }) : () -> ()
    return
  }
}

#map = affine_map<(d0, d1) -> (0, 0, 0)>
#map1 = affine_map<(d0, d1) -> (0)>
#map2 = affine_map<(d0, d1) -> (0, 0)>
module attributes {stable_mosaic.version = 14 : i64} {
  func.func @_sc_part(%arg0: i32, %arg1: i32, %arg2: memref<16x20x1024xi32, #tpu.memory_space<hbm>>, %arg3: memref<16x20x1024xi32, #tpu.memory_space<hbm>>, %arg4: memref<20480xi32, #tpu.memory_space<hbm>>, %arg5: memref<20480xi32, #tpu.memory_space<hbm>>, %arg6: memref<10240xf32, #tpu.memory_space<hbm>>, %arg7: memref<2x16x20480xi32, #tpu.memory_space<hbm>>, %arg8: memref<2x16x20480xi32, #tpu.memory_space<hbm>>, %arg9: memref<16x10240xf32, #tpu.memory_space<hbm>>, %arg10: memref<1024xi32, #tpu.memory_space<vmem>>, %arg11: memref<1024xi32, #tpu.memory_space<vmem>>, %arg12: memref<20480xi32, #tpu.memory_space<vmem>>, %arg13: memref<20480xi32, #tpu.memory_space<vmem>>, %arg14: memref<20480xi32, #tpu.memory_space<vmem>>, %arg15: memref<20480xi32, #tpu.memory_space<vmem>>, %arg16: memref<10240xf32, #tpu.memory_space<vmem>>) attributes {dimension_semantics = [#tpu.dimension_semantics<core_parallel>, #tpu.dimension_semantics<subcore_parallel>], iteration_bounds = array<i64: 1, 16>, scalar_prefetch = 0 : i64, scratch_operands = 7 : i64, tpu.core_type = #tpu.core_type<sc_vector_subcore>, window_params = [{transform_indices = #map}, {transform_indices = #map}, {transform_indices = #map1}, {transform_indices = #map1}, {transform_indices = #map1}, {transform_indices = #map}, {transform_indices = #map}, {transform_indices = #map2}]} {
    "tpu.region"() ({
      %run_scoped3A_11 = tpu.sem_alloc : memref<!tpu.dma_semaphore, #tpu.memory_space<semaphore_mem>>
      tpu.enqueue_dma source(%arg4 : memref<20480xi32, #tpu.memory_space<hbm>>) target(%arg12 : memref<20480xi32, #tpu.memory_space<vmem>>) target_semaphore(%run_scoped3A_11 : memref<!tpu.dma_semaphore, #tpu.memory_space<semaphore_mem>>)
      tpu.wait_dma2 semaphore(%run_scoped3A_11 : memref<!tpu.dma_semaphore, #tpu.memory_space<semaphore_mem>>) src(%arg4 : memref<20480xi32, #tpu.memory_space<hbm>>) dst(%arg12 : memref<20480xi32, #tpu.memory_space<vmem>>)
      tpu.yield
    }) : () -> ()
    "tpu.region"() ({
      %run_scoped3A_11 = tpu.sem_alloc : memref<!tpu.dma_semaphore, #tpu.memory_space<semaphore_mem>>
      tpu.enqueue_dma source(%arg4 : memref<20480xi32, #tpu.memory_space<hbm>>) target(%arg14 : memref<20480xi32, #tpu.memory_space<vmem>>) target_semaphore(%run_scoped3A_11 : memref<!tpu.dma_semaphore, #tpu.memory_space<semaphore_mem>>)
      tpu.wait_dma2 semaphore(%run_scoped3A_11 : memref<!tpu.dma_semaphore, #tpu.memory_space<semaphore_mem>>) src(%arg4 : memref<20480xi32, #tpu.memory_space<hbm>>) dst(%arg14 : memref<20480xi32, #tpu.memory_space<vmem>>)
      tpu.yield
    }) : () -> ()
    "tpu.region"() ({
      %run_scoped3A_11 = tpu.sem_alloc : memref<!tpu.dma_semaphore, #tpu.memory_space<semaphore_mem>>
      tpu.enqueue_dma source(%arg5 : memref<20480xi32, #tpu.memory_space<hbm>>) target(%arg13 : memref<20480xi32, #tpu.memory_space<vmem>>) target_semaphore(%run_scoped3A_11 : memref<!tpu.dma_semaphore, #tpu.memory_space<semaphore_mem>>)
      tpu.wait_dma2 semaphore(%run_scoped3A_11 : memref<!tpu.dma_semaphore, #tpu.memory_space<semaphore_mem>>) src(%arg5 : memref<20480xi32, #tpu.memory_space<hbm>>) dst(%arg13 : memref<20480xi32, #tpu.memory_space<vmem>>)
      tpu.yield
    }) : () -> ()
    "tpu.region"() ({
      %run_scoped3A_11 = tpu.sem_alloc : memref<!tpu.dma_semaphore, #tpu.memory_space<semaphore_mem>>
      tpu.enqueue_dma source(%arg5 : memref<20480xi32, #tpu.memory_space<hbm>>) target(%arg15 : memref<20480xi32, #tpu.memory_space<vmem>>) target_semaphore(%run_scoped3A_11 : memref<!tpu.dma_semaphore, #tpu.memory_space<semaphore_mem>>)
      tpu.wait_dma2 semaphore(%run_scoped3A_11 : memref<!tpu.dma_semaphore, #tpu.memory_space<semaphore_mem>>) src(%arg5 : memref<20480xi32, #tpu.memory_space<hbm>>) dst(%arg15 : memref<20480xi32, #tpu.memory_space<vmem>>)
      tpu.yield
    }) : () -> ()
    "tpu.region"() ({
      %run_scoped3A_11 = tpu.sem_alloc : memref<!tpu.dma_semaphore, #tpu.memory_space<semaphore_mem>>
      tpu.enqueue_dma source(%arg6 : memref<10240xf32, #tpu.memory_space<hbm>>) target(%arg16 : memref<10240xf32, #tpu.memory_space<vmem>>) target_semaphore(%run_scoped3A_11 : memref<!tpu.dma_semaphore, #tpu.memory_space<semaphore_mem>>)
      tpu.wait_dma2 semaphore(%run_scoped3A_11 : memref<!tpu.dma_semaphore, #tpu.memory_space<semaphore_mem>>) src(%arg6 : memref<10240xf32, #tpu.memory_space<hbm>>) dst(%arg16 : memref<10240xf32, #tpu.memory_space<vmem>>)
      tpu.yield
    }) : () -> ()
    %broadcast_in_dim3A = arith.constant 1.000000e+00 : f32
    %broadcast_in_dim3A_0 = vector.broadcast %broadcast_in_dim3A : f32 to vector<16xf32>
    %scan3A = arith.constant 0 : i32
    %scan3A_1 = arith.constant 0 : i32
    %scan3A_2 = arith.constant 0 : i32
    %scan3A_3 = arith.constant 20 : i32
    %scan3A_4 = arith.addi %scan3A_2, %scan3A_3 : i32
    %scan3A_5 = arith.constant 1 : i32
    %scan3A_6:2 = scf.for %scan3A_11 = %scan3A_2 to %scan3A_4 step %scan3A_5 iter_args(%scan3A_12 = %scan3A, %scan3A_13 = %scan3A_1) -> (i32, i32)  : i32 {
      "tpu.region"() ({
        %run_scoped3A_20 = tpu.sem_alloc : memref<!tpu.dma_semaphore, #tpu.memory_space<semaphore_mem>>
        %dma_start3A = arith.constant 0 : i32
        %dma_start3A_21 = tpu.memref_slice %arg2[%arg1, %scan3A_11, %dma_start3A] : memref<16x20x1024xi32, #tpu.memory_space<hbm>> -> memref<1x1x1024xi32, #tpu.memory_space<hbm>>
        %dma_start3A_22 = tpu.memref_squeeze %dma_start3A_21 : memref<1x1x1024xi32, #tpu.memory_space<hbm>> -> memref<1024xi32, #tpu.memory_space<hbm>>
        %dma_start3A_23 = arith.constant 0 : i32
        %dma_start3A_24 = tpu.memref_slice %arg2[%arg1, %scan3A_11, %dma_start3A_23] : memref<16x20x1024xi32, #tpu.memory_space<hbm>> -> memref<1x1x1024xi32, #tpu.memory_space<hbm>>
        %dma_start3A_25 = tpu.memref_squeeze %dma_start3A_24 : memref<1x1x1024xi32, #tpu.memory_space<hbm>> -> memref<1024xi32, #tpu.memory_space<hbm>>
        tpu.enqueue_dma source(%dma_start3A_25 : memref<1024xi32, #tpu.memory_space<hbm>>) target(%arg10 : memref<1024xi32, #tpu.memory_space<vmem>>) target_semaphore(%run_scoped3A_20 : memref<!tpu.dma_semaphore, #tpu.memory_space<semaphore_mem>>)
        %dma_wait3A = arith.constant 0 : i32
        %dma_wait3A_26 = tpu.memref_slice %arg2[%arg1, %scan3A_11, %dma_wait3A] : memref<16x20x1024xi32, #tpu.memory_space<hbm>> -> memref<1x1x1024xi32, #tpu.memory_space<hbm>>
        %dma_wait3A_27 = tpu.memref_squeeze %dma_wait3A_26 : memref<1x1x1024xi32, #tpu.memory_space<hbm>> -> memref<1024xi32, #tpu.memory_space<hbm>>
        %dma_wait3A_28 = arith.constant 0 : i32
        %dma_wait3A_29 = tpu.memref_slice %arg2[%arg1, %scan3A_11, %dma_wait3A_28] : memref<16x20x1024xi32, #tpu.memory_space<hbm>> -> memref<1x1x1024xi32, #tpu.memory_space<hbm>>
        %dma_wait3A_30 = tpu.memref_squeeze %dma_wait3A_29 : memref<1x1x1024xi32, #tpu.memory_space<hbm>> -> memref<1024xi32, #tpu.memory_space<hbm>>
        tpu.wait_dma2 semaphore(%run_scoped3A_20 : memref<!tpu.dma_semaphore, #tpu.memory_space<semaphore_mem>>) src(%dma_wait3A_30 : memref<1024xi32, #tpu.memory_space<hbm>>) dst(%arg10 : memref<1024xi32, #tpu.memory_space<vmem>>)
        tpu.yield
      }) : () -> ()
      "tpu.region"() ({
        %run_scoped3A_20 = tpu.sem_alloc : memref<!tpu.dma_semaphore, #tpu.memory_space<semaphore_mem>>
        %dma_start3A = arith.constant 0 : i32
        %dma_start3A_21 = tpu.memref_slice %arg3[%arg1, %scan3A_11, %dma_start3A] : memref<16x20x1024xi32, #tpu.memory_space<hbm>> -> memref<1x1x1024xi32, #tpu.memory_space<hbm>>
        %dma_start3A_22 = tpu.memref_squeeze %dma_start3A_21 : memref<1x1x1024xi32, #tpu.memory_space<hbm>> -> memref<1024xi32, #tpu.memory_space<hbm>>
        %dma_start3A_23 = arith.constant 0 : i32
        %dma_start3A_24 = tpu.memref_slice %arg3[%arg1, %scan3A_11, %dma_start3A_23] : memref<16x20x1024xi32, #tpu.memory_space<hbm>> -> memref<1x1x1024xi32, #tpu.memory_space<hbm>>
        %dma_start3A_25 = tpu.memref_squeeze %dma_start3A_24 : memref<1x1x1024xi32, #tpu.memory_space<hbm>> -> memref<1024xi32, #tpu.memory_space<hbm>>
        tpu.enqueue_dma source(%dma_start3A_25 : memref<1024xi32, #tpu.memory_space<hbm>>) target(%arg11 : memref<1024xi32, #tpu.memory_space<vmem>>) target_semaphore(%run_scoped3A_20 : memref<!tpu.dma_semaphore, #tpu.memory_space<semaphore_mem>>)
        %dma_wait3A = arith.constant 0 : i32
        %dma_wait3A_26 = tpu.memref_slice %arg3[%arg1, %scan3A_11, %dma_wait3A] : memref<16x20x1024xi32, #tpu.memory_space<hbm>> -> memref<1x1x1024xi32, #tpu.memory_space<hbm>>
        %dma_wait3A_27 = tpu.memref_squeeze %dma_wait3A_26 : memref<1x1x1024xi32, #tpu.memory_space<hbm>> -> memref<1024xi32, #tpu.memory_space<hbm>>
        %dma_wait3A_28 = arith.constant 0 : i32
        %dma_wait3A_29 = tpu.memref_slice %arg3[%arg1, %scan3A_11, %dma_wait3A_28] : memref<16x20x1024xi32, #tpu.memory_space<hbm>> -> memref<1x1x1024xi32, #tpu.memory_space<hbm>>
        %dma_wait3A_30 = tpu.memref_squeeze %dma_wait3A_29 : memref<1x1x1024xi32, #tpu.memory_space<hbm>> -> memref<1024xi32, #tpu.memory_space<hbm>>
        tpu.wait_dma2 semaphore(%run_scoped3A_20 : memref<!tpu.dma_semaphore, #tpu.memory_space<semaphore_mem>>) src(%dma_wait3A_30 : memref<1024xi32, #tpu.memory_space<hbm>>) dst(%arg11 : memref<1024xi32, #tpu.memory_space<vmem>>)
        tpu.yield
      }) : () -> ()
      %scan3A_14 = arith.constant 0 : i32
      %scan3A_15 = arith.constant 64 : i32
      %scan3A_16 = arith.addi %scan3A_14, %scan3A_15 : i32
      %scan3A_17 = arith.constant 1 : i32
      %scan3A_18:2 = scf.for %scan3A_20 = %scan3A_14 to %scan3A_16 step %scan3A_17 iter_args(%scan3A_21 = %scan3A_12, %scan3A_22 = %scan3A_13) -> (i32, i32)  : i32 {
        %mul3A = arith.constant 16 : i32
        %mul3A_23 = arith.muli %scan3A_20, %mul3A : i32
        %get3A = arith.index_cast %mul3A_23 : i32 to index
        %get3A_24 = tpu.vector_load %arg10[%get3A] {strides = array<i32>} : memref<1024xi32, #tpu.memory_space<vmem>>, vector<16xi32>,
        %mul3A_25 = arith.constant 16 : i32
        %mul3A_26 = arith.muli %scan3A_20, %mul3A_25 : i32
        %get3A_27 = arith.index_cast %mul3A_26 : i32 to index
        %get3A_28 = tpu.vector_load %arg11[%get3A_27] {strides = array<i32>} : memref<1024xi32, #tpu.memory_space<vmem>>, vector<16xi32>,
        %lt3A = arith.constant 5000 : i32
        %lt3A_29 = vector.broadcast %lt3A : i32 to vector<16xi32>
        %lt3A_30 = arith.cmpi slt, %get3A_28, %lt3A_29 : vector<16xi32>
        %ge3A = arith.constant 5000 : i32
        %ge3A_31 = vector.broadcast %ge3A : i32 to vector<16xi32>
        %ge3A_32 = arith.cmpi sge, %get3A_28, %ge3A_31 : vector<16xi32>
        %lt3A_33 = arith.constant 10000 : i32
        %lt3A_34 = vector.broadcast %lt3A_33 : i32 to vector<16xi32>
        %lt3A_35 = arith.cmpi slt, %get3A_28, %lt3A_34 : vector<16xi32>
        %and3A = arith.andi %ge3A_32, %lt3A_35 : vector<16xi1>
        %swap3A = arith.index_cast %scan3A_21 : i32 to index
        %swap3A_36 = tpu.vector_load %arg12[%swap3A] masked %lt3A_30 {strides = array<i32>} : memref<20480xi32, #tpu.memory_space<vmem>>, vector<16xi32>, vector<16xi1>
        tpu.vector_store %arg12[%swap3A], %get3A_24 masked %lt3A_30 {strides = array<i32>} : memref<20480xi32, #tpu.memory_space<vmem>>, vector<16xi32>, vector<16xi1>
        %swap3A_37 = arith.index_cast %scan3A_21 : i32 to index
        %swap3A_38 = tpu.vector_load %arg13[%swap3A_37] masked %lt3A_30 {strides = array<i32>} : memref<20480xi32, #tpu.memory_space<vmem>>, vector<16xi32>, vector<16xi1>
        tpu.vector_store %arg13[%swap3A_37], %get3A_28 masked %lt3A_30 {strides = array<i32>} : memref<20480xi32, #tpu.memory_space<vmem>>, vector<16xi32>, vector<16xi1>
        %swap3A_39 = arith.index_cast %scan3A_22 : i32 to index
        %swap3A_40 = tpu.vector_load %arg14[%swap3A_39] masked %and3A {strides = array<i32>} : memref<20480xi32, #tpu.memory_space<vmem>>, vector<16xi32>, vector<16xi1>
        tpu.vector_store %arg14[%swap3A_39], %get3A_24 masked %and3A {strides = array<i32>} : memref<20480xi32, #tpu.memory_space<vmem>>, vector<16xi32>, vector<16xi1>
        %sub3A = arith.constant 5000 : i32
        %sub3A_41 = vector.broadcast %sub3A : i32 to vector<16xi32>
        %sub3A_42 = arith.subi %get3A_28, %sub3A_41 : vector<16xi32>
        %swap3A_43 = arith.index_cast %scan3A_22 : i32 to index
        %swap3A_44 = tpu.vector_load %arg15[%swap3A_43] masked %and3A {strides = array<i32>} : memref<20480xi32, #tpu.memory_space<vmem>>, vector<16xi32>, vector<16xi1>
        tpu.vector_store %arg15[%swap3A_43], %sub3A_42 masked %and3A {strides = array<i32>} : memref<20480xi32, #tpu.memory_space<vmem>>, vector<16xi32>, vector<16xi1>
        tpu.vector_store_idx %arg16[%get3A_28], %broadcast_in_dim3A_0 {add = true} : memref<10240xf32, #tpu.memory_space<vmem>>[vector<16xi32>], vector<16xf32>,
        %convert_element_type3A = arith.extui %lt3A_30 : vector<16xi1> to vector<16xi32>
        %reduce_sum3A = arith.constant true
        %reduce_sum3A_45 = vector.broadcast %reduce_sum3A : i1 to vector<16xi1>
        %reduce_sum3A_46 = tpu.scan <sum>, %convert_element_type3A masked %reduce_sum3A_45 : vector<16xi32>, vector<16xi1> -> vector<16xi32>
        %reduce_sum3A_47 = vector.extract %reduce_sum3A_46[15] : i32 from vector<16xi32>
        %add3A = arith.addi %scan3A_21, %reduce_sum3A_47 : i32
        %convert_element_type3A_48 = arith.extui %and3A : vector<16xi1> to vector<16xi32>
        %reduce_sum3A_49 = arith.constant true
        %reduce_sum3A_50 = vector.broadcast %reduce_sum3A_49 : i1 to vector<16xi1>
        %reduce_sum3A_51 = tpu.scan <sum>, %convert_element_type3A_48 masked %reduce_sum3A_50 : vector<16xi32>, vector<16xi1> -> vector<16xi32>
        %reduce_sum3A_52 = vector.extract %reduce_sum3A_51[15] : i32 from vector<16xi32>
        %add3A_53 = arith.addi %scan3A_22, %reduce_sum3A_52 : i32
        scf.yield %add3A, %add3A_53 : i32, i32
      }
      %scan3A_19 = arith.constant 64 : i32
      scf.yield %scan3A_18#0, %scan3A_18#1 : i32, i32
    }
    %scan3A_7 = arith.constant 20 : i32
    %run_scoped3A = arith.constant 0 : i32
    "tpu.region"() ({
      %run_scoped3A_11 = tpu.sem_alloc : memref<!tpu.dma_semaphore, #tpu.memory_space<semaphore_mem>>
      %dma_start3A = arith.constant 0 : i32
      %dma_start3A_12 = tpu.memref_slice %arg7[%run_scoped3A, %arg1, %dma_start3A] : memref<2x16x20480xi32, #tpu.memory_space<hbm>> -> memref<1x1x20480xi32, #tpu.memory_space<hbm>>
      %dma_start3A_13 = tpu.memref_squeeze %dma_start3A_12 : memref<1x1x20480xi32, #tpu.memory_space<hbm>> -> memref<20480xi32, #tpu.memory_space<hbm>>
      %dma_start3A_14 = arith.constant 0 : i32
      %dma_start3A_15 = tpu.memref_slice %arg7[%run_scoped3A, %arg1, %dma_start3A_14] : memref<2x16x20480xi32, #tpu.memory_space<hbm>> -> memref<1x1x20480xi32, #tpu.memory_space<hbm>>
      %dma_start3A_16 = tpu.memref_squeeze %dma_start3A_15 : memref<1x1x20480xi32, #tpu.memory_space<hbm>> -> memref<20480xi32, #tpu.memory_space<hbm>>
      tpu.enqueue_dma source(%arg12 : memref<20480xi32, #tpu.memory_space<vmem>>) target(%dma_start3A_16 : memref<20480xi32, #tpu.memory_space<hbm>>) target_semaphore(%run_scoped3A_11 : memref<!tpu.dma_semaphore, #tpu.memory_space<semaphore_mem>>)
      %dma_wait3A = arith.constant 0 : i32
      %dma_wait3A_17 = tpu.memref_slice %arg7[%run_scoped3A, %arg1, %dma_wait3A] : memref<2x16x20480xi32, #tpu.memory_space<hbm>> -> memref<1x1x20480xi32, #tpu.memory_space<hbm>>
      %dma_wait3A_18 = tpu.memref_squeeze %dma_wait3A_17 : memref<1x1x20480xi32, #tpu.memory_space<hbm>> -> memref<20480xi32, #tpu.memory_space<hbm>>
      %dma_wait3A_19 = arith.constant 0 : i32
      %dma_wait3A_20 = tpu.memref_slice %arg7[%run_scoped3A, %arg1, %dma_wait3A_19] : memref<2x16x20480xi32, #tpu.memory_space<hbm>> -> memref<1x1x20480xi32, #tpu.memory_space<hbm>>
      %dma_wait3A_21 = tpu.memref_squeeze %dma_wait3A_20 : memref<1x1x20480xi32, #tpu.memory_space<hbm>> -> memref<20480xi32, #tpu.memory_space<hbm>>
      tpu.wait_dma2 semaphore(%run_scoped3A_11 : memref<!tpu.dma_semaphore, #tpu.memory_space<semaphore_mem>>) src(%arg12 : memref<20480xi32, #tpu.memory_space<vmem>>) dst(%dma_wait3A_21 : memref<20480xi32, #tpu.memory_space<hbm>>)
      tpu.yield
    }) : () -> ()
    %run_scoped3A_8 = arith.constant 0 : i32
    "tpu.region"() ({
      %run_scoped3A_11 = tpu.sem_alloc : memref<!tpu.dma_semaphore, #tpu.memory_space<semaphore_mem>>
      %dma_start3A = arith.constant 0 : i32
      %dma_start3A_12 = tpu.memref_slice %arg8[%run_scoped3A_8, %arg1, %dma_start3A] : memref<2x16x20480xi32, #tpu.memory_space<hbm>> -> memref<1x1x20480xi32, #tpu.memory_space<hbm>>
      %dma_start3A_13 = tpu.memref_squeeze %dma_start3A_12 : memref<1x1x20480xi32, #tpu.memory_space<hbm>> -> memref<20480xi32, #tpu.memory_space<hbm>>
      %dma_start3A_14 = arith.constant 0 : i32
      %dma_start3A_15 = tpu.memref_slice %arg8[%run_scoped3A_8, %arg1, %dma_start3A_14] : memref<2x16x20480xi32, #tpu.memory_space<hbm>> -> memref<1x1x20480xi32, #tpu.memory_space<hbm>>
      %dma_start3A_16 = tpu.memref_squeeze %dma_start3A_15 : memref<1x1x20480xi32, #tpu.memory_space<hbm>> -> memref<20480xi32, #tpu.memory_space<hbm>>
      tpu.enqueue_dma source(%arg13 : memref<20480xi32, #tpu.memory_space<vmem>>) target(%dma_start3A_16 : memref<20480xi32, #tpu.memory_space<hbm>>) target_semaphore(%run_scoped3A_11 : memref<!tpu.dma_semaphore, #tpu.memory_space<semaphore_mem>>)
      %dma_wait3A = arith.constant 0 : i32
      %dma_wait3A_17 = tpu.memref_slice %arg8[%run_scoped3A_8, %arg1, %dma_wait3A] : memref<2x16x20480xi32, #tpu.memory_space<hbm>> -> memref<1x1x20480xi32, #tpu.memory_space<hbm>>
      %dma_wait3A_18 = tpu.memref_squeeze %dma_wait3A_17 : memref<1x1x20480xi32, #tpu.memory_space<hbm>> -> memref<20480xi32, #tpu.memory_space<hbm>>
      %dma_wait3A_19 = arith.constant 0 : i32
      %dma_wait3A_20 = tpu.memref_slice %arg8[%run_scoped3A_8, %arg1, %dma_wait3A_19] : memref<2x16x20480xi32, #tpu.memory_space<hbm>> -> memref<1x1x20480xi32, #tpu.memory_space<hbm>>
      %dma_wait3A_21 = tpu.memref_squeeze %dma_wait3A_20 : memref<1x1x20480xi32, #tpu.memory_space<hbm>> -> memref<20480xi32, #tpu.memory_space<hbm>>
      tpu.wait_dma2 semaphore(%run_scoped3A_11 : memref<!tpu.dma_semaphore, #tpu.memory_space<semaphore_mem>>) src(%arg13 : memref<20480xi32, #tpu.memory_space<vmem>>) dst(%dma_wait3A_21 : memref<20480xi32, #tpu.memory_space<hbm>>)
      tpu.yield
    }) : () -> ()
    %run_scoped3A_9 = arith.constant 1 : i32
    "tpu.region"() ({
      %run_scoped3A_11 = tpu.sem_alloc : memref<!tpu.dma_semaphore, #tpu.memory_space<semaphore_mem>>
      %dma_start3A = arith.constant 0 : i32
      %dma_start3A_12 = tpu.memref_slice %arg7[%run_scoped3A_9, %arg1, %dma_start3A] : memref<2x16x20480xi32, #tpu.memory_space<hbm>> -> memref<1x1x20480xi32, #tpu.memory_space<hbm>>
      %dma_start3A_13 = tpu.memref_squeeze %dma_start3A_12 : memref<1x1x20480xi32, #tpu.memory_space<hbm>> -> memref<20480xi32, #tpu.memory_space<hbm>>
      %dma_start3A_14 = arith.constant 0 : i32
      %dma_start3A_15 = tpu.memref_slice %arg7[%run_scoped3A_9, %arg1, %dma_start3A_14] : memref<2x16x20480xi32, #tpu.memory_space<hbm>> -> memref<1x1x20480xi32, #tpu.memory_space<hbm>>
      %dma_start3A_16 = tpu.memref_squeeze %dma_start3A_15 : memref<1x1x20480xi32, #tpu.memory_space<hbm>> -> memref<20480xi32, #tpu.memory_space<hbm>>
      tpu.enqueue_dma source(%arg14 : memref<20480xi32, #tpu.memory_space<vmem>>) target(%dma_start3A_16 : memref<20480xi32, #tpu.memory_space<hbm>>) target_semaphore(%run_scoped3A_11 : memref<!tpu.dma_semaphore, #tpu.memory_space<semaphore_mem>>)
      %dma_wait3A = arith.constant 0 : i32
      %dma_wait3A_17 = tpu.memref_slice %arg7[%run_scoped3A_9, %arg1, %dma_wait3A] : memref<2x16x20480xi32, #tpu.memory_space<hbm>> -> memref<1x1x20480xi32, #tpu.memory_space<hbm>>
      %dma_wait3A_18 = tpu.memref_squeeze %dma_wait3A_17 : memref<1x1x20480xi32, #tpu.memory_space<hbm>> -> memref<20480xi32, #tpu.memory_space<hbm>>
      %dma_wait3A_19 = arith.constant 0 : i32
      %dma_wait3A_20 = tpu.memref_slice %arg7[%run_scoped3A_9, %arg1, %dma_wait3A_19] : memref<2x16x20480xi32, #tpu.memory_space<hbm>> -> memref<1x1x20480xi32, #tpu.memory_space<hbm>>
      %dma_wait3A_21 = tpu.memref_squeeze %dma_wait3A_20 : memref<1x1x20480xi32, #tpu.memory_space<hbm>> -> memref<20480xi32, #tpu.memory_space<hbm>>
      tpu.wait_dma2 semaphore(%run_scoped3A_11 : memref<!tpu.dma_semaphore, #tpu.memory_space<semaphore_mem>>) src(%arg14 : memref<20480xi32, #tpu.memory_space<vmem>>) dst(%dma_wait3A_21 : memref<20480xi32, #tpu.memory_space<hbm>>)
      tpu.yield
    }) : () -> ()
    %run_scoped3A_10 = arith.constant 1 : i32
    "tpu.region"() ({
      %run_scoped3A_11 = tpu.sem_alloc : memref<!tpu.dma_semaphore, #tpu.memory_space<semaphore_mem>>
      %dma_start3A = arith.constant 0 : i32
      %dma_start3A_12 = tpu.memref_slice %arg8[%run_scoped3A_10, %arg1, %dma_start3A] : memref<2x16x20480xi32, #tpu.memory_space<hbm>> -> memref<1x1x20480xi32, #tpu.memory_space<hbm>>
      %dma_start3A_13 = tpu.memref_squeeze %dma_start3A_12 : memref<1x1x20480xi32, #tpu.memory_space<hbm>> -> memref<20480xi32, #tpu.memory_space<hbm>>
      %dma_start3A_14 = arith.constant 0 : i32
      %dma_start3A_15 = tpu.memref_slice %arg8[%run_scoped3A_10, %arg1, %dma_start3A_14] : memref<2x16x20480xi32, #tpu.memory_space<hbm>> -> memref<1x1x20480xi32, #tpu.memory_space<hbm>>
      %dma_start3A_16 = tpu.memref_squeeze %dma_start3A_15 : memref<1x1x20480xi32, #tpu.memory_space<hbm>> -> memref<20480xi32, #tpu.memory_space<hbm>>
      tpu.enqueue_dma source(%arg15 : memref<20480xi32, #tpu.memory_space<vmem>>) target(%dma_start3A_16 : memref<20480xi32, #tpu.memory_space<hbm>>) target_semaphore(%run_scoped3A_11 : memref<!tpu.dma_semaphore, #tpu.memory_space<semaphore_mem>>)
      %dma_wait3A = arith.constant 0 : i32
      %dma_wait3A_17 = tpu.memref_slice %arg8[%run_scoped3A_10, %arg1, %dma_wait3A] : memref<2x16x20480xi32, #tpu.memory_space<hbm>> -> memref<1x1x20480xi32, #tpu.memory_space<hbm>>
      %dma_wait3A_18 = tpu.memref_squeeze %dma_wait3A_17 : memref<1x1x20480xi32, #tpu.memory_space<hbm>> -> memref<20480xi32, #tpu.memory_space<hbm>>
      %dma_wait3A_19 = arith.constant 0 : i32
      %dma_wait3A_20 = tpu.memref_slice %arg8[%run_scoped3A_10, %arg1, %dma_wait3A_19] : memref<2x16x20480xi32, #tpu.memory_space<hbm>> -> memref<1x1x20480xi32, #tpu.memory_space<hbm>>
      %dma_wait3A_21 = tpu.memref_squeeze %dma_wait3A_20 : memref<1x1x20480xi32, #tpu.memory_space<hbm>> -> memref<20480xi32, #tpu.memory_space<hbm>>
      tpu.wait_dma2 semaphore(%run_scoped3A_11 : memref<!tpu.dma_semaphore, #tpu.memory_space<semaphore_mem>>) src(%arg15 : memref<20480xi32, #tpu.memory_space<vmem>>) dst(%dma_wait3A_21 : memref<20480xi32, #tpu.memory_space<hbm>>)
      tpu.yield
    }) : () -> ()
    "tpu.region"() ({
      %run_scoped3A_11 = tpu.sem_alloc : memref<!tpu.dma_semaphore, #tpu.memory_space<semaphore_mem>>
      %dma_start3A = arith.constant 0 : i32
      %dma_start3A_12 = tpu.memref_slice %arg9[%arg1, %dma_start3A] : memref<16x10240xf32, #tpu.memory_space<hbm>> -> memref<1x10240xf32, #tpu.memory_space<hbm>>
      %dma_start3A_13 = tpu.memref_squeeze %dma_start3A_12 : memref<1x10240xf32, #tpu.memory_space<hbm>> -> memref<10240xf32, #tpu.memory_space<hbm>>
      %dma_start3A_14 = arith.constant 0 : i32
      %dma_start3A_15 = tpu.memref_slice %arg9[%arg1, %dma_start3A_14] : memref<16x10240xf32, #tpu.memory_space<hbm>> -> memref<1x10240xf32, #tpu.memory_space<hbm>>
      %dma_start3A_16 = tpu.memref_squeeze %dma_start3A_15 : memref<1x10240xf32, #tpu.memory_space<hbm>> -> memref<10240xf32, #tpu.memory_space<hbm>>
      tpu.enqueue_dma source(%arg16 : memref<10240xf32, #tpu.memory_space<vmem>>) target(%dma_start3A_16 : memref<10240xf32, #tpu.memory_space<hbm>>) target_semaphore(%run_scoped3A_11 : memref<!tpu.dma_semaphore, #tpu.memory_space<semaphore_mem>>)
      %dma_wait3A = arith.constant 0 : i32
      %dma_wait3A_17 = tpu.memref_slice %arg9[%arg1, %dma_wait3A] : memref<16x10240xf32, #tpu.memory_space<hbm>> -> memref<1x10240xf32, #tpu.memory_space<hbm>>
      %dma_wait3A_18 = tpu.memref_squeeze %dma_wait3A_17 : memref<1x10240xf32, #tpu.memory_space<hbm>> -> memref<10240xf32, #tpu.memory_space<hbm>>
      %dma_wait3A_19 = arith.constant 0 : i32
      %dma_wait3A_20 = tpu.memref_slice %arg9[%arg1, %dma_wait3A_19] : memref<16x10240xf32, #tpu.memory_space<hbm>> -> memref<1x10240xf32, #tpu.memory_space<hbm>>
      %dma_wait3A_21 = tpu.memref_squeeze %dma_wait3A_20 : memref<1x10240xf32, #tpu.memory_space<hbm>> -> memref<10240xf32, #tpu.memory_space<hbm>>
      tpu.wait_dma2 semaphore(%run_scoped3A_11 : memref<!tpu.dma_semaphore, #tpu.memory_space<semaphore_mem>>) src(%arg16 : memref<10240xf32, #tpu.memory_space<vmem>>) dst(%dma_wait3A_21 : memref<10240xf32, #tpu.memory_space<hbm>>)
      tpu.yield
    }) : () -> ()
    return
  }
}

#map = affine_map<(d0, d1) -> (0, 0)>
#map1 = affine_map<(d0, d1) -> (0, 0, 0, 0, 0)>
#map2 = affine_map<(d0, d1) -> (0, 0, 0)>
module attributes {stable_mosaic.version = 14 : i64} {
  func.func @_sc_agg2(%arg0: i32, %arg1: i32, %arg2: memref<40000x128xf32, #tpu.memory_space<hbm>>, %arg3: memref<2x16x20x32x32xi32, #tpu.memory_space<hbm>>, %arg4: memref<2x16x20x32x32xi32, #tpu.memory_space<hbm>>, %arg5: memref<32x128xf32, #tpu.memory_space<hbm>>, %arg6: memref<2x5248x128xf32, #tpu.memory_space<hbm>>, %arg7: memref<32x32xi32, #tpu.memory_space<vmem>>, %arg8: memref<32x32xi32, #tpu.memory_space<vmem>>, %arg9: memref<32x128xf32, #tpu.memory_space<vmem>>, %arg10: memref<32x128xf32, #tpu.memory_space<vmem>>, %arg11: memref<!tpu.dma_semaphore, #tpu.memory_space<semaphore_mem>>, %arg12: memref<!tpu.dma_semaphore, #tpu.memory_space<semaphore_mem>>, %arg13: memref<!tpu.dma_semaphore, #tpu.memory_space<semaphore_mem>>, %arg14: memref<!tpu.dma_semaphore, #tpu.memory_space<semaphore_mem>>, %arg15: memref<5248x128xf32, #tpu.memory_space<vmem_shared>>) attributes {dimension_semantics = [#tpu.dimension_semantics<core_parallel>, #tpu.dimension_semantics<subcore_parallel>], iteration_bounds = array<i64: 2, 16>, scalar_prefetch = 0 : i64, scratch_operands = 9 : i64, tpu.core_type = #tpu.core_type<sc_vector_subcore>, window_params = [{transform_indices = #map}, {transform_indices = #map1}, {transform_indices = #map1}, {transform_indices = #map}, {transform_indices = #map2}]} {
    "tpu.region"() ({
      %run_scoped3A = tpu.sem_alloc : memref<!tpu.dma_semaphore, #tpu.memory_space<semaphore_mem>>
      tpu.enqueue_dma source(%arg5 : memref<32x128xf32, #tpu.memory_space<hbm>>) target(%arg9 : memref<32x128xf32, #tpu.memory_space<vmem>>) target_semaphore(%run_scoped3A : memref<!tpu.dma_semaphore, #tpu.memory_space<semaphore_mem>>)
      tpu.wait_dma2 semaphore(%run_scoped3A : memref<!tpu.dma_semaphore, #tpu.memory_space<semaphore_mem>>) src(%arg5 : memref<32x128xf32, #tpu.memory_space<hbm>>) dst(%arg9 : memref<32x128xf32, #tpu.memory_space<vmem>>)
      tpu.yield
    }) : () -> ()
    %mul3A = arith.constant 328 : i32
    %mul3A_0 = arith.muli %arg1, %mul3A : i32
    %scan3A = arith.constant 0 : i32
    %scan3A_1 = arith.constant 0 : i32
    %scan3A_2 = arith.constant 10 : i32
    %scan3A_3 = arith.addi %scan3A_1, %scan3A_2 : i32
    %scan3A_4 = arith.constant 1 : i32
    scf.for %scan3A_17 = %scan3A_1 to %scan3A_3 step %scan3A_4  : i32 {
      %mul3A_18 = arith.constant 32 : i32
      %mul3A_19 = arith.muli %scan3A_17, %mul3A_18 : i32
      %add3A_20 = arith.addi %mul3A_0, %mul3A_19 : i32
      "tpu.region"() ({
        %run_scoped3A = tpu.sem_alloc : memref<!tpu.dma_semaphore, #tpu.memory_space<semaphore_mem>>
        %dma_start3A = arith.constant 0 : i32
        %dma_start3A_21 = tpu.memref_slice %arg15[%add3A_20, %dma_start3A] : memref<5248x128xf32, #tpu.memory_space<vmem_shared>> -> memref<32x128xf32, #tpu.memory_space<vmem_shared>>
        %dma_start3A_22 = arith.constant 0 : i32
        %dma_start3A_23 = tpu.memref_slice %arg15[%add3A_20, %dma_start3A_22] : memref<5248x128xf32, #tpu.memory_space<vmem_shared>> -> memref<32x128xf32, #tpu.memory_space<vmem_shared>>
        tpu.enqueue_dma source(%arg9 : memref<32x128xf32, #tpu.memory_space<vmem>>) target(%dma_start3A_23 : memref<32x128xf32, #tpu.memory_space<vmem_shared>>) target_semaphore(%run_scoped3A : memref<!tpu.dma_semaphore, #tpu.memory_space<semaphore_mem>>)
        %dma_wait3A = arith.constant 0 : i32
        %dma_wait3A_24 = tpu.memref_slice %arg15[%add3A_20, %dma_wait3A] : memref<5248x128xf32, #tpu.memory_space<vmem_shared>> -> memref<32x128xf32, #tpu.memory_space<vmem_shared>>
        %dma_wait3A_25 = arith.constant 0 : i32
        %dma_wait3A_26 = tpu.memref_slice %arg15[%add3A_20, %dma_wait3A_25] : memref<5248x128xf32, #tpu.memory_space<vmem_shared>> -> memref<32x128xf32, #tpu.memory_space<vmem_shared>>
        tpu.wait_dma2 semaphore(%run_scoped3A : memref<!tpu.dma_semaphore, #tpu.memory_space<semaphore_mem>>) src(%arg9 : memref<32x128xf32, #tpu.memory_space<vmem>>) dst(%dma_wait3A_26 : memref<32x128xf32, #tpu.memory_space<vmem_shared>>)
        tpu.yield
      }) : () -> ()
    }
    %scan3A_5 = arith.constant 10 : i32
    %add3A = arith.constant 320 : i32
    %add3A_6 = arith.addi %mul3A_0, %add3A : i32
    "tpu.region"() ({
      %run_scoped3A = tpu.sem_alloc : memref<!tpu.dma_semaphore, #tpu.memory_space<semaphore_mem>>
      %dma_start3A = arith.constant 0 : i32
      %dma_start3A_17 = arith.constant 0 : i32
      %dma_start3A_18 = tpu.memref_slice %arg9[%dma_start3A, %dma_start3A_17] : memref<32x128xf32, #tpu.memory_space<vmem>> -> memref<8x128xf32, #tpu.memory_space<vmem>>
      %dma_start3A_19 = arith.constant 0 : i32
      %dma_start3A_20 = tpu.memref_slice %arg15[%add3A_6, %dma_start3A_19] : memref<5248x128xf32, #tpu.memory_space<vmem_shared>> -> memref<8x128xf32, #tpu.memory_space<vmem_shared>>
      %dma_start3A_21 = arith.constant 0 : i32
      %dma_start3A_22 = tpu.memref_slice %arg15[%add3A_6, %dma_start3A_21] : memref<5248x128xf32, #tpu.memory_space<vmem_shared>> -> memref<8x128xf32, #tpu.memory_space<vmem_shared>>
      %dma_start3A_23 = arith.constant 0 : i32
      %dma_start3A_24 = arith.constant 0 : i32
      %dma_start3A_25 = tpu.memref_slice %arg9[%dma_start3A_23, %dma_start3A_24] : memref<32x128xf32, #tpu.memory_space<vmem>> -> memref<8x128xf32, #tpu.memory_space<vmem>>
      tpu.enqueue_dma source(%dma_start3A_25 : memref<8x128xf32, #tpu.memory_space<vmem>>) target(%dma_start3A_22 : memref<8x128xf32, #tpu.memory_space<vmem_shared>>) target_semaphore(%run_scoped3A : memref<!tpu.dma_semaphore, #tpu.memory_space<semaphore_mem>>)
      %dma_wait3A = arith.constant 0 : i32
      %dma_wait3A_26 = arith.constant 0 : i32
      %dma_wait3A_27 = tpu.memref_slice %arg9[%dma_wait3A, %dma_wait3A_26] : memref<32x128xf32, #tpu.memory_space<vmem>> -> memref<8x128xf32, #tpu.memory_space<vmem>>
      %dma_wait3A_28 = arith.constant 0 : i32
      %dma_wait3A_29 = tpu.memref_slice %arg15[%add3A_6, %dma_wait3A_28] : memref<5248x128xf32, #tpu.memory_space<vmem_shared>> -> memref<8x128xf32, #tpu.memory_space<vmem_shared>>
      %dma_wait3A_30 = arith.constant 0 : i32
      %dma_wait3A_31 = tpu.memref_slice %arg15[%add3A_6, %dma_wait3A_30] : memref<5248x128xf32, #tpu.memory_space<vmem_shared>> -> memref<8x128xf32, #tpu.memory_space<vmem_shared>>
      %dma_wait3A_32 = arith.constant 0 : i32
      %dma_wait3A_33 = arith.constant 0 : i32
      %dma_wait3A_34 = tpu.memref_slice %arg9[%dma_wait3A_32, %dma_wait3A_33] : memref<32x128xf32, #tpu.memory_space<vmem>> -> memref<8x128xf32, #tpu.memory_space<vmem>>
      tpu.wait_dma2 semaphore(%run_scoped3A : memref<!tpu.dma_semaphore, #tpu.memory_space<semaphore_mem>>) src(%dma_wait3A_34 : memref<8x128xf32, #tpu.memory_space<vmem>>) dst(%dma_wait3A_31 : memref<8x128xf32, #tpu.memory_space<vmem_shared>>)
      tpu.yield
    }) : () -> ()
    %barrier3A = arith.constant 0 : index
    tpu.barrier barrier_id(%barrier3A)
    %iota3A = tpu.iota {dimensions = array<i32: 0>} : vector<16xi32>
    %mul3A_7 = arith.constant 0 : i32
    %mul3A_8 = vector.broadcast %mul3A_7 : i32 to vector<16xi32>
    %mul3A_9 = arith.muli %iota3A, %mul3A_8 : vector<16xi32>
    %scan3A_10 = arith.constant 0 : i32
    %scan3A_11 = arith.constant 0 : i32
    %scan3A_12 = arith.constant 20 : i32
    %scan3A_13 = arith.addi %scan3A_11, %scan3A_12 : i32
    %scan3A_14 = arith.constant 1 : i32
    scf.for %scan3A_17 = %scan3A_11 to %scan3A_13 step %scan3A_14  : i32 {
      "tpu.region"() ({
        %run_scoped3A = tpu.sem_alloc : memref<!tpu.dma_semaphore, #tpu.memory_space<semaphore_mem>>
        %dma_start3A = arith.constant 0 : i32
        %dma_start3A_68 = arith.constant 0 : i32
        %dma_start3A_69 = tpu.memref_slice %arg3[%arg0, %arg1, %scan3A_17, %dma_start3A, %dma_start3A_68] : memref<2x16x20x32x32xi32, #tpu.memory_space<hbm>> -> memref<1x1x1x32x32xi32, #tpu.memory_space<hbm>>
        %dma_start3A_70 = tpu.memref_squeeze %dma_start3A_69 : memref<1x1x1x32x32xi32, #tpu.memory_space<hbm>> -> memref<32x32xi32, #tpu.memory_space<hbm>>
        %dma_start3A_71 = arith.constant 0 : i32
        %dma_start3A_72 = arith.constant 0 : i32
        %dma_start3A_73 = tpu.memref_slice %arg3[%arg0, %arg1, %scan3A_17, %dma_start3A_71, %dma_start3A_72] : memref<2x16x20x32x32xi32, #tpu.memory_space<hbm>> -> memref<1x1x1x32x32xi32, #tpu.memory_space<hbm>>
        %dma_start3A_74 = tpu.memref_squeeze %dma_start3A_73 : memref<1x1x1x32x32xi32, #tpu.memory_space<hbm>> -> memref<32x32xi32, #tpu.memory_space<hbm>>
        tpu.enqueue_dma source(%dma_start3A_74 : memref<32x32xi32, #tpu.memory_space<hbm>>) target(%arg7 : memref<32x32xi32, #tpu.memory_space<vmem>>) target_semaphore(%run_scoped3A : memref<!tpu.dma_semaphore, #tpu.memory_space<semaphore_mem>>)
        %dma_wait3A = arith.constant 0 : i32
        %dma_wait3A_75 = arith.constant 0 : i32
        %dma_wait3A_76 = tpu.memref_slice %arg3[%arg0, %arg1, %scan3A_17, %dma_wait3A, %dma_wait3A_75] : memref<2x16x20x32x32xi32, #tpu.memory_space<hbm>> -> memref<1x1x1x32x32xi32, #tpu.memory_space<hbm>>
        %dma_wait3A_77 = tpu.memref_squeeze %dma_wait3A_76 : memref<1x1x1x32x32xi32, #tpu.memory_space<hbm>> -> memref<32x32xi32, #tpu.memory_space<hbm>>
        %dma_wait3A_78 = arith.constant 0 : i32
        %dma_wait3A_79 = arith.constant 0 : i32
        %dma_wait3A_80 = tpu.memref_slice %arg3[%arg0, %arg1, %scan3A_17, %dma_wait3A_78, %dma_wait3A_79] : memref<2x16x20x32x32xi32, #tpu.memory_space<hbm>> -> memref<1x1x1x32x32xi32, #tpu.memory_space<hbm>>
        %dma_wait3A_81 = tpu.memref_squeeze %dma_wait3A_80 : memref<1x1x1x32x32xi32, #tpu.memory_space<hbm>> -> memref<32x32xi32, #tpu.memory_space<hbm>>
        tpu.wait_dma2 semaphore(%run_scoped3A : memref<!tpu.dma_semaphore, #tpu.memory_space<semaphore_mem>>) src(%dma_wait3A_81 : memref<32x32xi32, #tpu.memory_space<hbm>>) dst(%arg7 : memref<32x32xi32, #tpu.memory_space<vmem>>)
        tpu.yield
      }) : () -> ()
      "tpu.region"() ({
        %run_scoped3A = tpu.sem_alloc : memref<!tpu.dma_semaphore, #tpu.memory_space<semaphore_mem>>
        %dma_start3A = arith.constant 0 : i32
        %dma_start3A_68 = arith.constant 0 : i32
        %dma_start3A_69 = tpu.memref_slice %arg4[%arg0, %arg1, %scan3A_17, %dma_start3A, %dma_start3A_68] : memref<2x16x20x32x32xi32, #tpu.memory_space<hbm>> -> memref<1x1x1x32x32xi32, #tpu.memory_space<hbm>>
        %dma_start3A_70 = tpu.memref_squeeze %dma_start3A_69 : memref<1x1x1x32x32xi32, #tpu.memory_space<hbm>> -> memref<32x32xi32, #tpu.memory_space<hbm>>
        %dma_start3A_71 = arith.constant 0 : i32
        %dma_start3A_72 = arith.constant 0 : i32
        %dma_start3A_73 = tpu.memref_slice %arg4[%arg0, %arg1, %scan3A_17, %dma_start3A_71, %dma_start3A_72] : memref<2x16x20x32x32xi32, #tpu.memory_space<hbm>> -> memref<1x1x1x32x32xi32, #tpu.memory_space<hbm>>
        %dma_start3A_74 = tpu.memref_squeeze %dma_start3A_73 : memref<1x1x1x32x32xi32, #tpu.memory_space<hbm>> -> memref<32x32xi32, #tpu.memory_space<hbm>>
        tpu.enqueue_dma source(%dma_start3A_74 : memref<32x32xi32, #tpu.memory_space<hbm>>) target(%arg8 : memref<32x32xi32, #tpu.memory_space<vmem>>) target_semaphore(%run_scoped3A : memref<!tpu.dma_semaphore, #tpu.memory_space<semaphore_mem>>)
        %dma_wait3A = arith.constant 0 : i32
        %dma_wait3A_75 = arith.constant 0 : i32
        %dma_wait3A_76 = tpu.memref_slice %arg4[%arg0, %arg1, %scan3A_17, %dma_wait3A, %dma_wait3A_75] : memref<2x16x20x32x32xi32, #tpu.memory_space<hbm>> -> memref<1x1x1x32x32xi32, #tpu.memory_space<hbm>>
        %dma_wait3A_77 = tpu.memref_squeeze %dma_wait3A_76 : memref<1x1x1x32x32xi32, #tpu.memory_space<hbm>> -> memref<32x32xi32, #tpu.memory_space<hbm>>
        %dma_wait3A_78 = arith.constant 0 : i32
        %dma_wait3A_79 = arith.constant 0 : i32
        %dma_wait3A_80 = tpu.memref_slice %arg4[%arg0, %arg1, %scan3A_17, %dma_wait3A_78, %dma_wait3A_79] : memref<2x16x20x32x32xi32, #tpu.memory_space<hbm>> -> memref<1x1x1x32x32xi32, #tpu.memory_space<hbm>>
        %dma_wait3A_81 = tpu.memref_squeeze %dma_wait3A_80 : memref<1x1x1x32x32xi32, #tpu.memory_space<hbm>> -> memref<32x32xi32, #tpu.memory_space<hbm>>
        tpu.wait_dma2 semaphore(%run_scoped3A : memref<!tpu.dma_semaphore, #tpu.memory_space<semaphore_mem>>) src(%dma_wait3A_81 : memref<32x32xi32, #tpu.memory_space<hbm>>) dst(%arg8 : memref<32x32xi32, #tpu.memory_space<vmem>>)
        tpu.yield
      }) : () -> ()
      %gather3A = tpu.vector_load_idx %arg8[%iota3A, %mul3A_9] : memref<32x32xi32, #tpu.memory_space<vmem>>[vector<16xi32>, vector<16xi32>], vector<16xi32>,
      %add3A_18 = arith.constant 16 : i32
      %add3A_19 = vector.broadcast %add3A_18 : i32 to vector<16xi32>
      %add3A_20 = arith.addi %iota3A, %add3A_19 : vector<16xi32>
      %gather3A_21 = tpu.vector_load_idx %arg8[%add3A_20, %mul3A_9] : memref<32x32xi32, #tpu.memory_space<vmem>>[vector<16xi32>, vector<16xi32>], vector<16xi32>,
      %lt3A = arith.constant 5000 : i32
      %lt3A_22 = vector.broadcast %lt3A : i32 to vector<16xi32>
      %lt3A_23 = arith.cmpi slt, %gather3A, %lt3A_22 : vector<16xi32>
      %convert_element_type3A = arith.extui %lt3A_23 : vector<16xi1> to vector<16xi32>
      %reduce_sum3A = arith.constant true
      %reduce_sum3A_24 = vector.broadcast %reduce_sum3A : i1 to vector<16xi1>
      %reduce_sum3A_25 = tpu.scan <sum>, %convert_element_type3A masked %reduce_sum3A_24 : vector<16xi32>, vector<16xi1> -> vector<16xi32>
      %reduce_sum3A_26 = vector.extract %reduce_sum3A_25[15] : i32 from vector<16xi32>
      %lt3A_27 = arith.constant 5000 : i32
      %lt3A_28 = vector.broadcast %lt3A_27 : i32 to vector<16xi32>
      %lt3A_29 = arith.cmpi slt, %gather3A_21, %lt3A_28 : vector<16xi32>
      %convert_element_type3A_30 = arith.extui %lt3A_29 : vector<16xi1> to vector<16xi32>
      %reduce_sum3A_31 = arith.constant true
      %reduce_sum3A_32 = vector.broadcast %reduce_sum3A_31 : i1 to vector<16xi1>
      %reduce_sum3A_33 = tpu.scan <sum>, %convert_element_type3A_30 masked %reduce_sum3A_32 : vector<16xi32>, vector<16xi1> -> vector<16xi32>
      %reduce_sum3A_34 = vector.extract %reduce_sum3A_33[15] : i32 from vector<16xi32>
      %add3A_35 = arith.addi %reduce_sum3A_26, %reduce_sum3A_34 : i32
      %add3A_36 = arith.constant 2 : i32
      %add3A_37 = arith.addi %add3A_35, %add3A_36 : i32
      %sub3A = arith.constant 1 : i32
      %sub3A_38 = arith.subi %add3A_37, %sub3A : i32
      %jit3A = arith.constant 2 : i32
      %div3A = arith.divsi %sub3A_38, %jit3A : i32
      %sign3A = arith.constant 0 : i32
      %sign3A_39 = arith.cmpi sgt, %sub3A_38, %sign3A : i32
      %sign3A_40 = arith.extui %sign3A_39 : i1 to i32
      %sign3A_41 = arith.constant 0 : i32
      %sign3A_42 = arith.cmpi slt, %sub3A_38, %sign3A_41 : i32
      %sign3A_43 = arith.extui %sign3A_42 : i1 to i32
      %sign3A_44 = arith.subi %sign3A_40, %sign3A_43 : i32
      %sign3A_45 = arith.constant 0 : i32
      %sign3A_46 = arith.cmpi sgt, %jit3A, %sign3A_45 : i32
      %sign3A_47 = arith.extui %sign3A_46 : i1 to i32
      %sign3A_48 = arith.constant 0 : i32
      %sign3A_49 = arith.cmpi slt, %jit3A, %sign3A_48 : i32
      %sign3A_50 = arith.extui %sign3A_49 : i1 to i32
      %sign3A_51 = arith.subi %sign3A_47, %sign3A_50 : i32
      %ne3A = arith.cmpi ne, %sign3A_44, %sign3A_51 : i32
      %rem3A = arith.remsi %sub3A_38, %jit3A : i32
      %ne3A_52 = arith.constant 0 : i32
      %ne3A_53 = arith.cmpi ne, %rem3A, %ne3A_52 : i32
      %and3A = arith.andi %ne3A, %ne3A_53 : i1
      %sub3A_54 = arith.constant 1 : i32
      %sub3A_55 = arith.subi %div3A, %sub3A_54 : i32
      %select_n3A = arith.select %and3A, %sub3A_55, %div3A : i32
      %gt3A = arith.constant 0 : i32
      %gt3A_56 = arith.cmpi sgt, %select_n3A, %gt3A : i32
      %convert_element_type3A_57 = arith.extui %gt3A_56 : i1 to i32
      %cond3A = arith.constant 0 : i32
      %cond3A_58 = arith.cmpi ne, %convert_element_type3A_57, %cond3A : i32
      scf.if %cond3A_58 {
        %dma_start3A = arith.constant 0 : i32
        %dma_start3A_68 = arith.constant 0 : i32
        %dma_start3A_69 = tpu.memref_slice %arg7[%dma_start3A, %dma_start3A_68] : memref<32x32xi32, #tpu.memory_space<vmem>> -> memref<1x32xi32, #tpu.memory_space<vmem>>
        %dma_start3A_70 = tpu.memref_squeeze %dma_start3A_69 : memref<1x32xi32, #tpu.memory_space<vmem>> -> memref<32xi32, #tpu.memory_space<vmem>>
        %dma_start3A_71 = arith.constant 0 : i32
        %dma_start3A_72 = arith.constant 0 : i32
        %dma_start3A_73 = tpu.memref_slice %arg2[%dma_start3A_71, %dma_start3A_72] : memref<40000x128xf32, #tpu.memory_space<hbm>> -> memref<40000x128xf32, #tpu.memory_space<hbm>>
        tpu.enqueue_indirect_dma source(%dma_start3A_73 : memref<40000x128xf32, #tpu.memory_space<hbm>>) target(%arg9 : memref<32x128xf32, #tpu.memory_space<vmem>>) offsets(%dma_start3A_70 : memref<32xi32, #tpu.memory_space<vmem>>) semaphore(%arg11 : memref<!tpu.dma_semaphore, #tpu.memory_space<semaphore_mem>>)
        %dma_start3A_74 = arith.constant 1 : i32
        %dma_start3A_75 = arith.constant 0 : i32
        %dma_start3A_76 = tpu.memref_slice %arg7[%dma_start3A_74, %dma_start3A_75] : memref<32x32xi32, #tpu.memory_space<vmem>> -> memref<1x32xi32, #tpu.memory_space<vmem>>
        %dma_start3A_77 = tpu.memref_squeeze %dma_start3A_76 : memref<1x32xi32, #tpu.memory_space<vmem>> -> memref<32xi32, #tpu.memory_space<vmem>>
        %dma_start3A_78 = arith.constant 0 : i32
        %dma_start3A_79 = arith.constant 0 : i32
        %dma_start3A_80 = tpu.memref_slice %arg2[%dma_start3A_78, %dma_start3A_79] : memref<40000x128xf32, #tpu.memory_space<hbm>> -> memref<40000x128xf32, #tpu.memory_space<hbm>>
        tpu.enqueue_indirect_dma source(%dma_start3A_80 : memref<40000x128xf32, #tpu.memory_space<hbm>>) target(%arg10 : memref<32x128xf32, #tpu.memory_space<vmem>>) offsets(%dma_start3A_77 : memref<32xi32, #tpu.memory_space<vmem>>) semaphore(%arg12 : memref<!tpu.dma_semaphore, #tpu.memory_space<semaphore_mem>>)
      } else {
      }
      %while3A = arith.constant 0 : i32
      %while3A_59 = arith.constant 0 : i32
      %while3A_60 = arith.subi %select_n3A, %while3A_59 : i32
      %while3A_61 = arith.addi %while3A_59, %while3A_60 : i32
      %while3A_62 = arith.constant 1 : i32
      %while3A_63 = arith.divsi %while3A_60, %while3A_62 : i32
      %while3A_64 = arith.muli %while3A_63, %while3A_62 : i32
      %while3A_65 = arith.addi %while3A_59, %while3A_64 : i32
      %while3A_66 = arith.constant 1 : i32
      scf.for %while3A_68 = %while3A_59 to %while3A_65 step %while3A_66  : i32 {
        %mul3A_69 = arith.constant 2 : i32
        %mul3A_70 = arith.muli %while3A_68, %mul3A_69 : i32
        %add3A_71 = arith.constant 0 : i32
        %add3A_72 = arith.addi %mul3A_70, %add3A_71 : i32
        %dma_wait3A = arith.constant 0 : i32
        %dma_wait3A_73 = tpu.memref_slice %arg7[%add3A_72, %dma_wait3A] : memref<32x32xi32, #tpu.memory_space<vmem>> -> memref<1x32xi32, #tpu.memory_space<vmem>>
        %dma_wait3A_74 = tpu.memref_squeeze %dma_wait3A_73 : memref<1x32xi32, #tpu.memory_space<vmem>> -> memref<32xi32, #tpu.memory_space<vmem>>
        %dma_wait3A_75 = arith.constant 0 : i32
        %dma_wait3A_76 = arith.constant 0 : i32
        %dma_wait3A_77 = tpu.memref_slice %arg2[%dma_wait3A_75, %dma_wait3A_76] : memref<40000x128xf32, #tpu.memory_space<hbm>> -> memref<40000x128xf32, #tpu.memory_space<hbm>>
        tpu.wait_indirect_dma semaphore(%arg11 : memref<!tpu.dma_semaphore, #tpu.memory_space<semaphore_mem>>) src(%dma_wait3A_77 : memref<40000x128xf32, #tpu.memory_space<hbm>>) dst(%arg9 : memref<32x128xf32, #tpu.memory_space<vmem>>)
        %add3A_78 = arith.constant 0 : i32
        %add3A_79 = arith.addi %mul3A_70, %add3A_78 : i32
        %dma_start3A = arith.constant 0 : i32
        %dma_start3A_80 = tpu.memref_slice %arg8[%add3A_79, %dma_start3A] : memref<32x32xi32, #tpu.memory_space<vmem>> -> memref<1x32xi32, #tpu.memory_space<vmem>>
        %dma_start3A_81 = tpu.memref_squeeze %dma_start3A_80 : memref<1x32xi32, #tpu.memory_space<vmem>> -> memref<32xi32, #tpu.memory_space<vmem>>
        %dma_start3A_82 = arith.constant 0 : i32
        %dma_start3A_83 = arith.constant 0 : i32
        %dma_start3A_84 = tpu.memref_slice %arg15[%dma_start3A_82, %dma_start3A_83] : memref<5248x128xf32, #tpu.memory_space<vmem_shared>> -> memref<5248x128xf32, #tpu.memory_space<vmem_shared>>
        tpu.enqueue_indirect_dma source(%arg9 : memref<32x128xf32, #tpu.memory_space<vmem>>) target(%dma_start3A_84 : memref<5248x128xf32, #tpu.memory_space<vmem_shared>>) offsets(%dma_start3A_81 : memref<32xi32, #tpu.memory_space<vmem>>) semaphore(%arg13 : memref<!tpu.dma_semaphore, #tpu.memory_space<semaphore_mem>>) {add = true}
        %add3A_85 = arith.constant 1 : i32
        %add3A_86 = arith.addi %mul3A_70, %add3A_85 : i32
        %dma_wait3A_87 = arith.constant 0 : i32
        %dma_wait3A_88 = tpu.memref_slice %arg7[%add3A_86, %dma_wait3A_87] : memref<32x32xi32, #tpu.memory_space<vmem>> -> memref<1x32xi32, #tpu.memory_space<vmem>>
        %dma_wait3A_89 = tpu.memref_squeeze %dma_wait3A_88 : memref<1x32xi32, #tpu.memory_space<vmem>> -> memref<32xi32, #tpu.memory_space<vmem>>
        %dma_wait3A_90 = arith.constant 0 : i32
        %dma_wait3A_91 = arith.constant 0 : i32
        %dma_wait3A_92 = tpu.memref_slice %arg2[%dma_wait3A_90, %dma_wait3A_91] : memref<40000x128xf32, #tpu.memory_space<hbm>> -> memref<40000x128xf32, #tpu.memory_space<hbm>>
        tpu.wait_indirect_dma semaphore(%arg12 : memref<!tpu.dma_semaphore, #tpu.memory_space<semaphore_mem>>) src(%dma_wait3A_92 : memref<40000x128xf32, #tpu.memory_space<hbm>>) dst(%arg10 : memref<32x128xf32, #tpu.memory_space<vmem>>)
        %add3A_93 = arith.constant 1 : i32
        %add3A_94 = arith.addi %mul3A_70, %add3A_93 : i32
        %dma_start3A_95 = arith.constant 0 : i32
        %dma_start3A_96 = tpu.memref_slice %arg8[%add3A_94, %dma_start3A_95] : memref<32x32xi32, #tpu.memory_space<vmem>> -> memref<1x32xi32, #tpu.memory_space<vmem>>
        %dma_start3A_97 = tpu.memref_squeeze %dma_start3A_96 : memref<1x32xi32, #tpu.memory_space<vmem>> -> memref<32xi32, #tpu.memory_space<vmem>>
        %dma_start3A_98 = arith.constant 0 : i32
        %dma_start3A_99 = arith.constant 0 : i32
        %dma_start3A_100 = tpu.memref_slice %arg15[%dma_start3A_98, %dma_start3A_99] : memref<5248x128xf32, #tpu.memory_space<vmem_shared>> -> memref<5248x128xf32, #tpu.memory_space<vmem_shared>>
        tpu.enqueue_indirect_dma source(%arg10 : memref<32x128xf32, #tpu.memory_space<vmem>>) target(%dma_start3A_100 : memref<5248x128xf32, #tpu.memory_space<vmem_shared>>) offsets(%dma_start3A_97 : memref<32xi32, #tpu.memory_space<vmem>>) semaphore(%arg14 : memref<!tpu.dma_semaphore, #tpu.memory_space<semaphore_mem>>) {add = true}
        %add3A_101 = arith.constant 0 : i32
        %add3A_102 = arith.addi %mul3A_70, %add3A_101 : i32
        %dma_wait3A_103 = arith.constant 0 : i32
        %dma_wait3A_104 = tpu.memref_slice %arg8[%add3A_102, %dma_wait3A_103] : memref<32x32xi32, #tpu.memory_space<vmem>> -> memref<1x32xi32, #tpu.memory_space<vmem>>
        %dma_wait3A_105 = tpu.memref_squeeze %dma_wait3A_104 : memref<1x32xi32, #tpu.memory_space<vmem>> -> memref<32xi32, #tpu.memory_space<vmem>>
        %dma_wait3A_106 = arith.constant 0 : i32
        %dma_wait3A_107 = arith.constant 0 : i32
        %dma_wait3A_108 = tpu.memref_slice %arg15[%dma_wait3A_106, %dma_wait3A_107] : memref<5248x128xf32, #tpu.memory_space<vmem_shared>> -> memref<5248x128xf32, #tpu.memory_space<vmem_shared>>
        tpu.wait_indirect_dma semaphore(%arg13 : memref<!tpu.dma_semaphore, #tpu.memory_space<semaphore_mem>>) src(%arg9 : memref<32x128xf32, #tpu.memory_space<vmem>>) dst(%dma_wait3A_108 : memref<5248x128xf32, #tpu.memory_space<vmem_shared>>)
        %sub3A_109 = arith.constant 1 : i32
        %sub3A_110 = arith.subi %select_n3A, %sub3A_109 : i32
        %lt3A_111 = arith.cmpi slt, %while3A_68, %sub3A_110 : i32
        %convert_element_type3A_112 = arith.extui %lt3A_111 : i1 to i32
        %cond3A_113 = arith.constant 0 : i32
        %cond3A_114 = arith.cmpi ne, %convert_element_type3A_112, %cond3A_113 : i32
        scf.if %cond3A_114 {
          %add3A_129 = arith.constant 2 : i32
          %add3A_130 = arith.addi %mul3A_70, %add3A_129 : i32
          %add3A_131 = arith.constant 0 : i32
          %add3A_132 = arith.addi %add3A_130, %add3A_131 : i32
          %dma_start3A_133 = arith.constant 0 : i32
          %dma_start3A_134 = tpu.memref_slice %arg7[%add3A_132, %dma_start3A_133] : memref<32x32xi32, #tpu.memory_space<vmem>> -> memref<1x32xi32, #tpu.memory_space<vmem>>
          %dma_start3A_135 = tpu.memref_squeeze %dma_start3A_134 : memref<1x32xi32, #tpu.memory_space<vmem>> -> memref<32xi32, #tpu.memory_space<vmem>>
          %dma_start3A_136 = arith.constant 0 : i32
          %dma_start3A_137 = arith.constant 0 : i32
          %dma_start3A_138 = tpu.memref_slice %arg2[%dma_start3A_136, %dma_start3A_137] : memref<40000x128xf32, #tpu.memory_space<hbm>> -> memref<40000x128xf32, #tpu.memory_space<hbm>>
          tpu.enqueue_indirect_dma source(%dma_start3A_138 : memref<40000x128xf32, #tpu.memory_space<hbm>>) target(%arg9 : memref<32x128xf32, #tpu.memory_space<vmem>>) offsets(%dma_start3A_135 : memref<32xi32, #tpu.memory_space<vmem>>) semaphore(%arg11 : memref<!tpu.dma_semaphore, #tpu.memory_space<semaphore_mem>>)
        } else {
        }
        %add3A_115 = arith.constant 1 : i32
        %add3A_116 = arith.addi %mul3A_70, %add3A_115 : i32
        %dma_wait3A_117 = arith.constant 0 : i32
        %dma_wait3A_118 = tpu.memref_slice %arg8[%add3A_116, %dma_wait3A_117] : memref<32x32xi32, #tpu.memory_space<vmem>> -> memref<1x32xi32, #tpu.memory_space<vmem>>
        %dma_wait3A_119 = tpu.memref_squeeze %dma_wait3A_118 : memref<1x32xi32, #tpu.memory_space<vmem>> -> memref<32xi32, #tpu.memory_space<vmem>>
        %dma_wait3A_120 = arith.constant 0 : i32
        %dma_wait3A_121 = arith.constant 0 : i32
        %dma_wait3A_122 = tpu.memref_slice %arg15[%dma_wait3A_120, %dma_wait3A_121] : memref<5248x128xf32, #tpu.memory_space<vmem_shared>> -> memref<5248x128xf32, #tpu.memory_space<vmem_shared>>
        tpu.wait_indirect_dma semaphore(%arg14 : memref<!tpu.dma_semaphore, #tpu.memory_space<semaphore_mem>>) src(%arg10 : memref<32x128xf32, #tpu.memory_space<vmem>>) dst(%dma_wait3A_122 : memref<5248x128xf32, #tpu.memory_space<vmem_shared>>)
        %sub3A_123 = arith.constant 1 : i32
        %sub3A_124 = arith.subi %select_n3A, %sub3A_123 : i32
        %lt3A_125 = arith.cmpi slt, %while3A_68, %sub3A_124 : i32
        %convert_element_type3A_126 = arith.extui %lt3A_125 : i1 to i32
        %cond3A_127 = arith.constant 0 : i32
        %cond3A_128 = arith.cmpi ne, %convert_element_type3A_126, %cond3A_127 : i32
        scf.if %cond3A_128 {
          %add3A_129 = arith.constant 2 : i32
          %add3A_130 = arith.addi %mul3A_70, %add3A_129 : i32
          %add3A_131 = arith.constant 1 : i32
          %add3A_132 = arith.addi %add3A_130, %add3A_131 : i32
          %dma_start3A_133 = arith.constant 0 : i32
          %dma_start3A_134 = tpu.memref_slice %arg7[%add3A_132, %dma_start3A_133] : memref<32x32xi32, #tpu.memory_space<vmem>> -> memref<1x32xi32, #tpu.memory_space<vmem>>
          %dma_start3A_135 = tpu.memref_squeeze %dma_start3A_134 : memref<1x32xi32, #tpu.memory_space<vmem>> -> memref<32xi32, #tpu.memory_space<vmem>>
          %dma_start3A_136 = arith.constant 0 : i32
          %dma_start3A_137 = arith.constant 0 : i32
          %dma_start3A_138 = tpu.memref_slice %arg2[%dma_start3A_136, %dma_start3A_137] : memref<40000x128xf32, #tpu.memory_space<hbm>> -> memref<40000x128xf32, #tpu.memory_space<hbm>>
          tpu.enqueue_indirect_dma source(%dma_start3A_138 : memref<40000x128xf32, #tpu.memory_space<hbm>>) target(%arg10 : memref<32x128xf32, #tpu.memory_space<vmem>>) offsets(%dma_start3A_135 : memref<32xi32, #tpu.memory_space<vmem>>) semaphore(%arg12 : memref<!tpu.dma_semaphore, #tpu.memory_space<semaphore_mem>>)
        } else {
        }
      }
      %while3A_67 = arith.constant 1 : i32
      scf.for %while3A_68 = %while3A_65 to %while3A_61 step %while3A_67  : i32 {
        %mul3A_69 = arith.constant 2 : i32
        %mul3A_70 = arith.muli %while3A_68, %mul3A_69 : i32
        %add3A_71 = arith.constant 0 : i32
        %add3A_72 = arith.addi %mul3A_70, %add3A_71 : i32
        %dma_wait3A = arith.constant 0 : i32
        %dma_wait3A_73 = tpu.memref_slice %arg7[%add3A_72, %dma_wait3A] : memref<32x32xi32, #tpu.memory_space<vmem>> -> memref<1x32xi32, #tpu.memory_space<vmem>>
        %dma_wait3A_74 = tpu.memref_squeeze %dma_wait3A_73 : memref<1x32xi32, #tpu.memory_space<vmem>> -> memref<32xi32, #tpu.memory_space<vmem>>
        %dma_wait3A_75 = arith.constant 0 : i32
        %dma_wait3A_76 = arith.constant 0 : i32
        %dma_wait3A_77 = tpu.memref_slice %arg2[%dma_wait3A_75, %dma_wait3A_76] : memref<40000x128xf32, #tpu.memory_space<hbm>> -> memref<40000x128xf32, #tpu.memory_space<hbm>>
        tpu.wait_indirect_dma semaphore(%arg11 : memref<!tpu.dma_semaphore, #tpu.memory_space<semaphore_mem>>) src(%dma_wait3A_77 : memref<40000x128xf32, #tpu.memory_space<hbm>>) dst(%arg9 : memref<32x128xf32, #tpu.memory_space<vmem>>)
        %add3A_78 = arith.constant 0 : i32
        %add3A_79 = arith.addi %mul3A_70, %add3A_78 : i32
        %dma_start3A = arith.constant 0 : i32
        %dma_start3A_80 = tpu.memref_slice %arg8[%add3A_79, %dma_start3A] : memref<32x32xi32, #tpu.memory_space<vmem>> -> memref<1x32xi32, #tpu.memory_space<vmem>>
        %dma_start3A_81 = tpu.memref_squeeze %dma_start3A_80 : memref<1x32xi32, #tpu.memory_space<vmem>> -> memref<32xi32, #tpu.memory_space<vmem>>
        %dma_start3A_82 = arith.constant 0 : i32
        %dma_start3A_83 = arith.constant 0 : i32
        %dma_start3A_84 = tpu.memref_slice %arg15[%dma_start3A_82, %dma_start3A_83] : memref<5248x128xf32, #tpu.memory_space<vmem_shared>> -> memref<5248x128xf32, #tpu.memory_space<vmem_shared>>
        tpu.enqueue_indirect_dma source(%arg9 : memref<32x128xf32, #tpu.memory_space<vmem>>) target(%dma_start3A_84 : memref<5248x128xf32, #tpu.memory_space<vmem_shared>>) offsets(%dma_start3A_81 : memref<32xi32, #tpu.memory_space<vmem>>) semaphore(%arg13 : memref<!tpu.dma_semaphore, #tpu.memory_space<semaphore_mem>>) {add = true}
        %add3A_85 = arith.constant 1 : i32
        %add3A_86 = arith.addi %mul3A_70, %add3A_85 : i32
        %dma_wait3A_87 = arith.constant 0 : i32
        %dma_wait3A_88 = tpu.memref_slice %arg7[%add3A_86, %dma_wait3A_87] : memref<32x32xi32, #tpu.memory_space<vmem>> -> memref<1x32xi32, #tpu.memory_space<vmem>>
        %dma_wait3A_89 = tpu.memref_squeeze %dma_wait3A_88 : memref<1x32xi32, #tpu.memory_space<vmem>> -> memref<32xi32, #tpu.memory_space<vmem>>
        %dma_wait3A_90 = arith.constant 0 : i32
        %dma_wait3A_91 = arith.constant 0 : i32
        %dma_wait3A_92 = tpu.memref_slice %arg2[%dma_wait3A_90, %dma_wait3A_91] : memref<40000x128xf32, #tpu.memory_space<hbm>> -> memref<40000x128xf32, #tpu.memory_space<hbm>>
        tpu.wait_indirect_dma semaphore(%arg12 : memref<!tpu.dma_semaphore, #tpu.memory_space<semaphore_mem>>) src(%dma_wait3A_92 : memref<40000x128xf32, #tpu.memory_space<hbm>>) dst(%arg10 : memref<32x128xf32, #tpu.memory_space<vmem>>)
        %add3A_93 = arith.constant 1 : i32
        %add3A_94 = arith.addi %mul3A_70, %add3A_93 : i32
        %dma_start3A_95 = arith.constant 0 : i32
        %dma_start3A_96 = tpu.memref_slice %arg8[%add3A_94, %dma_start3A_95] : memref<32x32xi32, #tpu.memory_space<vmem>> -> memref<1x32xi32, #tpu.memory_space<vmem>>
        %dma_start3A_97 = tpu.memref_squeeze %dma_start3A_96 : memref<1x32xi32, #tpu.memory_space<vmem>> -> memref<32xi32, #tpu.memory_space<vmem>>
        %dma_start3A_98 = arith.constant 0 : i32
        %dma_start3A_99 = arith.constant 0 : i32
        %dma_start3A_100 = tpu.memref_slice %arg15[%dma_start3A_98, %dma_start3A_99] : memref<5248x128xf32, #tpu.memory_space<vmem_shared>> -> memref<5248x128xf32, #tpu.memory_space<vmem_shared>>
        tpu.enqueue_indirect_dma source(%arg10 : memref<32x128xf32, #tpu.memory_space<vmem>>) target(%dma_start3A_100 : memref<5248x128xf32, #tpu.memory_space<vmem_shared>>) offsets(%dma_start3A_97 : memref<32xi32, #tpu.memory_space<vmem>>) semaphore(%arg14 : memref<!tpu.dma_semaphore, #tpu.memory_space<semaphore_mem>>) {add = true}
        %add3A_101 = arith.constant 0 : i32
        %add3A_102 = arith.addi %mul3A_70, %add3A_101 : i32
        %dma_wait3A_103 = arith.constant 0 : i32
        %dma_wait3A_104 = tpu.memref_slice %arg8[%add3A_102, %dma_wait3A_103] : memref<32x32xi32, #tpu.memory_space<vmem>> -> memref<1x32xi32, #tpu.memory_space<vmem>>
        %dma_wait3A_105 = tpu.memref_squeeze %dma_wait3A_104 : memref<1x32xi32, #tpu.memory_space<vmem>> -> memref<32xi32, #tpu.memory_space<vmem>>
        %dma_wait3A_106 = arith.constant 0 : i32
        %dma_wait3A_107 = arith.constant 0 : i32
        %dma_wait3A_108 = tpu.memref_slice %arg15[%dma_wait3A_106, %dma_wait3A_107] : memref<5248x128xf32, #tpu.memory_space<vmem_shared>> -> memref<5248x128xf32, #tpu.memory_space<vmem_shared>>
        tpu.wait_indirect_dma semaphore(%arg13 : memref<!tpu.dma_semaphore, #tpu.memory_space<semaphore_mem>>) src(%arg9 : memref<32x128xf32, #tpu.memory_space<vmem>>) dst(%dma_wait3A_108 : memref<5248x128xf32, #tpu.memory_space<vmem_shared>>)
        %sub3A_109 = arith.constant 1 : i32
        %sub3A_110 = arith.subi %select_n3A, %sub3A_109 : i32
        %lt3A_111 = arith.cmpi slt, %while3A_68, %sub3A_110 : i32
        %convert_element_type3A_112 = arith.extui %lt3A_111 : i1 to i32
        %cond3A_113 = arith.constant 0 : i32
        %cond3A_114 = arith.cmpi ne, %convert_element_type3A_112, %cond3A_113 : i32
        scf.if %cond3A_114 {
          %add3A_129 = arith.constant 2 : i32
          %add3A_130 = arith.addi %mul3A_70, %add3A_129 : i32
          %add3A_131 = arith.constant 0 : i32
          %add3A_132 = arith.addi %add3A_130, %add3A_131 : i32
          %dma_start3A_133 = arith.constant 0 : i32
          %dma_start3A_134 = tpu.memref_slice %arg7[%add3A_132, %dma_start3A_133] : memref<32x32xi32, #tpu.memory_space<vmem>> -> memref<1x32xi32, #tpu.memory_space<vmem>>
          %dma_start3A_135 = tpu.memref_squeeze %dma_start3A_134 : memref<1x32xi32, #tpu.memory_space<vmem>> -> memref<32xi32, #tpu.memory_space<vmem>>
          %dma_start3A_136 = arith.constant 0 : i32
          %dma_start3A_137 = arith.constant 0 : i32
          %dma_start3A_138 = tpu.memref_slice %arg2[%dma_start3A_136, %dma_start3A_137] : memref<40000x128xf32, #tpu.memory_space<hbm>> -> memref<40000x128xf32, #tpu.memory_space<hbm>>
          tpu.enqueue_indirect_dma source(%dma_start3A_138 : memref<40000x128xf32, #tpu.memory_space<hbm>>) target(%arg9 : memref<32x128xf32, #tpu.memory_space<vmem>>) offsets(%dma_start3A_135 : memref<32xi32, #tpu.memory_space<vmem>>) semaphore(%arg11 : memref<!tpu.dma_semaphore, #tpu.memory_space<semaphore_mem>>)
        } else {
        }
        %add3A_115 = arith.constant 1 : i32
        %add3A_116 = arith.addi %mul3A_70, %add3A_115 : i32
        %dma_wait3A_117 = arith.constant 0 : i32
        %dma_wait3A_118 = tpu.memref_slice %arg8[%add3A_116, %dma_wait3A_117] : memref<32x32xi32, #tpu.memory_space<vmem>> -> memref<1x32xi32, #tpu.memory_space<vmem>>
        %dma_wait3A_119 = tpu.memref_squeeze %dma_wait3A_118 : memref<1x32xi32, #tpu.memory_space<vmem>> -> memref<32xi32, #tpu.memory_space<vmem>>
        %dma_wait3A_120 = arith.constant 0 : i32
        %dma_wait3A_121 = arith.constant 0 : i32
        %dma_wait3A_122 = tpu.memref_slice %arg15[%dma_wait3A_120, %dma_wait3A_121] : memref<5248x128xf32, #tpu.memory_space<vmem_shared>> -> memref<5248x128xf32, #tpu.memory_space<vmem_shared>>
        tpu.wait_indirect_dma semaphore(%arg14 : memref<!tpu.dma_semaphore, #tpu.memory_space<semaphore_mem>>) src(%arg10 : memref<32x128xf32, #tpu.memory_space<vmem>>) dst(%dma_wait3A_122 : memref<5248x128xf32, #tpu.memory_space<vmem_shared>>)
        %sub3A_123 = arith.constant 1 : i32
        %sub3A_124 = arith.subi %select_n3A, %sub3A_123 : i32
        %lt3A_125 = arith.cmpi slt, %while3A_68, %sub3A_124 : i32
        %convert_element_type3A_126 = arith.extui %lt3A_125 : i1 to i32
        %cond3A_127 = arith.constant 0 : i32
        %cond3A_128 = arith.cmpi ne, %convert_element_type3A_126, %cond3A_127 : i32
        scf.if %cond3A_128 {
          %add3A_129 = arith.constant 2 : i32
          %add3A_130 = arith.addi %mul3A_70, %add3A_129 : i32
          %add3A_131 = arith.constant 1 : i32
          %add3A_132 = arith.addi %add3A_130, %add3A_131 : i32
          %dma_start3A_133 = arith.constant 0 : i32
          %dma_start3A_134 = tpu.memref_slice %arg7[%add3A_132, %dma_start3A_133] : memref<32x32xi32, #tpu.memory_space<vmem>> -> memref<1x32xi32, #tpu.memory_space<vmem>>
          %dma_start3A_135 = tpu.memref_squeeze %dma_start3A_134 : memref<1x32xi32, #tpu.memory_space<vmem>> -> memref<32xi32, #tpu.memory_space<vmem>>
          %dma_start3A_136 = arith.constant 0 : i32
          %dma_start3A_137 = arith.constant 0 : i32
          %dma_start3A_138 = tpu.memref_slice %arg2[%dma_start3A_136, %dma_start3A_137] : memref<40000x128xf32, #tpu.memory_space<hbm>> -> memref<40000x128xf32, #tpu.memory_space<hbm>>
          tpu.enqueue_indirect_dma source(%dma_start3A_138 : memref<40000x128xf32, #tpu.memory_space<hbm>>) target(%arg10 : memref<32x128xf32, #tpu.memory_space<vmem>>) offsets(%dma_start3A_135 : memref<32xi32, #tpu.memory_space<vmem>>) semaphore(%arg12 : memref<!tpu.dma_semaphore, #tpu.memory_space<semaphore_mem>>)
        } else {
        }
      }
    }
    %scan3A_15 = arith.constant 20 : i32
    %barrier3A_16 = arith.constant 0 : index
    tpu.barrier barrier_id(%barrier3A_16)
    "tpu.region"() ({
      %run_scoped3A = tpu.sem_alloc : memref<!tpu.dma_semaphore, #tpu.memory_space<semaphore_mem>>
      %dma_start3A = arith.constant 0 : i32
      %dma_start3A_17 = tpu.memref_slice %arg6[%arg0, %mul3A_0, %dma_start3A] : memref<2x5248x128xf32, #tpu.memory_space<hbm>> -> memref<1x328x128xf32, #tpu.memory_space<hbm>>
      %dma_start3A_18 = tpu.memref_squeeze %dma_start3A_17 : memref<1x328x128xf32, #tpu.memory_space<hbm>> -> memref<328x128xf32, #tpu.memory_space<hbm>>
      %dma_start3A_19 = arith.constant 0 : i32
      %dma_start3A_20 = tpu.memref_slice %arg15[%mul3A_0, %dma_start3A_19] : memref<5248x128xf32, #tpu.memory_space<vmem_shared>> -> memref<328x128xf32, #tpu.memory_space<vmem_shared>>
      tpu.enqueue_dma source(%dma_start3A_20 : memref<328x128xf32, #tpu.memory_space<vmem_shared>>) target(%dma_start3A_18 : memref<328x128xf32, #tpu.memory_space<hbm>>) target_semaphore(%run_scoped3A : memref<!tpu.dma_semaphore, #tpu.memory_space<semaphore_mem>>)
      %dma_wait3A = arith.constant 0 : i32
      %dma_wait3A_21 = tpu.memref_slice %arg6[%arg0, %mul3A_0, %dma_wait3A] : memref<2x5248x128xf32, #tpu.memory_space<hbm>> -> memref<1x328x128xf32, #tpu.memory_space<hbm>>
      %dma_wait3A_22 = tpu.memref_squeeze %dma_wait3A_21 : memref<1x328x128xf32, #tpu.memory_space<hbm>> -> memref<328x128xf32, #tpu.memory_space<hbm>>
      %dma_wait3A_23 = arith.constant 0 : i32
      %dma_wait3A_24 = tpu.memref_slice %arg15[%mul3A_0, %dma_wait3A_23] : memref<5248x128xf32, #tpu.memory_space<vmem_shared>> -> memref<328x128xf32, #tpu.memory_space<vmem_shared>>
      tpu.wait_dma2 semaphore(%run_scoped3A : memref<!tpu.dma_semaphore, #tpu.memory_space<semaphore_mem>>) src(%dma_wait3A_24 : memref<328x128xf32, #tpu.memory_space<vmem_shared>>) dst(%dma_wait3A_22 : memref<328x128xf32, #tpu.memory_space<hbm>>)
      tpu.yield
    }) : () -> ()
    return
  }
}

#map = affine_map<(d0, d1) -> (0, 0, 0)>
#map1 = affine_map<(d0, d1) -> (0)>
#map2 = affine_map<(d0, d1) -> (0, 0)>
module attributes {stable_mosaic.version = 14 : i64} {
  func.func @_sc_part(%arg0: i32, %arg1: i32, %arg2: memref<16x20x1024xi32, #tpu.memory_space<hbm>>, %arg3: memref<16x20x1024xi32, #tpu.memory_space<hbm>>, %arg4: memref<20480xi32, #tpu.memory_space<hbm>>, %arg5: memref<20480xi32, #tpu.memory_space<hbm>>, %arg6: memref<10240xf32, #tpu.memory_space<hbm>>, %arg7: memref<2x16x20480xi32, #tpu.memory_space<hbm>>, %arg8: memref<2x16x20480xi32, #tpu.memory_space<hbm>>, %arg9: memref<16x10240xf32, #tpu.memory_space<hbm>>, %arg10: memref<1024xi32, #tpu.memory_space<vmem>>, %arg11: memref<1024xi32, #tpu.memory_space<vmem>>, %arg12: memref<20480xi32, #tpu.memory_space<vmem>>, %arg13: memref<20480xi32, #tpu.memory_space<vmem>>, %arg14: memref<20480xi32, #tpu.memory_space<vmem>>, %arg15: memref<20480xi32, #tpu.memory_space<vmem>>, %arg16: memref<10240xf32, #tpu.memory_space<vmem>>) attributes {dimension_semantics = [#tpu.dimension_semantics<core_parallel>, #tpu.dimension_semantics<subcore_parallel>], iteration_bounds = array<i64: 1, 16>, scalar_prefetch = 0 : i64, scratch_operands = 7 : i64, tpu.core_type = #tpu.core_type<sc_vector_subcore>, window_params = [{transform_indices = #map}, {transform_indices = #map}, {transform_indices = #map1}, {transform_indices = #map1}, {transform_indices = #map1}, {transform_indices = #map}, {transform_indices = #map}, {transform_indices = #map2}]} {
    "tpu.region"() ({
      %run_scoped3A_11 = tpu.sem_alloc : memref<!tpu.dma_semaphore, #tpu.memory_space<semaphore_mem>>
      tpu.enqueue_dma source(%arg4 : memref<20480xi32, #tpu.memory_space<hbm>>) target(%arg12 : memref<20480xi32, #tpu.memory_space<vmem>>) target_semaphore(%run_scoped3A_11 : memref<!tpu.dma_semaphore, #tpu.memory_space<semaphore_mem>>)
      tpu.wait_dma2 semaphore(%run_scoped3A_11 : memref<!tpu.dma_semaphore, #tpu.memory_space<semaphore_mem>>) src(%arg4 : memref<20480xi32, #tpu.memory_space<hbm>>) dst(%arg12 : memref<20480xi32, #tpu.memory_space<vmem>>)
      tpu.yield
    }) : () -> ()
    "tpu.region"() ({
      %run_scoped3A_11 = tpu.sem_alloc : memref<!tpu.dma_semaphore, #tpu.memory_space<semaphore_mem>>
      tpu.enqueue_dma source(%arg4 : memref<20480xi32, #tpu.memory_space<hbm>>) target(%arg14 : memref<20480xi32, #tpu.memory_space<vmem>>) target_semaphore(%run_scoped3A_11 : memref<!tpu.dma_semaphore, #tpu.memory_space<semaphore_mem>>)
      tpu.wait_dma2 semaphore(%run_scoped3A_11 : memref<!tpu.dma_semaphore, #tpu.memory_space<semaphore_mem>>) src(%arg4 : memref<20480xi32, #tpu.memory_space<hbm>>) dst(%arg14 : memref<20480xi32, #tpu.memory_space<vmem>>)
      tpu.yield
    }) : () -> ()
    "tpu.region"() ({
      %run_scoped3A_11 = tpu.sem_alloc : memref<!tpu.dma_semaphore, #tpu.memory_space<semaphore_mem>>
      tpu.enqueue_dma source(%arg5 : memref<20480xi32, #tpu.memory_space<hbm>>) target(%arg13 : memref<20480xi32, #tpu.memory_space<vmem>>) target_semaphore(%run_scoped3A_11 : memref<!tpu.dma_semaphore, #tpu.memory_space<semaphore_mem>>)
      tpu.wait_dma2 semaphore(%run_scoped3A_11 : memref<!tpu.dma_semaphore, #tpu.memory_space<semaphore_mem>>) src(%arg5 : memref<20480xi32, #tpu.memory_space<hbm>>) dst(%arg13 : memref<20480xi32, #tpu.memory_space<vmem>>)
      tpu.yield
    }) : () -> ()
    "tpu.region"() ({
      %run_scoped3A_11 = tpu.sem_alloc : memref<!tpu.dma_semaphore, #tpu.memory_space<semaphore_mem>>
      tpu.enqueue_dma source(%arg5 : memref<20480xi32, #tpu.memory_space<hbm>>) target(%arg15 : memref<20480xi32, #tpu.memory_space<vmem>>) target_semaphore(%run_scoped3A_11 : memref<!tpu.dma_semaphore, #tpu.memory_space<semaphore_mem>>)
      tpu.wait_dma2 semaphore(%run_scoped3A_11 : memref<!tpu.dma_semaphore, #tpu.memory_space<semaphore_mem>>) src(%arg5 : memref<20480xi32, #tpu.memory_space<hbm>>) dst(%arg15 : memref<20480xi32, #tpu.memory_space<vmem>>)
      tpu.yield
    }) : () -> ()
    "tpu.region"() ({
      %run_scoped3A_11 = tpu.sem_alloc : memref<!tpu.dma_semaphore, #tpu.memory_space<semaphore_mem>>
      tpu.enqueue_dma source(%arg6 : memref<10240xf32, #tpu.memory_space<hbm>>) target(%arg16 : memref<10240xf32, #tpu.memory_space<vmem>>) target_semaphore(%run_scoped3A_11 : memref<!tpu.dma_semaphore, #tpu.memory_space<semaphore_mem>>)
      tpu.wait_dma2 semaphore(%run_scoped3A_11 : memref<!tpu.dma_semaphore, #tpu.memory_space<semaphore_mem>>) src(%arg6 : memref<10240xf32, #tpu.memory_space<hbm>>) dst(%arg16 : memref<10240xf32, #tpu.memory_space<vmem>>)
      tpu.yield
    }) : () -> ()
    %broadcast_in_dim3A = arith.constant 1.000000e+00 : f32
    %broadcast_in_dim3A_0 = vector.broadcast %broadcast_in_dim3A : f32 to vector<16xf32>
    %scan3A = arith.constant 0 : i32
    %scan3A_1 = arith.constant 0 : i32
    %scan3A_2 = arith.constant 0 : i32
    %scan3A_3 = arith.constant 20 : i32
    %scan3A_4 = arith.addi %scan3A_2, %scan3A_3 : i32
    %scan3A_5 = arith.constant 1 : i32
    %scan3A_6:2 = scf.for %scan3A_11 = %scan3A_2 to %scan3A_4 step %scan3A_5 iter_args(%scan3A_12 = %scan3A, %scan3A_13 = %scan3A_1) -> (i32, i32)  : i32 {
      "tpu.region"() ({
        %run_scoped3A_20 = tpu.sem_alloc : memref<!tpu.dma_semaphore, #tpu.memory_space<semaphore_mem>>
        %dma_start3A = arith.constant 0 : i32
        %dma_start3A_21 = tpu.memref_slice %arg2[%arg1, %scan3A_11, %dma_start3A] : memref<16x20x1024xi32, #tpu.memory_space<hbm>> -> memref<1x1x1024xi32, #tpu.memory_space<hbm>>
        %dma_start3A_22 = tpu.memref_squeeze %dma_start3A_21 : memref<1x1x1024xi32, #tpu.memory_space<hbm>> -> memref<1024xi32, #tpu.memory_space<hbm>>
        %dma_start3A_23 = arith.constant 0 : i32
        %dma_start3A_24 = tpu.memref_slice %arg2[%arg1, %scan3A_11, %dma_start3A_23] : memref<16x20x1024xi32, #tpu.memory_space<hbm>> -> memref<1x1x1024xi32, #tpu.memory_space<hbm>>
        %dma_start3A_25 = tpu.memref_squeeze %dma_start3A_24 : memref<1x1x1024xi32, #tpu.memory_space<hbm>> -> memref<1024xi32, #tpu.memory_space<hbm>>
        tpu.enqueue_dma source(%dma_start3A_25 : memref<1024xi32, #tpu.memory_space<hbm>>) target(%arg10 : memref<1024xi32, #tpu.memory_space<vmem>>) target_semaphore(%run_scoped3A_20 : memref<!tpu.dma_semaphore, #tpu.memory_space<semaphore_mem>>)
        %dma_wait3A = arith.constant 0 : i32
        %dma_wait3A_26 = tpu.memref_slice %arg2[%arg1, %scan3A_11, %dma_wait3A] : memref<16x20x1024xi32, #tpu.memory_space<hbm>> -> memref<1x1x1024xi32, #tpu.memory_space<hbm>>
        %dma_wait3A_27 = tpu.memref_squeeze %dma_wait3A_26 : memref<1x1x1024xi32, #tpu.memory_space<hbm>> -> memref<1024xi32, #tpu.memory_space<hbm>>
        %dma_wait3A_28 = arith.constant 0 : i32
        %dma_wait3A_29 = tpu.memref_slice %arg2[%arg1, %scan3A_11, %dma_wait3A_28] : memref<16x20x1024xi32, #tpu.memory_space<hbm>> -> memref<1x1x1024xi32, #tpu.memory_space<hbm>>
        %dma_wait3A_30 = tpu.memref_squeeze %dma_wait3A_29 : memref<1x1x1024xi32, #tpu.memory_space<hbm>> -> memref<1024xi32, #tpu.memory_space<hbm>>
        tpu.wait_dma2 semaphore(%run_scoped3A_20 : memref<!tpu.dma_semaphore, #tpu.memory_space<semaphore_mem>>) src(%dma_wait3A_30 : memref<1024xi32, #tpu.memory_space<hbm>>) dst(%arg10 : memref<1024xi32, #tpu.memory_space<vmem>>)
        tpu.yield
      }) : () -> ()
      "tpu.region"() ({
        %run_scoped3A_20 = tpu.sem_alloc : memref<!tpu.dma_semaphore, #tpu.memory_space<semaphore_mem>>
        %dma_start3A = arith.constant 0 : i32
        %dma_start3A_21 = tpu.memref_slice %arg3[%arg1, %scan3A_11, %dma_start3A] : memref<16x20x1024xi32, #tpu.memory_space<hbm>> -> memref<1x1x1024xi32, #tpu.memory_space<hbm>>
        %dma_start3A_22 = tpu.memref_squeeze %dma_start3A_21 : memref<1x1x1024xi32, #tpu.memory_space<hbm>> -> memref<1024xi32, #tpu.memory_space<hbm>>
        %dma_start3A_23 = arith.constant 0 : i32
        %dma_start3A_24 = tpu.memref_slice %arg3[%arg1, %scan3A_11, %dma_start3A_23] : memref<16x20x1024xi32, #tpu.memory_space<hbm>> -> memref<1x1x1024xi32, #tpu.memory_space<hbm>>
        %dma_start3A_25 = tpu.memref_squeeze %dma_start3A_24 : memref<1x1x1024xi32, #tpu.memory_space<hbm>> -> memref<1024xi32, #tpu.memory_space<hbm>>
        tpu.enqueue_dma source(%dma_start3A_25 : memref<1024xi32, #tpu.memory_space<hbm>>) target(%arg11 : memref<1024xi32, #tpu.memory_space<vmem>>) target_semaphore(%run_scoped3A_20 : memref<!tpu.dma_semaphore, #tpu.memory_space<semaphore_mem>>)
        %dma_wait3A = arith.constant 0 : i32
        %dma_wait3A_26 = tpu.memref_slice %arg3[%arg1, %scan3A_11, %dma_wait3A] : memref<16x20x1024xi32, #tpu.memory_space<hbm>> -> memref<1x1x1024xi32, #tpu.memory_space<hbm>>
        %dma_wait3A_27 = tpu.memref_squeeze %dma_wait3A_26 : memref<1x1x1024xi32, #tpu.memory_space<hbm>> -> memref<1024xi32, #tpu.memory_space<hbm>>
        %dma_wait3A_28 = arith.constant 0 : i32
        %dma_wait3A_29 = tpu.memref_slice %arg3[%arg1, %scan3A_11, %dma_wait3A_28] : memref<16x20x1024xi32, #tpu.memory_space<hbm>> -> memref<1x1x1024xi32, #tpu.memory_space<hbm>>
        %dma_wait3A_30 = tpu.memref_squeeze %dma_wait3A_29 : memref<1x1x1024xi32, #tpu.memory_space<hbm>> -> memref<1024xi32, #tpu.memory_space<hbm>>
        tpu.wait_dma2 semaphore(%run_scoped3A_20 : memref<!tpu.dma_semaphore, #tpu.memory_space<semaphore_mem>>) src(%dma_wait3A_30 : memref<1024xi32, #tpu.memory_space<hbm>>) dst(%arg11 : memref<1024xi32, #tpu.memory_space<vmem>>)
        tpu.yield
      }) : () -> ()
      %scan3A_14 = arith.constant 0 : i32
      %scan3A_15 = arith.constant 64 : i32
      %scan3A_16 = arith.addi %scan3A_14, %scan3A_15 : i32
      %scan3A_17 = arith.constant 1 : i32
      %scan3A_18:2 = scf.for %scan3A_20 = %scan3A_14 to %scan3A_16 step %scan3A_17 iter_args(%scan3A_21 = %scan3A_12, %scan3A_22 = %scan3A_13) -> (i32, i32)  : i32 {
        %mul3A = arith.constant 16 : i32
        %mul3A_23 = arith.muli %scan3A_20, %mul3A : i32
        %get3A = arith.index_cast %mul3A_23 : i32 to index
        %get3A_24 = tpu.vector_load %arg10[%get3A] {strides = array<i32>} : memref<1024xi32, #tpu.memory_space<vmem>>, vector<16xi32>,
        %mul3A_25 = arith.constant 16 : i32
        %mul3A_26 = arith.muli %scan3A_20, %mul3A_25 : i32
        %get3A_27 = arith.index_cast %mul3A_26 : i32 to index
        %get3A_28 = tpu.vector_load %arg11[%get3A_27] {strides = array<i32>} : memref<1024xi32, #tpu.memory_space<vmem>>, vector<16xi32>,
        %lt3A = arith.constant 5000 : i32
        %lt3A_29 = vector.broadcast %lt3A : i32 to vector<16xi32>
        %lt3A_30 = arith.cmpi slt, %get3A_28, %lt3A_29 : vector<16xi32>
        %ge3A = arith.constant 5000 : i32
        %ge3A_31 = vector.broadcast %ge3A : i32 to vector<16xi32>
        %ge3A_32 = arith.cmpi sge, %get3A_28, %ge3A_31 : vector<16xi32>
        %lt3A_33 = arith.constant 10000 : i32
        %lt3A_34 = vector.broadcast %lt3A_33 : i32 to vector<16xi32>
        %lt3A_35 = arith.cmpi slt, %get3A_28, %lt3A_34 : vector<16xi32>
        %and3A = arith.andi %ge3A_32, %lt3A_35 : vector<16xi1>
        %swap3A = arith.index_cast %scan3A_21 : i32 to index
        %swap3A_36 = tpu.vector_load %arg12[%swap3A] masked %lt3A_30 {strides = array<i32>} : memref<20480xi32, #tpu.memory_space<vmem>>, vector<16xi32>, vector<16xi1>
        tpu.vector_store %arg12[%swap3A], %get3A_24 masked %lt3A_30 {strides = array<i32>} : memref<20480xi32, #tpu.memory_space<vmem>>, vector<16xi32>, vector<16xi1>
        %swap3A_37 = arith.index_cast %scan3A_21 : i32 to index
        %swap3A_38 = tpu.vector_load %arg13[%swap3A_37] masked %lt3A_30 {strides = array<i32>} : memref<20480xi32, #tpu.memory_space<vmem>>, vector<16xi32>, vector<16xi1>
        tpu.vector_store %arg13[%swap3A_37], %get3A_28 masked %lt3A_30 {strides = array<i32>} : memref<20480xi32, #tpu.memory_space<vmem>>, vector<16xi32>, vector<16xi1>
        %swap3A_39 = arith.index_cast %scan3A_22 : i32 to index
        %swap3A_40 = tpu.vector_load %arg14[%swap3A_39] masked %and3A {strides = array<i32>} : memref<20480xi32, #tpu.memory_space<vmem>>, vector<16xi32>, vector<16xi1>
        tpu.vector_store %arg14[%swap3A_39], %get3A_24 masked %and3A {strides = array<i32>} : memref<20480xi32, #tpu.memory_space<vmem>>, vector<16xi32>, vector<16xi1>
        %sub3A = arith.constant 5000 : i32
        %sub3A_41 = vector.broadcast %sub3A : i32 to vector<16xi32>
        %sub3A_42 = arith.subi %get3A_28, %sub3A_41 : vector<16xi32>
        %swap3A_43 = arith.index_cast %scan3A_22 : i32 to index
        %swap3A_44 = tpu.vector_load %arg15[%swap3A_43] masked %and3A {strides = array<i32>} : memref<20480xi32, #tpu.memory_space<vmem>>, vector<16xi32>, vector<16xi1>
        tpu.vector_store %arg15[%swap3A_43], %sub3A_42 masked %and3A {strides = array<i32>} : memref<20480xi32, #tpu.memory_space<vmem>>, vector<16xi32>, vector<16xi1>
        tpu.vector_store_idx %arg16[%get3A_28], %broadcast_in_dim3A_0 {add = true} : memref<10240xf32, #tpu.memory_space<vmem>>[vector<16xi32>], vector<16xf32>,
        %convert_element_type3A = arith.extui %lt3A_30 : vector<16xi1> to vector<16xi32>
        %reduce_sum3A = arith.constant true
        %reduce_sum3A_45 = vector.broadcast %reduce_sum3A : i1 to vector<16xi1>
        %reduce_sum3A_46 = tpu.scan <sum>, %convert_element_type3A masked %reduce_sum3A_45 : vector<16xi32>, vector<16xi1> -> vector<16xi32>
        %reduce_sum3A_47 = vector.extract %reduce_sum3A_46[15] : i32 from vector<16xi32>
        %add3A = arith.addi %scan3A_21, %reduce_sum3A_47 : i32
        %convert_element_type3A_48 = arith.extui %and3A : vector<16xi1> to vector<16xi32>
        %reduce_sum3A_49 = arith.constant true
        %reduce_sum3A_50 = vector.broadcast %reduce_sum3A_49 : i1 to vector<16xi1>
        %reduce_sum3A_51 = tpu.scan <sum>, %convert_element_type3A_48 masked %reduce_sum3A_50 : vector<16xi32>, vector<16xi1> -> vector<16xi32>
        %reduce_sum3A_52 = vector.extract %reduce_sum3A_51[15] : i32 from vector<16xi32>
        %add3A_53 = arith.addi %scan3A_22, %reduce_sum3A_52 : i32
        scf.yield %add3A, %add3A_53 : i32, i32
      }
      %scan3A_19 = arith.constant 64 : i32
      scf.yield %scan3A_18#0, %scan3A_18#1 : i32, i32
    }
    %scan3A_7 = arith.constant 20 : i32
    %run_scoped3A = arith.constant 0 : i32
    "tpu.region"() ({
      %run_scoped3A_11 = tpu.sem_alloc : memref<!tpu.dma_semaphore, #tpu.memory_space<semaphore_mem>>
      %dma_start3A = arith.constant 0 : i32
      %dma_start3A_12 = tpu.memref_slice %arg7[%run_scoped3A, %arg1, %dma_start3A] : memref<2x16x20480xi32, #tpu.memory_space<hbm>> -> memref<1x1x20480xi32, #tpu.memory_space<hbm>>
      %dma_start3A_13 = tpu.memref_squeeze %dma_start3A_12 : memref<1x1x20480xi32, #tpu.memory_space<hbm>> -> memref<20480xi32, #tpu.memory_space<hbm>>
      %dma_start3A_14 = arith.constant 0 : i32
      %dma_start3A_15 = tpu.memref_slice %arg7[%run_scoped3A, %arg1, %dma_start3A_14] : memref<2x16x20480xi32, #tpu.memory_space<hbm>> -> memref<1x1x20480xi32, #tpu.memory_space<hbm>>
      %dma_start3A_16 = tpu.memref_squeeze %dma_start3A_15 : memref<1x1x20480xi32, #tpu.memory_space<hbm>> -> memref<20480xi32, #tpu.memory_space<hbm>>
      tpu.enqueue_dma source(%arg12 : memref<20480xi32, #tpu.memory_space<vmem>>) target(%dma_start3A_16 : memref<20480xi32, #tpu.memory_space<hbm>>) target_semaphore(%run_scoped3A_11 : memref<!tpu.dma_semaphore, #tpu.memory_space<semaphore_mem>>)
      %dma_wait3A = arith.constant 0 : i32
      %dma_wait3A_17 = tpu.memref_slice %arg7[%run_scoped3A, %arg1, %dma_wait3A] : memref<2x16x20480xi32, #tpu.memory_space<hbm>> -> memref<1x1x20480xi32, #tpu.memory_space<hbm>>
      %dma_wait3A_18 = tpu.memref_squeeze %dma_wait3A_17 : memref<1x1x20480xi32, #tpu.memory_space<hbm>> -> memref<20480xi32, #tpu.memory_space<hbm>>
      %dma_wait3A_19 = arith.constant 0 : i32
      %dma_wait3A_20 = tpu.memref_slice %arg7[%run_scoped3A, %arg1, %dma_wait3A_19] : memref<2x16x20480xi32, #tpu.memory_space<hbm>> -> memref<1x1x20480xi32, #tpu.memory_space<hbm>>
      %dma_wait3A_21 = tpu.memref_squeeze %dma_wait3A_20 : memref<1x1x20480xi32, #tpu.memory_space<hbm>> -> memref<20480xi32, #tpu.memory_space<hbm>>
      tpu.wait_dma2 semaphore(%run_scoped3A_11 : memref<!tpu.dma_semaphore, #tpu.memory_space<semaphore_mem>>) src(%arg12 : memref<20480xi32, #tpu.memory_space<vmem>>) dst(%dma_wait3A_21 : memref<20480xi32, #tpu.memory_space<hbm>>)
      tpu.yield
    }) : () -> ()
    %run_scoped3A_8 = arith.constant 0 : i32
    "tpu.region"() ({
      %run_scoped3A_11 = tpu.sem_alloc : memref<!tpu.dma_semaphore, #tpu.memory_space<semaphore_mem>>
      %dma_start3A = arith.constant 0 : i32
      %dma_start3A_12 = tpu.memref_slice %arg8[%run_scoped3A_8, %arg1, %dma_start3A] : memref<2x16x20480xi32, #tpu.memory_space<hbm>> -> memref<1x1x20480xi32, #tpu.memory_space<hbm>>
      %dma_start3A_13 = tpu.memref_squeeze %dma_start3A_12 : memref<1x1x20480xi32, #tpu.memory_space<hbm>> -> memref<20480xi32, #tpu.memory_space<hbm>>
      %dma_start3A_14 = arith.constant 0 : i32
      %dma_start3A_15 = tpu.memref_slice %arg8[%run_scoped3A_8, %arg1, %dma_start3A_14] : memref<2x16x20480xi32, #tpu.memory_space<hbm>> -> memref<1x1x20480xi32, #tpu.memory_space<hbm>>
      %dma_start3A_16 = tpu.memref_squeeze %dma_start3A_15 : memref<1x1x20480xi32, #tpu.memory_space<hbm>> -> memref<20480xi32, #tpu.memory_space<hbm>>
      tpu.enqueue_dma source(%arg13 : memref<20480xi32, #tpu.memory_space<vmem>>) target(%dma_start3A_16 : memref<20480xi32, #tpu.memory_space<hbm>>) target_semaphore(%run_scoped3A_11 : memref<!tpu.dma_semaphore, #tpu.memory_space<semaphore_mem>>)
      %dma_wait3A = arith.constant 0 : i32
      %dma_wait3A_17 = tpu.memref_slice %arg8[%run_scoped3A_8, %arg1, %dma_wait3A] : memref<2x16x20480xi32, #tpu.memory_space<hbm>> -> memref<1x1x20480xi32, #tpu.memory_space<hbm>>
      %dma_wait3A_18 = tpu.memref_squeeze %dma_wait3A_17 : memref<1x1x20480xi32, #tpu.memory_space<hbm>> -> memref<20480xi32, #tpu.memory_space<hbm>>
      %dma_wait3A_19 = arith.constant 0 : i32
      %dma_wait3A_20 = tpu.memref_slice %arg8[%run_scoped3A_8, %arg1, %dma_wait3A_19] : memref<2x16x20480xi32, #tpu.memory_space<hbm>> -> memref<1x1x20480xi32, #tpu.memory_space<hbm>>
      %dma_wait3A_21 = tpu.memref_squeeze %dma_wait3A_20 : memref<1x1x20480xi32, #tpu.memory_space<hbm>> -> memref<20480xi32, #tpu.memory_space<hbm>>
      tpu.wait_dma2 semaphore(%run_scoped3A_11 : memref<!tpu.dma_semaphore, #tpu.memory_space<semaphore_mem>>) src(%arg13 : memref<20480xi32, #tpu.memory_space<vmem>>) dst(%dma_wait3A_21 : memref<20480xi32, #tpu.memory_space<hbm>>)
      tpu.yield
    }) : () -> ()
    %run_scoped3A_9 = arith.constant 1 : i32
    "tpu.region"() ({
      %run_scoped3A_11 = tpu.sem_alloc : memref<!tpu.dma_semaphore, #tpu.memory_space<semaphore_mem>>
      %dma_start3A = arith.constant 0 : i32
      %dma_start3A_12 = tpu.memref_slice %arg7[%run_scoped3A_9, %arg1, %dma_start3A] : memref<2x16x20480xi32, #tpu.memory_space<hbm>> -> memref<1x1x20480xi32, #tpu.memory_space<hbm>>
      %dma_start3A_13 = tpu.memref_squeeze %dma_start3A_12 : memref<1x1x20480xi32, #tpu.memory_space<hbm>> -> memref<20480xi32, #tpu.memory_space<hbm>>
      %dma_start3A_14 = arith.constant 0 : i32
      %dma_start3A_15 = tpu.memref_slice %arg7[%run_scoped3A_9, %arg1, %dma_start3A_14] : memref<2x16x20480xi32, #tpu.memory_space<hbm>> -> memref<1x1x20480xi32, #tpu.memory_space<hbm>>
      %dma_start3A_16 = tpu.memref_squeeze %dma_start3A_15 : memref<1x1x20480xi32, #tpu.memory_space<hbm>> -> memref<20480xi32, #tpu.memory_space<hbm>>
      tpu.enqueue_dma source(%arg14 : memref<20480xi32, #tpu.memory_space<vmem>>) target(%dma_start3A_16 : memref<20480xi32, #tpu.memory_space<hbm>>) target_semaphore(%run_scoped3A_11 : memref<!tpu.dma_semaphore, #tpu.memory_space<semaphore_mem>>)
      %dma_wait3A = arith.constant 0 : i32
      %dma_wait3A_17 = tpu.memref_slice %arg7[%run_scoped3A_9, %arg1, %dma_wait3A] : memref<2x16x20480xi32, #tpu.memory_space<hbm>> -> memref<1x1x20480xi32, #tpu.memory_space<hbm>>
      %dma_wait3A_18 = tpu.memref_squeeze %dma_wait3A_17 : memref<1x1x20480xi32, #tpu.memory_space<hbm>> -> memref<20480xi32, #tpu.memory_space<hbm>>
      %dma_wait3A_19 = arith.constant 0 : i32
      %dma_wait3A_20 = tpu.memref_slice %arg7[%run_scoped3A_9, %arg1, %dma_wait3A_19] : memref<2x16x20480xi32, #tpu.memory_space<hbm>> -> memref<1x1x20480xi32, #tpu.memory_space<hbm>>
      %dma_wait3A_21 = tpu.memref_squeeze %dma_wait3A_20 : memref<1x1x20480xi32, #tpu.memory_space<hbm>> -> memref<20480xi32, #tpu.memory_space<hbm>>
      tpu.wait_dma2 semaphore(%run_scoped3A_11 : memref<!tpu.dma_semaphore, #tpu.memory_space<semaphore_mem>>) src(%arg14 : memref<20480xi32, #tpu.memory_space<vmem>>) dst(%dma_wait3A_21 : memref<20480xi32, #tpu.memory_space<hbm>>)
      tpu.yield
    }) : () -> ()
    %run_scoped3A_10 = arith.constant 1 : i32
    "tpu.region"() ({
      %run_scoped3A_11 = tpu.sem_alloc : memref<!tpu.dma_semaphore, #tpu.memory_space<semaphore_mem>>
      %dma_start3A = arith.constant 0 : i32
      %dma_start3A_12 = tpu.memref_slice %arg8[%run_scoped3A_10, %arg1, %dma_start3A] : memref<2x16x20480xi32, #tpu.memory_space<hbm>> -> memref<1x1x20480xi32, #tpu.memory_space<hbm>>
      %dma_start3A_13 = tpu.memref_squeeze %dma_start3A_12 : memref<1x1x20480xi32, #tpu.memory_space<hbm>> -> memref<20480xi32, #tpu.memory_space<hbm>>
      %dma_start3A_14 = arith.constant 0 : i32
      %dma_start3A_15 = tpu.memref_slice %arg8[%run_scoped3A_10, %arg1, %dma_start3A_14] : memref<2x16x20480xi32, #tpu.memory_space<hbm>> -> memref<1x1x20480xi32, #tpu.memory_space<hbm>>
      %dma_start3A_16 = tpu.memref_squeeze %dma_start3A_15 : memref<1x1x20480xi32, #tpu.memory_space<hbm>> -> memref<20480xi32, #tpu.memory_space<hbm>>
      tpu.enqueue_dma source(%arg15 : memref<20480xi32, #tpu.memory_space<vmem>>) target(%dma_start3A_16 : memref<20480xi32, #tpu.memory_space<hbm>>) target_semaphore(%run_scoped3A_11 : memref<!tpu.dma_semaphore, #tpu.memory_space<semaphore_mem>>)
      %dma_wait3A = arith.constant 0 : i32
      %dma_wait3A_17 = tpu.memref_slice %arg8[%run_scoped3A_10, %arg1, %dma_wait3A] : memref<2x16x20480xi32, #tpu.memory_space<hbm>> -> memref<1x1x20480xi32, #tpu.memory_space<hbm>>
      %dma_wait3A_18 = tpu.memref_squeeze %dma_wait3A_17 : memref<1x1x20480xi32, #tpu.memory_space<hbm>> -> memref<20480xi32, #tpu.memory_space<hbm>>
      %dma_wait3A_19 = arith.constant 0 : i32
      %dma_wait3A_20 = tpu.memref_slice %arg8[%run_scoped3A_10, %arg1, %dma_wait3A_19] : memref<2x16x20480xi32, #tpu.memory_space<hbm>> -> memref<1x1x20480xi32, #tpu.memory_space<hbm>>
      %dma_wait3A_21 = tpu.memref_squeeze %dma_wait3A_20 : memref<1x1x20480xi32, #tpu.memory_space<hbm>> -> memref<20480xi32, #tpu.memory_space<hbm>>
      tpu.wait_dma2 semaphore(%run_scoped3A_11 : memref<!tpu.dma_semaphore, #tpu.memory_space<semaphore_mem>>) src(%arg15 : memref<20480xi32, #tpu.memory_space<vmem>>) dst(%dma_wait3A_21 : memref<20480xi32, #tpu.memory_space<hbm>>)
      tpu.yield
    }) : () -> ()
    "tpu.region"() ({
      %run_scoped3A_11 = tpu.sem_alloc : memref<!tpu.dma_semaphore, #tpu.memory_space<semaphore_mem>>
      %dma_start3A = arith.constant 0 : i32
      %dma_start3A_12 = tpu.memref_slice %arg9[%arg1, %dma_start3A] : memref<16x10240xf32, #tpu.memory_space<hbm>> -> memref<1x10240xf32, #tpu.memory_space<hbm>>
      %dma_start3A_13 = tpu.memref_squeeze %dma_start3A_12 : memref<1x10240xf32, #tpu.memory_space<hbm>> -> memref<10240xf32, #tpu.memory_space<hbm>>
      %dma_start3A_14 = arith.constant 0 : i32
      %dma_start3A_15 = tpu.memref_slice %arg9[%arg1, %dma_start3A_14] : memref<16x10240xf32, #tpu.memory_space<hbm>> -> memref<1x10240xf32, #tpu.memory_space<hbm>>
      %dma_start3A_16 = tpu.memref_squeeze %dma_start3A_15 : memref<1x10240xf32, #tpu.memory_space<hbm>> -> memref<10240xf32, #tpu.memory_space<hbm>>
      tpu.enqueue_dma source(%arg16 : memref<10240xf32, #tpu.memory_space<vmem>>) target(%dma_start3A_16 : memref<10240xf32, #tpu.memory_space<hbm>>) target_semaphore(%run_scoped3A_11 : memref<!tpu.dma_semaphore, #tpu.memory_space<semaphore_mem>>)
      %dma_wait3A = arith.constant 0 : i32
      %dma_wait3A_17 = tpu.memref_slice %arg9[%arg1, %dma_wait3A] : memref<16x10240xf32, #tpu.memory_space<hbm>> -> memref<1x10240xf32, #tpu.memory_space<hbm>>
      %dma_wait3A_18 = tpu.memref_squeeze %dma_wait3A_17 : memref<1x10240xf32, #tpu.memory_space<hbm>> -> memref<10240xf32, #tpu.memory_space<hbm>>
      %dma_wait3A_19 = arith.constant 0 : i32
      %dma_wait3A_20 = tpu.memref_slice %arg9[%arg1, %dma_wait3A_19] : memref<16x10240xf32, #tpu.memory_space<hbm>> -> memref<1x10240xf32, #tpu.memory_space<hbm>>
      %dma_wait3A_21 = tpu.memref_squeeze %dma_wait3A_20 : memref<1x10240xf32, #tpu.memory_space<hbm>> -> memref<10240xf32, #tpu.memory_space<hbm>>
      tpu.wait_dma2 semaphore(%run_scoped3A_11 : memref<!tpu.dma_semaphore, #tpu.memory_space<semaphore_mem>>) src(%arg16 : memref<10240xf32, #tpu.memory_space<vmem>>) dst(%dma_wait3A_21 : memref<10240xf32, #tpu.memory_space<hbm>>)
      tpu.yield
    }) : () -> ()
    return
  }
}

#map = affine_map<(d0, d1) -> (0, 0)>
#map1 = affine_map<(d0, d1) -> (0, 0, 0, 0, 0)>
#map2 = affine_map<(d0, d1) -> (0, 0, 0)>
module attributes {stable_mosaic.version = 14 : i64} {
  func.func @_sc_agg2(%arg0: i32, %arg1: i32, %arg2: memref<40000x128xf32, #tpu.memory_space<hbm>>, %arg3: memref<2x16x20x32x32xi32, #tpu.memory_space<hbm>>, %arg4: memref<2x16x20x32x32xi32, #tpu.memory_space<hbm>>, %arg5: memref<32x128xf32, #tpu.memory_space<hbm>>, %arg6: memref<2x5248x128xf32, #tpu.memory_space<hbm>>, %arg7: memref<32x32xi32, #tpu.memory_space<vmem>>, %arg8: memref<32x32xi32, #tpu.memory_space<vmem>>, %arg9: memref<32x128xf32, #tpu.memory_space<vmem>>, %arg10: memref<32x128xf32, #tpu.memory_space<vmem>>, %arg11: memref<!tpu.dma_semaphore, #tpu.memory_space<semaphore_mem>>, %arg12: memref<!tpu.dma_semaphore, #tpu.memory_space<semaphore_mem>>, %arg13: memref<!tpu.dma_semaphore, #tpu.memory_space<semaphore_mem>>, %arg14: memref<!tpu.dma_semaphore, #tpu.memory_space<semaphore_mem>>, %arg15: memref<5248x128xf32, #tpu.memory_space<vmem_shared>>) attributes {dimension_semantics = [#tpu.dimension_semantics<core_parallel>, #tpu.dimension_semantics<subcore_parallel>], iteration_bounds = array<i64: 2, 16>, scalar_prefetch = 0 : i64, scratch_operands = 9 : i64, tpu.core_type = #tpu.core_type<sc_vector_subcore>, window_params = [{transform_indices = #map}, {transform_indices = #map1}, {transform_indices = #map1}, {transform_indices = #map}, {transform_indices = #map2}]} {
    "tpu.region"() ({
      %run_scoped3A = tpu.sem_alloc : memref<!tpu.dma_semaphore, #tpu.memory_space<semaphore_mem>>
      tpu.enqueue_dma source(%arg5 : memref<32x128xf32, #tpu.memory_space<hbm>>) target(%arg9 : memref<32x128xf32, #tpu.memory_space<vmem>>) target_semaphore(%run_scoped3A : memref<!tpu.dma_semaphore, #tpu.memory_space<semaphore_mem>>)
      tpu.wait_dma2 semaphore(%run_scoped3A : memref<!tpu.dma_semaphore, #tpu.memory_space<semaphore_mem>>) src(%arg5 : memref<32x128xf32, #tpu.memory_space<hbm>>) dst(%arg9 : memref<32x128xf32, #tpu.memory_space<vmem>>)
      tpu.yield
    }) : () -> ()
    %mul3A = arith.constant 328 : i32
    %mul3A_0 = arith.muli %arg1, %mul3A : i32
    %scan3A = arith.constant 0 : i32
    %scan3A_1 = arith.constant 0 : i32
    %scan3A_2 = arith.constant 10 : i32
    %scan3A_3 = arith.addi %scan3A_1, %scan3A_2 : i32
    %scan3A_4 = arith.constant 1 : i32
    scf.for %scan3A_17 = %scan3A_1 to %scan3A_3 step %scan3A_4  : i32 {
      %mul3A_18 = arith.constant 32 : i32
      %mul3A_19 = arith.muli %scan3A_17, %mul3A_18 : i32
      %add3A_20 = arith.addi %mul3A_0, %mul3A_19 : i32
      "tpu.region"() ({
        %run_scoped3A = tpu.sem_alloc : memref<!tpu.dma_semaphore, #tpu.memory_space<semaphore_mem>>
        %dma_start3A = arith.constant 0 : i32
        %dma_start3A_21 = tpu.memref_slice %arg15[%add3A_20, %dma_start3A] : memref<5248x128xf32, #tpu.memory_space<vmem_shared>> -> memref<32x128xf32, #tpu.memory_space<vmem_shared>>
        %dma_start3A_22 = arith.constant 0 : i32
        %dma_start3A_23 = tpu.memref_slice %arg15[%add3A_20, %dma_start3A_22] : memref<5248x128xf32, #tpu.memory_space<vmem_shared>> -> memref<32x128xf32, #tpu.memory_space<vmem_shared>>
        tpu.enqueue_dma source(%arg9 : memref<32x128xf32, #tpu.memory_space<vmem>>) target(%dma_start3A_23 : memref<32x128xf32, #tpu.memory_space<vmem_shared>>) target_semaphore(%run_scoped3A : memref<!tpu.dma_semaphore, #tpu.memory_space<semaphore_mem>>)
        %dma_wait3A = arith.constant 0 : i32
        %dma_wait3A_24 = tpu.memref_slice %arg15[%add3A_20, %dma_wait3A] : memref<5248x128xf32, #tpu.memory_space<vmem_shared>> -> memref<32x128xf32, #tpu.memory_space<vmem_shared>>
        %dma_wait3A_25 = arith.constant 0 : i32
        %dma_wait3A_26 = tpu.memref_slice %arg15[%add3A_20, %dma_wait3A_25] : memref<5248x128xf32, #tpu.memory_space<vmem_shared>> -> memref<32x128xf32, #tpu.memory_space<vmem_shared>>
        tpu.wait_dma2 semaphore(%run_scoped3A : memref<!tpu.dma_semaphore, #tpu.memory_space<semaphore_mem>>) src(%arg9 : memref<32x128xf32, #tpu.memory_space<vmem>>) dst(%dma_wait3A_26 : memref<32x128xf32, #tpu.memory_space<vmem_shared>>)
        tpu.yield
      }) : () -> ()
    }
    %scan3A_5 = arith.constant 10 : i32
    %add3A = arith.constant 320 : i32
    %add3A_6 = arith.addi %mul3A_0, %add3A : i32
    "tpu.region"() ({
      %run_scoped3A = tpu.sem_alloc : memref<!tpu.dma_semaphore, #tpu.memory_space<semaphore_mem>>
      %dma_start3A = arith.constant 0 : i32
      %dma_start3A_17 = arith.constant 0 : i32
      %dma_start3A_18 = tpu.memref_slice %arg9[%dma_start3A, %dma_start3A_17] : memref<32x128xf32, #tpu.memory_space<vmem>> -> memref<8x128xf32, #tpu.memory_space<vmem>>
      %dma_start3A_19 = arith.constant 0 : i32
      %dma_start3A_20 = tpu.memref_slice %arg15[%add3A_6, %dma_start3A_19] : memref<5248x128xf32, #tpu.memory_space<vmem_shared>> -> memref<8x128xf32, #tpu.memory_space<vmem_shared>>
      %dma_start3A_21 = arith.constant 0 : i32
      %dma_start3A_22 = tpu.memref_slice %arg15[%add3A_6, %dma_start3A_21] : memref<5248x128xf32, #tpu.memory_space<vmem_shared>> -> memref<8x128xf32, #tpu.memory_space<vmem_shared>>
      %dma_start3A_23 = arith.constant 0 : i32
      %dma_start3A_24 = arith.constant 0 : i32
      %dma_start3A_25 = tpu.memref_slice %arg9[%dma_start3A_23, %dma_start3A_24] : memref<32x128xf32, #tpu.memory_space<vmem>> -> memref<8x128xf32, #tpu.memory_space<vmem>>
      tpu.enqueue_dma source(%dma_start3A_25 : memref<8x128xf32, #tpu.memory_space<vmem>>) target(%dma_start3A_22 : memref<8x128xf32, #tpu.memory_space<vmem_shared>>) target_semaphore(%run_scoped3A : memref<!tpu.dma_semaphore, #tpu.memory_space<semaphore_mem>>)
      %dma_wait3A = arith.constant 0 : i32
      %dma_wait3A_26 = arith.constant 0 : i32
      %dma_wait3A_27 = tpu.memref_slice %arg9[%dma_wait3A, %dma_wait3A_26] : memref<32x128xf32, #tpu.memory_space<vmem>> -> memref<8x128xf32, #tpu.memory_space<vmem>>
      %dma_wait3A_28 = arith.constant 0 : i32
      %dma_wait3A_29 = tpu.memref_slice %arg15[%add3A_6, %dma_wait3A_28] : memref<5248x128xf32, #tpu.memory_space<vmem_shared>> -> memref<8x128xf32, #tpu.memory_space<vmem_shared>>
      %dma_wait3A_30 = arith.constant 0 : i32
      %dma_wait3A_31 = tpu.memref_slice %arg15[%add3A_6, %dma_wait3A_30] : memref<5248x128xf32, #tpu.memory_space<vmem_shared>> -> memref<8x128xf32, #tpu.memory_space<vmem_shared>>
      %dma_wait3A_32 = arith.constant 0 : i32
      %dma_wait3A_33 = arith.constant 0 : i32
      %dma_wait3A_34 = tpu.memref_slice %arg9[%dma_wait3A_32, %dma_wait3A_33] : memref<32x128xf32, #tpu.memory_space<vmem>> -> memref<8x128xf32, #tpu.memory_space<vmem>>
      tpu.wait_dma2 semaphore(%run_scoped3A : memref<!tpu.dma_semaphore, #tpu.memory_space<semaphore_mem>>) src(%dma_wait3A_34 : memref<8x128xf32, #tpu.memory_space<vmem>>) dst(%dma_wait3A_31 : memref<8x128xf32, #tpu.memory_space<vmem_shared>>)
      tpu.yield
    }) : () -> ()
    %barrier3A = arith.constant 0 : index
    tpu.barrier barrier_id(%barrier3A)
    %iota3A = tpu.iota {dimensions = array<i32: 0>} : vector<16xi32>
    %mul3A_7 = arith.constant 0 : i32
    %mul3A_8 = vector.broadcast %mul3A_7 : i32 to vector<16xi32>
    %mul3A_9 = arith.muli %iota3A, %mul3A_8 : vector<16xi32>
    %scan3A_10 = arith.constant 0 : i32
    %scan3A_11 = arith.constant 0 : i32
    %scan3A_12 = arith.constant 20 : i32
    %scan3A_13 = arith.addi %scan3A_11, %scan3A_12 : i32
    %scan3A_14 = arith.constant 1 : i32
    scf.for %scan3A_17 = %scan3A_11 to %scan3A_13 step %scan3A_14  : i32 {
      "tpu.region"() ({
        %run_scoped3A = tpu.sem_alloc : memref<!tpu.dma_semaphore, #tpu.memory_space<semaphore_mem>>
        %dma_start3A = arith.constant 0 : i32
        %dma_start3A_68 = arith.constant 0 : i32
        %dma_start3A_69 = tpu.memref_slice %arg3[%arg0, %arg1, %scan3A_17, %dma_start3A, %dma_start3A_68] : memref<2x16x20x32x32xi32, #tpu.memory_space<hbm>> -> memref<1x1x1x32x32xi32, #tpu.memory_space<hbm>>
        %dma_start3A_70 = tpu.memref_squeeze %dma_start3A_69 : memref<1x1x1x32x32xi32, #tpu.memory_space<hbm>> -> memref<32x32xi32, #tpu.memory_space<hbm>>
        %dma_start3A_71 = arith.constant 0 : i32
        %dma_start3A_72 = arith.constant 0 : i32
        %dma_start3A_73 = tpu.memref_slice %arg3[%arg0, %arg1, %scan3A_17, %dma_start3A_71, %dma_start3A_72] : memref<2x16x20x32x32xi32, #tpu.memory_space<hbm>> -> memref<1x1x1x32x32xi32, #tpu.memory_space<hbm>>
        %dma_start3A_74 = tpu.memref_squeeze %dma_start3A_73 : memref<1x1x1x32x32xi32, #tpu.memory_space<hbm>> -> memref<32x32xi32, #tpu.memory_space<hbm>>
        tpu.enqueue_dma source(%dma_start3A_74 : memref<32x32xi32, #tpu.memory_space<hbm>>) target(%arg7 : memref<32x32xi32, #tpu.memory_space<vmem>>) target_semaphore(%run_scoped3A : memref<!tpu.dma_semaphore, #tpu.memory_space<semaphore_mem>>)
        %dma_wait3A = arith.constant 0 : i32
        %dma_wait3A_75 = arith.constant 0 : i32
        %dma_wait3A_76 = tpu.memref_slice %arg3[%arg0, %arg1, %scan3A_17, %dma_wait3A, %dma_wait3A_75] : memref<2x16x20x32x32xi32, #tpu.memory_space<hbm>> -> memref<1x1x1x32x32xi32, #tpu.memory_space<hbm>>
        %dma_wait3A_77 = tpu.memref_squeeze %dma_wait3A_76 : memref<1x1x1x32x32xi32, #tpu.memory_space<hbm>> -> memref<32x32xi32, #tpu.memory_space<hbm>>
        %dma_wait3A_78 = arith.constant 0 : i32
        %dma_wait3A_79 = arith.constant 0 : i32
        %dma_wait3A_80 = tpu.memref_slice %arg3[%arg0, %arg1, %scan3A_17, %dma_wait3A_78, %dma_wait3A_79] : memref<2x16x20x32x32xi32, #tpu.memory_space<hbm>> -> memref<1x1x1x32x32xi32, #tpu.memory_space<hbm>>
        %dma_wait3A_81 = tpu.memref_squeeze %dma_wait3A_80 : memref<1x1x1x32x32xi32, #tpu.memory_space<hbm>> -> memref<32x32xi32, #tpu.memory_space<hbm>>
        tpu.wait_dma2 semaphore(%run_scoped3A : memref<!tpu.dma_semaphore, #tpu.memory_space<semaphore_mem>>) src(%dma_wait3A_81 : memref<32x32xi32, #tpu.memory_space<hbm>>) dst(%arg7 : memref<32x32xi32, #tpu.memory_space<vmem>>)
        tpu.yield
      }) : () -> ()
      "tpu.region"() ({
        %run_scoped3A = tpu.sem_alloc : memref<!tpu.dma_semaphore, #tpu.memory_space<semaphore_mem>>
        %dma_start3A = arith.constant 0 : i32
        %dma_start3A_68 = arith.constant 0 : i32
        %dma_start3A_69 = tpu.memref_slice %arg4[%arg0, %arg1, %scan3A_17, %dma_start3A, %dma_start3A_68] : memref<2x16x20x32x32xi32, #tpu.memory_space<hbm>> -> memref<1x1x1x32x32xi32, #tpu.memory_space<hbm>>
        %dma_start3A_70 = tpu.memref_squeeze %dma_start3A_69 : memref<1x1x1x32x32xi32, #tpu.memory_space<hbm>> -> memref<32x32xi32, #tpu.memory_space<hbm>>
        %dma_start3A_71 = arith.constant 0 : i32
        %dma_start3A_72 = arith.constant 0 : i32
        %dma_start3A_73 = tpu.memref_slice %arg4[%arg0, %arg1, %scan3A_17, %dma_start3A_71, %dma_start3A_72] : memref<2x16x20x32x32xi32, #tpu.memory_space<hbm>> -> memref<1x1x1x32x32xi32, #tpu.memory_space<hbm>>
        %dma_start3A_74 = tpu.memref_squeeze %dma_start3A_73 : memref<1x1x1x32x32xi32, #tpu.memory_space<hbm>> -> memref<32x32xi32, #tpu.memory_space<hbm>>
        tpu.enqueue_dma source(%dma_start3A_74 : memref<32x32xi32, #tpu.memory_space<hbm>>) target(%arg8 : memref<32x32xi32, #tpu.memory_space<vmem>>) target_semaphore(%run_scoped3A : memref<!tpu.dma_semaphore, #tpu.memory_space<semaphore_mem>>)
        %dma_wait3A = arith.constant 0 : i32
        %dma_wait3A_75 = arith.constant 0 : i32
        %dma_wait3A_76 = tpu.memref_slice %arg4[%arg0, %arg1, %scan3A_17, %dma_wait3A, %dma_wait3A_75] : memref<2x16x20x32x32xi32, #tpu.memory_space<hbm>> -> memref<1x1x1x32x32xi32, #tpu.memory_space<hbm>>
        %dma_wait3A_77 = tpu.memref_squeeze %dma_wait3A_76 : memref<1x1x1x32x32xi32, #tpu.memory_space<hbm>> -> memref<32x32xi32, #tpu.memory_space<hbm>>
        %dma_wait3A_78 = arith.constant 0 : i32
        %dma_wait3A_79 = arith.constant 0 : i32
        %dma_wait3A_80 = tpu.memref_slice %arg4[%arg0, %arg1, %scan3A_17, %dma_wait3A_78, %dma_wait3A_79] : memref<2x16x20x32x32xi32, #tpu.memory_space<hbm>> -> memref<1x1x1x32x32xi32, #tpu.memory_space<hbm>>
        %dma_wait3A_81 = tpu.memref_squeeze %dma_wait3A_80 : memref<1x1x1x32x32xi32, #tpu.memory_space<hbm>> -> memref<32x32xi32, #tpu.memory_space<hbm>>
        tpu.wait_dma2 semaphore(%run_scoped3A : memref<!tpu.dma_semaphore, #tpu.memory_space<semaphore_mem>>) src(%dma_wait3A_81 : memref<32x32xi32, #tpu.memory_space<hbm>>) dst(%arg8 : memref<32x32xi32, #tpu.memory_space<vmem>>)
        tpu.yield
      }) : () -> ()
      %gather3A = tpu.vector_load_idx %arg8[%iota3A, %mul3A_9] : memref<32x32xi32, #tpu.memory_space<vmem>>[vector<16xi32>, vector<16xi32>], vector<16xi32>,
      %add3A_18 = arith.constant 16 : i32
      %add3A_19 = vector.broadcast %add3A_18 : i32 to vector<16xi32>
      %add3A_20 = arith.addi %iota3A, %add3A_19 : vector<16xi32>
      %gather3A_21 = tpu.vector_load_idx %arg8[%add3A_20, %mul3A_9] : memref<32x32xi32, #tpu.memory_space<vmem>>[vector<16xi32>, vector<16xi32>], vector<16xi32>,
      %lt3A = arith.constant 5000 : i32
      %lt3A_22 = vector.broadcast %lt3A : i32 to vector<16xi32>
      %lt3A_23 = arith.cmpi slt, %gather3A, %lt3A_22 : vector<16xi32>
      %convert_element_type3A = arith.extui %lt3A_23 : vector<16xi1> to vector<16xi32>
      %reduce_sum3A = arith.constant true
      %reduce_sum3A_24 = vector.broadcast %reduce_sum3A : i1 to vector<16xi1>
      %reduce_sum3A_25 = tpu.scan <sum>, %convert_element_type3A masked %reduce_sum3A_24 : vector<16xi32>, vector<16xi1> -> vector<16xi32>
      %reduce_sum3A_26 = vector.extract %reduce_sum3A_25[15] : i32 from vector<16xi32>
      %lt3A_27 = arith.constant 5000 : i32
      %lt3A_28 = vector.broadcast %lt3A_27 : i32 to vector<16xi32>
      %lt3A_29 = arith.cmpi slt, %gather3A_21, %lt3A_28 : vector<16xi32>
      %convert_element_type3A_30 = arith.extui %lt3A_29 : vector<16xi1> to vector<16xi32>
      %reduce_sum3A_31 = arith.constant true
      %reduce_sum3A_32 = vector.broadcast %reduce_sum3A_31 : i1 to vector<16xi1>
      %reduce_sum3A_33 = tpu.scan <sum>, %convert_element_type3A_30 masked %reduce_sum3A_32 : vector<16xi32>, vector<16xi1> -> vector<16xi32>
      %reduce_sum3A_34 = vector.extract %reduce_sum3A_33[15] : i32 from vector<16xi32>
      %add3A_35 = arith.addi %reduce_sum3A_26, %reduce_sum3A_34 : i32
      %add3A_36 = arith.constant 2 : i32
      %add3A_37 = arith.addi %add3A_35, %add3A_36 : i32
      %sub3A = arith.constant 1 : i32
      %sub3A_38 = arith.subi %add3A_37, %sub3A : i32
      %jit3A = arith.constant 2 : i32
      %div3A = arith.divsi %sub3A_38, %jit3A : i32
      %sign3A = arith.constant 0 : i32
      %sign3A_39 = arith.cmpi sgt, %sub3A_38, %sign3A : i32
      %sign3A_40 = arith.extui %sign3A_39 : i1 to i32
      %sign3A_41 = arith.constant 0 : i32
      %sign3A_42 = arith.cmpi slt, %sub3A_38, %sign3A_41 : i32
      %sign3A_43 = arith.extui %sign3A_42 : i1 to i32
      %sign3A_44 = arith.subi %sign3A_40, %sign3A_43 : i32
      %sign3A_45 = arith.constant 0 : i32
      %sign3A_46 = arith.cmpi sgt, %jit3A, %sign3A_45 : i32
      %sign3A_47 = arith.extui %sign3A_46 : i1 to i32
      %sign3A_48 = arith.constant 0 : i32
      %sign3A_49 = arith.cmpi slt, %jit3A, %sign3A_48 : i32
      %sign3A_50 = arith.extui %sign3A_49 : i1 to i32
      %sign3A_51 = arith.subi %sign3A_47, %sign3A_50 : i32
      %ne3A = arith.cmpi ne, %sign3A_44, %sign3A_51 : i32
      %rem3A = arith.remsi %sub3A_38, %jit3A : i32
      %ne3A_52 = arith.constant 0 : i32
      %ne3A_53 = arith.cmpi ne, %rem3A, %ne3A_52 : i32
      %and3A = arith.andi %ne3A, %ne3A_53 : i1
      %sub3A_54 = arith.constant 1 : i32
      %sub3A_55 = arith.subi %div3A, %sub3A_54 : i32
      %select_n3A = arith.select %and3A, %sub3A_55, %div3A : i32
      %gt3A = arith.constant 0 : i32
      %gt3A_56 = arith.cmpi sgt, %select_n3A, %gt3A : i32
      %convert_element_type3A_57 = arith.extui %gt3A_56 : i1 to i32
      %cond3A = arith.constant 0 : i32
      %cond3A_58 = arith.cmpi ne, %convert_element_type3A_57, %cond3A : i32
      scf.if %cond3A_58 {
        %dma_start3A = arith.constant 0 : i32
        %dma_start3A_68 = arith.constant 0 : i32
        %dma_start3A_69 = tpu.memref_slice %arg7[%dma_start3A, %dma_start3A_68] : memref<32x32xi32, #tpu.memory_space<vmem>> -> memref<1x32xi32, #tpu.memory_space<vmem>>
        %dma_start3A_70 = tpu.memref_squeeze %dma_start3A_69 : memref<1x32xi32, #tpu.memory_space<vmem>> -> memref<32xi32, #tpu.memory_space<vmem>>
        %dma_start3A_71 = arith.constant 0 : i32
        %dma_start3A_72 = arith.constant 0 : i32
        %dma_start3A_73 = tpu.memref_slice %arg2[%dma_start3A_71, %dma_start3A_72] : memref<40000x128xf32, #tpu.memory_space<hbm>> -> memref<40000x128xf32, #tpu.memory_space<hbm>>
        tpu.enqueue_indirect_dma source(%dma_start3A_73 : memref<40000x128xf32, #tpu.memory_space<hbm>>) target(%arg9 : memref<32x128xf32, #tpu.memory_space<vmem>>) offsets(%dma_start3A_70 : memref<32xi32, #tpu.memory_space<vmem>>) semaphore(%arg11 : memref<!tpu.dma_semaphore, #tpu.memory_space<semaphore_mem>>)
        %dma_start3A_74 = arith.constant 1 : i32
        %dma_start3A_75 = arith.constant 0 : i32
        %dma_start3A_76 = tpu.memref_slice %arg7[%dma_start3A_74, %dma_start3A_75] : memref<32x32xi32, #tpu.memory_space<vmem>> -> memref<1x32xi32, #tpu.memory_space<vmem>>
        %dma_start3A_77 = tpu.memref_squeeze %dma_start3A_76 : memref<1x32xi32, #tpu.memory_space<vmem>> -> memref<32xi32, #tpu.memory_space<vmem>>
        %dma_start3A_78 = arith.constant 0 : i32
        %dma_start3A_79 = arith.constant 0 : i32
        %dma_start3A_80 = tpu.memref_slice %arg2[%dma_start3A_78, %dma_start3A_79] : memref<40000x128xf32, #tpu.memory_space<hbm>> -> memref<40000x128xf32, #tpu.memory_space<hbm>>
        tpu.enqueue_indirect_dma source(%dma_start3A_80 : memref<40000x128xf32, #tpu.memory_space<hbm>>) target(%arg10 : memref<32x128xf32, #tpu.memory_space<vmem>>) offsets(%dma_start3A_77 : memref<32xi32, #tpu.memory_space<vmem>>) semaphore(%arg12 : memref<!tpu.dma_semaphore, #tpu.memory_space<semaphore_mem>>)
      } else {
      }
      %while3A = arith.constant 0 : i32
      %while3A_59 = arith.constant 0 : i32
      %while3A_60 = arith.subi %select_n3A, %while3A_59 : i32
      %while3A_61 = arith.addi %while3A_59, %while3A_60 : i32
      %while3A_62 = arith.constant 1 : i32
      %while3A_63 = arith.divsi %while3A_60, %while3A_62 : i32
      %while3A_64 = arith.muli %while3A_63, %while3A_62 : i32
      %while3A_65 = arith.addi %while3A_59, %while3A_64 : i32
      %while3A_66 = arith.constant 1 : i32
      scf.for %while3A_68 = %while3A_59 to %while3A_65 step %while3A_66  : i32 {
        %mul3A_69 = arith.constant 2 : i32
        %mul3A_70 = arith.muli %while3A_68, %mul3A_69 : i32
        %add3A_71 = arith.constant 0 : i32
        %add3A_72 = arith.addi %mul3A_70, %add3A_71 : i32
        %dma_wait3A = arith.constant 0 : i32
        %dma_wait3A_73 = tpu.memref_slice %arg7[%add3A_72, %dma_wait3A] : memref<32x32xi32, #tpu.memory_space<vmem>> -> memref<1x32xi32, #tpu.memory_space<vmem>>
        %dma_wait3A_74 = tpu.memref_squeeze %dma_wait3A_73 : memref<1x32xi32, #tpu.memory_space<vmem>> -> memref<32xi32, #tpu.memory_space<vmem>>
        %dma_wait3A_75 = arith.constant 0 : i32
        %dma_wait3A_76 = arith.constant 0 : i32
        %dma_wait3A_77 = tpu.memref_slice %arg2[%dma_wait3A_75, %dma_wait3A_76] : memref<40000x128xf32, #tpu.memory_space<hbm>> -> memref<40000x128xf32, #tpu.memory_space<hbm>>
        tpu.wait_indirect_dma semaphore(%arg11 : memref<!tpu.dma_semaphore, #tpu.memory_space<semaphore_mem>>) src(%dma_wait3A_77 : memref<40000x128xf32, #tpu.memory_space<hbm>>) dst(%arg9 : memref<32x128xf32, #tpu.memory_space<vmem>>)
        %add3A_78 = arith.constant 0 : i32
        %add3A_79 = arith.addi %mul3A_70, %add3A_78 : i32
        %dma_start3A = arith.constant 0 : i32
        %dma_start3A_80 = tpu.memref_slice %arg8[%add3A_79, %dma_start3A] : memref<32x32xi32, #tpu.memory_space<vmem>> -> memref<1x32xi32, #tpu.memory_space<vmem>>
        %dma_start3A_81 = tpu.memref_squeeze %dma_start3A_80 : memref<1x32xi32, #tpu.memory_space<vmem>> -> memref<32xi32, #tpu.memory_space<vmem>>
        %dma_start3A_82 = arith.constant 0 : i32
        %dma_start3A_83 = arith.constant 0 : i32
        %dma_start3A_84 = tpu.memref_slice %arg15[%dma_start3A_82, %dma_start3A_83] : memref<5248x128xf32, #tpu.memory_space<vmem_shared>> -> memref<5248x128xf32, #tpu.memory_space<vmem_shared>>
        tpu.enqueue_indirect_dma source(%arg9 : memref<32x128xf32, #tpu.memory_space<vmem>>) target(%dma_start3A_84 : memref<5248x128xf32, #tpu.memory_space<vmem_shared>>) offsets(%dma_start3A_81 : memref<32xi32, #tpu.memory_space<vmem>>) semaphore(%arg13 : memref<!tpu.dma_semaphore, #tpu.memory_space<semaphore_mem>>) {add = true}
        %add3A_85 = arith.constant 1 : i32
        %add3A_86 = arith.addi %mul3A_70, %add3A_85 : i32
        %dma_wait3A_87 = arith.constant 0 : i32
        %dma_wait3A_88 = tpu.memref_slice %arg7[%add3A_86, %dma_wait3A_87] : memref<32x32xi32, #tpu.memory_space<vmem>> -> memref<1x32xi32, #tpu.memory_space<vmem>>
        %dma_wait3A_89 = tpu.memref_squeeze %dma_wait3A_88 : memref<1x32xi32, #tpu.memory_space<vmem>> -> memref<32xi32, #tpu.memory_space<vmem>>
        %dma_wait3A_90 = arith.constant 0 : i32
        %dma_wait3A_91 = arith.constant 0 : i32
        %dma_wait3A_92 = tpu.memref_slice %arg2[%dma_wait3A_90, %dma_wait3A_91] : memref<40000x128xf32, #tpu.memory_space<hbm>> -> memref<40000x128xf32, #tpu.memory_space<hbm>>
        tpu.wait_indirect_dma semaphore(%arg12 : memref<!tpu.dma_semaphore, #tpu.memory_space<semaphore_mem>>) src(%dma_wait3A_92 : memref<40000x128xf32, #tpu.memory_space<hbm>>) dst(%arg10 : memref<32x128xf32, #tpu.memory_space<vmem>>)
        %add3A_93 = arith.constant 1 : i32
        %add3A_94 = arith.addi %mul3A_70, %add3A_93 : i32
        %dma_start3A_95 = arith.constant 0 : i32
        %dma_start3A_96 = tpu.memref_slice %arg8[%add3A_94, %dma_start3A_95] : memref<32x32xi32, #tpu.memory_space<vmem>> -> memref<1x32xi32, #tpu.memory_space<vmem>>
        %dma_start3A_97 = tpu.memref_squeeze %dma_start3A_96 : memref<1x32xi32, #tpu.memory_space<vmem>> -> memref<32xi32, #tpu.memory_space<vmem>>
        %dma_start3A_98 = arith.constant 0 : i32
        %dma_start3A_99 = arith.constant 0 : i32
        %dma_start3A_100 = tpu.memref_slice %arg15[%dma_start3A_98, %dma_start3A_99] : memref<5248x128xf32, #tpu.memory_space<vmem_shared>> -> memref<5248x128xf32, #tpu.memory_space<vmem_shared>>
        tpu.enqueue_indirect_dma source(%arg10 : memref<32x128xf32, #tpu.memory_space<vmem>>) target(%dma_start3A_100 : memref<5248x128xf32, #tpu.memory_space<vmem_shared>>) offsets(%dma_start3A_97 : memref<32xi32, #tpu.memory_space<vmem>>) semaphore(%arg14 : memref<!tpu.dma_semaphore, #tpu.memory_space<semaphore_mem>>) {add = true}
        %add3A_101 = arith.constant 0 : i32
        %add3A_102 = arith.addi %mul3A_70, %add3A_101 : i32
        %dma_wait3A_103 = arith.constant 0 : i32
        %dma_wait3A_104 = tpu.memref_slice %arg8[%add3A_102, %dma_wait3A_103] : memref<32x32xi32, #tpu.memory_space<vmem>> -> memref<1x32xi32, #tpu.memory_space<vmem>>
        %dma_wait3A_105 = tpu.memref_squeeze %dma_wait3A_104 : memref<1x32xi32, #tpu.memory_space<vmem>> -> memref<32xi32, #tpu.memory_space<vmem>>
        %dma_wait3A_106 = arith.constant 0 : i32
        %dma_wait3A_107 = arith.constant 0 : i32
        %dma_wait3A_108 = tpu.memref_slice %arg15[%dma_wait3A_106, %dma_wait3A_107] : memref<5248x128xf32, #tpu.memory_space<vmem_shared>> -> memref<5248x128xf32, #tpu.memory_space<vmem_shared>>
        tpu.wait_indirect_dma semaphore(%arg13 : memref<!tpu.dma_semaphore, #tpu.memory_space<semaphore_mem>>) src(%arg9 : memref<32x128xf32, #tpu.memory_space<vmem>>) dst(%dma_wait3A_108 : memref<5248x128xf32, #tpu.memory_space<vmem_shared>>)
        %sub3A_109 = arith.constant 1 : i32
        %sub3A_110 = arith.subi %select_n3A, %sub3A_109 : i32
        %lt3A_111 = arith.cmpi slt, %while3A_68, %sub3A_110 : i32
        %convert_element_type3A_112 = arith.extui %lt3A_111 : i1 to i32
        %cond3A_113 = arith.constant 0 : i32
        %cond3A_114 = arith.cmpi ne, %convert_element_type3A_112, %cond3A_113 : i32
        scf.if %cond3A_114 {
          %add3A_129 = arith.constant 2 : i32
          %add3A_130 = arith.addi %mul3A_70, %add3A_129 : i32
          %add3A_131 = arith.constant 0 : i32
          %add3A_132 = arith.addi %add3A_130, %add3A_131 : i32
          %dma_start3A_133 = arith.constant 0 : i32
          %dma_start3A_134 = tpu.memref_slice %arg7[%add3A_132, %dma_start3A_133] : memref<32x32xi32, #tpu.memory_space<vmem>> -> memref<1x32xi32, #tpu.memory_space<vmem>>
          %dma_start3A_135 = tpu.memref_squeeze %dma_start3A_134 : memref<1x32xi32, #tpu.memory_space<vmem>> -> memref<32xi32, #tpu.memory_space<vmem>>
          %dma_start3A_136 = arith.constant 0 : i32
          %dma_start3A_137 = arith.constant 0 : i32
          %dma_start3A_138 = tpu.memref_slice %arg2[%dma_start3A_136, %dma_start3A_137] : memref<40000x128xf32, #tpu.memory_space<hbm>> -> memref<40000x128xf32, #tpu.memory_space<hbm>>
          tpu.enqueue_indirect_dma source(%dma_start3A_138 : memref<40000x128xf32, #tpu.memory_space<hbm>>) target(%arg9 : memref<32x128xf32, #tpu.memory_space<vmem>>) offsets(%dma_start3A_135 : memref<32xi32, #tpu.memory_space<vmem>>) semaphore(%arg11 : memref<!tpu.dma_semaphore, #tpu.memory_space<semaphore_mem>>)
        } else {
        }
        %add3A_115 = arith.constant 1 : i32
        %add3A_116 = arith.addi %mul3A_70, %add3A_115 : i32
        %dma_wait3A_117 = arith.constant 0 : i32
        %dma_wait3A_118 = tpu.memref_slice %arg8[%add3A_116, %dma_wait3A_117] : memref<32x32xi32, #tpu.memory_space<vmem>> -> memref<1x32xi32, #tpu.memory_space<vmem>>
        %dma_wait3A_119 = tpu.memref_squeeze %dma_wait3A_118 : memref<1x32xi32, #tpu.memory_space<vmem>> -> memref<32xi32, #tpu.memory_space<vmem>>
        %dma_wait3A_120 = arith.constant 0 : i32
        %dma_wait3A_121 = arith.constant 0 : i32
        %dma_wait3A_122 = tpu.memref_slice %arg15[%dma_wait3A_120, %dma_wait3A_121] : memref<5248x128xf32, #tpu.memory_space<vmem_shared>> -> memref<5248x128xf32, #tpu.memory_space<vmem_shared>>
        tpu.wait_indirect_dma semaphore(%arg14 : memref<!tpu.dma_semaphore, #tpu.memory_space<semaphore_mem>>) src(%arg10 : memref<32x128xf32, #tpu.memory_space<vmem>>) dst(%dma_wait3A_122 : memref<5248x128xf32, #tpu.memory_space<vmem_shared>>)
        %sub3A_123 = arith.constant 1 : i32
        %sub3A_124 = arith.subi %select_n3A, %sub3A_123 : i32
        %lt3A_125 = arith.cmpi slt, %while3A_68, %sub3A_124 : i32
        %convert_element_type3A_126 = arith.extui %lt3A_125 : i1 to i32
        %cond3A_127 = arith.constant 0 : i32
        %cond3A_128 = arith.cmpi ne, %convert_element_type3A_126, %cond3A_127 : i32
        scf.if %cond3A_128 {
          %add3A_129 = arith.constant 2 : i32
          %add3A_130 = arith.addi %mul3A_70, %add3A_129 : i32
          %add3A_131 = arith.constant 1 : i32
          %add3A_132 = arith.addi %add3A_130, %add3A_131 : i32
          %dma_start3A_133 = arith.constant 0 : i32
          %dma_start3A_134 = tpu.memref_slice %arg7[%add3A_132, %dma_start3A_133] : memref<32x32xi32, #tpu.memory_space<vmem>> -> memref<1x32xi32, #tpu.memory_space<vmem>>
          %dma_start3A_135 = tpu.memref_squeeze %dma_start3A_134 : memref<1x32xi32, #tpu.memory_space<vmem>> -> memref<32xi32, #tpu.memory_space<vmem>>
          %dma_start3A_136 = arith.constant 0 : i32
          %dma_start3A_137 = arith.constant 0 : i32
          %dma_start3A_138 = tpu.memref_slice %arg2[%dma_start3A_136, %dma_start3A_137] : memref<40000x128xf32, #tpu.memory_space<hbm>> -> memref<40000x128xf32, #tpu.memory_space<hbm>>
          tpu.enqueue_indirect_dma source(%dma_start3A_138 : memref<40000x128xf32, #tpu.memory_space<hbm>>) target(%arg10 : memref<32x128xf32, #tpu.memory_space<vmem>>) offsets(%dma_start3A_135 : memref<32xi32, #tpu.memory_space<vmem>>) semaphore(%arg12 : memref<!tpu.dma_semaphore, #tpu.memory_space<semaphore_mem>>)
        } else {
        }
      }
      %while3A_67 = arith.constant 1 : i32
      scf.for %while3A_68 = %while3A_65 to %while3A_61 step %while3A_67  : i32 {
        %mul3A_69 = arith.constant 2 : i32
        %mul3A_70 = arith.muli %while3A_68, %mul3A_69 : i32
        %add3A_71 = arith.constant 0 : i32
        %add3A_72 = arith.addi %mul3A_70, %add3A_71 : i32
        %dma_wait3A = arith.constant 0 : i32
        %dma_wait3A_73 = tpu.memref_slice %arg7[%add3A_72, %dma_wait3A] : memref<32x32xi32, #tpu.memory_space<vmem>> -> memref<1x32xi32, #tpu.memory_space<vmem>>
        %dma_wait3A_74 = tpu.memref_squeeze %dma_wait3A_73 : memref<1x32xi32, #tpu.memory_space<vmem>> -> memref<32xi32, #tpu.memory_space<vmem>>
        %dma_wait3A_75 = arith.constant 0 : i32
        %dma_wait3A_76 = arith.constant 0 : i32
        %dma_wait3A_77 = tpu.memref_slice %arg2[%dma_wait3A_75, %dma_wait3A_76] : memref<40000x128xf32, #tpu.memory_space<hbm>> -> memref<40000x128xf32, #tpu.memory_space<hbm>>
        tpu.wait_indirect_dma semaphore(%arg11 : memref<!tpu.dma_semaphore, #tpu.memory_space<semaphore_mem>>) src(%dma_wait3A_77 : memref<40000x128xf32, #tpu.memory_space<hbm>>) dst(%arg9 : memref<32x128xf32, #tpu.memory_space<vmem>>)
        %add3A_78 = arith.constant 0 : i32
        %add3A_79 = arith.addi %mul3A_70, %add3A_78 : i32
        %dma_start3A = arith.constant 0 : i32
        %dma_start3A_80 = tpu.memref_slice %arg8[%add3A_79, %dma_start3A] : memref<32x32xi32, #tpu.memory_space<vmem>> -> memref<1x32xi32, #tpu.memory_space<vmem>>
        %dma_start3A_81 = tpu.memref_squeeze %dma_start3A_80 : memref<1x32xi32, #tpu.memory_space<vmem>> -> memref<32xi32, #tpu.memory_space<vmem>>
        %dma_start3A_82 = arith.constant 0 : i32
        %dma_start3A_83 = arith.constant 0 : i32
        %dma_start3A_84 = tpu.memref_slice %arg15[%dma_start3A_82, %dma_start3A_83] : memref<5248x128xf32, #tpu.memory_space<vmem_shared>> -> memref<5248x128xf32, #tpu.memory_space<vmem_shared>>
        tpu.enqueue_indirect_dma source(%arg9 : memref<32x128xf32, #tpu.memory_space<vmem>>) target(%dma_start3A_84 : memref<5248x128xf32, #tpu.memory_space<vmem_shared>>) offsets(%dma_start3A_81 : memref<32xi32, #tpu.memory_space<vmem>>) semaphore(%arg13 : memref<!tpu.dma_semaphore, #tpu.memory_space<semaphore_mem>>) {add = true}
        %add3A_85 = arith.constant 1 : i32
        %add3A_86 = arith.addi %mul3A_70, %add3A_85 : i32
        %dma_wait3A_87 = arith.constant 0 : i32
        %dma_wait3A_88 = tpu.memref_slice %arg7[%add3A_86, %dma_wait3A_87] : memref<32x32xi32, #tpu.memory_space<vmem>> -> memref<1x32xi32, #tpu.memory_space<vmem>>
        %dma_wait3A_89 = tpu.memref_squeeze %dma_wait3A_88 : memref<1x32xi32, #tpu.memory_space<vmem>> -> memref<32xi32, #tpu.memory_space<vmem>>
        %dma_wait3A_90 = arith.constant 0 : i32
        %dma_wait3A_91 = arith.constant 0 : i32
        %dma_wait3A_92 = tpu.memref_slice %arg2[%dma_wait3A_90, %dma_wait3A_91] : memref<40000x128xf32, #tpu.memory_space<hbm>> -> memref<40000x128xf32, #tpu.memory_space<hbm>>
        tpu.wait_indirect_dma semaphore(%arg12 : memref<!tpu.dma_semaphore, #tpu.memory_space<semaphore_mem>>) src(%dma_wait3A_92 : memref<40000x128xf32, #tpu.memory_space<hbm>>) dst(%arg10 : memref<32x128xf32, #tpu.memory_space<vmem>>)
        %add3A_93 = arith.constant 1 : i32
        %add3A_94 = arith.addi %mul3A_70, %add3A_93 : i32
        %dma_start3A_95 = arith.constant 0 : i32
        %dma_start3A_96 = tpu.memref_slice %arg8[%add3A_94, %dma_start3A_95] : memref<32x32xi32, #tpu.memory_space<vmem>> -> memref<1x32xi32, #tpu.memory_space<vmem>>
        %dma_start3A_97 = tpu.memref_squeeze %dma_start3A_96 : memref<1x32xi32, #tpu.memory_space<vmem>> -> memref<32xi32, #tpu.memory_space<vmem>>
        %dma_start3A_98 = arith.constant 0 : i32
        %dma_start3A_99 = arith.constant 0 : i32
        %dma_start3A_100 = tpu.memref_slice %arg15[%dma_start3A_98, %dma_start3A_99] : memref<5248x128xf32, #tpu.memory_space<vmem_shared>> -> memref<5248x128xf32, #tpu.memory_space<vmem_shared>>
        tpu.enqueue_indirect_dma source(%arg10 : memref<32x128xf32, #tpu.memory_space<vmem>>) target(%dma_start3A_100 : memref<5248x128xf32, #tpu.memory_space<vmem_shared>>) offsets(%dma_start3A_97 : memref<32xi32, #tpu.memory_space<vmem>>) semaphore(%arg14 : memref<!tpu.dma_semaphore, #tpu.memory_space<semaphore_mem>>) {add = true}
        %add3A_101 = arith.constant 0 : i32
        %add3A_102 = arith.addi %mul3A_70, %add3A_101 : i32
        %dma_wait3A_103 = arith.constant 0 : i32
        %dma_wait3A_104 = tpu.memref_slice %arg8[%add3A_102, %dma_wait3A_103] : memref<32x32xi32, #tpu.memory_space<vmem>> -> memref<1x32xi32, #tpu.memory_space<vmem>>
        %dma_wait3A_105 = tpu.memref_squeeze %dma_wait3A_104 : memref<1x32xi32, #tpu.memory_space<vmem>> -> memref<32xi32, #tpu.memory_space<vmem>>
        %dma_wait3A_106 = arith.constant 0 : i32
        %dma_wait3A_107 = arith.constant 0 : i32
        %dma_wait3A_108 = tpu.memref_slice %arg15[%dma_wait3A_106, %dma_wait3A_107] : memref<5248x128xf32, #tpu.memory_space<vmem_shared>> -> memref<5248x128xf32, #tpu.memory_space<vmem_shared>>
        tpu.wait_indirect_dma semaphore(%arg13 : memref<!tpu.dma_semaphore, #tpu.memory_space<semaphore_mem>>) src(%arg9 : memref<32x128xf32, #tpu.memory_space<vmem>>) dst(%dma_wait3A_108 : memref<5248x128xf32, #tpu.memory_space<vmem_shared>>)
        %sub3A_109 = arith.constant 1 : i32
        %sub3A_110 = arith.subi %select_n3A, %sub3A_109 : i32
        %lt3A_111 = arith.cmpi slt, %while3A_68, %sub3A_110 : i32
        %convert_element_type3A_112 = arith.extui %lt3A_111 : i1 to i32
        %cond3A_113 = arith.constant 0 : i32
        %cond3A_114 = arith.cmpi ne, %convert_element_type3A_112, %cond3A_113 : i32
        scf.if %cond3A_114 {
          %add3A_129 = arith.constant 2 : i32
          %add3A_130 = arith.addi %mul3A_70, %add3A_129 : i32
          %add3A_131 = arith.constant 0 : i32
          %add3A_132 = arith.addi %add3A_130, %add3A_131 : i32
          %dma_start3A_133 = arith.constant 0 : i32
          %dma_start3A_134 = tpu.memref_slice %arg7[%add3A_132, %dma_start3A_133] : memref<32x32xi32, #tpu.memory_space<vmem>> -> memref<1x32xi32, #tpu.memory_space<vmem>>
          %dma_start3A_135 = tpu.memref_squeeze %dma_start3A_134 : memref<1x32xi32, #tpu.memory_space<vmem>> -> memref<32xi32, #tpu.memory_space<vmem>>
          %dma_start3A_136 = arith.constant 0 : i32
          %dma_start3A_137 = arith.constant 0 : i32
          %dma_start3A_138 = tpu.memref_slice %arg2[%dma_start3A_136, %dma_start3A_137] : memref<40000x128xf32, #tpu.memory_space<hbm>> -> memref<40000x128xf32, #tpu.memory_space<hbm>>
          tpu.enqueue_indirect_dma source(%dma_start3A_138 : memref<40000x128xf32, #tpu.memory_space<hbm>>) target(%arg9 : memref<32x128xf32, #tpu.memory_space<vmem>>) offsets(%dma_start3A_135 : memref<32xi32, #tpu.memory_space<vmem>>) semaphore(%arg11 : memref<!tpu.dma_semaphore, #tpu.memory_space<semaphore_mem>>)
        } else {
        }
        %add3A_115 = arith.constant 1 : i32
        %add3A_116 = arith.addi %mul3A_70, %add3A_115 : i32
        %dma_wait3A_117 = arith.constant 0 : i32
        %dma_wait3A_118 = tpu.memref_slice %arg8[%add3A_116, %dma_wait3A_117] : memref<32x32xi32, #tpu.memory_space<vmem>> -> memref<1x32xi32, #tpu.memory_space<vmem>>
        %dma_wait3A_119 = tpu.memref_squeeze %dma_wait3A_118 : memref<1x32xi32, #tpu.memory_space<vmem>> -> memref<32xi32, #tpu.memory_space<vmem>>
        %dma_wait3A_120 = arith.constant 0 : i32
        %dma_wait3A_121 = arith.constant 0 : i32
        %dma_wait3A_122 = tpu.memref_slice %arg15[%dma_wait3A_120, %dma_wait3A_121] : memref<5248x128xf32, #tpu.memory_space<vmem_shared>> -> memref<5248x128xf32, #tpu.memory_space<vmem_shared>>
        tpu.wait_indirect_dma semaphore(%arg14 : memref<!tpu.dma_semaphore, #tpu.memory_space<semaphore_mem>>) src(%arg10 : memref<32x128xf32, #tpu.memory_space<vmem>>) dst(%dma_wait3A_122 : memref<5248x128xf32, #tpu.memory_space<vmem_shared>>)
        %sub3A_123 = arith.constant 1 : i32
        %sub3A_124 = arith.subi %select_n3A, %sub3A_123 : i32
        %lt3A_125 = arith.cmpi slt, %while3A_68, %sub3A_124 : i32
        %convert_element_type3A_126 = arith.extui %lt3A_125 : i1 to i32
        %cond3A_127 = arith.constant 0 : i32
        %cond3A_128 = arith.cmpi ne, %convert_element_type3A_126, %cond3A_127 : i32
        scf.if %cond3A_128 {
          %add3A_129 = arith.constant 2 : i32
          %add3A_130 = arith.addi %mul3A_70, %add3A_129 : i32
          %add3A_131 = arith.constant 1 : i32
          %add3A_132 = arith.addi %add3A_130, %add3A_131 : i32
          %dma_start3A_133 = arith.constant 0 : i32
          %dma_start3A_134 = tpu.memref_slice %arg7[%add3A_132, %dma_start3A_133] : memref<32x32xi32, #tpu.memory_space<vmem>> -> memref<1x32xi32, #tpu.memory_space<vmem>>
          %dma_start3A_135 = tpu.memref_squeeze %dma_start3A_134 : memref<1x32xi32, #tpu.memory_space<vmem>> -> memref<32xi32, #tpu.memory_space<vmem>>
          %dma_start3A_136 = arith.constant 0 : i32
          %dma_start3A_137 = arith.constant 0 : i32
          %dma_start3A_138 = tpu.memref_slice %arg2[%dma_start3A_136, %dma_start3A_137] : memref<40000x128xf32, #tpu.memory_space<hbm>> -> memref<40000x128xf32, #tpu.memory_space<hbm>>
          tpu.enqueue_indirect_dma source(%dma_start3A_138 : memref<40000x128xf32, #tpu.memory_space<hbm>>) target(%arg10 : memref<32x128xf32, #tpu.memory_space<vmem>>) offsets(%dma_start3A_135 : memref<32xi32, #tpu.memory_space<vmem>>) semaphore(%arg12 : memref<!tpu.dma_semaphore, #tpu.memory_space<semaphore_mem>>)
        } else {
        }
      }
    }
    %scan3A_15 = arith.constant 20 : i32
    %barrier3A_16 = arith.constant 0 : index
    tpu.barrier barrier_id(%barrier3A_16)
    "tpu.region"() ({
      %run_scoped3A = tpu.sem_alloc : memref<!tpu.dma_semaphore, #tpu.memory_space<semaphore_mem>>
      %dma_start3A = arith.constant 0 : i32
      %dma_start3A_17 = tpu.memref_slice %arg6[%arg0, %mul3A_0, %dma_start3A] : memref<2x5248x128xf32, #tpu.memory_space<hbm>> -> memref<1x328x128xf32, #tpu.memory_space<hbm>>
      %dma_start3A_18 = tpu.memref_squeeze %dma_start3A_17 : memref<1x328x128xf32, #tpu.memory_space<hbm>> -> memref<328x128xf32, #tpu.memory_space<hbm>>
      %dma_start3A_19 = arith.constant 0 : i32
      %dma_start3A_20 = tpu.memref_slice %arg15[%mul3A_0, %dma_start3A_19] : memref<5248x128xf32, #tpu.memory_space<vmem_shared>> -> memref<328x128xf32, #tpu.memory_space<vmem_shared>>
      tpu.enqueue_dma source(%dma_start3A_20 : memref<328x128xf32, #tpu.memory_space<vmem_shared>>) target(%dma_start3A_18 : memref<328x128xf32, #tpu.memory_space<hbm>>) target_semaphore(%run_scoped3A : memref<!tpu.dma_semaphore, #tpu.memory_space<semaphore_mem>>)
      %dma_wait3A = arith.constant 0 : i32
      %dma_wait3A_21 = tpu.memref_slice %arg6[%arg0, %mul3A_0, %dma_wait3A] : memref<2x5248x128xf32, #tpu.memory_space<hbm>> -> memref<1x328x128xf32, #tpu.memory_space<hbm>>
      %dma_wait3A_22 = tpu.memref_squeeze %dma_wait3A_21 : memref<1x328x128xf32, #tpu.memory_space<hbm>> -> memref<328x128xf32, #tpu.memory_space<hbm>>
      %dma_wait3A_23 = arith.constant 0 : i32
      %dma_wait3A_24 = tpu.memref_slice %arg15[%mul3A_0, %dma_wait3A_23] : memref<5248x128xf32, #tpu.memory_space<vmem_shared>> -> memref<328x128xf32, #tpu.memory_space<vmem_shared>>
      tpu.wait_dma2 semaphore(%run_scoped3A : memref<!tpu.dma_semaphore, #tpu.memory_space<semaphore_mem>>) src(%dma_wait3A_24 : memref<328x128xf32, #tpu.memory_space<vmem_shared>>) dst(%dma_wait3A_22 : memref<328x128xf32, #tpu.memory_space<hbm>>)
      tpu.yield
    }) : () -> ()
    return
  }
}

#map = affine_map<(d0, d1) -> (0, 0)>
#map1 = affine_map<(d0, d1) -> (0, 0, 0, 0, 0)>
#map2 = affine_map<(d0, d1) -> (0, 0, 0)>
module attributes {stable_mosaic.version = 14 : i64} {
  func.func @_sc_agg2(%arg0: i32, %arg1: i32, %arg2: memref<40000x128xf32, #tpu.memory_space<hbm>>, %arg3: memref<2x16x20x32x32xi32, #tpu.memory_space<hbm>>, %arg4: memref<2x16x20x32x32xi32, #tpu.memory_space<hbm>>, %arg5: memref<32x128xf32, #tpu.memory_space<hbm>>, %arg6: memref<2x5248x128xf32, #tpu.memory_space<hbm>>, %arg7: memref<32x32xi32, #tpu.memory_space<vmem>>, %arg8: memref<32x32xi32, #tpu.memory_space<vmem>>, %arg9: memref<32x128xf32, #tpu.memory_space<vmem>>, %arg10: memref<32x128xf32, #tpu.memory_space<vmem>>, %arg11: memref<!tpu.dma_semaphore, #tpu.memory_space<semaphore_mem>>, %arg12: memref<!tpu.dma_semaphore, #tpu.memory_space<semaphore_mem>>, %arg13: memref<!tpu.dma_semaphore, #tpu.memory_space<semaphore_mem>>, %arg14: memref<!tpu.dma_semaphore, #tpu.memory_space<semaphore_mem>>, %arg15: memref<5248x128xf32, #tpu.memory_space<vmem_shared>>) attributes {dimension_semantics = [#tpu.dimension_semantics<core_parallel>, #tpu.dimension_semantics<subcore_parallel>], iteration_bounds = array<i64: 2, 16>, scalar_prefetch = 0 : i64, scratch_operands = 9 : i64, tpu.core_type = #tpu.core_type<sc_vector_subcore>, window_params = [{transform_indices = #map}, {transform_indices = #map1}, {transform_indices = #map1}, {transform_indices = #map}, {transform_indices = #map2}]} {
    "tpu.region"() ({
      %run_scoped3A = tpu.sem_alloc : memref<!tpu.dma_semaphore, #tpu.memory_space<semaphore_mem>>
      tpu.enqueue_dma source(%arg5 : memref<32x128xf32, #tpu.memory_space<hbm>>) target(%arg9 : memref<32x128xf32, #tpu.memory_space<vmem>>) target_semaphore(%run_scoped3A : memref<!tpu.dma_semaphore, #tpu.memory_space<semaphore_mem>>)
      tpu.wait_dma2 semaphore(%run_scoped3A : memref<!tpu.dma_semaphore, #tpu.memory_space<semaphore_mem>>) src(%arg5 : memref<32x128xf32, #tpu.memory_space<hbm>>) dst(%arg9 : memref<32x128xf32, #tpu.memory_space<vmem>>)
      tpu.yield
    }) : () -> ()
    %mul3A = arith.constant 328 : i32
    %mul3A_0 = arith.muli %arg1, %mul3A : i32
    %scan3A = arith.constant 0 : i32
    %scan3A_1 = arith.constant 0 : i32
    %scan3A_2 = arith.constant 10 : i32
    %scan3A_3 = arith.addi %scan3A_1, %scan3A_2 : i32
    %scan3A_4 = arith.constant 1 : i32
    scf.for %scan3A_17 = %scan3A_1 to %scan3A_3 step %scan3A_4  : i32 {
      %mul3A_18 = arith.constant 32 : i32
      %mul3A_19 = arith.muli %scan3A_17, %mul3A_18 : i32
      %add3A_20 = arith.addi %mul3A_0, %mul3A_19 : i32
      "tpu.region"() ({
        %run_scoped3A = tpu.sem_alloc : memref<!tpu.dma_semaphore, #tpu.memory_space<semaphore_mem>>
        %dma_start3A = arith.constant 0 : i32
        %dma_start3A_21 = tpu.memref_slice %arg15[%add3A_20, %dma_start3A] : memref<5248x128xf32, #tpu.memory_space<vmem_shared>> -> memref<32x128xf32, #tpu.memory_space<vmem_shared>>
        %dma_start3A_22 = arith.constant 0 : i32
        %dma_start3A_23 = tpu.memref_slice %arg15[%add3A_20, %dma_start3A_22] : memref<5248x128xf32, #tpu.memory_space<vmem_shared>> -> memref<32x128xf32, #tpu.memory_space<vmem_shared>>
        tpu.enqueue_dma source(%arg9 : memref<32x128xf32, #tpu.memory_space<vmem>>) target(%dma_start3A_23 : memref<32x128xf32, #tpu.memory_space<vmem_shared>>) target_semaphore(%run_scoped3A : memref<!tpu.dma_semaphore, #tpu.memory_space<semaphore_mem>>)
        %dma_wait3A = arith.constant 0 : i32
        %dma_wait3A_24 = tpu.memref_slice %arg15[%add3A_20, %dma_wait3A] : memref<5248x128xf32, #tpu.memory_space<vmem_shared>> -> memref<32x128xf32, #tpu.memory_space<vmem_shared>>
        %dma_wait3A_25 = arith.constant 0 : i32
        %dma_wait3A_26 = tpu.memref_slice %arg15[%add3A_20, %dma_wait3A_25] : memref<5248x128xf32, #tpu.memory_space<vmem_shared>> -> memref<32x128xf32, #tpu.memory_space<vmem_shared>>
        tpu.wait_dma2 semaphore(%run_scoped3A : memref<!tpu.dma_semaphore, #tpu.memory_space<semaphore_mem>>) src(%arg9 : memref<32x128xf32, #tpu.memory_space<vmem>>) dst(%dma_wait3A_26 : memref<32x128xf32, #tpu.memory_space<vmem_shared>>)
        tpu.yield
      }) : () -> ()
    }
    %scan3A_5 = arith.constant 10 : i32
    %add3A = arith.constant 320 : i32
    %add3A_6 = arith.addi %mul3A_0, %add3A : i32
    "tpu.region"() ({
      %run_scoped3A = tpu.sem_alloc : memref<!tpu.dma_semaphore, #tpu.memory_space<semaphore_mem>>
      %dma_start3A = arith.constant 0 : i32
      %dma_start3A_17 = arith.constant 0 : i32
      %dma_start3A_18 = tpu.memref_slice %arg9[%dma_start3A, %dma_start3A_17] : memref<32x128xf32, #tpu.memory_space<vmem>> -> memref<8x128xf32, #tpu.memory_space<vmem>>
      %dma_start3A_19 = arith.constant 0 : i32
      %dma_start3A_20 = tpu.memref_slice %arg15[%add3A_6, %dma_start3A_19] : memref<5248x128xf32, #tpu.memory_space<vmem_shared>> -> memref<8x128xf32, #tpu.memory_space<vmem_shared>>
      %dma_start3A_21 = arith.constant 0 : i32
      %dma_start3A_22 = tpu.memref_slice %arg15[%add3A_6, %dma_start3A_21] : memref<5248x128xf32, #tpu.memory_space<vmem_shared>> -> memref<8x128xf32, #tpu.memory_space<vmem_shared>>
      %dma_start3A_23 = arith.constant 0 : i32
      %dma_start3A_24 = arith.constant 0 : i32
      %dma_start3A_25 = tpu.memref_slice %arg9[%dma_start3A_23, %dma_start3A_24] : memref<32x128xf32, #tpu.memory_space<vmem>> -> memref<8x128xf32, #tpu.memory_space<vmem>>
      tpu.enqueue_dma source(%dma_start3A_25 : memref<8x128xf32, #tpu.memory_space<vmem>>) target(%dma_start3A_22 : memref<8x128xf32, #tpu.memory_space<vmem_shared>>) target_semaphore(%run_scoped3A : memref<!tpu.dma_semaphore, #tpu.memory_space<semaphore_mem>>)
      %dma_wait3A = arith.constant 0 : i32
      %dma_wait3A_26 = arith.constant 0 : i32
      %dma_wait3A_27 = tpu.memref_slice %arg9[%dma_wait3A, %dma_wait3A_26] : memref<32x128xf32, #tpu.memory_space<vmem>> -> memref<8x128xf32, #tpu.memory_space<vmem>>
      %dma_wait3A_28 = arith.constant 0 : i32
      %dma_wait3A_29 = tpu.memref_slice %arg15[%add3A_6, %dma_wait3A_28] : memref<5248x128xf32, #tpu.memory_space<vmem_shared>> -> memref<8x128xf32, #tpu.memory_space<vmem_shared>>
      %dma_wait3A_30 = arith.constant 0 : i32
      %dma_wait3A_31 = tpu.memref_slice %arg15[%add3A_6, %dma_wait3A_30] : memref<5248x128xf32, #tpu.memory_space<vmem_shared>> -> memref<8x128xf32, #tpu.memory_space<vmem_shared>>
      %dma_wait3A_32 = arith.constant 0 : i32
      %dma_wait3A_33 = arith.constant 0 : i32
      %dma_wait3A_34 = tpu.memref_slice %arg9[%dma_wait3A_32, %dma_wait3A_33] : memref<32x128xf32, #tpu.memory_space<vmem>> -> memref<8x128xf32, #tpu.memory_space<vmem>>
      tpu.wait_dma2 semaphore(%run_scoped3A : memref<!tpu.dma_semaphore, #tpu.memory_space<semaphore_mem>>) src(%dma_wait3A_34 : memref<8x128xf32, #tpu.memory_space<vmem>>) dst(%dma_wait3A_31 : memref<8x128xf32, #tpu.memory_space<vmem_shared>>)
      tpu.yield
    }) : () -> ()
    %barrier3A = arith.constant 0 : index
    tpu.barrier barrier_id(%barrier3A)
    %iota3A = tpu.iota {dimensions = array<i32: 0>} : vector<16xi32>
    %mul3A_7 = arith.constant 0 : i32
    %mul3A_8 = vector.broadcast %mul3A_7 : i32 to vector<16xi32>
    %mul3A_9 = arith.muli %iota3A, %mul3A_8 : vector<16xi32>
    %scan3A_10 = arith.constant 0 : i32
    %scan3A_11 = arith.constant 0 : i32
    %scan3A_12 = arith.constant 20 : i32
    %scan3A_13 = arith.addi %scan3A_11, %scan3A_12 : i32
    %scan3A_14 = arith.constant 1 : i32
    scf.for %scan3A_17 = %scan3A_11 to %scan3A_13 step %scan3A_14  : i32 {
      "tpu.region"() ({
        %run_scoped3A = tpu.sem_alloc : memref<!tpu.dma_semaphore, #tpu.memory_space<semaphore_mem>>
        %dma_start3A = arith.constant 0 : i32
        %dma_start3A_68 = arith.constant 0 : i32
        %dma_start3A_69 = tpu.memref_slice %arg3[%arg0, %arg1, %scan3A_17, %dma_start3A, %dma_start3A_68] : memref<2x16x20x32x32xi32, #tpu.memory_space<hbm>> -> memref<1x1x1x32x32xi32, #tpu.memory_space<hbm>>
        %dma_start3A_70 = tpu.memref_squeeze %dma_start3A_69 : memref<1x1x1x32x32xi32, #tpu.memory_space<hbm>> -> memref<32x32xi32, #tpu.memory_space<hbm>>
        %dma_start3A_71 = arith.constant 0 : i32
        %dma_start3A_72 = arith.constant 0 : i32
        %dma_start3A_73 = tpu.memref_slice %arg3[%arg0, %arg1, %scan3A_17, %dma_start3A_71, %dma_start3A_72] : memref<2x16x20x32x32xi32, #tpu.memory_space<hbm>> -> memref<1x1x1x32x32xi32, #tpu.memory_space<hbm>>
        %dma_start3A_74 = tpu.memref_squeeze %dma_start3A_73 : memref<1x1x1x32x32xi32, #tpu.memory_space<hbm>> -> memref<32x32xi32, #tpu.memory_space<hbm>>
        tpu.enqueue_dma source(%dma_start3A_74 : memref<32x32xi32, #tpu.memory_space<hbm>>) target(%arg7 : memref<32x32xi32, #tpu.memory_space<vmem>>) target_semaphore(%run_scoped3A : memref<!tpu.dma_semaphore, #tpu.memory_space<semaphore_mem>>)
        %dma_wait3A = arith.constant 0 : i32
        %dma_wait3A_75 = arith.constant 0 : i32
        %dma_wait3A_76 = tpu.memref_slice %arg3[%arg0, %arg1, %scan3A_17, %dma_wait3A, %dma_wait3A_75] : memref<2x16x20x32x32xi32, #tpu.memory_space<hbm>> -> memref<1x1x1x32x32xi32, #tpu.memory_space<hbm>>
        %dma_wait3A_77 = tpu.memref_squeeze %dma_wait3A_76 : memref<1x1x1x32x32xi32, #tpu.memory_space<hbm>> -> memref<32x32xi32, #tpu.memory_space<hbm>>
        %dma_wait3A_78 = arith.constant 0 : i32
        %dma_wait3A_79 = arith.constant 0 : i32
        %dma_wait3A_80 = tpu.memref_slice %arg3[%arg0, %arg1, %scan3A_17, %dma_wait3A_78, %dma_wait3A_79] : memref<2x16x20x32x32xi32, #tpu.memory_space<hbm>> -> memref<1x1x1x32x32xi32, #tpu.memory_space<hbm>>
        %dma_wait3A_81 = tpu.memref_squeeze %dma_wait3A_80 : memref<1x1x1x32x32xi32, #tpu.memory_space<hbm>> -> memref<32x32xi32, #tpu.memory_space<hbm>>
        tpu.wait_dma2 semaphore(%run_scoped3A : memref<!tpu.dma_semaphore, #tpu.memory_space<semaphore_mem>>) src(%dma_wait3A_81 : memref<32x32xi32, #tpu.memory_space<hbm>>) dst(%arg7 : memref<32x32xi32, #tpu.memory_space<vmem>>)
        tpu.yield
      }) : () -> ()
      "tpu.region"() ({
        %run_scoped3A = tpu.sem_alloc : memref<!tpu.dma_semaphore, #tpu.memory_space<semaphore_mem>>
        %dma_start3A = arith.constant 0 : i32
        %dma_start3A_68 = arith.constant 0 : i32
        %dma_start3A_69 = tpu.memref_slice %arg4[%arg0, %arg1, %scan3A_17, %dma_start3A, %dma_start3A_68] : memref<2x16x20x32x32xi32, #tpu.memory_space<hbm>> -> memref<1x1x1x32x32xi32, #tpu.memory_space<hbm>>
        %dma_start3A_70 = tpu.memref_squeeze %dma_start3A_69 : memref<1x1x1x32x32xi32, #tpu.memory_space<hbm>> -> memref<32x32xi32, #tpu.memory_space<hbm>>
        %dma_start3A_71 = arith.constant 0 : i32
        %dma_start3A_72 = arith.constant 0 : i32
        %dma_start3A_73 = tpu.memref_slice %arg4[%arg0, %arg1, %scan3A_17, %dma_start3A_71, %dma_start3A_72] : memref<2x16x20x32x32xi32, #tpu.memory_space<hbm>> -> memref<1x1x1x32x32xi32, #tpu.memory_space<hbm>>
        %dma_start3A_74 = tpu.memref_squeeze %dma_start3A_73 : memref<1x1x1x32x32xi32, #tpu.memory_space<hbm>> -> memref<32x32xi32, #tpu.memory_space<hbm>>
        tpu.enqueue_dma source(%dma_start3A_74 : memref<32x32xi32, #tpu.memory_space<hbm>>) target(%arg8 : memref<32x32xi32, #tpu.memory_space<vmem>>) target_semaphore(%run_scoped3A : memref<!tpu.dma_semaphore, #tpu.memory_space<semaphore_mem>>)
        %dma_wait3A = arith.constant 0 : i32
        %dma_wait3A_75 = arith.constant 0 : i32
        %dma_wait3A_76 = tpu.memref_slice %arg4[%arg0, %arg1, %scan3A_17, %dma_wait3A, %dma_wait3A_75] : memref<2x16x20x32x32xi32, #tpu.memory_space<hbm>> -> memref<1x1x1x32x32xi32, #tpu.memory_space<hbm>>
        %dma_wait3A_77 = tpu.memref_squeeze %dma_wait3A_76 : memref<1x1x1x32x32xi32, #tpu.memory_space<hbm>> -> memref<32x32xi32, #tpu.memory_space<hbm>>
        %dma_wait3A_78 = arith.constant 0 : i32
        %dma_wait3A_79 = arith.constant 0 : i32
        %dma_wait3A_80 = tpu.memref_slice %arg4[%arg0, %arg1, %scan3A_17, %dma_wait3A_78, %dma_wait3A_79] : memref<2x16x20x32x32xi32, #tpu.memory_space<hbm>> -> memref<1x1x1x32x32xi32, #tpu.memory_space<hbm>>
        %dma_wait3A_81 = tpu.memref_squeeze %dma_wait3A_80 : memref<1x1x1x32x32xi32, #tpu.memory_space<hbm>> -> memref<32x32xi32, #tpu.memory_space<hbm>>
        tpu.wait_dma2 semaphore(%run_scoped3A : memref<!tpu.dma_semaphore, #tpu.memory_space<semaphore_mem>>) src(%dma_wait3A_81 : memref<32x32xi32, #tpu.memory_space<hbm>>) dst(%arg8 : memref<32x32xi32, #tpu.memory_space<vmem>>)
        tpu.yield
      }) : () -> ()
      %gather3A = tpu.vector_load_idx %arg8[%iota3A, %mul3A_9] : memref<32x32xi32, #tpu.memory_space<vmem>>[vector<16xi32>, vector<16xi32>], vector<16xi32>,
      %add3A_18 = arith.constant 16 : i32
      %add3A_19 = vector.broadcast %add3A_18 : i32 to vector<16xi32>
      %add3A_20 = arith.addi %iota3A, %add3A_19 : vector<16xi32>
      %gather3A_21 = tpu.vector_load_idx %arg8[%add3A_20, %mul3A_9] : memref<32x32xi32, #tpu.memory_space<vmem>>[vector<16xi32>, vector<16xi32>], vector<16xi32>,
      %lt3A = arith.constant 5000 : i32
      %lt3A_22 = vector.broadcast %lt3A : i32 to vector<16xi32>
      %lt3A_23 = arith.cmpi slt, %gather3A, %lt3A_22 : vector<16xi32>
      %convert_element_type3A = arith.extui %lt3A_23 : vector<16xi1> to vector<16xi32>
      %reduce_sum3A = arith.constant true
      %reduce_sum3A_24 = vector.broadcast %reduce_sum3A : i1 to vector<16xi1>
      %reduce_sum3A_25 = tpu.scan <sum>, %convert_element_type3A masked %reduce_sum3A_24 : vector<16xi32>, vector<16xi1> -> vector<16xi32>
      %reduce_sum3A_26 = vector.extract %reduce_sum3A_25[15] : i32 from vector<16xi32>
      %lt3A_27 = arith.constant 5000 : i32
      %lt3A_28 = vector.broadcast %lt3A_27 : i32 to vector<16xi32>
      %lt3A_29 = arith.cmpi slt, %gather3A_21, %lt3A_28 : vector<16xi32>
      %convert_element_type3A_30 = arith.extui %lt3A_29 : vector<16xi1> to vector<16xi32>
      %reduce_sum3A_31 = arith.constant true
      %reduce_sum3A_32 = vector.broadcast %reduce_sum3A_31 : i1 to vector<16xi1>
      %reduce_sum3A_33 = tpu.scan <sum>, %convert_element_type3A_30 masked %reduce_sum3A_32 : vector<16xi32>, vector<16xi1> -> vector<16xi32>
      %reduce_sum3A_34 = vector.extract %reduce_sum3A_33[15] : i32 from vector<16xi32>
      %add3A_35 = arith.addi %reduce_sum3A_26, %reduce_sum3A_34 : i32
      %add3A_36 = arith.constant 2 : i32
      %add3A_37 = arith.addi %add3A_35, %add3A_36 : i32
      %sub3A = arith.constant 1 : i32
      %sub3A_38 = arith.subi %add3A_37, %sub3A : i32
      %jit3A = arith.constant 2 : i32
      %div3A = arith.divsi %sub3A_38, %jit3A : i32
      %sign3A = arith.constant 0 : i32
      %sign3A_39 = arith.cmpi sgt, %sub3A_38, %sign3A : i32
      %sign3A_40 = arith.extui %sign3A_39 : i1 to i32
      %sign3A_41 = arith.constant 0 : i32
      %sign3A_42 = arith.cmpi slt, %sub3A_38, %sign3A_41 : i32
      %sign3A_43 = arith.extui %sign3A_42 : i1 to i32
      %sign3A_44 = arith.subi %sign3A_40, %sign3A_43 : i32
      %sign3A_45 = arith.constant 0 : i32
      %sign3A_46 = arith.cmpi sgt, %jit3A, %sign3A_45 : i32
      %sign3A_47 = arith.extui %sign3A_46 : i1 to i32
      %sign3A_48 = arith.constant 0 : i32
      %sign3A_49 = arith.cmpi slt, %jit3A, %sign3A_48 : i32
      %sign3A_50 = arith.extui %sign3A_49 : i1 to i32
      %sign3A_51 = arith.subi %sign3A_47, %sign3A_50 : i32
      %ne3A = arith.cmpi ne, %sign3A_44, %sign3A_51 : i32
      %rem3A = arith.remsi %sub3A_38, %jit3A : i32
      %ne3A_52 = arith.constant 0 : i32
      %ne3A_53 = arith.cmpi ne, %rem3A, %ne3A_52 : i32
      %and3A = arith.andi %ne3A, %ne3A_53 : i1
      %sub3A_54 = arith.constant 1 : i32
      %sub3A_55 = arith.subi %div3A, %sub3A_54 : i32
      %select_n3A = arith.select %and3A, %sub3A_55, %div3A : i32
      %gt3A = arith.constant 0 : i32
      %gt3A_56 = arith.cmpi sgt, %select_n3A, %gt3A : i32
      %convert_element_type3A_57 = arith.extui %gt3A_56 : i1 to i32
      %cond3A = arith.constant 0 : i32
      %cond3A_58 = arith.cmpi ne, %convert_element_type3A_57, %cond3A : i32
      scf.if %cond3A_58 {
        %dma_start3A = arith.constant 0 : i32
        %dma_start3A_68 = arith.constant 0 : i32
        %dma_start3A_69 = tpu.memref_slice %arg7[%dma_start3A, %dma_start3A_68] : memref<32x32xi32, #tpu.memory_space<vmem>> -> memref<1x32xi32, #tpu.memory_space<vmem>>
        %dma_start3A_70 = tpu.memref_squeeze %dma_start3A_69 : memref<1x32xi32, #tpu.memory_space<vmem>> -> memref<32xi32, #tpu.memory_space<vmem>>
        %dma_start3A_71 = arith.constant 0 : i32
        %dma_start3A_72 = arith.constant 0 : i32
        %dma_start3A_73 = tpu.memref_slice %arg2[%dma_start3A_71, %dma_start3A_72] : memref<40000x128xf32, #tpu.memory_space<hbm>> -> memref<40000x128xf32, #tpu.memory_space<hbm>>
        tpu.enqueue_indirect_dma source(%dma_start3A_73 : memref<40000x128xf32, #tpu.memory_space<hbm>>) target(%arg9 : memref<32x128xf32, #tpu.memory_space<vmem>>) offsets(%dma_start3A_70 : memref<32xi32, #tpu.memory_space<vmem>>) semaphore(%arg11 : memref<!tpu.dma_semaphore, #tpu.memory_space<semaphore_mem>>)
        %dma_start3A_74 = arith.constant 1 : i32
        %dma_start3A_75 = arith.constant 0 : i32
        %dma_start3A_76 = tpu.memref_slice %arg7[%dma_start3A_74, %dma_start3A_75] : memref<32x32xi32, #tpu.memory_space<vmem>> -> memref<1x32xi32, #tpu.memory_space<vmem>>
        %dma_start3A_77 = tpu.memref_squeeze %dma_start3A_76 : memref<1x32xi32, #tpu.memory_space<vmem>> -> memref<32xi32, #tpu.memory_space<vmem>>
        %dma_start3A_78 = arith.constant 0 : i32
        %dma_start3A_79 = arith.constant 0 : i32
        %dma_start3A_80 = tpu.memref_slice %arg2[%dma_start3A_78, %dma_start3A_79] : memref<40000x128xf32, #tpu.memory_space<hbm>> -> memref<40000x128xf32, #tpu.memory_space<hbm>>
        tpu.enqueue_indirect_dma source(%dma_start3A_80 : memref<40000x128xf32, #tpu.memory_space<hbm>>) target(%arg10 : memref<32x128xf32, #tpu.memory_space<vmem>>) offsets(%dma_start3A_77 : memref<32xi32, #tpu.memory_space<vmem>>) semaphore(%arg12 : memref<!tpu.dma_semaphore, #tpu.memory_space<semaphore_mem>>)
      } else {
      }
      %while3A = arith.constant 0 : i32
      %while3A_59 = arith.constant 0 : i32
      %while3A_60 = arith.subi %select_n3A, %while3A_59 : i32
      %while3A_61 = arith.addi %while3A_59, %while3A_60 : i32
      %while3A_62 = arith.constant 1 : i32
      %while3A_63 = arith.divsi %while3A_60, %while3A_62 : i32
      %while3A_64 = arith.muli %while3A_63, %while3A_62 : i32
      %while3A_65 = arith.addi %while3A_59, %while3A_64 : i32
      %while3A_66 = arith.constant 1 : i32
      scf.for %while3A_68 = %while3A_59 to %while3A_65 step %while3A_66  : i32 {
        %mul3A_69 = arith.constant 2 : i32
        %mul3A_70 = arith.muli %while3A_68, %mul3A_69 : i32
        %add3A_71 = arith.constant 0 : i32
        %add3A_72 = arith.addi %mul3A_70, %add3A_71 : i32
        %dma_wait3A = arith.constant 0 : i32
        %dma_wait3A_73 = tpu.memref_slice %arg7[%add3A_72, %dma_wait3A] : memref<32x32xi32, #tpu.memory_space<vmem>> -> memref<1x32xi32, #tpu.memory_space<vmem>>
        %dma_wait3A_74 = tpu.memref_squeeze %dma_wait3A_73 : memref<1x32xi32, #tpu.memory_space<vmem>> -> memref<32xi32, #tpu.memory_space<vmem>>
        %dma_wait3A_75 = arith.constant 0 : i32
        %dma_wait3A_76 = arith.constant 0 : i32
        %dma_wait3A_77 = tpu.memref_slice %arg2[%dma_wait3A_75, %dma_wait3A_76] : memref<40000x128xf32, #tpu.memory_space<hbm>> -> memref<40000x128xf32, #tpu.memory_space<hbm>>
        tpu.wait_indirect_dma semaphore(%arg11 : memref<!tpu.dma_semaphore, #tpu.memory_space<semaphore_mem>>) src(%dma_wait3A_77 : memref<40000x128xf32, #tpu.memory_space<hbm>>) dst(%arg9 : memref<32x128xf32, #tpu.memory_space<vmem>>)
        %add3A_78 = arith.constant 0 : i32
        %add3A_79 = arith.addi %mul3A_70, %add3A_78 : i32
        %dma_start3A = arith.constant 0 : i32
        %dma_start3A_80 = tpu.memref_slice %arg8[%add3A_79, %dma_start3A] : memref<32x32xi32, #tpu.memory_space<vmem>> -> memref<1x32xi32, #tpu.memory_space<vmem>>
        %dma_start3A_81 = tpu.memref_squeeze %dma_start3A_80 : memref<1x32xi32, #tpu.memory_space<vmem>> -> memref<32xi32, #tpu.memory_space<vmem>>
        %dma_start3A_82 = arith.constant 0 : i32
        %dma_start3A_83 = arith.constant 0 : i32
        %dma_start3A_84 = tpu.memref_slice %arg15[%dma_start3A_82, %dma_start3A_83] : memref<5248x128xf32, #tpu.memory_space<vmem_shared>> -> memref<5248x128xf32, #tpu.memory_space<vmem_shared>>
        tpu.enqueue_indirect_dma source(%arg9 : memref<32x128xf32, #tpu.memory_space<vmem>>) target(%dma_start3A_84 : memref<5248x128xf32, #tpu.memory_space<vmem_shared>>) offsets(%dma_start3A_81 : memref<32xi32, #tpu.memory_space<vmem>>) semaphore(%arg13 : memref<!tpu.dma_semaphore, #tpu.memory_space<semaphore_mem>>) {add = true}
        %add3A_85 = arith.constant 1 : i32
        %add3A_86 = arith.addi %mul3A_70, %add3A_85 : i32
        %dma_wait3A_87 = arith.constant 0 : i32
        %dma_wait3A_88 = tpu.memref_slice %arg7[%add3A_86, %dma_wait3A_87] : memref<32x32xi32, #tpu.memory_space<vmem>> -> memref<1x32xi32, #tpu.memory_space<vmem>>
        %dma_wait3A_89 = tpu.memref_squeeze %dma_wait3A_88 : memref<1x32xi32, #tpu.memory_space<vmem>> -> memref<32xi32, #tpu.memory_space<vmem>>
        %dma_wait3A_90 = arith.constant 0 : i32
        %dma_wait3A_91 = arith.constant 0 : i32
        %dma_wait3A_92 = tpu.memref_slice %arg2[%dma_wait3A_90, %dma_wait3A_91] : memref<40000x128xf32, #tpu.memory_space<hbm>> -> memref<40000x128xf32, #tpu.memory_space<hbm>>
        tpu.wait_indirect_dma semaphore(%arg12 : memref<!tpu.dma_semaphore, #tpu.memory_space<semaphore_mem>>) src(%dma_wait3A_92 : memref<40000x128xf32, #tpu.memory_space<hbm>>) dst(%arg10 : memref<32x128xf32, #tpu.memory_space<vmem>>)
        %add3A_93 = arith.constant 1 : i32
        %add3A_94 = arith.addi %mul3A_70, %add3A_93 : i32
        %dma_start3A_95 = arith.constant 0 : i32
        %dma_start3A_96 = tpu.memref_slice %arg8[%add3A_94, %dma_start3A_95] : memref<32x32xi32, #tpu.memory_space<vmem>> -> memref<1x32xi32, #tpu.memory_space<vmem>>
        %dma_start3A_97 = tpu.memref_squeeze %dma_start3A_96 : memref<1x32xi32, #tpu.memory_space<vmem>> -> memref<32xi32, #tpu.memory_space<vmem>>
        %dma_start3A_98 = arith.constant 0 : i32
        %dma_start3A_99 = arith.constant 0 : i32
        %dma_start3A_100 = tpu.memref_slice %arg15[%dma_start3A_98, %dma_start3A_99] : memref<5248x128xf32, #tpu.memory_space<vmem_shared>> -> memref<5248x128xf32, #tpu.memory_space<vmem_shared>>
        tpu.enqueue_indirect_dma source(%arg10 : memref<32x128xf32, #tpu.memory_space<vmem>>) target(%dma_start3A_100 : memref<5248x128xf32, #tpu.memory_space<vmem_shared>>) offsets(%dma_start3A_97 : memref<32xi32, #tpu.memory_space<vmem>>) semaphore(%arg14 : memref<!tpu.dma_semaphore, #tpu.memory_space<semaphore_mem>>) {add = true}
        %add3A_101 = arith.constant 0 : i32
        %add3A_102 = arith.addi %mul3A_70, %add3A_101 : i32
        %dma_wait3A_103 = arith.constant 0 : i32
        %dma_wait3A_104 = tpu.memref_slice %arg8[%add3A_102, %dma_wait3A_103] : memref<32x32xi32, #tpu.memory_space<vmem>> -> memref<1x32xi32, #tpu.memory_space<vmem>>
        %dma_wait3A_105 = tpu.memref_squeeze %dma_wait3A_104 : memref<1x32xi32, #tpu.memory_space<vmem>> -> memref<32xi32, #tpu.memory_space<vmem>>
        %dma_wait3A_106 = arith.constant 0 : i32
        %dma_wait3A_107 = arith.constant 0 : i32
        %dma_wait3A_108 = tpu.memref_slice %arg15[%dma_wait3A_106, %dma_wait3A_107] : memref<5248x128xf32, #tpu.memory_space<vmem_shared>> -> memref<5248x128xf32, #tpu.memory_space<vmem_shared>>
        tpu.wait_indirect_dma semaphore(%arg13 : memref<!tpu.dma_semaphore, #tpu.memory_space<semaphore_mem>>) src(%arg9 : memref<32x128xf32, #tpu.memory_space<vmem>>) dst(%dma_wait3A_108 : memref<5248x128xf32, #tpu.memory_space<vmem_shared>>)
        %sub3A_109 = arith.constant 1 : i32
        %sub3A_110 = arith.subi %select_n3A, %sub3A_109 : i32
        %lt3A_111 = arith.cmpi slt, %while3A_68, %sub3A_110 : i32
        %convert_element_type3A_112 = arith.extui %lt3A_111 : i1 to i32
        %cond3A_113 = arith.constant 0 : i32
        %cond3A_114 = arith.cmpi ne, %convert_element_type3A_112, %cond3A_113 : i32
        scf.if %cond3A_114 {
          %add3A_129 = arith.constant 2 : i32
          %add3A_130 = arith.addi %mul3A_70, %add3A_129 : i32
          %add3A_131 = arith.constant 0 : i32
          %add3A_132 = arith.addi %add3A_130, %add3A_131 : i32
          %dma_start3A_133 = arith.constant 0 : i32
          %dma_start3A_134 = tpu.memref_slice %arg7[%add3A_132, %dma_start3A_133] : memref<32x32xi32, #tpu.memory_space<vmem>> -> memref<1x32xi32, #tpu.memory_space<vmem>>
          %dma_start3A_135 = tpu.memref_squeeze %dma_start3A_134 : memref<1x32xi32, #tpu.memory_space<vmem>> -> memref<32xi32, #tpu.memory_space<vmem>>
          %dma_start3A_136 = arith.constant 0 : i32
          %dma_start3A_137 = arith.constant 0 : i32
          %dma_start3A_138 = tpu.memref_slice %arg2[%dma_start3A_136, %dma_start3A_137] : memref<40000x128xf32, #tpu.memory_space<hbm>> -> memref<40000x128xf32, #tpu.memory_space<hbm>>
          tpu.enqueue_indirect_dma source(%dma_start3A_138 : memref<40000x128xf32, #tpu.memory_space<hbm>>) target(%arg9 : memref<32x128xf32, #tpu.memory_space<vmem>>) offsets(%dma_start3A_135 : memref<32xi32, #tpu.memory_space<vmem>>) semaphore(%arg11 : memref<!tpu.dma_semaphore, #tpu.memory_space<semaphore_mem>>)
        } else {
        }
        %add3A_115 = arith.constant 1 : i32
        %add3A_116 = arith.addi %mul3A_70, %add3A_115 : i32
        %dma_wait3A_117 = arith.constant 0 : i32
        %dma_wait3A_118 = tpu.memref_slice %arg8[%add3A_116, %dma_wait3A_117] : memref<32x32xi32, #tpu.memory_space<vmem>> -> memref<1x32xi32, #tpu.memory_space<vmem>>
        %dma_wait3A_119 = tpu.memref_squeeze %dma_wait3A_118 : memref<1x32xi32, #tpu.memory_space<vmem>> -> memref<32xi32, #tpu.memory_space<vmem>>
        %dma_wait3A_120 = arith.constant 0 : i32
        %dma_wait3A_121 = arith.constant 0 : i32
        %dma_wait3A_122 = tpu.memref_slice %arg15[%dma_wait3A_120, %dma_wait3A_121] : memref<5248x128xf32, #tpu.memory_space<vmem_shared>> -> memref<5248x128xf32, #tpu.memory_space<vmem_shared>>
        tpu.wait_indirect_dma semaphore(%arg14 : memref<!tpu.dma_semaphore, #tpu.memory_space<semaphore_mem>>) src(%arg10 : memref<32x128xf32, #tpu.memory_space<vmem>>) dst(%dma_wait3A_122 : memref<5248x128xf32, #tpu.memory_space<vmem_shared>>)
        %sub3A_123 = arith.constant 1 : i32
        %sub3A_124 = arith.subi %select_n3A, %sub3A_123 : i32
        %lt3A_125 = arith.cmpi slt, %while3A_68, %sub3A_124 : i32
        %convert_element_type3A_126 = arith.extui %lt3A_125 : i1 to i32
        %cond3A_127 = arith.constant 0 : i32
        %cond3A_128 = arith.cmpi ne, %convert_element_type3A_126, %cond3A_127 : i32
        scf.if %cond3A_128 {
          %add3A_129 = arith.constant 2 : i32
          %add3A_130 = arith.addi %mul3A_70, %add3A_129 : i32
          %add3A_131 = arith.constant 1 : i32
          %add3A_132 = arith.addi %add3A_130, %add3A_131 : i32
          %dma_start3A_133 = arith.constant 0 : i32
          %dma_start3A_134 = tpu.memref_slice %arg7[%add3A_132, %dma_start3A_133] : memref<32x32xi32, #tpu.memory_space<vmem>> -> memref<1x32xi32, #tpu.memory_space<vmem>>
          %dma_start3A_135 = tpu.memref_squeeze %dma_start3A_134 : memref<1x32xi32, #tpu.memory_space<vmem>> -> memref<32xi32, #tpu.memory_space<vmem>>
          %dma_start3A_136 = arith.constant 0 : i32
          %dma_start3A_137 = arith.constant 0 : i32
          %dma_start3A_138 = tpu.memref_slice %arg2[%dma_start3A_136, %dma_start3A_137] : memref<40000x128xf32, #tpu.memory_space<hbm>> -> memref<40000x128xf32, #tpu.memory_space<hbm>>
          tpu.enqueue_indirect_dma source(%dma_start3A_138 : memref<40000x128xf32, #tpu.memory_space<hbm>>) target(%arg10 : memref<32x128xf32, #tpu.memory_space<vmem>>) offsets(%dma_start3A_135 : memref<32xi32, #tpu.memory_space<vmem>>) semaphore(%arg12 : memref<!tpu.dma_semaphore, #tpu.memory_space<semaphore_mem>>)
        } else {
        }
      }
      %while3A_67 = arith.constant 1 : i32
      scf.for %while3A_68 = %while3A_65 to %while3A_61 step %while3A_67  : i32 {
        %mul3A_69 = arith.constant 2 : i32
        %mul3A_70 = arith.muli %while3A_68, %mul3A_69 : i32
        %add3A_71 = arith.constant 0 : i32
        %add3A_72 = arith.addi %mul3A_70, %add3A_71 : i32
        %dma_wait3A = arith.constant 0 : i32
        %dma_wait3A_73 = tpu.memref_slice %arg7[%add3A_72, %dma_wait3A] : memref<32x32xi32, #tpu.memory_space<vmem>> -> memref<1x32xi32, #tpu.memory_space<vmem>>
        %dma_wait3A_74 = tpu.memref_squeeze %dma_wait3A_73 : memref<1x32xi32, #tpu.memory_space<vmem>> -> memref<32xi32, #tpu.memory_space<vmem>>
        %dma_wait3A_75 = arith.constant 0 : i32
        %dma_wait3A_76 = arith.constant 0 : i32
        %dma_wait3A_77 = tpu.memref_slice %arg2[%dma_wait3A_75, %dma_wait3A_76] : memref<40000x128xf32, #tpu.memory_space<hbm>> -> memref<40000x128xf32, #tpu.memory_space<hbm>>
        tpu.wait_indirect_dma semaphore(%arg11 : memref<!tpu.dma_semaphore, #tpu.memory_space<semaphore_mem>>) src(%dma_wait3A_77 : memref<40000x128xf32, #tpu.memory_space<hbm>>) dst(%arg9 : memref<32x128xf32, #tpu.memory_space<vmem>>)
        %add3A_78 = arith.constant 0 : i32
        %add3A_79 = arith.addi %mul3A_70, %add3A_78 : i32
        %dma_start3A = arith.constant 0 : i32
        %dma_start3A_80 = tpu.memref_slice %arg8[%add3A_79, %dma_start3A] : memref<32x32xi32, #tpu.memory_space<vmem>> -> memref<1x32xi32, #tpu.memory_space<vmem>>
        %dma_start3A_81 = tpu.memref_squeeze %dma_start3A_80 : memref<1x32xi32, #tpu.memory_space<vmem>> -> memref<32xi32, #tpu.memory_space<vmem>>
        %dma_start3A_82 = arith.constant 0 : i32
        %dma_start3A_83 = arith.constant 0 : i32
        %dma_start3A_84 = tpu.memref_slice %arg15[%dma_start3A_82, %dma_start3A_83] : memref<5248x128xf32, #tpu.memory_space<vmem_shared>> -> memref<5248x128xf32, #tpu.memory_space<vmem_shared>>
        tpu.enqueue_indirect_dma source(%arg9 : memref<32x128xf32, #tpu.memory_space<vmem>>) target(%dma_start3A_84 : memref<5248x128xf32, #tpu.memory_space<vmem_shared>>) offsets(%dma_start3A_81 : memref<32xi32, #tpu.memory_space<vmem>>) semaphore(%arg13 : memref<!tpu.dma_semaphore, #tpu.memory_space<semaphore_mem>>) {add = true}
        %add3A_85 = arith.constant 1 : i32
        %add3A_86 = arith.addi %mul3A_70, %add3A_85 : i32
        %dma_wait3A_87 = arith.constant 0 : i32
        %dma_wait3A_88 = tpu.memref_slice %arg7[%add3A_86, %dma_wait3A_87] : memref<32x32xi32, #tpu.memory_space<vmem>> -> memref<1x32xi32, #tpu.memory_space<vmem>>
        %dma_wait3A_89 = tpu.memref_squeeze %dma_wait3A_88 : memref<1x32xi32, #tpu.memory_space<vmem>> -> memref<32xi32, #tpu.memory_space<vmem>>
        %dma_wait3A_90 = arith.constant 0 : i32
        %dma_wait3A_91 = arith.constant 0 : i32
        %dma_wait3A_92 = tpu.memref_slice %arg2[%dma_wait3A_90, %dma_wait3A_91] : memref<40000x128xf32, #tpu.memory_space<hbm>> -> memref<40000x128xf32, #tpu.memory_space<hbm>>
        tpu.wait_indirect_dma semaphore(%arg12 : memref<!tpu.dma_semaphore, #tpu.memory_space<semaphore_mem>>) src(%dma_wait3A_92 : memref<40000x128xf32, #tpu.memory_space<hbm>>) dst(%arg10 : memref<32x128xf32, #tpu.memory_space<vmem>>)
        %add3A_93 = arith.constant 1 : i32
        %add3A_94 = arith.addi %mul3A_70, %add3A_93 : i32
        %dma_start3A_95 = arith.constant 0 : i32
        %dma_start3A_96 = tpu.memref_slice %arg8[%add3A_94, %dma_start3A_95] : memref<32x32xi32, #tpu.memory_space<vmem>> -> memref<1x32xi32, #tpu.memory_space<vmem>>
        %dma_start3A_97 = tpu.memref_squeeze %dma_start3A_96 : memref<1x32xi32, #tpu.memory_space<vmem>> -> memref<32xi32, #tpu.memory_space<vmem>>
        %dma_start3A_98 = arith.constant 0 : i32
        %dma_start3A_99 = arith.constant 0 : i32
        %dma_start3A_100 = tpu.memref_slice %arg15[%dma_start3A_98, %dma_start3A_99] : memref<5248x128xf32, #tpu.memory_space<vmem_shared>> -> memref<5248x128xf32, #tpu.memory_space<vmem_shared>>
        tpu.enqueue_indirect_dma source(%arg10 : memref<32x128xf32, #tpu.memory_space<vmem>>) target(%dma_start3A_100 : memref<5248x128xf32, #tpu.memory_space<vmem_shared>>) offsets(%dma_start3A_97 : memref<32xi32, #tpu.memory_space<vmem>>) semaphore(%arg14 : memref<!tpu.dma_semaphore, #tpu.memory_space<semaphore_mem>>) {add = true}
        %add3A_101 = arith.constant 0 : i32
        %add3A_102 = arith.addi %mul3A_70, %add3A_101 : i32
        %dma_wait3A_103 = arith.constant 0 : i32
        %dma_wait3A_104 = tpu.memref_slice %arg8[%add3A_102, %dma_wait3A_103] : memref<32x32xi32, #tpu.memory_space<vmem>> -> memref<1x32xi32, #tpu.memory_space<vmem>>
        %dma_wait3A_105 = tpu.memref_squeeze %dma_wait3A_104 : memref<1x32xi32, #tpu.memory_space<vmem>> -> memref<32xi32, #tpu.memory_space<vmem>>
        %dma_wait3A_106 = arith.constant 0 : i32
        %dma_wait3A_107 = arith.constant 0 : i32
        %dma_wait3A_108 = tpu.memref_slice %arg15[%dma_wait3A_106, %dma_wait3A_107] : memref<5248x128xf32, #tpu.memory_space<vmem_shared>> -> memref<5248x128xf32, #tpu.memory_space<vmem_shared>>
        tpu.wait_indirect_dma semaphore(%arg13 : memref<!tpu.dma_semaphore, #tpu.memory_space<semaphore_mem>>) src(%arg9 : memref<32x128xf32, #tpu.memory_space<vmem>>) dst(%dma_wait3A_108 : memref<5248x128xf32, #tpu.memory_space<vmem_shared>>)
        %sub3A_109 = arith.constant 1 : i32
        %sub3A_110 = arith.subi %select_n3A, %sub3A_109 : i32
        %lt3A_111 = arith.cmpi slt, %while3A_68, %sub3A_110 : i32
        %convert_element_type3A_112 = arith.extui %lt3A_111 : i1 to i32
        %cond3A_113 = arith.constant 0 : i32
        %cond3A_114 = arith.cmpi ne, %convert_element_type3A_112, %cond3A_113 : i32
        scf.if %cond3A_114 {
          %add3A_129 = arith.constant 2 : i32
          %add3A_130 = arith.addi %mul3A_70, %add3A_129 : i32
          %add3A_131 = arith.constant 0 : i32
          %add3A_132 = arith.addi %add3A_130, %add3A_131 : i32
          %dma_start3A_133 = arith.constant 0 : i32
          %dma_start3A_134 = tpu.memref_slice %arg7[%add3A_132, %dma_start3A_133] : memref<32x32xi32, #tpu.memory_space<vmem>> -> memref<1x32xi32, #tpu.memory_space<vmem>>
          %dma_start3A_135 = tpu.memref_squeeze %dma_start3A_134 : memref<1x32xi32, #tpu.memory_space<vmem>> -> memref<32xi32, #tpu.memory_space<vmem>>
          %dma_start3A_136 = arith.constant 0 : i32
          %dma_start3A_137 = arith.constant 0 : i32
          %dma_start3A_138 = tpu.memref_slice %arg2[%dma_start3A_136, %dma_start3A_137] : memref<40000x128xf32, #tpu.memory_space<hbm>> -> memref<40000x128xf32, #tpu.memory_space<hbm>>
          tpu.enqueue_indirect_dma source(%dma_start3A_138 : memref<40000x128xf32, #tpu.memory_space<hbm>>) target(%arg9 : memref<32x128xf32, #tpu.memory_space<vmem>>) offsets(%dma_start3A_135 : memref<32xi32, #tpu.memory_space<vmem>>) semaphore(%arg11 : memref<!tpu.dma_semaphore, #tpu.memory_space<semaphore_mem>>)
        } else {
        }
        %add3A_115 = arith.constant 1 : i32
        %add3A_116 = arith.addi %mul3A_70, %add3A_115 : i32
        %dma_wait3A_117 = arith.constant 0 : i32
        %dma_wait3A_118 = tpu.memref_slice %arg8[%add3A_116, %dma_wait3A_117] : memref<32x32xi32, #tpu.memory_space<vmem>> -> memref<1x32xi32, #tpu.memory_space<vmem>>
        %dma_wait3A_119 = tpu.memref_squeeze %dma_wait3A_118 : memref<1x32xi32, #tpu.memory_space<vmem>> -> memref<32xi32, #tpu.memory_space<vmem>>
        %dma_wait3A_120 = arith.constant 0 : i32
        %dma_wait3A_121 = arith.constant 0 : i32
        %dma_wait3A_122 = tpu.memref_slice %arg15[%dma_wait3A_120, %dma_wait3A_121] : memref<5248x128xf32, #tpu.memory_space<vmem_shared>> -> memref<5248x128xf32, #tpu.memory_space<vmem_shared>>
        tpu.wait_indirect_dma semaphore(%arg14 : memref<!tpu.dma_semaphore, #tpu.memory_space<semaphore_mem>>) src(%arg10 : memref<32x128xf32, #tpu.memory_space<vmem>>) dst(%dma_wait3A_122 : memref<5248x128xf32, #tpu.memory_space<vmem_shared>>)
        %sub3A_123 = arith.constant 1 : i32
        %sub3A_124 = arith.subi %select_n3A, %sub3A_123 : i32
        %lt3A_125 = arith.cmpi slt, %while3A_68, %sub3A_124 : i32
        %convert_element_type3A_126 = arith.extui %lt3A_125 : i1 to i32
        %cond3A_127 = arith.constant 0 : i32
        %cond3A_128 = arith.cmpi ne, %convert_element_type3A_126, %cond3A_127 : i32
        scf.if %cond3A_128 {
          %add3A_129 = arith.constant 2 : i32
          %add3A_130 = arith.addi %mul3A_70, %add3A_129 : i32
          %add3A_131 = arith.constant 1 : i32
          %add3A_132 = arith.addi %add3A_130, %add3A_131 : i32
          %dma_start3A_133 = arith.constant 0 : i32
          %dma_start3A_134 = tpu.memref_slice %arg7[%add3A_132, %dma_start3A_133] : memref<32x32xi32, #tpu.memory_space<vmem>> -> memref<1x32xi32, #tpu.memory_space<vmem>>
          %dma_start3A_135 = tpu.memref_squeeze %dma_start3A_134 : memref<1x32xi32, #tpu.memory_space<vmem>> -> memref<32xi32, #tpu.memory_space<vmem>>
          %dma_start3A_136 = arith.constant 0 : i32
          %dma_start3A_137 = arith.constant 0 : i32
          %dma_start3A_138 = tpu.memref_slice %arg2[%dma_start3A_136, %dma_start3A_137] : memref<40000x128xf32, #tpu.memory_space<hbm>> -> memref<40000x128xf32, #tpu.memory_space<hbm>>
          tpu.enqueue_indirect_dma source(%dma_start3A_138 : memref<40000x128xf32, #tpu.memory_space<hbm>>) target(%arg10 : memref<32x128xf32, #tpu.memory_space<vmem>>) offsets(%dma_start3A_135 : memref<32xi32, #tpu.memory_space<vmem>>) semaphore(%arg12 : memref<!tpu.dma_semaphore, #tpu.memory_space<semaphore_mem>>)
        } else {
        }
      }
    }
    %scan3A_15 = arith.constant 20 : i32
    %barrier3A_16 = arith.constant 0 : index
    tpu.barrier barrier_id(%barrier3A_16)
    "tpu.region"() ({
      %run_scoped3A = tpu.sem_alloc : memref<!tpu.dma_semaphore, #tpu.memory_space<semaphore_mem>>
      %dma_start3A = arith.constant 0 : i32
      %dma_start3A_17 = tpu.memref_slice %arg6[%arg0, %mul3A_0, %dma_start3A] : memref<2x5248x128xf32, #tpu.memory_space<hbm>> -> memref<1x328x128xf32, #tpu.memory_space<hbm>>
      %dma_start3A_18 = tpu.memref_squeeze %dma_start3A_17 : memref<1x328x128xf32, #tpu.memory_space<hbm>> -> memref<328x128xf32, #tpu.memory_space<hbm>>
      %dma_start3A_19 = arith.constant 0 : i32
      %dma_start3A_20 = tpu.memref_slice %arg15[%mul3A_0, %dma_start3A_19] : memref<5248x128xf32, #tpu.memory_space<vmem_shared>> -> memref<328x128xf32, #tpu.memory_space<vmem_shared>>
      tpu.enqueue_dma source(%dma_start3A_20 : memref<328x128xf32, #tpu.memory_space<vmem_shared>>) target(%dma_start3A_18 : memref<328x128xf32, #tpu.memory_space<hbm>>) target_semaphore(%run_scoped3A : memref<!tpu.dma_semaphore, #tpu.memory_space<semaphore_mem>>)
      %dma_wait3A = arith.constant 0 : i32
      %dma_wait3A_21 = tpu.memref_slice %arg6[%arg0, %mul3A_0, %dma_wait3A] : memref<2x5248x128xf32, #tpu.memory_space<hbm>> -> memref<1x328x128xf32, #tpu.memory_space<hbm>>
      %dma_wait3A_22 = tpu.memref_squeeze %dma_wait3A_21 : memref<1x328x128xf32, #tpu.memory_space<hbm>> -> memref<328x128xf32, #tpu.memory_space<hbm>>
      %dma_wait3A_23 = arith.constant 0 : i32
      %dma_wait3A_24 = tpu.memref_slice %arg15[%mul3A_0, %dma_wait3A_23] : memref<5248x128xf32, #tpu.memory_space<vmem_shared>> -> memref<328x128xf32, #tpu.memory_space<vmem_shared>>
      tpu.wait_dma2 semaphore(%run_scoped3A : memref<!tpu.dma_semaphore, #tpu.memory_space<semaphore_mem>>) src(%dma_wait3A_24 : memref<328x128xf32, #tpu.memory_space<vmem_shared>>) dst(%dma_wait3A_22 : memref<328x128xf32, #tpu.memory_space<hbm>>)
      tpu.yield
    }) : () -> ()
    return
  }
}

module attributes {stable_mosaic.version = 14 : i64} {
  func.func @_wcomb_body(%arg0: memref<4x4xf32, #tpu.memory_space<vmem>>, %arg1: memref<4x16384xf32, #tpu.memory_space<vmem>>, %arg2: memref<4x4xf32, #tpu.memory_space<vmem>>, %arg3: memref<4x16384xf32, #tpu.memory_space<vmem>>, %arg4: memref<4x16384xf32, #tpu.memory_space<vmem>>, %arg5: memref<4x16384xf32, #tpu.memory_space<vmem>>) attributes {dimension_semantics = [], scalar_prefetch = 0 : i64, scratch_operands = 0 : i64, tpu.core_type = #tpu.core_type<tc>} {
    %get3A = arith.constant 0 : index
    %get3A_0 = arith.constant 0 : index
    %get3A_1 = vector.load %arg0[%get3A, %get3A_0] : memref<4x4xf32, #tpu.memory_space<vmem>>, vector<4x4xf32>
    %get3A_2 = arith.constant 0 : index
    %get3A_3 = arith.constant 0 : index
    %get3A_4 = vector.load %arg1[%get3A_2, %get3A_3] : memref<4x16384xf32, #tpu.memory_space<vmem>>, vector<4x16384xf32>
    %dot_general3A = arith.constant dense<0.000000e+00> : vector<4x16384xf32>
    %dot_general3A_5 = tpu.matmul %get3A_1, %get3A_4, %dot_general3A {dimension_numbers = #tpu.dot_dimension_numbers<[1], [0], [0], [1], [0, 0, 1, 1], [], []>, transpose_lhs_hint = false} : vector<4x4xf32>, vector<4x16384xf32>, vector<4x16384xf32> -> vector<4x16384xf32>
    %swap3A = arith.constant 0 : index
    %swap3A_6 = arith.constant 0 : index
    %swap3A_7 = vector.load %arg4[%swap3A, %swap3A_6] : memref<4x16384xf32, #tpu.memory_space<vmem>>, vector<4x16384xf32>
    tpu.vector_store %arg4[%swap3A, %swap3A_6], %dot_general3A_5 {strides = array<i32>} : memref<4x16384xf32, #tpu.memory_space<vmem>>, vector<4x16384xf32>,
    %get3A_8 = arith.constant 0 : index
    %get3A_9 = arith.constant 0 : index
    %get3A_10 = vector.load %arg2[%get3A_8, %get3A_9] : memref<4x4xf32, #tpu.memory_space<vmem>>, vector<4x4xf32>
    %get3A_11 = arith.constant 0 : index
    %get3A_12 = arith.constant 0 : index
    %get3A_13 = vector.load %arg3[%get3A_11, %get3A_12] : memref<4x16384xf32, #tpu.memory_space<vmem>>, vector<4x16384xf32>
    %dot_general3A_14 = arith.constant dense<0.000000e+00> : vector<4x16384xf32>
    %dot_general3A_15 = tpu.matmul %get3A_10, %get3A_13, %dot_general3A_14 {dimension_numbers = #tpu.dot_dimension_numbers<[1], [0], [0], [1], [0, 0, 1, 1], [], []>, transpose_lhs_hint = false} : vector<4x4xf32>, vector<4x16384xf32>, vector<4x16384xf32> -> vector<4x16384xf32>
    %swap3A_16 = arith.constant 0 : index
    %swap3A_17 = arith.constant 0 : index
    %swap3A_18 = vector.load %arg5[%swap3A_16, %swap3A_17] : memref<4x16384xf32, #tpu.memory_space<vmem>>, vector<4x16384xf32>
    tpu.vector_store %arg5[%swap3A_16, %swap3A_17], %dot_general3A_15 {strides = array<i32>} : memref<4x16384xf32, #tpu.memory_space<vmem>>, vector<4x16384xf32>,
    return
  }
}

module attributes {stable_mosaic.version = 14 : i64} {
  func.func @_prep_body(%arg0: i32, %arg1: memref<1000x128xf32, #tpu.memory_space<vmem>>, %arg2: memref<4x128x128xf32, #tpu.memory_space<vmem>>, %arg3: memref<128x128xf32, #tpu.memory_space<vmem>>, %arg4: memref<4x1000x128xf32, #tpu.memory_space<vmem>>, %arg5: memref<1000x128xf32, #tpu.memory_space<vmem>>) attributes {dimension_semantics = [#tpu.dimension_semantics<arbitrary>], iteration_bounds = array<i64: 10>, scalar_prefetch = 0 : i64, scratch_operands = 0 : i64, tpu.core_type = #tpu.core_type<tc>, window_params = [{transform_indices = @transform_0, window_bounds = array<i64: 1000, 128>}, {pipeline_mode = #tpu.pipeline_mode<synchronous>, transform_indices = @transform_1, window_bounds = array<i64: 4, 128, 128>}, {pipeline_mode = #tpu.pipeline_mode<synchronous>, transform_indices = @transform_2, window_bounds = array<i64: 128, 128>}, {transform_indices = @transform_3, window_bounds = array<i64: 4, 1000, 128>}, {transform_indices = @transform_4, window_bounds = array<i64: 1000, 128>}]} {
    %get3A = arith.constant 0 : index
    %get3A_0 = arith.constant 0 : index
    %get3A_1 = vector.load %arg1[%get3A, %get3A_0] : memref<1000x128xf32, #tpu.memory_space<vmem>>, vector<1000x128xf32>
    %get3A_2 = arith.constant 0 : index
    %get3A_3 = arith.constant 0 : index
    %get3A_4 = arith.constant 0 : index
    %get3A_5 = vector.load %arg2[%get3A_2, %get3A_3, %get3A_4] : memref<4x128x128xf32, #tpu.memory_space<vmem>>, vector<1x128x128xf32>
    %get3A_6 = vector.shape_cast %get3A_5 : vector<1x128x128xf32> to vector<128x128xf32>
    %dot_general3A = arith.constant dense<0.000000e+00> : vector<1000x128xf32>
    %dot_general3A_7 = tpu.matmul %get3A_1, %get3A_6, %dot_general3A {dimension_numbers = #tpu.dot_dimension_numbers<[1], [0], [0], [1], [0, 0, 1, 1], [], []>, transpose_lhs_hint = false} : vector<1000x128xf32>, vector<128x128xf32>, vector<1000x128xf32> -> vector<1000x128xf32>
    %swap3A = arith.constant 0 : index
    %swap3A_8 = arith.constant 0 : index
    %swap3A_9 = arith.constant 0 : index
    %swap3A_10 = vector.load %arg4[%swap3A, %swap3A_8, %swap3A_9] : memref<4x1000x128xf32, #tpu.memory_space<vmem>>, vector<1x1000x128xf32>
    %swap3A_11 = vector.shape_cast %swap3A_10 : vector<1x1000x128xf32> to vector<1000x128xf32>
    %swap3A_12 = vector.shape_cast %dot_general3A_7 : vector<1000x128xf32> to vector<1x1000x128xf32>
    tpu.vector_store %arg4[%swap3A, %swap3A_8, %swap3A_9], %swap3A_12 {strides = array<i32>} : memref<4x1000x128xf32, #tpu.memory_space<vmem>>, vector<1x1000x128xf32>,
    %get3A_13 = arith.constant 1 : index
    %get3A_14 = arith.constant 0 : index
    %get3A_15 = arith.constant 0 : index
    %get3A_16 = vector.load %arg2[%get3A_13, %get3A_14, %get3A_15] : memref<4x128x128xf32, #tpu.memory_space<vmem>>, vector<1x128x128xf32>
    %get3A_17 = vector.shape_cast %get3A_16 : vector<1x128x128xf32> to vector<128x128xf32>
    %dot_general3A_18 = arith.constant dense<0.000000e+00> : vector<1000x128xf32>
    %dot_general3A_19 = tpu.matmul %get3A_1, %get3A_17, %dot_general3A_18 {dimension_numbers = #tpu.dot_dimension_numbers<[1], [0], [0], [1], [0, 0, 1, 1], [], []>, transpose_lhs_hint = false} : vector<1000x128xf32>, vector<128x128xf32>, vector<1000x128xf32> -> vector<1000x128xf32>
    %swap3A_20 = arith.constant 1 : index
    %swap3A_21 = arith.constant 0 : index
    %swap3A_22 = arith.constant 0 : index
    %swap3A_23 = vector.load %arg4[%swap3A_20, %swap3A_21, %swap3A_22] : memref<4x1000x128xf32, #tpu.memory_space<vmem>>, vector<1x1000x128xf32>
    %swap3A_24 = vector.shape_cast %swap3A_23 : vector<1x1000x128xf32> to vector<1000x128xf32>
    %swap3A_25 = vector.shape_cast %dot_general3A_19 : vector<1000x128xf32> to vector<1x1000x128xf32>
    tpu.vector_store %arg4[%swap3A_20, %swap3A_21, %swap3A_22], %swap3A_25 {strides = array<i32>} : memref<4x1000x128xf32, #tpu.memory_space<vmem>>, vector<1x1000x128xf32>,
    %get3A_26 = arith.constant 2 : index
    %get3A_27 = arith.constant 0 : index
    %get3A_28 = arith.constant 0 : index
    %get3A_29 = vector.load %arg2[%get3A_26, %get3A_27, %get3A_28] : memref<4x128x128xf32, #tpu.memory_space<vmem>>, vector<1x128x128xf32>
    %get3A_30 = vector.shape_cast %get3A_29 : vector<1x128x128xf32> to vector<128x128xf32>
    %dot_general3A_31 = arith.constant dense<0.000000e+00> : vector<1000x128xf32>
    %dot_general3A_32 = tpu.matmul %get3A_1, %get3A_30, %dot_general3A_31 {dimension_numbers = #tpu.dot_dimension_numbers<[1], [0], [0], [1], [0, 0, 1, 1], [], []>, transpose_lhs_hint = false} : vector<1000x128xf32>, vector<128x128xf32>, vector<1000x128xf32> -> vector<1000x128xf32>
    %swap3A_33 = arith.constant 2 : index
    %swap3A_34 = arith.constant 0 : index
    %swap3A_35 = arith.constant 0 : index
    %swap3A_36 = vector.load %arg4[%swap3A_33, %swap3A_34, %swap3A_35] : memref<4x1000x128xf32, #tpu.memory_space<vmem>>, vector<1x1000x128xf32>
    %swap3A_37 = vector.shape_cast %swap3A_36 : vector<1x1000x128xf32> to vector<1000x128xf32>
    %swap3A_38 = vector.shape_cast %dot_general3A_32 : vector<1000x128xf32> to vector<1x1000x128xf32>
    tpu.vector_store %arg4[%swap3A_33, %swap3A_34, %swap3A_35], %swap3A_38 {strides = array<i32>} : memref<4x1000x128xf32, #tpu.memory_space<vmem>>, vector<1x1000x128xf32>,
    %get3A_39 = arith.constant 3 : index
    %get3A_40 = arith.constant 0 : index
    %get3A_41 = arith.constant 0 : index
    %get3A_42 = vector.load %arg2[%get3A_39, %get3A_40, %get3A_41] : memref<4x128x128xf32, #tpu.memory_space<vmem>>, vector<1x128x128xf32>
    %get3A_43 = vector.shape_cast %get3A_42 : vector<1x128x128xf32> to vector<128x128xf32>
    %dot_general3A_44 = arith.constant dense<0.000000e+00> : vector<1000x128xf32>
    %dot_general3A_45 = tpu.matmul %get3A_1, %get3A_43, %dot_general3A_44 {dimension_numbers = #tpu.dot_dimension_numbers<[1], [0], [0], [1], [0, 0, 1, 1], [], []>, transpose_lhs_hint = false} : vector<1000x128xf32>, vector<128x128xf32>, vector<1000x128xf32> -> vector<1000x128xf32>
    %swap3A_46 = arith.constant 3 : index
    %swap3A_47 = arith.constant 0 : index
    %swap3A_48 = arith.constant 0 : index
    %swap3A_49 = vector.load %arg4[%swap3A_46, %swap3A_47, %swap3A_48] : memref<4x1000x128xf32, #tpu.memory_space<vmem>>, vector<1x1000x128xf32>
    %swap3A_50 = vector.shape_cast %swap3A_49 : vector<1x1000x128xf32> to vector<1000x128xf32>
    %swap3A_51 = vector.shape_cast %dot_general3A_45 : vector<1000x128xf32> to vector<1x1000x128xf32>
    tpu.vector_store %arg4[%swap3A_46, %swap3A_47, %swap3A_48], %swap3A_51 {strides = array<i32>} : memref<4x1000x128xf32, #tpu.memory_space<vmem>>, vector<1x1000x128xf32>,
    %get3A_52 = arith.constant 0 : index
    %get3A_53 = arith.constant 0 : index
    %get3A_54 = vector.load %arg3[%get3A_52, %get3A_53] : memref<128x128xf32, #tpu.memory_space<vmem>>, vector<128x128xf32>
    %dot_general3A_55 = arith.constant dense<0.000000e+00> : vector<1000x128xf32>
    %dot_general3A_56 = tpu.matmul %get3A_1, %get3A_54, %dot_general3A_55 {dimension_numbers = #tpu.dot_dimension_numbers<[1], [0], [0], [1], [0, 0, 1, 1], [], []>, transpose_lhs_hint = false} : vector<1000x128xf32>, vector<128x128xf32>, vector<1000x128xf32> -> vector<1000x128xf32>
    %swap3A_57 = arith.constant 0 : index
    %swap3A_58 = arith.constant 0 : index
    %swap3A_59 = vector.load %arg5[%swap3A_57, %swap3A_58] : memref<1000x128xf32, #tpu.memory_space<vmem>>, vector<1000x128xf32>
    tpu.vector_store %arg5[%swap3A_57, %swap3A_58], %dot_general3A_56 {strides = array<i32>} : memref<1000x128xf32, #tpu.memory_space<vmem>>, vector<1000x128xf32>,
    return
  }
  func.func @transform_0(%arg0: i32) -> (i32, i32) {
    %c0_i32 = arith.constant 0 : i32
    %c0_i32_0 = arith.constant 0 : i32
    return %arg0, %c0_i32 : i32, i32
  }
  func.func @transform_1(%arg0: i32) -> (i32, i32, i32) {
    %c0_i32 = arith.constant 0 : i32
    %c0_i32_0 = arith.constant 0 : i32
    %c0_i32_1 = arith.constant 0 : i32
    %c0_i32_2 = arith.constant 0 : i32
    return %c0_i32, %c0_i32_0, %c0_i32_1 : i32, i32, i32
  }
  func.func @transform_2(%arg0: i32) -> (i32, i32) {
    %c0_i32 = arith.constant 0 : i32
    %c0_i32_0 = arith.constant 0 : i32
    %c0_i32_1 = arith.constant 0 : i32
    return %c0_i32, %c0_i32_0 : i32, i32
  }
  func.func @transform_3(%arg0: i32) -> (i32, i32, i32) {
    %c0_i32 = arith.constant 0 : i32
    %c0_i32_0 = arith.constant 0 : i32
    %c0_i32_1 = arith.constant 0 : i32
    return %c0_i32, %arg0, %c0_i32_0 : i32, i32, i32
  }
  func.func @transform_4(%arg0: i32) -> (i32, i32) {
    %c0_i32 = arith.constant 0 : i32
    %c0_i32_0 = arith.constant 0 : i32
    return %arg0, %c0_i32 : i32, i32
  }
}

module attributes {stable_mosaic.version = 14 : i64} {
  func.func @_mid_body(%arg0: i32, %arg1: memref<1x1000x128xf32, #tpu.memory_space<vmem>>, %arg2: memref<1000x16xf32, #tpu.memory_space<vmem>>, %arg3: memref<1000x128xf32, #tpu.memory_space<vmem>>, %arg4: memref<4x128x128xf32, #tpu.memory_space<vmem>>, %arg5: memref<128x128xf32, #tpu.memory_space<vmem>>, %arg6: memref<4x1000x128xf32, #tpu.memory_space<vmem>>, %arg7: memref<1000x128xf32, #tpu.memory_space<vmem>>) attributes {dimension_semantics = [#tpu.dimension_semantics<arbitrary>], iteration_bounds = array<i64: 10>, scalar_prefetch = 0 : i64, scratch_operands = 0 : i64, tpu.core_type = #tpu.core_type<tc>, window_params = [{transform_indices = @transform_0, window_bounds = array<i64: 1, 1000, 128>}, {transform_indices = @transform_1, window_bounds = array<i64: 1000, 16>}, {transform_indices = @transform_2, window_bounds = array<i64: 1000, 128>}, {pipeline_mode = #tpu.pipeline_mode<synchronous>, transform_indices = @transform_3, window_bounds = array<i64: 4, 128, 128>}, {pipeline_mode = #tpu.pipeline_mode<synchronous>, transform_indices = @transform_4, window_bounds = array<i64: 128, 128>}, {transform_indices = @transform_5, window_bounds = array<i64: 4, 1000, 128>}, {transform_indices = @transform_6, window_bounds = array<i64: 1000, 128>}]} {
    %get3A = arith.constant 0 : index
    %get3A_0 = arith.constant 0 : index
    %get3A_1 = vector.load %arg2[%get3A, %get3A_0] : memref<1000x16xf32, #tpu.memory_space<vmem>>, vector<1000x16xf32>
    %reduce_sum3A = arith.constant dense<0.000000e+00> : vector<1000xf32>
    %reduce_sum3A_2 = vector.multi_reduction <add>, %get3A_1, %reduce_sum3A [1] : vector<1000x16xf32> to vector<1000xf32>
    %broadcast_in_dim3A = vector.shape_cast %reduce_sum3A_2 : vector<1000xf32> to vector<1000x1xf32>
    %max3A = arith.constant 1.000000e+00 : f32
    %max3A_3 = vector.broadcast %max3A : f32 to vector<1000x1xf32>
    %max3A_4 = arith.maximumf %broadcast_in_dim3A, %max3A_3 : vector<1000x1xf32>
    %get3A_5 = arith.constant 0 : index
    %get3A_6 = arith.constant 0 : index
    %get3A_7 = arith.constant 0 : index
    %get3A_8 = vector.load %arg1[%get3A_5, %get3A_6, %get3A_7] : memref<1x1000x128xf32, #tpu.memory_space<vmem>>, vector<1x1000x128xf32>
    %get3A_9 = vector.shape_cast %get3A_8 : vector<1x1000x128xf32> to vector<1000x128xf32>
    %div3A = vector.broadcast %max3A_4 : vector<1000x1xf32> to vector<1000x128xf32>
    %div3A_10 = arith.divf %get3A_9, %div3A : vector<1000x128xf32>
    %get3A_11 = arith.constant 0 : index
    %get3A_12 = arith.constant 0 : index
    %get3A_13 = vector.load %arg3[%get3A_11, %get3A_12] : memref<1000x128xf32, #tpu.memory_space<vmem>>, vector<1000x128xf32>
    %add3A = arith.addf %div3A_10, %get3A_13 : vector<1000x128xf32>
    %max3A_14 = arith.constant 0.000000e+00 : f32
    %max3A_15 = vector.broadcast %max3A_14 : f32 to vector<1000x128xf32>
    %max3A_16 = arith.maximumf %add3A, %max3A_15 : vector<1000x128xf32>
    %get3A_17 = arith.constant 0 : index
    %get3A_18 = arith.constant 0 : index
    %get3A_19 = arith.constant 0 : index
    %get3A_20 = vector.load %arg4[%get3A_17, %get3A_18, %get3A_19] : memref<4x128x128xf32, #tpu.memory_space<vmem>>, vector<1x128x128xf32>
    %get3A_21 = vector.shape_cast %get3A_20 : vector<1x128x128xf32> to vector<128x128xf32>
    %dot_general3A = arith.constant dense<0.000000e+00> : vector<1000x128xf32>
    %dot_general3A_22 = tpu.matmul %max3A_16, %get3A_21, %dot_general3A {dimension_numbers = #tpu.dot_dimension_numbers<[1], [0], [0], [1], [0, 0, 1, 1], [], []>, transpose_lhs_hint = false} : vector<1000x128xf32>, vector<128x128xf32>, vector<1000x128xf32> -> vector<1000x128xf32>
    %swap3A = arith.constant 0 : index
    %swap3A_23 = arith.constant 0 : index
    %swap3A_24 = arith.constant 0 : index
    %swap3A_25 = vector.load %arg6[%swap3A, %swap3A_23, %swap3A_24] : memref<4x1000x128xf32, #tpu.memory_space<vmem>>, vector<1x1000x128xf32>
    %swap3A_26 = vector.shape_cast %swap3A_25 : vector<1x1000x128xf32> to vector<1000x128xf32>
    %swap3A_27 = vector.shape_cast %dot_general3A_22 : vector<1000x128xf32> to vector<1x1000x128xf32>
    tpu.vector_store %arg6[%swap3A, %swap3A_23, %swap3A_24], %swap3A_27 {strides = array<i32>} : memref<4x1000x128xf32, #tpu.memory_space<vmem>>, vector<1x1000x128xf32>,
    %get3A_28 = arith.constant 1 : index
    %get3A_29 = arith.constant 0 : index
    %get3A_30 = arith.constant 0 : index
    %get3A_31 = vector.load %arg4[%get3A_28, %get3A_29, %get3A_30] : memref<4x128x128xf32, #tpu.memory_space<vmem>>, vector<1x128x128xf32>
    %get3A_32 = vector.shape_cast %get3A_31 : vector<1x128x128xf32> to vector<128x128xf32>
    %dot_general3A_33 = arith.constant dense<0.000000e+00> : vector<1000x128xf32>
    %dot_general3A_34 = tpu.matmul %max3A_16, %get3A_32, %dot_general3A_33 {dimension_numbers = #tpu.dot_dimension_numbers<[1], [0], [0], [1], [0, 0, 1, 1], [], []>, transpose_lhs_hint = false} : vector<1000x128xf32>, vector<128x128xf32>, vector<1000x128xf32> -> vector<1000x128xf32>
    %swap3A_35 = arith.constant 1 : index
    %swap3A_36 = arith.constant 0 : index
    %swap3A_37 = arith.constant 0 : index
    %swap3A_38 = vector.load %arg6[%swap3A_35, %swap3A_36, %swap3A_37] : memref<4x1000x128xf32, #tpu.memory_space<vmem>>, vector<1x1000x128xf32>
    %swap3A_39 = vector.shape_cast %swap3A_38 : vector<1x1000x128xf32> to vector<1000x128xf32>
    %swap3A_40 = vector.shape_cast %dot_general3A_34 : vector<1000x128xf32> to vector<1x1000x128xf32>
    tpu.vector_store %arg6[%swap3A_35, %swap3A_36, %swap3A_37], %swap3A_40 {strides = array<i32>} : memref<4x1000x128xf32, #tpu.memory_space<vmem>>, vector<1x1000x128xf32>,
    %get3A_41 = arith.constant 2 : index
    %get3A_42 = arith.constant 0 : index
    %get3A_43 = arith.constant 0 : index
    %get3A_44 = vector.load %arg4[%get3A_41, %get3A_42, %get3A_43] : memref<4x128x128xf32, #tpu.memory_space<vmem>>, vector<1x128x128xf32>
    %get3A_45 = vector.shape_cast %get3A_44 : vector<1x128x128xf32> to vector<128x128xf32>
    %dot_general3A_46 = arith.constant dense<0.000000e+00> : vector<1000x128xf32>
    %dot_general3A_47 = tpu.matmul %max3A_16, %get3A_45, %dot_general3A_46 {dimension_numbers = #tpu.dot_dimension_numbers<[1], [0], [0], [1], [0, 0, 1, 1], [], []>, transpose_lhs_hint = false} : vector<1000x128xf32>, vector<128x128xf32>, vector<1000x128xf32> -> vector<1000x128xf32>
    %swap3A_48 = arith.constant 2 : index
    %swap3A_49 = arith.constant 0 : index
    %swap3A_50 = arith.constant 0 : index
    %swap3A_51 = vector.load %arg6[%swap3A_48, %swap3A_49, %swap3A_50] : memref<4x1000x128xf32, #tpu.memory_space<vmem>>, vector<1x1000x128xf32>
    %swap3A_52 = vector.shape_cast %swap3A_51 : vector<1x1000x128xf32> to vector<1000x128xf32>
    %swap3A_53 = vector.shape_cast %dot_general3A_47 : vector<1000x128xf32> to vector<1x1000x128xf32>
    tpu.vector_store %arg6[%swap3A_48, %swap3A_49, %swap3A_50], %swap3A_53 {strides = array<i32>} : memref<4x1000x128xf32, #tpu.memory_space<vmem>>, vector<1x1000x128xf32>,
    %get3A_54 = arith.constant 3 : index
    %get3A_55 = arith.constant 0 : index
    %get3A_56 = arith.constant 0 : index
    %get3A_57 = vector.load %arg4[%get3A_54, %get3A_55, %get3A_56] : memref<4x128x128xf32, #tpu.memory_space<vmem>>, vector<1x128x128xf32>
    %get3A_58 = vector.shape_cast %get3A_57 : vector<1x128x128xf32> to vector<128x128xf32>
    %dot_general3A_59 = arith.constant dense<0.000000e+00> : vector<1000x128xf32>
    %dot_general3A_60 = tpu.matmul %max3A_16, %get3A_58, %dot_general3A_59 {dimension_numbers = #tpu.dot_dimension_numbers<[1], [0], [0], [1], [0, 0, 1, 1], [], []>, transpose_lhs_hint = false} : vector<1000x128xf32>, vector<128x128xf32>, vector<1000x128xf32> -> vector<1000x128xf32>
    %swap3A_61 = arith.constant 3 : index
    %swap3A_62 = arith.constant 0 : index
    %swap3A_63 = arith.constant 0 : index
    %swap3A_64 = vector.load %arg6[%swap3A_61, %swap3A_62, %swap3A_63] : memref<4x1000x128xf32, #tpu.memory_space<vmem>>, vector<1x1000x128xf32>
    %swap3A_65 = vector.shape_cast %swap3A_64 : vector<1x1000x128xf32> to vector<1000x128xf32>
    %swap3A_66 = vector.shape_cast %dot_general3A_60 : vector<1000x128xf32> to vector<1x1000x128xf32>
    tpu.vector_store %arg6[%swap3A_61, %swap3A_62, %swap3A_63], %swap3A_66 {strides = array<i32>} : memref<4x1000x128xf32, #tpu.memory_space<vmem>>, vector<1x1000x128xf32>,
    %get3A_67 = arith.constant 0 : index
    %get3A_68 = arith.constant 0 : index
    %get3A_69 = vector.load %arg5[%get3A_67, %get3A_68] : memref<128x128xf32, #tpu.memory_space<vmem>>, vector<128x128xf32>
    %dot_general3A_70 = arith.constant dense<0.000000e+00> : vector<1000x128xf32>
    %dot_general3A_71 = tpu.matmul %max3A_16, %get3A_69, %dot_general3A_70 {dimension_numbers = #tpu.dot_dimension_numbers<[1], [0], [0], [1], [0, 0, 1, 1], [], []>, transpose_lhs_hint = false} : vector<1000x128xf32>, vector<128x128xf32>, vector<1000x128xf32> -> vector<1000x128xf32>
    %swap3A_72 = arith.constant 0 : index
    %swap3A_73 = arith.constant 0 : index
    %swap3A_74 = vector.load %arg7[%swap3A_72, %swap3A_73] : memref<1000x128xf32, #tpu.memory_space<vmem>>, vector<1000x128xf32>
    tpu.vector_store %arg7[%swap3A_72, %swap3A_73], %dot_general3A_71 {strides = array<i32>} : memref<1000x128xf32, #tpu.memory_space<vmem>>, vector<1000x128xf32>,
    return
  }
  func.func @transform_0(%arg0: i32) -> (i32, i32, i32) {
    %jit3A = arith.constant 5 : i32
    %div3A = arith.divsi %arg0, %jit3A : i32
    %sign3A = arith.constant 0 : i32
    %sign3A_0 = arith.cmpi sgt, %arg0, %sign3A : i32
    %sign3A_1 = arith.extui %sign3A_0 : i1 to i32
    %sign3A_2 = arith.constant 0 : i32
    %sign3A_3 = arith.cmpi slt, %arg0, %sign3A_2 : i32
    %sign3A_4 = arith.extui %sign3A_3 : i1 to i32
    %sign3A_5 = arith.subi %sign3A_1, %sign3A_4 : i32
    %sign3A_6 = arith.constant 0 : i32
    %sign3A_7 = arith.cmpi sgt, %jit3A, %sign3A_6 : i32
    %sign3A_8 = arith.extui %sign3A_7 : i1 to i32
    %sign3A_9 = arith.constant 0 : i32
    %sign3A_10 = arith.cmpi slt, %jit3A, %sign3A_9 : i32
    %sign3A_11 = arith.extui %sign3A_10 : i1 to i32
    %sign3A_12 = arith.subi %sign3A_8, %sign3A_11 : i32
    %ne3A = arith.cmpi ne, %sign3A_5, %sign3A_12 : i32
    %rem3A = arith.remsi %arg0, %jit3A : i32
    %ne3A_13 = arith.constant 0 : i32
    %ne3A_14 = arith.cmpi ne, %rem3A, %ne3A_13 : i32
    %and3A = arith.andi %ne3A, %ne3A_14 : i1
    %sub3A = arith.constant 1 : i32
    %sub3A_15 = arith.subi %div3A, %sub3A : i32
    %select_n3A = arith.select %and3A, %sub3A_15, %div3A : i32
    %jit3A_16 = arith.constant 5 : i32
    %eq3A = arith.constant 0 : i32
    %eq3A_17 = arith.cmpi eq, %jit3A_16, %eq3A : i32
    %jit3A_18 = arith.constant 1 : i32
    %select_n3A_19 = arith.select %eq3A_17, %jit3A_18, %jit3A_16 : i32
    %rem3A_20 = arith.remsi %arg0, %select_n3A_19 : i32
    %ne3A_21 = arith.constant 0 : i32
    %ne3A_22 = arith.cmpi ne, %rem3A_20, %ne3A_21 : i32
    %lt3A = arith.constant 0 : i32
    %lt3A_23 = arith.cmpi slt, %rem3A_20, %lt3A : i32
    %lt3A_24 = arith.constant 0 : i32
    %lt3A_25 = arith.cmpi slt, %select_n3A_19, %lt3A_24 : i32
    %ne3A_26 = arith.xori %lt3A_23, %lt3A_25 : i1
    %and3A_27 = arith.andi %ne3A_26, %ne3A_22 : i1
    %add3A = arith.addi %rem3A_20, %select_n3A_19 : i32
    %select_n3A_28 = arith.select %and3A_27, %add3A, %rem3A_20 : i32
    %c0_i32 = arith.constant 0 : i32
    %c0_i32_29 = arith.constant 0 : i32
    return %select_n3A, %select_n3A_28, %c0_i32 : i32, i32, i32
  }
  func.func @transform_1(%arg0: i32) -> (i32, i32) {
    %c0_i32 = arith.constant 0 : i32
    %c0_i32_0 = arith.constant 0 : i32
    return %arg0, %c0_i32 : i32, i32
  }
  func.func @transform_2(%arg0: i32) -> (i32, i32) {
    %c0_i32 = arith.constant 0 : i32
    %c0_i32_0 = arith.constant 0 : i32
    return %arg0, %c0_i32 : i32, i32
  }
  func.func @transform_3(%arg0: i32) -> (i32, i32, i32) {
    %c0_i32 = arith.constant 0 : i32
    %c0_i32_0 = arith.constant 0 : i32
    %c0_i32_1 = arith.constant 0 : i32
    %c0_i32_2 = arith.constant 0 : i32
    return %c0_i32, %c0_i32_0, %c0_i32_1 : i32, i32, i32
  }
  func.func @transform_4(%arg0: i32) -> (i32, i32) {
    %c0_i32 = arith.constant 0 : i32
    %c0_i32_0 = arith.constant 0 : i32
    %c0_i32_1 = arith.constant 0 : i32
    return %c0_i32, %c0_i32_0 : i32, i32
  }
  func.func @transform_5(%arg0: i32) -> (i32, i32, i32) {
    %c0_i32 = arith.constant 0 : i32
    %c0_i32_0 = arith.constant 0 : i32
    %c0_i32_1 = arith.constant 0 : i32
    return %c0_i32, %arg0, %c0_i32_0 : i32, i32, i32
  }
  func.func @transform_6(%arg0: i32) -> (i32, i32) {
    %c0_i32 = arith.constant 0 : i32
    %c0_i32_0 = arith.constant 0 : i32
    return %arg0, %c0_i32 : i32, i32
  }
}

module attributes {stable_mosaic.version = 14 : i64} {
  func.func @_post_body(%arg0: i32, %arg1: memref<1x1000x128xf32, #tpu.memory_space<vmem>>, %arg2: memref<1000x16xf32, #tpu.memory_space<vmem>>, %arg3: memref<1000x128xf32, #tpu.memory_space<vmem>>, %arg4: memref<1000x128xf32, #tpu.memory_space<vmem>>) attributes {dimension_semantics = [#tpu.dimension_semantics<arbitrary>], iteration_bounds = array<i64: 10>, scalar_prefetch = 0 : i64, scratch_operands = 0 : i64, tpu.core_type = #tpu.core_type<tc>, window_params = [{transform_indices = @transform_0, window_bounds = array<i64: 1, 1000, 128>}, {transform_indices = @transform_1, window_bounds = array<i64: 1000, 16>}, {transform_indices = @transform_2, window_bounds = array<i64: 1000, 128>}, {transform_indices = @transform_3, window_bounds = array<i64: 1000, 128>}]} {
    %get3A = arith.constant 0 : index
    %get3A_0 = arith.constant 0 : index
    %get3A_1 = vector.load %arg2[%get3A, %get3A_0] : memref<1000x16xf32, #tpu.memory_space<vmem>>, vector<1000x16xf32>
    %reduce_sum3A = arith.constant dense<0.000000e+00> : vector<1000xf32>
    %reduce_sum3A_2 = vector.multi_reduction <add>, %get3A_1, %reduce_sum3A [1] : vector<1000x16xf32> to vector<1000xf32>
    %broadcast_in_dim3A = vector.shape_cast %reduce_sum3A_2 : vector<1000xf32> to vector<1000x1xf32>
    %max3A = arith.constant 1.000000e+00 : f32
    %max3A_3 = vector.broadcast %max3A : f32 to vector<1000x1xf32>
    %max3A_4 = arith.maximumf %broadcast_in_dim3A, %max3A_3 : vector<1000x1xf32>
    %get3A_5 = arith.constant 0 : index
    %get3A_6 = arith.constant 0 : index
    %get3A_7 = arith.constant 0 : index
    %get3A_8 = vector.load %arg1[%get3A_5, %get3A_6, %get3A_7] : memref<1x1000x128xf32, #tpu.memory_space<vmem>>, vector<1x1000x128xf32>
    %get3A_9 = vector.shape_cast %get3A_8 : vector<1x1000x128xf32> to vector<1000x128xf32>
    %div3A = vector.broadcast %max3A_4 : vector<1000x1xf32> to vector<1000x128xf32>
    %div3A_10 = arith.divf %get3A_9, %div3A : vector<1000x128xf32>
    %get3A_11 = arith.constant 0 : index
    %get3A_12 = arith.constant 0 : index
    %get3A_13 = vector.load %arg3[%get3A_11, %get3A_12] : memref<1000x128xf32, #tpu.memory_space<vmem>>, vector<1000x128xf32>
    %add3A = arith.addf %div3A_10, %get3A_13 : vector<1000x128xf32>
    %swap3A = arith.constant 0 : index
    %swap3A_14 = arith.constant 0 : index
    %swap3A_15 = vector.load %arg4[%swap3A, %swap3A_14] : memref<1000x128xf32, #tpu.memory_space<vmem>>, vector<1000x128xf32>
    tpu.vector_store %arg4[%swap3A, %swap3A_14], %add3A {strides = array<i32>} : memref<1000x128xf32, #tpu.memory_space<vmem>>, vector<1000x128xf32>,
    return
  }
  func.func @transform_0(%arg0: i32) -> (i32, i32, i32) {
    %jit3A = arith.constant 5 : i32
    %div3A = arith.divsi %arg0, %jit3A : i32
    %sign3A = arith.constant 0 : i32
    %sign3A_0 = arith.cmpi sgt, %arg0, %sign3A : i32
    %sign3A_1 = arith.extui %sign3A_0 : i1 to i32
    %sign3A_2 = arith.constant 0 : i32
    %sign3A_3 = arith.cmpi slt, %arg0, %sign3A_2 : i32
    %sign3A_4 = arith.extui %sign3A_3 : i1 to i32
    %sign3A_5 = arith.subi %sign3A_1, %sign3A_4 : i32
    %sign3A_6 = arith.constant 0 : i32
    %sign3A_7 = arith.cmpi sgt, %jit3A, %sign3A_6 : i32
    %sign3A_8 = arith.extui %sign3A_7 : i1 to i32
    %sign3A_9 = arith.constant 0 : i32
    %sign3A_10 = arith.cmpi slt, %jit3A, %sign3A_9 : i32
    %sign3A_11 = arith.extui %sign3A_10 : i1 to i32
    %sign3A_12 = arith.subi %sign3A_8, %sign3A_11 : i32
    %ne3A = arith.cmpi ne, %sign3A_5, %sign3A_12 : i32
    %rem3A = arith.remsi %arg0, %jit3A : i32
    %ne3A_13 = arith.constant 0 : i32
    %ne3A_14 = arith.cmpi ne, %rem3A, %ne3A_13 : i32
    %and3A = arith.andi %ne3A, %ne3A_14 : i1
    %sub3A = arith.constant 1 : i32
    %sub3A_15 = arith.subi %div3A, %sub3A : i32
    %select_n3A = arith.select %and3A, %sub3A_15, %div3A : i32
    %jit3A_16 = arith.constant 5 : i32
    %eq3A = arith.constant 0 : i32
    %eq3A_17 = arith.cmpi eq, %jit3A_16, %eq3A : i32
    %jit3A_18 = arith.constant 1 : i32
    %select_n3A_19 = arith.select %eq3A_17, %jit3A_18, %jit3A_16 : i32
    %rem3A_20 = arith.remsi %arg0, %select_n3A_19 : i32
    %ne3A_21 = arith.constant 0 : i32
    %ne3A_22 = arith.cmpi ne, %rem3A_20, %ne3A_21 : i32
    %lt3A = arith.constant 0 : i32
    %lt3A_23 = arith.cmpi slt, %rem3A_20, %lt3A : i32
    %lt3A_24 = arith.constant 0 : i32
    %lt3A_25 = arith.cmpi slt, %select_n3A_19, %lt3A_24 : i32
    %ne3A_26 = arith.xori %lt3A_23, %lt3A_25 : i1
    %and3A_27 = arith.andi %ne3A_26, %ne3A_22 : i1
    %add3A = arith.addi %rem3A_20, %select_n3A_19 : i32
    %select_n3A_28 = arith.select %and3A_27, %add3A, %rem3A_20 : i32
    %c0_i32 = arith.constant 0 : i32
    %c0_i32_29 = arith.constant 0 : i32
    return %select_n3A, %select_n3A_28, %c0_i32 : i32, i32, i32
  }
  func.func @transform_1(%arg0: i32) -> (i32, i32) {
    %c0_i32 = arith.constant 0 : i32
    %c0_i32_0 = arith.constant 0 : i32
    return %arg0, %c0_i32 : i32, i32
  }
  func.func @transform_2(%arg0: i32) -> (i32, i32) {
    %c0_i32 = arith.constant 0 : i32
    %c0_i32_0 = arith.constant 0 : i32
    return %arg0, %c0_i32 : i32, i32
  }
  func.func @transform_3(%arg0: i32) -> (i32, i32) {
    %c0_i32 = arith.constant 0 : i32
    %c0_i32_0 = arith.constant 0 : i32
    return %arg0, %c0_i32 : i32, i32
  }
}

</mosaic_0001>

<sc_bundles>
// kernel: kernel.15.cloned.1.call-start
scs
__scs_entry_jumppad:
0x0: {  	(pc) =	sbr.rel $0x88, $3  }
0x1: {  	(tag) =	ssettag $0x0;
	lr =	simm.s32 $0x1  }
0x2: {  	[smem:$0x3F98] =	sst lr;
	_ =	strace $0xD0000000  }
0x3: {  	_ = 	snop  }
0x4: {  	_ = 	snop  }
0x5: {  	_ = 	snop  }
0x6: {  	_ = 	snop  }
0x7: {  	_ = 	snop  }
__scs_overlays_trampoline_lowered:
0x8: {  	[smem:$0x3FA7] =	sst s0  }
0x9: {  	[smem:$0x3FA8] =	sst s1  }
0xa: {  	[smem:$0x3FA9] =	sst s2  }
0xb: {  	[smem:$0x3FAA] =	sst s3  }
0xc: {  	[smem:$0x3FAB] =	sst s4  }
0xd: {  	[smem:$0x3FAC] =	sst s5  }
0xe: {  	[smem:$0x3FAD] =	sst s6  }
0xf: {  	[smem:$0x3FAE] =	sst s7  }
0x10: {  	[smem:$0x3FAF] =	sst s8  }
0x11: {  	[smem:$0x3FB0] =	sst s9;
	s0 =	simm.s32 @!p0 $0x0  }
0x12: {  	s1 =	sld [smem:$0x3F96];
	s0 =	simm.s32 @p0 $0x1  }
0x13: {  	[smem:$0x3FB1] =	sst s0;
	s0 =	simm.s32 @!p1 $0x0  }
0x14: {  	s2 =	sld [smem:$0x3F95];
	s0 =	simm.s32 @p1 $0x1  }
0x15: {  	[smem:$0x3FB2] =	sst s0;
	s0 =	simm.s32 @!p2 $0x0  }
0x16: {  	s3 =	sld [smem:$0x3FDB];
	s0 =	simm.s32 @p2 $0x1  }
0x17: {  	s4 =	simm.s32 $0x1BF5;
	[smem:$0x3FB4] =	sst s0  }
0x18: {  	s0 =	sld [smem:$0x3F97];
	_ =	swait.ge [sflag:s4], $0x0  }
0x19: {  	s7 =	sld [smem:$0x3F98]  }
0x1a: {  	s8 =	sadd.s32 $0xFFFFE003, lr  }
0x1b: {  	s9 =	sadd.s32 $0xFFFFFEF7, lr;
	s5 =	simm.s32 $0xFFFFFFFF;
	p2 =	slt.u32 s8, $0xFFFFF086  }
0x1c: {  	p1 =	slt.u32 s9, $0xF7A;
	s5 =	simm.s32 @!p2 $0x0  }
0x1d: {  	s5 =	simm.s32 @p1 $0x1;
	p0 =	seq.s32 s7, s2  }
0x1e: {  	s7 =	smul.u32 @!p0 $0xF7A, s2;
	p2 =	seq.s32 @!p0 s5, $0x0  }
0x1f: {  	s9 =	smul.u32 $0xF7A, s1;
	s8 =	simm.s32 @!p0 $0x1BF5;
	p2 =	por !p2, p0  }
0x20: {  	[sflag:s8] =	ssyncset.s32 @!p0 $0xFFFFF086;
	s6 =	sadd.s32 @!p0 s3, s7;
	s7 =	simm.s32 @!p0 $0x108  }
0x21: {  	s3 =	sadd.s32 s3, s9;
	s6 =	sadd.s32 @!p0 $0x88, s6;
	s7 =	simm.s32 @p2 $0x1082  }
0x22: {  	[simem:s7], [sflag:s8] =	dma.local @!p0 [hbm:s6], $0xF7A  }
0x23: {  	s9 =	sor.u32 $0xD0000000, s2;
	s6 =	simm.s32 $0x108;
	_ =	swait.ge @!p0 [sflag:s8], $0x0  }
0x24: {  	s3 =	sadd.s32 $0x88, s3;
	s6 =	simm.s32 @!p1 $0x1082;
	[sflag:s4] =	ssyncset.s32 $0xFFFFF086  }
0x25: {  	[simem:s6], [sflag:s4] =	dma.local [hbm:s3], $0xF7A  }
0x26: {  	[smem:$0x3F98] =	sst s1;
	(tag) =	ssettag s2;
	_ =	strace s9  }
0x27: {  	s1 =	sld [smem:$0x3FA8]  }
0x28: {  	s2 =	sld [smem:$0x3FA9]  }
0x29: {  	s4 =	sld [smem:$0x3FAB]  }
0x2a: {  	p0 =	seq.s32 s5, $0x0;
	s5 =	sld [smem:$0x3FAC]  }
0x2b: {  	s6 =	sld [smem:$0x3FAD]  }
0x2c: {  	s7 =	sld [smem:$0x3FAE]  }
0x2d: {  	s3 =	simm.s32 $0x108;
	s8 =	sld [smem:$0x3FAF]  }
0x2e: {  	s3 =	simm.s32 @!p0 $0x1082;
	s9 =	sld [smem:$0x3FB0]  }
0x2f: {  	lr =	sadd.s32 s0, s3;
	s0 =	sld [smem:$0x3FA7]  }
0x30: {  	s3 =	sld [smem:$0x3FAA]  }
0x31: {  	[smem:$0x3FB3] =	sst s10  }
0x32: {  	s10 =	sld [smem:$0x3FB1];
	_ =	sdelay $0x3  }
0x33: {  	p0 =	seq.s32 s10, $0x1;
	s10 =	sld [smem:$0x3FB3];
	_ =	sdelay $0x3  }
0x34: {  	[smem:$0x3FB3] =	sst s10  }
0x35: {  	s10 =	sld [smem:$0x3FB2];
	_ =	sdelay $0x3  }
0x36: {  	p1 =	seq.s32 s10, $0x1;
	s10 =	sld [smem:$0x3FB3];
	_ =	sdelay $0x3  }
0x37: {  	[smem:$0x3FB3] =	sst s10  }
0x38: {  	s10 =	sld [smem:$0x3FB4]  }
0x39: {  	_ = 	snop;
	(pc) =	sbr.ind lr, $3  }
0x3a: {  	_ = 	snop  }
0x3b: {  	_ = 	snop  }
0x3c: {  	p2 =	seq.s32 s10, $0x1;
	s10 =	sld [smem:$0x3FB3]  }
0x3d: {  	_ =	shalt  }
0x3e: {  	_ =	shalt  }
0x3f: {  	_ =	shalt  }
0x40: {  	_ =	shalt  }
0x41: {  	_ =	shalt  }
0x42: {  	_ =	shalt  }
0x43: {  	_ =	shalt  }
0x44: {  	_ =	shalt  }
0x45: {  	_ =	shalt  }
0x46: {  	_ =	shalt  }
0x47: {  	_ =	shalt  }
0x48: {  	_ =	shalt  }
0x49: {  	_ =	shalt  }
0x4a: {  	_ =	shalt  }
0x4b: {  	_ =	shalt  }
0x4c: {  	_ =	shalt  }
0x4d: {  	_ =	shalt  }
0x4e: {  	_ =	shalt  }
0x4f: {  	_ =	shalt  }
0x50: {  	_ =	shalt  }
0x51: {  	_ =	shalt  }
0x52: {  	_ =	shalt  }
0x53: {  	_ =	shalt  }
0x54: {  	_ =	shalt  }
0x55: {  	_ =	shalt  }
0x56: {  	_ =	shalt  }
0x57: {  	_ =	shalt  }
0x58: {  	_ =	shalt  }
0x59: {  	_ =	shalt  }
0x5a: {  	_ =	shalt  }
0x5b: {  	_ =	shalt  }
0x5c: {  	_ =	shalt  }
0x5d: {  	_ =	shalt  }
0x5e: {  	_ =	shalt  }
0x5f: {  	_ =	shalt  }
0x60: {  	_ =	shalt  }
0x61: {  	_ =	shalt  }
0x62: {  	_ =	shalt  }
0x63: {  	_ =	shalt  }
0x64: {  	_ =	shalt  }
0x65: {  	_ =	shalt  }
0x66: {  	_ =	shalt  }
0x67: {  	_ =	shalt  }
0x68: {  	_ =	shalt  }
0x69: {  	_ =	shalt  }
0x6a: {  	_ =	shalt  }
0x6b: {  	_ =	shalt  }
0x6c: {  	_ =	shalt  }
0x6d: {  	_ =	shalt  }
0x6e: {  	_ =	shalt  }
0x6f: {  	_ =	shalt  }
0x70: {  	_ =	shalt  }
0x71: {  	_ =	shalt  }
0x72: {  	_ =	shalt  }
0x73: {  	_ =	shalt  }
0x74: {  	_ =	shalt  }
0x75: {  	_ =	shalt  }
0x76: {  	_ =	shalt  }
0x77: {  	_ =	shalt  }
0x78: {  	_ =	shalt  }
0x79: {  	_ =	shalt  }
0x7a: {  	_ =	shalt  }
0x7b: {  	_ =	shalt  }
0x7c: {  	_ =	shalt  }
0x7d: {  	_ =	shalt  }
0x7e: {  	_ =	shalt  }
0x7f: {  	_ =	shalt  }
0x80: {  	_ =	shalt  }
0x81: {  	_ =	shalt  }
0x82: {  	_ =	shalt  }
0x83: {  	_ =	shalt  }
0x84: {  	_ =	shalt  }
0x85: {  	_ =	shalt  }
0x86: {  	_ =	shalt  }
0x87: {  	_ =	shalt  }
.Lfunc_end0:
.L_simem_size_0:
called_computation_lowered:
.L_overlay_start_0:
0x88: {  	s0 =	sld [smem:$0x3FD9]  }
0x89: {  	s1 =	sld [smem:$0x3FFE];
	_ =	sdelay $0x3  }
0x8a: {  	s0 =	sadd.s32 s1, s0  }
0x8b: {  	[smem:$0x3FBF] =	sst s0  }
0x8c: {  	_ = 	snop  }
0x8d: {  	s0 =	sld [smem:$0x3FD0];
	(tm) =	ssettm $0x1  }
0x8e: {  	s16 =	sld [smem:$0x3FFB];
	_ =	sdelay $0x3  }
0x8f: {  	_ =	strace s16  }
0x90: {  	s1 =	sld [smem:$0x3FFC];
	_ =	sdelay $0x3  }
0x91: {  	_ =	strace s1  }
0x92: {  	s1 =	sld [smem:$0x3FFD];
	_ =	sdelay $0x3  }
0x93: {  	_ =	strace s1  }
0x94: {  	_ =	strace $0x8FFFFFFF  }
0x95: {  	s17 =	sld [smem:$0x3FDB];
	_ =	sdelay $0x1  }
0x96: {  	s2 =	simm.s32 $_scs_section_size  }
0x97: {  	s3 =	simm.s32 $_size__tile_overlayer_lowered;
	s4 =	simm.s32 $_tile_overlayer_lowered  }
0x98: {  	s20 =	simm.s32 $0x1BFF;
	s19 =	sshll.u32 s4, $0x1;
	s1 =	sadd.s32 s2, s17  }
0x99: {  	s5 =	simm.s32 $0x0;
	s18 =	sshll.u32 s3, $0x1;
	s3 =	sadd.s32 s19, s1  }
0x9a: {  	[timem:s5], [sflag:s20] =	dma.local [hbm:s3], s18  }
0x9b: {  	_ =	swait.ge [sflag:s20], s18  }
0x9c: {  	s2 =	ssub.s32 $0x0, s18;
	[sflag:s20] =	ssyncset.done $0x0  }
0x9d: {  	[sflag:s20] =	ssyncadd.s32 s2;
	_ =	sdelay $0x1  }
0x9e: {  	s21 =	simm.s32 $0x1B8B  }
0x9f: {  	_ =	swait.ge [sflag:s21], $0x1  }
0xa0: {  	[sflag:s21] =	ssyncset.done $0x0  }
0xa1: {  	s23 =	simm.s32 $0x1B8E;
	s22 =	sld [smem:$0x3FFE];
	[sflag:s21] =	ssyncadd.s32 $0xFFFFFFFF  }
0xa2: {  	s24 =	simm.s32 $execute0_lowered;
	[smem:$0x3FD2] =	sst s23  }
0xa3: {  	s3 =	sshll.u32 s24, $0x1;
	_ =	strace $0x80000046;
	[dreg:$0x1] =	wrdreg $0xFFFFFFFF  }
0xa4: {  	s25 =	simm.s32 $_size_execute0_lowered;
	s1 =	sadd.s32 s1, s3;
	[dreg:$0x0] =	wrdreg $0x0  }
0xa5: {  	s3 =	sshll.u32 s25, $0x1;
	[dreg:$0x2] =	wrdreg s1  }
0xa6: {  	[dreg:$0x3] =	wrdreg s3  }
0xa7: {  	[dreg:$0x4] =	wrdreg $0xC0  }
0xa8: {  	_ =	task [dreg:s5], $0x5FFFF  }
0xa9: {  	[dreg:$0x1] =	wrdreg $0xFFFFFFFF  }
0xaa: {  	[dreg:$0x0] =	wrdreg $0x60  }
0xab: {  	[dreg:$0x2] =	wrdreg s22  }
0xac: {  	[dreg:$0x3] =	wrdreg s0  }
0xad: {  	[dreg:$0x4] =	wrdreg $0x9  }
0xae: {  	_ =	task.clear_ibuf [dreg:s5], $0x5FFFF;
	_ =	strace $0x90000046  }
0xaf: {  	s26 =	simm.s32 $0x9;
	_ =	strace $0x80000048  }
0xb0: {  	_ =	swait.ge [sflag:s26], $0x1  }
0xb1: {  	[sflag:s26] =	ssyncadd.s32 $0xFFFFFFFF  }
0xb2: {  	_ =	strace $0x90000048  }
0xb3: {  	_ =	sfence  }
0xb4: {  	s28 =	sld [smem:$0x0];
	_ =	sdelay $0x1  }
0xb5: {  	s29 =	srdreg.scid  }
0xb6: {  	s30 =	sshll.u32 s29, $0xD;
	s31 =	sshrl.u32 s29, $0x2  }
0xb7: {  	s2 =	sand.u32 $0x4000, s30;
	s1 =	sand.u32 $0x1, s29;
	s0 =	sadd.s32 s31, s28  }
0xb8: {  	s1 =	sor.u32 s2, s1;
	s0 =	sshll.u32 s0, $0x11  }
0xb9: {  	s0 =	sor.u32 s0, s1  }
0xba: {  	s0 =	sadd.s32 $0x8F2B, s0  }
0xbb: {  	[sflag:s0] =	ssyncadd.remote.s32 $0x1  }
0xbc: {  	_ =	sfence.sel $0xFFFF  }
0xbd: {  	[dreg:$0x0] =	wrdreg $0xFFFFFFFF;
	(pc) =	sbr.abs _section_cstart, $3  }
0xbe: {  	[dreg:$0x1] =	wrdreg $0xFFFFFFFF  }
0xbf: {  	_ =	task.clear_ibuf [dreg:s5], $0x2FFFF;
	_ =	strace $0x9FFFFFFF  }
0xc0: {  	(tm) =	ssettm $0x7FFFFFFF  }
0xc1: {  	_ =	shalt  }
tec
execute0_lowered:
.L_overlay_start_1:
0x0: {  	(tag) =	ssettag $0x1  }
0x1: {  	s3 =	rddreg [dreg:$0x0]  }
0x2: {  	s1 =	rddreg [dreg:$0x1]  }
0x3: {  	s0 =	rddreg [dreg:$0x2];
	s4 =	simm.s32 $0x0  }
0x4: {  	s5 =	simm.s32 $0x800;
	[smem:$0x7FF] =	sst s4  }
0x5: {  	s6 =	simm.s32 $0x1;
	s2 =	sadd.s32 $0x27C00, s3;
	_ =	strace $0x80000047  }
0x6: {  	[tilespmem:s5], [sflag:$0x1] =	stream.linear.gather [hbm4b:s2+s4], $0x5000, $0x38;
	[tilespmem:$0x17000] =	vst v63  }
0x7: {  	_ =	swait.ge [sflag:s6], $0x5000  }
0x8: {  	[sflag:s6] =	ssyncset.done $0x0  }
0x9: {  	s26 =	simm.s32 $0xA800;
	[sflag:s6] =	ssyncadd.s32 $0xFFFFB000  }
0xa: {  	[tilespmem:s26], [sflag:$0x1] =	stream.linear.gather [hbm4b:s2+s4], $0x5000, $0x38;
	[tilespmem:$0x17000] =	vst v63  }
0xb: {  	_ =	swait.ge [sflag:s6], $0x5000  }
0xc: {  	[sflag:s6] =	ssyncset.done $0x0  }
0xd: {  	s29 =	simm.s32 $0x5800;
	s28 =	sadd.s32 $0x27200, s3;
	[sflag:s6] =	ssyncadd.s32 $0xFFFFB000  }
0xe: {  	[tilespmem:s29], [sflag:$0x1] =	stream.linear.gather [hbm4b:s28+s4], $0x5000, $0x38;
	[tilespmem:$0x17000] =	vst v63  }
0xf: {  	_ =	swait.ge [sflag:s6], $0x5000  }
0x10: {  	[sflag:s6] =	ssyncset.done $0x0  }
0x11: {  	s30 =	simm.s32 $0xF800;
	s9 =	simm.s32 $0x14800;
	[sflag:s6] =	ssyncadd.s32 $0xFFFFB000  }
0x12: {  	[tilespmem:s30], [sflag:$0x1] =	stream.linear.gather [hbm4b:s28+s4], $0x5000, $0x38;
	[tilespmem:$0x17000] =	vst v63  }
0x13: {  	s11 =	simm.s32 $0x80;
	s12 =	simm.s32 $0x400;
	_ =	swait.ge [sflag:s6], $0x5000  }
0x14: {  	s14 =	simm.s32 $0x0;
	s15 =	simm.s32 $0x0;
	[sflag:s6] =	ssyncset.done $0x0  }
0x15: {  	s13 =	simm.s32 $0x0;
	s31 =	sadd.s32 $0x28600, s3;
	[sflag:s6] =	ssyncadd.s32 $0xFFFFB000  }
0x16: {  	[tilespmem:s9], [sflag:$0x1] =	stream.linear.gather [hbm4b:s31+s4], $0x2800, $0x38;
	[tilespmem:$0x17000] =	vst v63  }
0x17: {  	s7 =	sadd.s32 $0xF200, s3;
	s8 =	sadd.s32 $0x1B200, s3;
	_ =	swait.ge [sflag:s6], $0x2800  }
0x18: {  	s5 =	sadd.s32 $0x28C00, s3;
	s2 =	stileid.u32;
	[sflag:s6] =	ssyncset.done $0x0  }
0x19: {  	v0 =	vimm.f32 $1.000000000e+00;
	v1 =	vimm.s32 $0x0;
	s3 =	sadd.s32 $0x3CC00, s3;
	s10 =	smul.u32 $0x6000, s2;
	[sflag:s6] =	ssyncadd.s32 $0xFFFFD800  }
.LBB2_1:
0x1a: {  	s16 =	sshll.u32 s13, $0xA  }
0x1b: {  	s17 =	sshll.u32 s13, $0x7;
	s16 =	sand.u32 $0x6000, s16  }
0x1c: {  	s17 =	sand.u32 $0x380, s17;
	s16 =	sadd.s32 s10, s16  }
0x1d: {  	s16 =	sor.u32 s17, s16  }
0x1e: {  	s16 =	sshrl.u32 s16, $0x3  }
0x1f: {  	s28 =	sadd.s32 s7, s16  }
0x20: {  	[tilespmem:s4], [sflag:$0x1] =	stream.strided.gather [hbm4b:s28+s11], $0x400, s12, s11, $0x38;
	[tilespmem:$0x17000] =	vst v63  }
0x21: {  	_ =	swait.ge [sflag:s6], $0x400  }
0x22: {  	[sflag:s6] =	ssyncset.done $0x0  }
0x23: {  	s16 =	sadd.s32 s8, s16;
	[sflag:s6] =	ssyncadd.s32 $0xFFFFFC00  }
0x24: {  	[tilespmem:s12], [sflag:$0x1] =	stream.strided.gather [hbm4b:s16+s11], $0x400, s12, s11, $0x38;
	[tilespmem:$0x17000] =	vst v63  }
0x25: {  	_ =	swait.ge [sflag:s6], $0x400  }
0x26: {  	[sflag:s6] =	ssyncset.done $0x0  }
0x27: {  	s29 =	simm.s32 $0x0;
	[sflag:s6] =	ssyncadd.s32 $0xFFFFFC00  }
0x28: {  	v2 =	vld [tilespmem:s29+$0x400];
	_ =	sdelay $0x4  }
0x29: {  	vm0 =	vlt.s32 v2, $0x1388;
	v3 =	vadd.s32 $0xFFFFEC78, v2  }
0x2a: {  	vm1 =	vlt.u32 v3, $0x1388;
	v4 =	vsel vm0, $0x1, v1  }
0x2b: {  	v5 =	vsel vm1, $0x1, v1;
	(xrf0) =	vadd.scan.msk.s32 $0xffff, v4  }
0x2c: {  	(xrf0) =	vadd.scan.msk.s32 $0xffff, v5  }
0x2d: {  	v4 =	vld [tilespmem:s29+$0x0];
	_ =	sdelay $0x3  }
0x2e: {  	v5, _, _ =	vpop (xrf0)  }
0x2f: {  	[tilespmem:s15+$0x800] =	vst.msk vm0, v4;
	(v2sf) =	vpush v5, $0xF;
	v5, _, _ =	vpop (xrf0)  }
0x30: {  	[tilespmem:s15+$0x5800] =	vst.msk vm0, v2;
	(v2sf) =	vpush v5, $0xF  }
0x31: {  	[tilespmem:s14+$0xA800] =	vst.msk vm1, v4  }
0x32: {  	[tilespmem:s14+$0xF800] =	vst.msk vm1, v3  }
0x33: {  	s30 =	simm.s32 $0x10;
	[tilespmem:v2+s9+$0x0] =	vst.idx.add.f32.msk $0xffff, v0  }
0x34: {  	v2 =	vld [tilespmem:s30+$0x400];
	_ =	sdelay $0x4  }
0x35: {  	vm1 =	vlt.s32 v2, $0x1388;
	v3 =	vadd.s32 $0xFFFFEC78, v2  }
0x36: {  	vm0 =	vlt.u32 v3, $0x1388;
	v4 =	vsel vm1, $0x1, v1  }
0x37: {  	v5 =	vsel vm0, $0x1, v1;
	(xrf0) =	vadd.scan.msk.s32 $0xffff, v4  }
0x38: {  	v4 =	vld [tilespmem:s30+$0x0];
	(xrf0) =	vadd.scan.msk.s32 $0xffff, v5;
	_ =	sdelay $0x1  }
0x39: {  	s31 =	spop (v2sf)  }
0x3a: {  	s16 =	simm.s32 $0x80;
	s15 =	sadd.s32 s15, s31;
	s17 =	spop (v2sf)  }
.LBB2_2:
0x3b: {  	p0 =	sne.s32 s16, $0xFC0  }
0x3c: {  	[tilespmem:s15+$0x800] =	vst.msk vm1, v4;
	v5, _, _ =	vpop (xrf0);
	s14 =	sadd.s32 s14, s17;
	s17 =	smov.u32 s16;
	s16 =	sadd.s32 $0x40, s16  }
0x3d: {  	[tilespmem:s15+$0x5800] =	vst.msk vm1, v2;
	(v2sf) =	vpush v5, $0xF;
	v5, _, _ =	vpop (xrf0)  }
0x3e: {  	[tilespmem:s14+$0xA800] =	vst.msk vm0, v4;
	(v2sf) =	vpush v5, $0xF  }
0x3f: {  	[tilespmem:s14+$0xF800] =	vst.msk vm0, v3  }
0x40: {  	s17 =	sshra.s32 s17, $0x2;
	[tilespmem:v2+s9+$0x0] =	vst.idx.add.f32.msk $0xffff, v0  }
0x41: {  	v2 =	vld [tilespmem:s17+$0x400];
	_ =	sdelay $0x4  }
0x42: {  	vm1 =	vlt.s32 v2, $0x1388;
	v3 =	vadd.s32 $0xFFFFEC78, v2  }
0x43: {  	vm0 =	vlt.u32 v3, $0x1388;
	v4 =	vsel vm1, $0x1, v1  }
0x44: {  	v5 =	vsel vm0, $0x1, v1;
	(xrf0) =	vadd.scan.msk.s32 $0xffff, v4  }
.Ltmp0:
0x45: {  	v4 =	vld [tilespmem:s17+$0x0];
	(xrf0) =	vadd.scan.msk.s32 $0xffff, v5;
	(pc) =	sbr.rel @p0 .LBB2_2-.Ltmp0, $3  }
0x46: {  	_ =	sdelay $0x1  }
0x47: {  	s17 =	spop (v2sf)  }
0x48: {  	s15 =	sadd.s32 s15, s17;
	s17 =	spop (v2sf)  }
0x49: {  	v5, _, _ =	vpop (xrf0)  }
0x4a: {  	(v2sf) =	vpush v5, $0xF;
	v63, _, _ =	vpop (xrf0)  }
0x4b: {  	(v2sf) =	vpush v63, $0xF;
	_ =	sdelay $0x9  }
0x4c: {  	s13 =	sadd.s32 $0x1, s13  }
0x4d: {  	p0 =	sne.s32 s13, $0x14  }
.Ltmp1:
0x4e: {  	[tilespmem:s15+$0x800] =	vst.msk vm1, v4;
	(pc) =	sbr.rel @p0 .LBB2_1-.Ltmp1, $4  }
0x4f: {  	s14 =	sadd.s32 s14, s17;
	[tilespmem:s15+$0x5800] =	vst.msk vm1, v2  }
0x50: {  	[tilespmem:s14+$0xA800] =	vst.msk vm0, v4;
	s16 =	spop (v2sf)  }
0x51: {  	[tilespmem:s14+$0xF800] =	vst.msk vm0, v3;
	s31 =	spop (v2sf)  }
0x52: {  	[tilespmem:v2+s9+$0x0] =	vst.idx.add.f32.msk $0xffff, v0;
	s15 =	sadd.s32 s15, s16;
	s14 =	sadd.s32 s14, s31  }
0x53: {  	s4 =	sshrl.u32 s2, $0x3  }
0x54: {  	s7 =	sshll.u32 s2, $0x7;
	s6 =	smul.u32 $0x28000, s4  }
0x55: {  	s7 =	sand.u32 $0x380, s7  }
0x56: {  	s6 =	sor.u32 s7, s6  }
0x57: {  	s10 =	simm.s32 $0x80;
	s11 =	simm.s32 $0x400;
	s8 =	sshrl.u32 s6, $0x3  }
0x58: {  	s12 =	simm.s32 $0x800;
	s23 =	simm.s32 $0x1;
	s9 =	sadd.s32 s1, s8  }
0x59: {  	[hbm4b:s9+s10] =	stream.strided.scatter [tilespmem:s12], [sflag:$0x1], $0x5000, s11, s10, $0x38;
	[tilespmem:$0x17000] =	vst v63  }
0x5a: {  	_ =	swait.ge [sflag:s23], $0x5000  }
0x5b: {  	[sflag:s23] =	ssyncset.done $0x0  }
0x5c: {  	s24 =	simm.s32 $0x5800;
	s8 =	sadd.s32 s5, s8;
	[sflag:s23] =	ssyncadd.s32 $0xFFFFB000  }
0x5d: {  	[hbm4b:s8+s10] =	stream.strided.scatter [tilespmem:s24], [sflag:$0x1], $0x5000, s11, s10, $0x38;
	[tilespmem:$0x17000] =	vst v63  }
0x5e: {  	s6 =	sadd.s32 $0x50000, s6;
	_ =	swait.ge [sflag:s23], $0x5000  }
0x5f: {  	s6 =	sshrl.u32 s6, $0x3;
	[sflag:s23] =	ssyncset.done $0x0  }
0x60: {  	s26 =	simm.s32 $0xA800;
	s25 =	sadd.s32 s1, s6;
	[sflag:s23] =	ssyncadd.s32 $0xFFFFB000  }
0x61: {  	[hbm4b:s25+s10] =	stream.strided.scatter [tilespmem:s26], [sflag:$0x1], $0x5000, s11, s10, $0x38;
	[tilespmem:$0x17000] =	vst v63  }
0x62: {  	_ =	swait.ge [sflag:s23], $0x5000  }
0x63: {  	s29 =	simm.s32 $0xF800;
	[sflag:s23] =	ssyncset.done $0x0  }
0x64: {  	s4 =	smul.u32 $0x14000, s4;
	s28 =	sadd.s32 s5, s6;
	[sflag:s23] =	ssyncadd.s32 $0xFFFFB000  }
0x65: {  	[hbm4b:s28+s10] =	stream.strided.scatter [tilespmem:s29], [sflag:$0x1], $0x5000, s11, s10, $0x38;
	[tilespmem:$0x17000] =	vst v63  }
0x66: {  	s30 =	sor.u32 s7, s4;
	_ =	swait.ge [sflag:s23], $0x5000  }
0x67: {  	s1 =	sshrl.u32 s30, $0x3;
	[sflag:s23] =	ssyncset.done $0x0  }
0x68: {  	s31 =	simm.s32 $0x14800;
	s1 =	sadd.s32 s3, s1;
	[sflag:s23] =	ssyncadd.s32 $0xFFFFB000  }
0x69: {  	[hbm4b:s1+s10] =	stream.strided.scatter [tilespmem:s31], [sflag:$0x1], $0x2800, s11, s10, $0x38;
	[tilespmem:$0x17000] =	vst v63  }
0x6a: {  	_ =	swait.ge [sflag:s23], $0x2800  }
0x6b: {  	[sflag:s23] =	ssyncset.done $0x0  }
0x6c: {  	[sflag:s23] =	ssyncadd.s32 $0xFFFFD800  }
0x6d: {  	_ =	sfence.sel $0x180000  }
0x6e: {  	[bflag:$0x0] =	sbarrier.arrive $0xFFFF  }
0x6f: {  	p0 =	sne.s32 s2, $0x0;
	_ =	strace $0x90000047  }
0x70: {  	s0 =	sadd.s32 @!p0 $0x100000, s0;
	[bflag:$0x2] =	sbarrier.arrive $0xFFFF  }
0x71: {  	[sflag:s0] =	ssyncadd.tile.s32 @!p0 $0x1;
	_ =	shalt  }
.Lfunc_end2:
_tile_overlayer_lowered:
.L_overlay_start_2:
0x72: {  	(tag) =	ssettag $0x2  }
0x73: {  	s0 =	rddreg [dreg:$0x0];
	s2 =	stileid.u32  }
0x74: {  	s1 =	rddreg [dreg:$0x1];
	p0 =	sne.s32 s2, $0x0  }
0x75: {  	s3 =	rddreg [dreg:$0x2];
	[bflag:$0x3] =	sbarrier.arrive $0xFFFF;
	s2 =	simm.s32 @!p0 $0x1C01  }
0x76: {  	[timem:s3], [sflag:s2] =	dma.local @!p0 [hbm:s0], s1  }
0x77: {  	s0 =	simm.s32 @!p0 $0x1  }
0x78: {  	_ =	swait.ge @!p0 [sflag:s0], s1  }
0x79: {  	s1 =	ssub.s32 @!p0 $0x0, s1;
	[sflag:s0] =	ssyncset.done @!p0 $0x0  }
0x7a: {  	[sflag:s0] =	ssyncadd.s32 @!p0 s1  }
0x7b: {  	[bflag:$0x3] =	sbarrier.arrive $0xFFFF  }
0x7c: {  	_ =	shalt  }

// kernel: kernel.18.cloned.1.call-start
scs
__scs_entry_jumppad:
0x0: {  	(pc) =	sbr.rel $0x88, $3  }
0x1: {  	(tag) =	ssettag $0x0;
	lr =	simm.s32 $0x1  }
0x2: {  	[smem:$0x3F98] =	sst lr;
	_ =	strace $0xD0000000  }
0x3: {  	_ = 	snop  }
0x4: {  	_ = 	snop  }
0x5: {  	_ = 	snop  }
0x6: {  	_ = 	snop  }
0x7: {  	_ = 	snop  }
__scs_overlays_trampoline_lowered:
0x8: {  	[smem:$0x3FA7] =	sst s0  }
0x9: {  	[smem:$0x3FA8] =	sst s1  }
0xa: {  	[smem:$0x3FA9] =	sst s2  }
0xb: {  	[smem:$0x3FAA] =	sst s3  }
0xc: {  	[smem:$0x3FAB] =	sst s4  }
0xd: {  	[smem:$0x3FAC] =	sst s5  }
0xe: {  	[smem:$0x3FAD] =	sst s6  }
0xf: {  	[smem:$0x3FAE] =	sst s7  }
0x10: {  	[smem:$0x3FAF] =	sst s8  }
0x11: {  	[smem:$0x3FB0] =	sst s9;
	s0 =	simm.s32 @!p0 $0x0  }
0x12: {  	s1 =	sld [smem:$0x3F96];
	s0 =	simm.s32 @p0 $0x1  }
0x13: {  	[smem:$0x3FB1] =	sst s0;
	s0 =	simm.s32 @!p1 $0x0  }
0x14: {  	s2 =	sld [smem:$0x3F95];
	s0 =	simm.s32 @p1 $0x1  }
0x15: {  	[smem:$0x3FB2] =	sst s0;
	s0 =	simm.s32 @!p2 $0x0  }
0x16: {  	s3 =	sld [smem:$0x3FDB];
	s0 =	simm.s32 @p2 $0x1  }
0x17: {  	s4 =	simm.s32 $0x1BF5;
	[smem:$0x3FB4] =	sst s0  }
0x18: {  	s0 =	sld [smem:$0x3F97];
	_ =	swait.ge [sflag:s4], $0x0  }
0x19: {  	s7 =	sld [smem:$0x3F98]  }
0x1a: {  	s8 =	sadd.s32 $0xFFFFE003, lr  }
0x1b: {  	s9 =	sadd.s32 $0xFFFFFEF7, lr;
	s5 =	simm.s32 $0xFFFFFFFF;
	p2 =	slt.u32 s8, $0xFFFFF086  }
0x1c: {  	p1 =	slt.u32 s9, $0xF7A;
	s5 =	simm.s32 @!p2 $0x0  }
0x1d: {  	s5 =	simm.s32 @p1 $0x1;
	p0 =	seq.s32 s7, s2  }
0x1e: {  	s7 =	smul.u32 @!p0 $0xF7A, s2;
	p2 =	seq.s32 @!p0 s5, $0x0  }
0x1f: {  	s9 =	smul.u32 $0xF7A, s1;
	s8 =	simm.s32 @!p0 $0x1BF5;
	p2 =	por !p2, p0  }
0x20: {  	[sflag:s8] =	ssyncset.s32 @!p0 $0xFFFFF086;
	s6 =	sadd.s32 @!p0 s3, s7;
	s7 =	simm.s32 @!p0 $0x108  }
0x21: {  	s3 =	sadd.s32 s3, s9;
	s6 =	sadd.s32 @!p0 $0x88, s6;
	s7 =	simm.s32 @p2 $0x1082  }
0x22: {  	[simem:s7], [sflag:s8] =	dma.local @!p0 [hbm:s6], $0xF7A  }
0x23: {  	s9 =	sor.u32 $0xD0000000, s2;
	s6 =	simm.s32 $0x108;
	_ =	swait.ge @!p0 [sflag:s8], $0x0  }
0x24: {  	s3 =	sadd.s32 $0x88, s3;
	s6 =	simm.s32 @!p1 $0x1082;
	[sflag:s4] =	ssyncset.s32 $0xFFFFF086  }
0x25: {  	[simem:s6], [sflag:s4] =	dma.local [hbm:s3], $0xF7A  }
0x26: {  	[smem:$0x3F98] =	sst s1;
	(tag) =	ssettag s2;
	_ =	strace s9  }
0x27: {  	s1 =	sld [smem:$0x3FA8]  }
0x28: {  	s2 =	sld [smem:$0x3FA9]  }
0x29: {  	s4 =	sld [smem:$0x3FAB]  }
0x2a: {  	p0 =	seq.s32 s5, $0x0;
	s5 =	sld [smem:$0x3FAC]  }
0x2b: {  	s6 =	sld [smem:$0x3FAD]  }
0x2c: {  	s7 =	sld [smem:$0x3FAE]  }
0x2d: {  	s3 =	simm.s32 $0x108;
	s8 =	sld [smem:$0x3FAF]  }
0x2e: {  	s3 =	simm.s32 @!p0 $0x1082;
	s9 =	sld [smem:$0x3FB0]  }
0x2f: {  	lr =	sadd.s32 s0, s3;
	s0 =	sld [smem:$0x3FA7]  }
0x30: {  	s3 =	sld [smem:$0x3FAA]  }
0x31: {  	[smem:$0x3FB3] =	sst s10  }
0x32: {  	s10 =	sld [smem:$0x3FB1];
	_ =	sdelay $0x3  }
0x33: {  	p0 =	seq.s32 s10, $0x1;
	s10 =	sld [smem:$0x3FB3];
	_ =	sdelay $0x3  }
0x34: {  	[smem:$0x3FB3] =	sst s10  }
0x35: {  	s10 =	sld [smem:$0x3FB2];
	_ =	sdelay $0x3  }
0x36: {  	p1 =	seq.s32 s10, $0x1;
	s10 =	sld [smem:$0x3FB3];
	_ =	sdelay $0x3  }
0x37: {  	[smem:$0x3FB3] =	sst s10  }
0x38: {  	s10 =	sld [smem:$0x3FB4]  }
0x39: {  	_ = 	snop;
	(pc) =	sbr.ind lr, $3  }
0x3a: {  	_ = 	snop  }
0x3b: {  	_ = 	snop  }
0x3c: {  	p2 =	seq.s32 s10, $0x1;
	s10 =	sld [smem:$0x3FB3]  }
0x3d: {  	_ =	shalt  }
0x3e: {  	_ =	shalt  }
0x3f: {  	_ =	shalt  }
0x40: {  	_ =	shalt  }
0x41: {  	_ =	shalt  }
0x42: {  	_ =	shalt  }
0x43: {  	_ =	shalt  }
0x44: {  	_ =	shalt  }
0x45: {  	_ =	shalt  }
0x46: {  	_ =	shalt  }
0x47: {  	_ =	shalt  }
0x48: {  	_ =	shalt  }
0x49: {  	_ =	shalt  }
0x4a: {  	_ =	shalt  }
0x4b: {  	_ =	shalt  }
0x4c: {  	_ =	shalt  }
0x4d: {  	_ =	shalt  }
0x4e: {  	_ =	shalt  }
0x4f: {  	_ =	shalt  }
0x50: {  	_ =	shalt  }
0x51: {  	_ =	shalt  }
0x52: {  	_ =	shalt  }
0x53: {  	_ =	shalt  }
0x54: {  	_ =	shalt  }
0x55: {  	_ =	shalt  }
0x56: {  	_ =	shalt  }
0x57: {  	_ =	shalt  }
0x58: {  	_ =	shalt  }
0x59: {  	_ =	shalt  }
0x5a: {  	_ =	shalt  }
0x5b: {  	_ =	shalt  }
0x5c: {  	_ =	shalt  }
0x5d: {  	_ =	shalt  }
0x5e: {  	_ =	shalt  }
0x5f: {  	_ =	shalt  }
0x60: {  	_ =	shalt  }
0x61: {  	_ =	shalt  }
0x62: {  	_ =	shalt  }
0x63: {  	_ =	shalt  }
0x64: {  	_ =	shalt  }
0x65: {  	_ =	shalt  }
0x66: {  	_ =	shalt  }
0x67: {  	_ =	shalt  }
0x68: {  	_ =	shalt  }
0x69: {  	_ =	shalt  }
0x6a: {  	_ =	shalt  }
0x6b: {  	_ =	shalt  }
0x6c: {  	_ =	shalt  }
0x6d: {  	_ =	shalt  }
0x6e: {  	_ =	shalt  }
0x6f: {  	_ =	shalt  }
0x70: {  	_ =	shalt  }
0x71: {  	_ =	shalt  }
0x72: {  	_ =	shalt  }
0x73: {  	_ =	shalt  }
0x74: {  	_ =	shalt  }
0x75: {  	_ =	shalt  }
0x76: {  	_ =	shalt  }
0x77: {  	_ =	shalt  }
0x78: {  	_ =	shalt  }
0x79: {  	_ =	shalt  }
0x7a: {  	_ =	shalt  }
0x7b: {  	_ =	shalt  }
0x7c: {  	_ =	shalt  }
0x7d: {  	_ =	shalt  }
0x7e: {  	_ =	shalt  }
0x7f: {  	_ =	shalt  }
0x80: {  	_ =	shalt  }
0x81: {  	_ =	shalt  }
0x82: {  	_ =	shalt  }
0x83: {  	_ =	shalt  }
0x84: {  	_ =	shalt  }
0x85: {  	_ =	shalt  }
0x86: {  	_ =	shalt  }
0x87: {  	_ =	shalt  }
.Lfunc_end0:
.L_simem_size_0:
called_computation.1_lowered:
.L_overlay_start_0:
0x88: {  	s2 =	sld [smem:$0x3FD9]  }
0x89: {  	s3 =	sld [smem:$0x3FFE];
	_ =	sdelay $0x1  }
0x8a: {  	s1 =	srdreg.scid  }
0x8b: {  	s0 =	sand.u32 $0x1, s1  }
0x8c: {  	s17 =	sshll.u32 s0, $0xA;
	s2 =	sadd.s32 s3, s2  }
0x8d: {  	s2 =	sadd.s32 s2, s17  }
0x8e: {  	[smem:$0x3FBF] =	sst s2  }
0x8f: {  	_ = 	snop  }
0x90: {  	s2 =	sld [smem:$0x3FD0];
	(tm) =	ssettm $0x1  }
0x91: {  	s18 =	sld [smem:$0x3FFB];
	_ =	sdelay $0x3  }
0x92: {  	_ =	strace s18  }
0x93: {  	s3 =	sld [smem:$0x3FFC];
	_ =	sdelay $0x3  }
0x94: {  	_ =	strace s3  }
0x95: {  	s3 =	sld [smem:$0x3FFD];
	_ =	sdelay $0x3  }
0x96: {  	_ =	strace s3  }
0x97: {  	_ =	strace $0x8FFFFFFF  }
0x98: {  	s19 =	sld [smem:$0x3FDB];
	_ =	sdelay $0x1  }
0x99: {  	s4 =	simm.s32 $_scs_section_size  }
0x9a: {  	s5 =	simm.s32 $_size__tile_overlayer_lowered;
	s6 =	simm.s32 $_tile_overlayer_lowered  }
0x9b: {  	s22 =	simm.s32 $0x1BFF;
	s21 =	sshll.u32 s6, $0x1;
	s3 =	sadd.s32 s4, s19  }
0x9c: {  	s7 =	simm.s32 $0x0;
	s20 =	sshll.u32 s5, $0x1;
	s5 =	sadd.s32 s21, s3  }
0x9d: {  	[timem:s7], [sflag:s22] =	dma.local [hbm:s5], s20  }
0x9e: {  	_ =	swait.ge [sflag:s22], s20  }
0x9f: {  	s4 =	ssub.s32 $0x0, s20;
	[sflag:s22] =	ssyncset.done $0x0  }
0xa0: {  	[sflag:s22] =	ssyncadd.s32 s4;
	_ =	sdelay $0x1  }
0xa1: {  	s23 =	simm.s32 $0x1B8B  }
0xa2: {  	_ =	swait.ge [sflag:s23], $0x1  }
0xa3: {  	[sflag:s23] =	ssyncset.done $0x0  }
0xa4: {  	s25 =	simm.s32 $0x1B8E;
	s24 =	sld [smem:$0x3FFE];
	[sflag:s23] =	ssyncadd.s32 $0xFFFFFFFF  }
0xa5: {  	s26 =	simm.s32 $execute0_lowered;
	[smem:$0x3FD2] =	sst s25  }
0xa6: {  	s5 =	sshll.u32 s26, $0x1;
	_ =	strace $0x80000049;
	[dreg:$0x1] =	wrdreg $0xFFFFFFFF  }
0xa7: {  	s28 =	simm.s32 $_size_execute0_lowered;
	s3 =	sadd.s32 s3, s5;
	[dreg:$0x0] =	wrdreg $0x0  }
0xa8: {  	s5 =	sshll.u32 s28, $0x1;
	[dreg:$0x2] =	wrdreg s3  }
0xa9: {  	[dreg:$0x3] =	wrdreg s5  }
0xaa: {  	[dreg:$0x4] =	wrdreg $0xC0  }
0xab: {  	_ =	task [dreg:s7], $0x5FFFF  }
0xac: {  	[dreg:$0x1] =	wrdreg $0xFFFFFFFF  }
0xad: {  	[dreg:$0x0] =	wrdreg $0x60  }
0xae: {  	[dreg:$0x2] =	wrdreg s24  }
0xaf: {  	[dreg:$0x3] =	wrdreg s2  }
0xb0: {  	[dreg:$0x4] =	wrdreg $0x40000  }
0xb1: {  	[dreg:$0x5] =	wrdreg $0x9  }
0xb2: {  	_ =	task.clear_ibuf [dreg:s7], $0x6FFFF;
	_ =	strace $0x90000049  }
0xb3: {  	s29 =	simm.s32 $0x9;
	_ =	strace $0x8000004B  }
0xb4: {  	_ =	swait.ge [sflag:s29], $0x1  }
0xb5: {  	[sflag:s29] =	ssyncadd.s32 $0xFFFFFFFF  }
0xb6: {  	_ =	strace $0x9000004B  }
0xb7: {  	_ =	sfence  }
0xb8: {  	s30 =	sld [smem:$0x0];
	_ =	sdelay $0x2  }
0xb9: {  	s31 =	sshll.u32 s1, $0xD;
	s1 =	sshrl.u32 s1, $0x2  }
0xba: {  	s3 =	sand.u32 $0x4000, s31;
	s1 =	sadd.s32 s1, s30  }
0xbb: {  	s0 =	sor.u32 s3, s0;
	s1 =	sshll.u32 s1, $0x11  }
0xbc: {  	s0 =	sor.u32 s1, s0  }
0xbd: {  	s0 =	sadd.s32 $0x8F2B, s0  }
0xbe: {  	[sflag:s0] =	ssyncadd.remote.s32 $0x1  }
0xbf: {  	_ =	sfence.sel $0xFFFF  }
0xc0: {  	[dreg:$0x0] =	wrdreg $0xFFFFFFFF;
	(pc) =	sbr.abs _section_cstart, $3  }
0xc1: {  	[dreg:$0x1] =	wrdreg $0xFFFFFFFF  }
0xc2: {  	_ =	task.clear_ibuf [dreg:s7], $0x2FFFF;
	_ =	strace $0x9FFFFFFF  }
0xc3: {  	(tm) =	ssettm $0x7FFFFFFF  }
tec
execute0_lowered:
.L_overlay_start_1:
0x0: {  	(tag) =	ssettag $0x1  }
0x1: {  	s0 =	rddreg [dreg:$0x0]  }
0x2: {  	s1 =	rddreg [dreg:$0x1]  }
0x3: {  	s2 =	rddreg [dreg:$0x2];
	s3 =	simm.s32 $0x0;
	s4 =	srdreg.scid  }
0x4: {  	s12 =	stileid.u32;
	s28 =	simm.s32 $0x80;
	s29 =	simm.s32 $0x3000  }
0x5: {  	s30 =	simm.s32 $0x2;
	s31 =	simm.s32 $0x3;
	[smem:$0x7FF] =	sst s3  }
0x6: {  	s7 =	sand.u32 $0x1, s4;
	s8 =	smul.u32 $0x29000, s12;
	s4 =	sadd.s32 $0x41C00, s0  }
0x7: {  	s5 =	sadd.s32 $0xDE000, s0;
	s6 =	sadd.s32 $0x12E000, s0;
	s0 =	sadd.s32 $0x28C00, s0  }
0x8: {  	s19 =	smul.u32 $0xA400, s12;
	s18 =	ssub.s32 $0x2, s7;
	s8 =	sshrl.u32 s8, $0x2  }
0x9: {  	_ =	strace $0x8000004A;
	s11 =	sshrl.u32 s18, $0x1;
	s8 =	sadd.s32 s8, s2  }
0xa: {  	[dreg:$0x4] =	wrdreg s0;
	s0 =	ssub.s32 s18, s11;
	s20 =	sadd.s32 $0xA000, s8  }
0xb: {  	s12 =	smul.u32 $0x14000, s12;
	s0 =	smax.u32 s0, $0x1;
	[dreg:$0x5] =	wrdreg s20  }
0xc: {  	s10 =	smul.u32 $0xA4000, s7;
	s21 =	sadd.s32 $0x1000, s8;
	[dreg:$0x7] =	wrdreg s0  }
0xd: {  	s9 =	smul.u32 $0x140000, s7;
	s22 =	sadd.s32 $0x2000, s8;
	[dreg:$0x8] =	wrdreg s21  }
0xe: {  	s7 =	sadd.s32 s19, s10;
	s23 =	sadd.s32 $0x3000, s8;
	[dreg:$0x9] =	wrdreg s22  }
0xf: {  	s10 =	sadd.s32 s12, s9;
	s24 =	sadd.s32 $0x4000, s8;
	[dreg:$0xa] =	wrdreg s23  }
0x10: {  	s7 =	sshrl.u32 s7, $0x3;
	s25 =	sadd.s32 $0x5000, s8;
	[dreg:$0xb] =	wrdreg s24  }
.Ltmp0:
0x11: {  	s26 =	sadd.s32 $0x6000, s8;
	[dreg:$0xc] =	wrdreg s25;
	(pc) =	sbr.rel .LBB2_1-.Ltmp0, $4  }
0x12: {  	v0 =	vlaneseq.u32;
	s19 =	sadd.s32 $0x7000, s8;
	s1 =	sadd.s32 s1, s7;
	[dreg:$0xd] =	wrdreg s26  }
0x13: {  	v0 =	vmul.u32 $0x80, v0;
	s20 =	sadd.s32 $0x8000, s8;
	s21 =	sadd.s32 $0x9000, s8;
	s22 =	simm.s32 $0x2000  }
0x14: {  	s23 =	simm.s32 $0x5;
	s24 =	simm.s32 $0x1000;
	s25 =	simm.s32 $0x1  }
0x15: {  	v2 =	vimm.s32 $0x0;
	v1 =	vor.u32 $0x800, v0;
	s26 =	simm.s32 $0x20;
	s0 =	simm.s32 $0x0;
	[dreg:$0x6] =	wrdreg s1  }
.LBB2_7:
0x16: {  	s1 =	stileid.u32  }
0x17: {  	[bflag:$0x0] =	sbarrier.arrive $0xFFFF;
	s1 =	sshll.u32 s1, $0x6  }
0x18: {  	s7 =	sshrl.u32 s8, $0x3;
	s9 =	rddreg [dreg:$0x6];
	s1 =	sor.u32 $0x1C05, s1  }
0x19: {  	[hbm:s9], [sflag:s1] =	dma.local [spmem:s7], $0x1480  }
0x1a: {  	_ =	swait.ge [sflag:s23], $0x1480  }
0x1b: {  	s0 =	sadd.s32 $0x1, s0;
	s18 =	rddreg [dreg:$0x7]  }
0x1c: {  	p0 =	sne.s32 s0, s18  }
.Ltmp1:
0x1d: {  	_ = 	snop;
	(pc) =	sbr.rel @!p0 .LBB2_8-.Ltmp1, $3  }
0x1e: {  	_ =	sdelay $0x1  }
0x1f: {  	[sflag:s23] =	ssyncset.done $0x0  }
0x20: {  	[sflag:s23] =	ssyncadd.s32 $0xFFFFEB80  }
.LBB2_1:
0x21: {  	s1 =	rddreg [dreg:$0x4]  }
0x22: {  	[tilespmem:s22], [sflag:$0x5] =	stream.linear.gather [hbm4b:s1+s3], $0x1000, $0x38;
	[tilespmem:$0xE400] =	vst v63  }
0x23: {  	_ =	swait.ge [sflag:s23], $0x1000  }
0x24: {  	[sflag:s23] =	ssyncset.done $0x0  }
0x25: {  	[sflag:s23] =	ssyncadd.s32 $0xFFFFF000  }
0x26: {  	[spmem:s8] =	stream.linear.scatter [tilespmem:s22], [sflag:$0x5], $0x1000, $0x38;
	[tilespmem:$0xE400] =	vst v63  }
0x27: {  	_ =	swait.ge [sflag:s23], $0x1000  }
0x28: {  	[sflag:s23] =	ssyncset.done $0x0  }
0x29: {  	s12 =	rddreg [dreg:$0x8];
	[sflag:s23] =	ssyncadd.s32 $0xFFFFF000  }
0x2a: {  	[spmem:s12] =	stream.linear.scatter [tilespmem:s22], [sflag:$0x5], $0x1000, $0x38;
	[tilespmem:$0xE400] =	vst v63  }
0x2b: {  	_ =	swait.ge [sflag:s23], $0x1000  }
0x2c: {  	[sflag:s23] =	ssyncset.done $0x0  }
0x2d: {  	s13 =	rddreg [dreg:$0x9];
	[sflag:s23] =	ssyncadd.s32 $0xFFFFF000  }
0x2e: {  	[spmem:s13] =	stream.linear.scatter [tilespmem:s22], [sflag:$0x5], $0x1000, $0x38;
	[tilespmem:$0xE400] =	vst v63  }
0x2f: {  	_ =	swait.ge [sflag:s23], $0x1000  }
0x30: {  	[sflag:s23] =	ssyncset.done $0x0  }
0x31: {  	s14 =	rddreg [dreg:$0xa];
	[sflag:s23] =	ssyncadd.s32 $0xFFFFF000  }
0x32: {  	[spmem:s14] =	stream.linear.scatter [tilespmem:s22], [sflag:$0x5], $0x1000, $0x38;
	[tilespmem:$0xE400] =	vst v63  }
0x33: {  	_ =	swait.ge [sflag:s23], $0x1000  }
0x34: {  	[sflag:s23] =	ssyncset.done $0x0  }
0x35: {  	s15 =	rddreg [dreg:$0xb];
	[sflag:s23] =	ssyncadd.s32 $0xFFFFF000  }
0x36: {  	[spmem:s15] =	stream.linear.scatter [tilespmem:s22], [sflag:$0x5], $0x1000, $0x38;
	[tilespmem:$0xE400] =	vst v63  }
0x37: {  	_ =	swait.ge [sflag:s23], $0x1000  }
0x38: {  	[sflag:s23] =	ssyncset.done $0x0  }
0x39: {  	s16 =	rddreg [dreg:$0xc];
	[sflag:s23] =	ssyncadd.s32 $0xFFFFF000  }
0x3a: {  	[spmem:s16] =	stream.linear.scatter [tilespmem:s22], [sflag:$0x5], $0x1000, $0x38;
	[tilespmem:$0xE400] =	vst v63  }
0x3b: {  	_ =	swait.ge [sflag:s23], $0x1000  }
0x3c: {  	[sflag:s23] =	ssyncset.done $0x0  }
0x3d: {  	s17 =	rddreg [dreg:$0xd];
	[sflag:s23] =	ssyncadd.s32 $0xFFFFF000  }
0x3e: {  	[spmem:s17] =	stream.linear.scatter [tilespmem:s22], [sflag:$0x5], $0x1000, $0x38;
	[tilespmem:$0xE400] =	vst v63  }
0x3f: {  	_ =	swait.ge [sflag:s23], $0x1000  }
0x40: {  	[sflag:s23] =	ssyncset.done $0x0  }
0x41: {  	[sflag:s23] =	ssyncadd.s32 $0xFFFFF000  }
0x42: {  	[spmem:s19] =	stream.linear.scatter [tilespmem:s22], [sflag:$0x5], $0x1000, $0x38;
	[tilespmem:$0xE400] =	vst v63  }
0x43: {  	_ =	swait.ge [sflag:s23], $0x1000  }
0x44: {  	[sflag:s23] =	ssyncset.done $0x0  }
0x45: {  	[sflag:s23] =	ssyncadd.s32 $0xFFFFF000  }
0x46: {  	[spmem:s20] =	stream.linear.scatter [tilespmem:s22], [sflag:$0x5], $0x1000, $0x38;
	[tilespmem:$0xE400] =	vst v63  }
0x47: {  	_ =	swait.ge [sflag:s23], $0x1000  }
0x48: {  	[sflag:s23] =	ssyncset.done $0x0  }
0x49: {  	[sflag:s23] =	ssyncadd.s32 $0xFFFFF000  }
0x4a: {  	[spmem:s21] =	stream.linear.scatter [tilespmem:s22], [sflag:$0x5], $0x1000, $0x38;
	[tilespmem:$0xE400] =	vst v63  }
0x4b: {  	_ =	swait.ge [sflag:s23], $0x1000  }
0x4c: {  	[sflag:s23] =	ssyncset.done $0x0  }
0x4d: {  	s18 =	rddreg [dreg:$0x5];
	[sflag:s23] =	ssyncadd.s32 $0xFFFFF000  }
0x4e: {  	[spmem:s18] =	stream.linear.scatter [tilespmem:s22], [sflag:$0x5], $0x400, $0x38;
	[tilespmem:$0xE400] =	vst v63  }
.Ltmp2:
0x4f: {  	_ =	swait.ge [sflag:s23], $0x400;
	(pc) =	sbr.rel .LBB2_2-.Ltmp2, $4  }
0x50: {  	[sflag:s23] =	ssyncset.done $0x0  }
0x51: {  	[sflag:s23] =	ssyncadd.s32 $0xFFFFFC00  }
0x52: {  	[bflag:$0x0] =	sbarrier.arrive $0xFFFF  }
0x53: {  	s1 =	simm.s32 $0x0  }
.LBB2_5:
0x54: {  	[tilespmem:s16], [sflag:$0x2] =	stream.indirect.gather @!p0 [hbm4b:s4+s15], $0x80, s13, s15, $0xb8;
	[tilespmem:$0xE400] =	vst v63  }
.LBB2_6:
0x55: {  	s1 =	sadd.s32 $0x1, s1  }
0x56: {  	p0 =	sne.s32 s1, $0x14  }
.Ltmp3:
0x57: {  	_ = 	snop;
	(pc) =	sbr.rel @!p0 .LBB2_7-.Ltmp3, $1  }
0x58: {  	_ =	sdelay $0x3  }
.LBB2_2:
0x59: {  	s7 =	sshll.u32 s1, $0xC  }
0x5a: {  	s7 =	sadd.s32 s7, s10  }
0x5b: {  	s7 =	sshrl.u32 s7, $0x3  }
0x5c: {  	s9 =	sadd.s32 s5, s7  }
0x5d: {  	[tilespmem:s3], [sflag:$0x5] =	stream.linear.gather [hbm4b:s9+s3], $0x1000, $0x38;
	[tilespmem:$0xE400] =	vst v63  }
0x5e: {  	_ =	swait.ge [sflag:s23], $0x1000  }
0x5f: {  	[sflag:s23] =	ssyncset.done $0x0  }
0x60: {  	s7 =	sadd.s32 s6, s7;
	[sflag:s23] =	ssyncadd.s32 $0xFFFFF000  }
0x61: {  	[tilespmem:s24], [sflag:$0x5] =	stream.linear.gather [hbm4b:s7+s3], $0x1000, $0x38;
	[tilespmem:$0xE400] =	vst v63  }
0x62: {  	_ =	swait.ge [sflag:s23], $0x1000  }
0x63: {  	[sflag:s23] =	ssyncset.done $0x0  }
0x64: {  	[sflag:s23] =	ssyncadd.s32 $0xFFFFF000  }
0x65: {  	v3 =	vld.idx.msk [tilespmem:v0+s24+$0x0], $0xffff  }
0x66: {  	v4 =	vld.idx.msk [tilespmem:v1+s24+$0x0], $0xffff;
	_ =	sdelay $0x3  }
0x67: {  	vm0 =	vlt.s32 v3, $0x1388  }
0x68: {  	vm15 =	vlt.s32 v4, $0x1388;
	v3 =	vsel vm0, $0x1, v2  }
0x69: {  	(xrf0) =	vadd.scan.msk.s32 $0xffff, v3;
	v3 =	vsel vm15, $0x1, v2  }
0x6a: {  	(xrf0) =	vadd.scan.msk.s32 $0xffff, v3;
	_ =	sdelay $0x4  }
0x6b: {  	v3, _, _ =	vpop (xrf0)  }
0x6c: {  	(v2sf) =	vpush v3, $0xF;
	v3, _, _ =	vpop (xrf0)  }
0x6d: {  	(v2sf) =	vpush v3, $0xF;
	_ =	sdelay $0xd  }
0x6e: {  	s15 =	spop (v2sf)  }
0x6f: {  	s16 =	spop (v2sf)  }
0x70: {  	s7 =	sadd.s32 s15, s16  }
0x71: {  	s9 =	sadd.s32 $0x1, s7;
	p0 =	slt.u32 s7, $0x7FFFFFFF;
	s7 =	simm.s32 $0x1  }
0x72: {  	s7 =	simm.s32 @!p0 $0x0;
	s11 =	sshra.s32 s9, $0x1F  }
0x73: {  	s17 =	sand.u32 $0x1, s9;
	s7 =	sadd.s32 s7, s11  }
0x74: {  	p1 =	seq.s32 s17, $0x1;
	p6 =	sne.s32 s7, $0x1  }
0x75: {  	s18 =	sshrl.u32 s9, $0x1F;
	p0 =	por !p6, !p1  }
0x76: {  	s7 =	sadd.s32 s18, s9;
	s9 =	simm.s32 $0x1;
	p0 =	por !p0, !p0  }
0x77: {  	s7 =	sshra.s32 s7, $0x1;
	s9 =	simm.s32 @!p0 $0x0  }
0x78: {  	s7 =	ssub.s32 s7, s9  }
0x79: {  	p0 =	slt.s32 s7, $0x1  }
.Ltmp4:
0x7a: {  	_ = 	snop;
	(pc) =	sbr.rel @p0 .LBB2_6-.Ltmp4, $1  }
0x7b: {  	_ =	sdelay $0x3  }
0x7c: {  	s9 =	simm.s32 $0x0  }
0x7d: {  	[tilespmem:s22], [sflag:$0x1] =	stream.indirect.gather [hbm4b:s4+s26], $0x80, s9, s26, $0xb8;
	[tilespmem:$0xE400] =	vst v63  }
0x7e: {  	_ = 	snop  }
0x7f: {  	[tilespmem:s29], [sflag:$0x2] =	stream.indirect.gather [hbm4b:s4+s26], $0x80, s28, s26, $0xb8;
	[tilespmem:$0xE400] =	vst v63  }
0x80: {  	_ =	swait.ge [sflag:s25], $0x1000  }
0x81: {  	[sflag:s25] =	ssyncset.done $0x0  }
0x82: {  	s17 =	simm.s32 $0x1000;
	[sflag:s25] =	ssyncadd.s32 $0xFFFFF000  }
0x83: {  	[spmem:s2] =	stream.indirect.scatter.add.f32 [tilespmem:s22], [sflag:$0x3], $0x80, s17, s26, $0xb8;
	[tilespmem:$0xE400] =	vst v63  }
0x84: {  	_ =	swait.ge [sflag:s30], $0x1000  }
0x85: {  	[sflag:s30] =	ssyncset.done $0x0  }
0x86: {  	s18 =	simm.s32 $0x1080;
	[sflag:s30] =	ssyncadd.s32 $0xFFFFF000  }
0x87: {  	[spmem:s2] =	stream.indirect.scatter.add.f32 [tilespmem:s29], [sflag:$0x4], $0x80, s18, s26, $0xb8;
	[tilespmem:$0xE400] =	vst v63  }
0x88: {  	s9 =	sadd.s32 $0xFFFFFFFF, s7;
	_ =	swait.ge [sflag:s31], $0x1000  }
0x89: {  	p0 =	sle.s32 s9, $0x0;
	[sflag:s31] =	ssyncset.done $0x0  }
0x8a: {  	s11 =	simm.s32 @p0 $0x4;
	[sflag:s31] =	ssyncadd.s32 $0xFFFFF000  }
0x8b: {  	p1 =	sne.s32 s7, $0x1;
	s14 =	simm.s32 @!p0 $0x4;
	_ =	swait.ge @p0 [sflag:s11], $0x1000  }
0x8c: {  	s15 =	simm.s32 @!p0 $0x20;
	s12 =	simm.s32 @!p0 $0x2000;
	[sflag:s11] =	ssyncset.done @p0 $0x0  }
.Ltmp5:
0x8d: {  	[sflag:s11] =	ssyncadd.s32 @p0 $0xFFFFF000;
	s11 =	simm.s32 @!p0 $0x100;
	(pc) =	sbr.rel @!p1 .LBB2_5-.Ltmp5, $4  }
0x8e: {  	[tilespmem:s12], [sflag:$0x1] =	stream.indirect.gather @!p0 [hbm4b:s4+s15], $0x80, s11, s15, $0xb8;
	[tilespmem:$0xE400] =	vst v63  }
0x8f: {  	s13 =	simm.s32 $0x180;
	_ =	swait.ge @!p0 [sflag:s14], $0x1000  }
0x90: {  	s16 =	simm.s32 @!p0 $0x3000;
	s11 =	simm.s32 $0x1;
	[sflag:s14] =	ssyncset.done @!p0 $0x0  }
0x91: {  	s12 =	simm.s32 $0x1180;
	[sflag:s14] =	ssyncadd.s32 @!p0 $0xFFFFF000;
	s14 =	simm.s32 $0x280  }
.LBB2_4:
0x92: {  	[tilespmem:s16], [sflag:$0x2] =	stream.indirect.gather @!p0 [hbm4b:s4+s15], $0x80, s13, s15, $0xb8;
	[tilespmem:$0xE400] =	vst v63  }
0x93: {  	s15 =	smov.u32 s11;
	s11 =	sadd.s32 $0x1, s11;
	_ =	swait.ge [sflag:s25], $0x1000  }
0x94: {  	s13 =	smov.u32 s14;
	p1 =	sne.s32 s7, s11;
	[sflag:s25] =	ssyncset.done $0x0  }
0x95: {  	s16 =	sadd.s32 $0xFFFFFF80, s12;
	[sflag:s25] =	ssyncadd.s32 $0xFFFFF000  }
0x96: {  	[spmem:s2] =	stream.indirect.scatter.add.f32 [tilespmem:s22], [sflag:$0x3], $0x80, s16, s26, $0xb8;
	[tilespmem:$0xE400] =	vst v63  }
0x97: {  	_ =	swait.ge [sflag:s30], $0x1000  }
0x98: {  	[sflag:s30] =	ssyncset.done $0x0  }
0x99: {  	[sflag:s30] =	ssyncadd.s32 $0xFFFFF000  }
0x9a: {  	[spmem:s2] =	stream.indirect.scatter.add.f32 [tilespmem:s29], [sflag:$0x4], $0x80, s12, s26, $0xb8;
	[tilespmem:$0xE400] =	vst v63  }
0x9b: {  	_ =	swait.ge [sflag:s31], $0x1000  }
0x9c: {  	p0 =	sge.s32 s15, s9;
	[sflag:s31] =	ssyncset.done $0x0  }
0x9d: {  	s16 =	simm.s32 @p0 $0x4;
	[sflag:s31] =	ssyncadd.s32 $0xFFFFF000  }
0x9e: {  	s17 =	simm.s32 @!p0 $0x4;
	_ =	swait.ge @p0 [sflag:s16], $0x1000  }
0x9f: {  	s15 =	simm.s32 @!p0 $0x20;
	s18 =	simm.s32 @!p0 $0x2000;
	[sflag:s16] =	ssyncset.done @p0 $0x0  }
.Ltmp6:
0xa0: {  	[sflag:s16] =	ssyncadd.s32 @p0 $0xFFFFF000;
	s16 =	sadd.s32 @!p0 $0xFFFFFF80, s14;
	(pc) =	sbr.rel @p1 .LBB2_4-.Ltmp6, $4  }
0xa1: {  	[tilespmem:s18], [sflag:$0x1] =	stream.indirect.gather @!p0 [hbm4b:s4+s15], $0x80, s16, s15, $0xb8;
	[tilespmem:$0xE400] =	vst v63  }
0xa2: {  	_ =	swait.ge @!p0 [sflag:s17], $0x1000  }
0xa3: {  	s12 =	sadd.s32 $0x100, s12;
	[sflag:s17] =	ssyncset.done @!p0 $0x0  }
0xa4: {  	s14 =	sadd.s32 $0x100, s14;
	s16 =	simm.s32 @!p0 $0x3000;
	[sflag:s17] =	ssyncadd.s32 @!p0 $0xFFFFF000  }
.Ltmp7:
0xa5: {  	_ = 	snop;
	(pc) =	sbr.rel .LBB2_5-.Ltmp7, $1  }
0xa6: {  	_ =	sdelay $0x3  }
.LBB2_8:
0xa7: {  	_ =	sfence.sel $0x180000  }
0xa8: {  	[bflag:$0x0] =	sbarrier.arrive $0xFFFF  }
0xa9: {  	_ =	strace $0x9000004A  }
0xaa: {  	s0 =	stileid.u32;
	[bflag:$0x2] =	sbarrier.arrive $0xFFFF  }
0xab: {  	p0 =	sne.s32 s0, $0x0;
	s0 =	rddreg [dreg:$0x3]  }
0xac: {  	s0 =	sadd.s32 @!p0 $0x100000, s0  }
0xad: {  	[sflag:s0] =	ssyncadd.tile.s32 @!p0 $0x1;
	_ =	shalt  }
.Lfunc_end2:
_tile_overlayer_lowered:
.L_overlay_start_2:
0xae: {  	(tag) =	ssettag $0x2  }
0xaf: {  	s0 =	rddreg [dreg:$0x0];
	s2 =	stileid.u32  }
0xb0: {  	s1 =	rddreg [dreg:$0x1];
	p0 =	sne.s32 s2, $0x0  }
0xb1: {  	s3 =	rddreg [dreg:$0x2];
	[bflag:$0x3] =	sbarrier.arrive $0xFFFF;
	s2 =	simm.s32 @!p0 $0x1C05  }
0xb2: {  	[timem:s3], [sflag:s2] =	dma.local @!p0 [hbm:s0], s1  }
0xb3: {  	s0 =	simm.s32 @!p0 $0x5  }
0xb4: {  	_ =	swait.ge @!p0 [sflag:s0], s1  }
0xb5: {  	s1 =	ssub.s32 @!p0 $0x0, s1;
	[sflag:s0] =	ssyncset.done @!p0 $0x0  }
0xb6: {  	[sflag:s0] =	ssyncadd.s32 @!p0 s1  }
0xb7: {  	[bflag:$0x3] =	sbarrier.arrive $0xFFFF  }
0xb8: {  	_ =	shalt  }

// kernel: kernel.21.cloned.1.call-start
scs
__scs_entry_jumppad:
0x0: {  	(pc) =	sbr.rel $0x88, $3  }
0x1: {  	(tag) =	ssettag $0x0;
	lr =	simm.s32 $0x1  }
0x2: {  	[smem:$0x3F98] =	sst lr;
	_ =	strace $0xD0000000  }
0x3: {  	_ = 	snop  }
0x4: {  	_ = 	snop  }
0x5: {  	_ = 	snop  }
0x6: {  	_ = 	snop  }
0x7: {  	_ = 	snop  }
__scs_overlays_trampoline_lowered:
0x8: {  	[smem:$0x3FA7] =	sst s0  }
0x9: {  	[smem:$0x3FA8] =	sst s1  }
0xa: {  	[smem:$0x3FA9] =	sst s2  }
0xb: {  	[smem:$0x3FAA] =	sst s3  }
0xc: {  	[smem:$0x3FAB] =	sst s4  }
0xd: {  	[smem:$0x3FAC] =	sst s5  }
0xe: {  	[smem:$0x3FAD] =	sst s6  }
0xf: {  	[smem:$0x3FAE] =	sst s7  }
0x10: {  	[smem:$0x3FAF] =	sst s8  }
0x11: {  	[smem:$0x3FB0] =	sst s9;
	s0 =	simm.s32 @!p0 $0x0  }
0x12: {  	s1 =	sld [smem:$0x3F96];
	s0 =	simm.s32 @p0 $0x1  }
0x13: {  	[smem:$0x3FB1] =	sst s0;
	s0 =	simm.s32 @!p1 $0x0  }
0x14: {  	s2 =	sld [smem:$0x3F95];
	s0 =	simm.s32 @p1 $0x1  }
0x15: {  	[smem:$0x3FB2] =	sst s0;
	s0 =	simm.s32 @!p2 $0x0  }
0x16: {  	s3 =	sld [smem:$0x3FDB];
	s0 =	simm.s32 @p2 $0x1  }
0x17: {  	s4 =	simm.s32 $0x1BF5;
	[smem:$0x3FB4] =	sst s0  }
0x18: {  	s0 =	sld [smem:$0x3F97];
	_ =	swait.ge [sflag:s4], $0x0  }
0x19: {  	s7 =	sld [smem:$0x3F98]  }
0x1a: {  	s8 =	sadd.s32 $0xFFFFE003, lr  }
0x1b: {  	s9 =	sadd.s32 $0xFFFFFEF7, lr;
	s5 =	simm.s32 $0xFFFFFFFF;
	p2 =	slt.u32 s8, $0xFFFFF086  }
0x1c: {  	p1 =	slt.u32 s9, $0xF7A;
	s5 =	simm.s32 @!p2 $0x0  }
0x1d: {  	s5 =	simm.s32 @p1 $0x1;
	p0 =	seq.s32 s7, s2  }
0x1e: {  	s7 =	smul.u32 @!p0 $0xF7A, s2;
	p2 =	seq.s32 @!p0 s5, $0x0  }
0x1f: {  	s9 =	smul.u32 $0xF7A, s1;
	s8 =	simm.s32 @!p0 $0x1BF5;
	p2 =	por !p2, p0  }
0x20: {  	[sflag:s8] =	ssyncset.s32 @!p0 $0xFFFFF086;
	s6 =	sadd.s32 @!p0 s3, s7;
	s7 =	simm.s32 @!p0 $0x108  }
0x21: {  	s3 =	sadd.s32 s3, s9;
	s6 =	sadd.s32 @!p0 $0x88, s6;
	s7 =	simm.s32 @p2 $0x1082  }
0x22: {  	[simem:s7], [sflag:s8] =	dma.local @!p0 [hbm:s6], $0xF7A  }
0x23: {  	s9 =	sor.u32 $0xD0000000, s2;
	s6 =	simm.s32 $0x108;
	_ =	swait.ge @!p0 [sflag:s8], $0x0  }
0x24: {  	s3 =	sadd.s32 $0x88, s3;
	s6 =	simm.s32 @!p1 $0x1082;
	[sflag:s4] =	ssyncset.s32 $0xFFFFF086  }
0x25: {  	[simem:s6], [sflag:s4] =	dma.local [hbm:s3], $0xF7A  }
0x26: {  	[smem:$0x3F98] =	sst s1;
	(tag) =	ssettag s2;
	_ =	strace s9  }
0x27: {  	s1 =	sld [smem:$0x3FA8]  }
0x28: {  	s2 =	sld [smem:$0x3FA9]  }
0x29: {  	s4 =	sld [smem:$0x3FAB]  }
0x2a: {  	p0 =	seq.s32 s5, $0x0;
	s5 =	sld [smem:$0x3FAC]  }
0x2b: {  	s6 =	sld [smem:$0x3FAD]  }
0x2c: {  	s7 =	sld [smem:$0x3FAE]  }
0x2d: {  	s3 =	simm.s32 $0x108;
	s8 =	sld [smem:$0x3FAF]  }
0x2e: {  	s3 =	simm.s32 @!p0 $0x1082;
	s9 =	sld [smem:$0x3FB0]  }
0x2f: {  	lr =	sadd.s32 s0, s3;
	s0 =	sld [smem:$0x3FA7]  }
0x30: {  	s3 =	sld [smem:$0x3FAA]  }
0x31: {  	[smem:$0x3FB3] =	sst s10  }
0x32: {  	s10 =	sld [smem:$0x3FB1];
	_ =	sdelay $0x3  }
0x33: {  	p0 =	seq.s32 s10, $0x1;
	s10 =	sld [smem:$0x3FB3];
	_ =	sdelay $0x3  }
0x34: {  	[smem:$0x3FB3] =	sst s10  }
0x35: {  	s10 =	sld [smem:$0x3FB2];
	_ =	sdelay $0x3  }
0x36: {  	p1 =	seq.s32 s10, $0x1;
	s10 =	sld [smem:$0x3FB3];
	_ =	sdelay $0x3  }
0x37: {  	[smem:$0x3FB3] =	sst s10  }
0x38: {  	s10 =	sld [smem:$0x3FB4]  }
0x39: {  	_ = 	snop;
	(pc) =	sbr.ind lr, $3  }
0x3a: {  	_ = 	snop  }
0x3b: {  	_ = 	snop  }
0x3c: {  	p2 =	seq.s32 s10, $0x1;
	s10 =	sld [smem:$0x3FB3]  }
0x3d: {  	_ =	shalt  }
0x3e: {  	_ =	shalt  }
0x3f: {  	_ =	shalt  }
0x40: {  	_ =	shalt  }
0x41: {  	_ =	shalt  }
0x42: {  	_ =	shalt  }
0x43: {  	_ =	shalt  }
0x44: {  	_ =	shalt  }
0x45: {  	_ =	shalt  }
0x46: {  	_ =	shalt  }
0x47: {  	_ =	shalt  }
0x48: {  	_ =	shalt  }
0x49: {  	_ =	shalt  }
0x4a: {  	_ =	shalt  }
0x4b: {  	_ =	shalt  }
0x4c: {  	_ =	shalt  }
0x4d: {  	_ =	shalt  }
0x4e: {  	_ =	shalt  }
0x4f: {  	_ =	shalt  }
0x50: {  	_ =	shalt  }
0x51: {  	_ =	shalt  }
0x52: {  	_ =	shalt  }
0x53: {  	_ =	shalt  }
0x54: {  	_ =	shalt  }
0x55: {  	_ =	shalt  }
0x56: {  	_ =	shalt  }
0x57: {  	_ =	shalt  }
0x58: {  	_ =	shalt  }
0x59: {  	_ =	shalt  }
0x5a: {  	_ =	shalt  }
0x5b: {  	_ =	shalt  }
0x5c: {  	_ =	shalt  }
0x5d: {  	_ =	shalt  }
0x5e: {  	_ =	shalt  }
0x5f: {  	_ =	shalt  }
0x60: {  	_ =	shalt  }
0x61: {  	_ =	shalt  }
0x62: {  	_ =	shalt  }
0x63: {  	_ =	shalt  }
0x64: {  	_ =	shalt  }
0x65: {  	_ =	shalt  }
0x66: {  	_ =	shalt  }
0x67: {  	_ =	shalt  }
0x68: {  	_ =	shalt  }
0x69: {  	_ =	shalt  }
0x6a: {  	_ =	shalt  }
0x6b: {  	_ =	shalt  }
0x6c: {  	_ =	shalt  }
0x6d: {  	_ =	shalt  }
0x6e: {  	_ =	shalt  }
0x6f: {  	_ =	shalt  }
0x70: {  	_ =	shalt  }
0x71: {  	_ =	shalt  }
0x72: {  	_ =	shalt  }
0x73: {  	_ =	shalt  }
0x74: {  	_ =	shalt  }
0x75: {  	_ =	shalt  }
0x76: {  	_ =	shalt  }
0x77: {  	_ =	shalt  }
0x78: {  	_ =	shalt  }
0x79: {  	_ =	shalt  }
0x7a: {  	_ =	shalt  }
0x7b: {  	_ =	shalt  }
0x7c: {  	_ =	shalt  }
0x7d: {  	_ =	shalt  }
0x7e: {  	_ =	shalt  }
0x7f: {  	_ =	shalt  }
0x80: {  	_ =	shalt  }
0x81: {  	_ =	shalt  }
0x82: {  	_ =	shalt  }
0x83: {  	_ =	shalt  }
0x84: {  	_ =	shalt  }
0x85: {  	_ =	shalt  }
0x86: {  	_ =	shalt  }
0x87: {  	_ =	shalt  }
.Lfunc_end0:
.L_simem_size_0:
called_computation.2_lowered:
.L_overlay_start_0:
0x88: {  	s2 =	sld [smem:$0x3FD9]  }
0x89: {  	s3 =	sld [smem:$0x3FFE];
	_ =	sdelay $0x1  }
0x8a: {  	s1 =	srdreg.scid  }
0x8b: {  	s0 =	sand.u32 $0x1, s1  }
0x8c: {  	s16 =	sshll.u32 s0, $0xA;
	s2 =	sadd.s32 s3, s2  }
0x8d: {  	s2 =	sadd.s32 s2, s16  }
0x8e: {  	[smem:$0x3FBF] =	sst s2  }
0x8f: {  	_ = 	snop  }
0x90: {  	(tm) =	ssettm $0x1  }
0x91: {  	s17 =	sld [smem:$0x3FFB];
	_ =	sdelay $0x3  }
0x92: {  	_ =	strace s17  }
0x93: {  	s2 =	sld [smem:$0x3FFC];
	_ =	sdelay $0x3  }
0x94: {  	_ =	strace s2  }
0x95: {  	s2 =	sld [smem:$0x3FFD];
	_ =	sdelay $0x3  }
0x96: {  	_ =	strace s2  }
0x97: {  	_ =	strace $0x8FFFFFFF  }
0x98: {  	s18 =	sld [smem:$0x3FDB];
	_ =	sdelay $0x1  }
0x99: {  	s19 =	simm.s32 $_scs_section_size  }
0x9a: {  	s4 =	simm.s32 $_size__tile_overlayer_lowered;
	s5 =	simm.s32 $_tile_overlayer_lowered  }
0x9b: {  	s22 =	simm.s32 $0x1BFF;
	s21 =	sshll.u32 s5, $0x1;
	s2 =	sadd.s32 s19, s18  }
0x9c: {  	s6 =	simm.s32 $0x0;
	s20 =	sshll.u32 s4, $0x1;
	s4 =	sadd.s32 s21, s2  }
0x9d: {  	[timem:s6], [sflag:s22] =	dma.local [hbm:s4], s20  }
0x9e: {  	_ =	swait.ge [sflag:s22], s20  }
0x9f: {  	s3 =	ssub.s32 $0x0, s20;
	[sflag:s22] =	ssyncset.done $0x0  }
0xa0: {  	[sflag:s22] =	ssyncadd.s32 s3;
	_ =	sdelay $0x1  }
0xa1: {  	s23 =	simm.s32 $0x1B8B  }
0xa2: {  	_ =	swait.ge [sflag:s23], $0x1  }
0xa3: {  	[sflag:s23] =	ssyncset.done $0x0  }
0xa4: {  	s25 =	simm.s32 $0x1B8E;
	s24 =	sld [smem:$0x3FFE];
	[sflag:s23] =	ssyncadd.s32 $0xFFFFFFFF  }
0xa5: {  	s26 =	simm.s32 $execute0_lowered;
	[smem:$0x3FD2] =	sst s25  }
0xa6: {  	s4 =	sshll.u32 s26, $0x1;
	_ =	strace $0x8000004C;
	[dreg:$0x1] =	wrdreg $0xFFFFFFFF  }
0xa7: {  	s28 =	simm.s32 $_size_execute0_lowered;
	s2 =	sadd.s32 s2, s4;
	[dreg:$0x0] =	wrdreg $0x0  }
0xa8: {  	s4 =	sshll.u32 s28, $0x1;
	[dreg:$0x2] =	wrdreg s2  }
0xa9: {  	[dreg:$0x3] =	wrdreg s4  }
0xaa: {  	[dreg:$0x4] =	wrdreg $0xC0  }
0xab: {  	_ =	task [dreg:s6], $0x5FFFF  }
0xac: {  	[dreg:$0x1] =	wrdreg $0xFFFFFFFF  }
0xad: {  	[dreg:$0x0] =	wrdreg $0x60  }
0xae: {  	[dreg:$0x2] =	wrdreg s24  }
0xaf: {  	[dreg:$0x3] =	wrdreg $0x40000  }
0xb0: {  	[dreg:$0x4] =	wrdreg $0x9  }
0xb1: {  	_ =	task.clear_ibuf [dreg:s6], $0x5FFFF;
	_ =	strace $0x9000004C  }
0xb2: {  	s29 =	simm.s32 $0x9;
	_ =	strace $0x8000004E  }
0xb3: {  	_ =	swait.ge [sflag:s29], $0x1  }
0xb4: {  	[sflag:s29] =	ssyncadd.s32 $0xFFFFFFFF  }
0xb5: {  	_ =	strace $0x9000004E  }
0xb6: {  	_ =	sfence  }
0xb7: {  	s30 =	sld [smem:$0x0];
	_ =	sdelay $0x2  }
0xb8: {  	s31 =	sshll.u32 s1, $0xD;
	s1 =	sshrl.u32 s1, $0x2  }
0xb9: {  	s3 =	sand.u32 $0x4000, s31;
	s1 =	sadd.s32 s1, s30  }
0xba: {  	s0 =	sor.u32 s3, s0;
	s1 =	sshll.u32 s1, $0x11  }
0xbb: {  	s0 =	sor.u32 s1, s0  }
0xbc: {  	s0 =	sadd.s32 $0x8F2B, s0  }
0xbd: {  	[sflag:s0] =	ssyncadd.remote.s32 $0x1  }
0xbe: {  	_ =	sfence.sel $0xFFFF  }
0xbf: {  	[dreg:$0x0] =	wrdreg $0xFFFFFFFF;
	(pc) =	sbr.abs _section_cstart, $3  }
0xc0: {  	[dreg:$0x1] =	wrdreg $0xFFFFFFFF  }
0xc1: {  	_ =	task.clear_ibuf [dreg:s6], $0x2FFFF;
	_ =	strace $0x9FFFFFFF  }
0xc2: {  	(tm) =	ssettm $0x7FFFFFFF  }
0xc3: {  	_ =	shalt  }
tec
execute0_lowered:
.L_overlay_start_1:
0x0: {  	(tag) =	ssettag $0x1  }
0x1: {  	s0 =	rddreg [dreg:$0x0]  }
0x2: {  	s1 =	rddreg [dreg:$0x1]  }
0x3: {  	s2 =	srdreg.scid;
	s3 =	simm.s32 $0x0;
	s10 =	stileid.u32  }
0x4: {  	s28 =	simm.s32 $0x80;
	s29 =	simm.s32 $0x3000;
	s8 =	smul.u32 $0xA400, s10  }
0x5: {  	s30 =	simm.s32 $0x2;
	s2 =	sand.u32 $0x1, s2;
	s16 =	smul.u32 $0x29000, s10  }
0x6: {  	s31 =	simm.s32 $0x3;
	[smem:$0x7FF] =	sst s3;
	s7 =	smul.u32 $0xA4000, s2  }
0x7: {  	s4 =	sadd.s32 $0x28E00, s0;
	s17 =	smul.u32 $0x140000, s2;
	s2 =	ssub.s32 $0x2, s2  }
0x8: {  	s9 =	sadd.s32 $0x28C00, s0;
	_ =	strace $0x8000004D;
	s18 =	sshrl.u32 s2, $0x1  }
0x9: {  	s7 =	sadd.s32 s8, s7;
	s8 =	sshrl.u32 s16, $0x2;
	s2 =	ssub.s32 s2, s18  }
0xa: {  	[dreg:$0x3] =	wrdreg s9;
	s8 =	sadd.s32 s8, s1;
	s20 =	smax.u32 s2, $0x1  }
0xb: {  	s5 =	sadd.s32 $0xDE000, s0;
	s19 =	sadd.s32 $0xA000, s8;
	[dreg:$0x6] =	wrdreg s20  }
0xc: {  	s10 =	smul.u32 $0x14000, s10;
	s21 =	sadd.s32 $0x1000, s8;
	[dreg:$0x4] =	wrdreg s19  }
0xd: {  	s6 =	sadd.s32 $0x12E000, s0;
	s22 =	sadd.s32 $0x2000, s8;
	[dreg:$0x7] =	wrdreg s21  }
0xe: {  	s10 =	sadd.s32 s10, s17;
	s23 =	sadd.s32 $0x3000, s8;
	[dreg:$0x8] =	wrdreg s22  }
0xf: {  	s7 =	sshrl.u32 s7, $0x3;
	s24 =	sadd.s32 $0x4000, s8;
	[dreg:$0x9] =	wrdreg s23  }
0x10: {  	s0 =	sadd.s32 s7, s0;
	s25 =	sadd.s32 $0x5000, s8;
	[dreg:$0xa] =	wrdreg s24  }
.Ltmp0:
0x11: {  	s26 =	sadd.s32 $0x6000, s8;
	[dreg:$0xb] =	wrdreg s25;
	(pc) =	sbr.rel .LBB2_1-.Ltmp0, $4  }
0x12: {  	v0 =	vlaneseq.u32;
	s20 =	sadd.s32 $0x8000, s8;
	s0 =	sadd.s32 $0x1A5200, s0;
	[dreg:$0xc] =	wrdreg s26  }
0x13: {  	v0 =	vmul.u32 $0x80, v0;
	s19 =	sadd.s32 $0x7000, s8;
	s21 =	sadd.s32 $0x9000, s8;
	s22 =	simm.s32 $0x2000  }
0x14: {  	s23 =	simm.s32 $0x5;
	s24 =	simm.s32 $0x1000;
	s25 =	simm.s32 $0x1  }
0x15: {  	v2 =	vimm.s32 $0x0;
	v1 =	vor.u32 $0x800, v0;
	s26 =	simm.s32 $0x20;
	[dreg:$0x5] =	wrdreg s0;
	s0 =	simm.s32 $0x0  }
.LBB2_7:
0x16: {  	s2 =	stileid.u32  }
0x17: {  	[bflag:$0x0] =	sbarrier.arrive $0xFFFF;
	s2 =	sshll.u32 s2, $0x6  }
0x18: {  	s7 =	sshrl.u32 s8, $0x3;
	s9 =	rddreg [dreg:$0x5];
	s2 =	sor.u32 $0x1C05, s2  }
0x19: {  	[hbm:s9], [sflag:s2] =	dma.local [spmem:s7], $0x1480  }
0x1a: {  	_ =	swait.ge [sflag:s23], $0x1480  }
0x1b: {  	s0 =	sadd.s32 $0x1, s0;
	s18 =	rddreg [dreg:$0x6]  }
0x1c: {  	p0 =	sne.s32 s0, s18  }
.Ltmp1:
0x1d: {  	_ = 	snop;
	(pc) =	sbr.rel @!p0 .LBB2_8-.Ltmp1, $3  }
0x1e: {  	_ =	sdelay $0x1  }
0x1f: {  	[sflag:s23] =	ssyncset.done $0x0  }
0x20: {  	[sflag:s23] =	ssyncadd.s32 $0xFFFFEB80  }
.LBB2_1:
0x21: {  	s2 =	rddreg [dreg:$0x3]  }
0x22: {  	[tilespmem:s22], [sflag:$0x5] =	stream.linear.gather [hbm4b:s2+s3], $0x1000, $0x38;
	[tilespmem:$0xE400] =	vst v63  }
0x23: {  	_ =	swait.ge [sflag:s23], $0x1000  }
0x24: {  	[sflag:s23] =	ssyncset.done $0x0  }
0x25: {  	[sflag:s23] =	ssyncadd.s32 $0xFFFFF000  }
0x26: {  	[spmem:s8] =	stream.linear.scatter [tilespmem:s22], [sflag:$0x5], $0x1000, $0x38;
	[tilespmem:$0xE400] =	vst v63  }
0x27: {  	_ =	swait.ge [sflag:s23], $0x1000  }
0x28: {  	[sflag:s23] =	ssyncset.done $0x0  }
0x29: {  	s12 =	rddreg [dreg:$0x7];
	[sflag:s23] =	ssyncadd.s32 $0xFFFFF000  }
0x2a: {  	[spmem:s12] =	stream.linear.scatter [tilespmem:s22], [sflag:$0x5], $0x1000, $0x38;
	[tilespmem:$0xE400] =	vst v63  }
0x2b: {  	_ =	swait.ge [sflag:s23], $0x1000  }
0x2c: {  	[sflag:s23] =	ssyncset.done $0x0  }
0x2d: {  	s13 =	rddreg [dreg:$0x8];
	[sflag:s23] =	ssyncadd.s32 $0xFFFFF000  }
0x2e: {  	[spmem:s13] =	stream.linear.scatter [tilespmem:s22], [sflag:$0x5], $0x1000, $0x38;
	[tilespmem:$0xE400] =	vst v63  }
0x2f: {  	_ =	swait.ge [sflag:s23], $0x1000  }
0x30: {  	[sflag:s23] =	ssyncset.done $0x0  }
0x31: {  	s14 =	rddreg [dreg:$0x9];
	[sflag:s23] =	ssyncadd.s32 $0xFFFFF000  }
0x32: {  	[spmem:s14] =	stream.linear.scatter [tilespmem:s22], [sflag:$0x5], $0x1000, $0x38;
	[tilespmem:$0xE400] =	vst v63  }
0x33: {  	_ =	swait.ge [sflag:s23], $0x1000  }
0x34: {  	[sflag:s23] =	ssyncset.done $0x0  }
0x35: {  	s15 =	rddreg [dreg:$0xa];
	[sflag:s23] =	ssyncadd.s32 $0xFFFFF000  }
0x36: {  	[spmem:s15] =	stream.linear.scatter [tilespmem:s22], [sflag:$0x5], $0x1000, $0x38;
	[tilespmem:$0xE400] =	vst v63  }
0x37: {  	_ =	swait.ge [sflag:s23], $0x1000  }
0x38: {  	[sflag:s23] =	ssyncset.done $0x0  }
0x39: {  	s16 =	rddreg [dreg:$0xb];
	[sflag:s23] =	ssyncadd.s32 $0xFFFFF000  }
0x3a: {  	[spmem:s16] =	stream.linear.scatter [tilespmem:s22], [sflag:$0x5], $0x1000, $0x38;
	[tilespmem:$0xE400] =	vst v63  }
0x3b: {  	_ =	swait.ge [sflag:s23], $0x1000  }
0x3c: {  	[sflag:s23] =	ssyncset.done $0x0  }
0x3d: {  	s17 =	rddreg [dreg:$0xc];
	[sflag:s23] =	ssyncadd.s32 $0xFFFFF000  }
0x3e: {  	[spmem:s17] =	stream.linear.scatter [tilespmem:s22], [sflag:$0x5], $0x1000, $0x38;
	[tilespmem:$0xE400] =	vst v63  }
0x3f: {  	_ =	swait.ge [sflag:s23], $0x1000  }
0x40: {  	[sflag:s23] =	ssyncset.done $0x0  }
0x41: {  	[sflag:s23] =	ssyncadd.s32 $0xFFFFF000  }
0x42: {  	[spmem:s19] =	stream.linear.scatter [tilespmem:s22], [sflag:$0x5], $0x1000, $0x38;
	[tilespmem:$0xE400] =	vst v63  }
0x43: {  	_ =	swait.ge [sflag:s23], $0x1000  }
0x44: {  	[sflag:s23] =	ssyncset.done $0x0  }
0x45: {  	[sflag:s23] =	ssyncadd.s32 $0xFFFFF000  }
0x46: {  	[spmem:s20] =	stream.linear.scatter [tilespmem:s22], [sflag:$0x5], $0x1000, $0x38;
	[tilespmem:$0xE400] =	vst v63  }
0x47: {  	_ =	swait.ge [sflag:s23], $0x1000  }
0x48: {  	[sflag:s23] =	ssyncset.done $0x0  }
0x49: {  	[sflag:s23] =	ssyncadd.s32 $0xFFFFF000  }
0x4a: {  	[spmem:s21] =	stream.linear.scatter [tilespmem:s22], [sflag:$0x5], $0x1000, $0x38;
	[tilespmem:$0xE400] =	vst v63  }
0x4b: {  	_ =	swait.ge [sflag:s23], $0x1000  }
0x4c: {  	[sflag:s23] =	ssyncset.done $0x0  }
0x4d: {  	s18 =	rddreg [dreg:$0x4];
	[sflag:s23] =	ssyncadd.s32 $0xFFFFF000  }
0x4e: {  	[spmem:s18] =	stream.linear.scatter [tilespmem:s22], [sflag:$0x5], $0x400, $0x38;
	[tilespmem:$0xE400] =	vst v63  }
.Ltmp2:
0x4f: {  	_ =	swait.ge [sflag:s23], $0x400;
	(pc) =	sbr.rel .LBB2_2-.Ltmp2, $4  }
0x50: {  	[sflag:s23] =	ssyncset.done $0x0  }
0x51: {  	[sflag:s23] =	ssyncadd.s32 $0xFFFFFC00  }
0x52: {  	[bflag:$0x0] =	sbarrier.arrive $0xFFFF  }
0x53: {  	s2 =	simm.s32 $0x0  }
.LBB2_5:
0x54: {  	[tilespmem:s16], [sflag:$0x2] =	stream.indirect.gather @!p0 [hbm4b:s4+s15], $0x80, s13, s15, $0xb8;
	[tilespmem:$0xE400] =	vst v63  }
.LBB2_6:
0x55: {  	s2 =	sadd.s32 $0x1, s2  }
0x56: {  	p0 =	sne.s32 s2, $0x14  }
.Ltmp3:
0x57: {  	_ = 	snop;
	(pc) =	sbr.rel @!p0 .LBB2_7-.Ltmp3, $1  }
0x58: {  	_ =	sdelay $0x3  }
.LBB2_2:
0x59: {  	s7 =	sshll.u32 s2, $0xC  }
0x5a: {  	s7 =	sadd.s32 s7, s10  }
0x5b: {  	s7 =	sshrl.u32 s7, $0x3  }
0x5c: {  	s9 =	sadd.s32 s5, s7  }
0x5d: {  	[tilespmem:s3], [sflag:$0x5] =	stream.linear.gather [hbm4b:s9+s3], $0x1000, $0x38;
	[tilespmem:$0xE400] =	vst v63  }
0x5e: {  	_ =	swait.ge [sflag:s23], $0x1000  }
0x5f: {  	[sflag:s23] =	ssyncset.done $0x0  }
0x60: {  	s7 =	sadd.s32 s6, s7;
	[sflag:s23] =	ssyncadd.s32 $0xFFFFF000  }
0x61: {  	[tilespmem:s24], [sflag:$0x5] =	stream.linear.gather [hbm4b:s7+s3], $0x1000, $0x38;
	[tilespmem:$0xE400] =	vst v63  }
0x62: {  	_ =	swait.ge [sflag:s23], $0x1000  }
0x63: {  	[sflag:s23] =	ssyncset.done $0x0  }
0x64: {  	[sflag:s23] =	ssyncadd.s32 $0xFFFFF000  }
0x65: {  	v3 =	vld.idx.msk [tilespmem:v0+s24+$0x0], $0xffff  }
0x66: {  	v4 =	vld.idx.msk [tilespmem:v1+s24+$0x0], $0xffff;
	_ =	sdelay $0x3  }
0x67: {  	vm0 =	vlt.s32 v3, $0x1388  }
0x68: {  	vm15 =	vlt.s32 v4, $0x1388;
	v3 =	vsel vm0, $0x1, v2  }
0x69: {  	(xrf0) =	vadd.scan.msk.s32 $0xffff, v3;
	v3 =	vsel vm15, $0x1, v2  }
0x6a: {  	(xrf0) =	vadd.scan.msk.s32 $0xffff, v3;
	_ =	sdelay $0x4  }
0x6b: {  	v3, _, _ =	vpop (xrf0)  }
0x6c: {  	(v2sf) =	vpush v3, $0xF;
	v3, _, _ =	vpop (xrf0)  }
0x6d: {  	(v2sf) =	vpush v3, $0xF;
	_ =	sdelay $0xd  }
0x6e: {  	s15 =	spop (v2sf)  }
0x6f: {  	s16 =	spop (v2sf)  }
0x70: {  	s7 =	sadd.s32 s15, s16  }
0x71: {  	s9 =	sadd.s32 $0x1, s7;
	p0 =	slt.u32 s7, $0x7FFFFFFF;
	s7 =	simm.s32 $0x1  }
0x72: {  	s7 =	simm.s32 @!p0 $0x0;
	s11 =	sshra.s32 s9, $0x1F  }
0x73: {  	s17 =	sand.u32 $0x1, s9;
	s7 =	sadd.s32 s7, s11  }
0x74: {  	p1 =	seq.s32 s17, $0x1;
	p6 =	sne.s32 s7, $0x1  }
0x75: {  	s18 =	sshrl.u32 s9, $0x1F;
	p0 =	por !p6, !p1  }
0x76: {  	s7 =	sadd.s32 s18, s9;
	s9 =	simm.s32 $0x1;
	p0 =	por !p0, !p0  }
0x77: {  	s7 =	sshra.s32 s7, $0x1;
	s9 =	simm.s32 @!p0 $0x0  }
0x78: {  	s7 =	ssub.s32 s7, s9  }
0x79: {  	p0 =	slt.s32 s7, $0x1  }
.Ltmp4:
0x7a: {  	_ = 	snop;
	(pc) =	sbr.rel @p0 .LBB2_6-.Ltmp4, $1  }
0x7b: {  	_ =	sdelay $0x3  }
0x7c: {  	s9 =	simm.s32 $0x0  }
0x7d: {  	[tilespmem:s22], [sflag:$0x1] =	stream.indirect.gather [hbm4b:s4+s26], $0x80, s9, s26, $0xb8;
	[tilespmem:$0xE400] =	vst v63  }
0x7e: {  	_ = 	snop  }
0x7f: {  	[tilespmem:s29], [sflag:$0x2] =	stream.indirect.gather [hbm4b:s4+s26], $0x80, s28, s26, $0xb8;
	[tilespmem:$0xE400] =	vst v63  }
0x80: {  	_ =	swait.ge [sflag:s25], $0x1000  }
0x81: {  	[sflag:s25] =	ssyncset.done $0x0  }
0x82: {  	s17 =	simm.s32 $0x1000;
	[sflag:s25] =	ssyncadd.s32 $0xFFFFF000  }
0x83: {  	[spmem:s1] =	stream.indirect.scatter.add.f32 [tilespmem:s22], [sflag:$0x3], $0x80, s17, s26, $0xb8;
	[tilespmem:$0xE400] =	vst v63  }
0x84: {  	_ =	swait.ge [sflag:s30], $0x1000  }
0x85: {  	[sflag:s30] =	ssyncset.done $0x0  }
0x86: {  	s18 =	simm.s32 $0x1080;
	[sflag:s30] =	ssyncadd.s32 $0xFFFFF000  }
0x87: {  	[spmem:s1] =	stream.indirect.scatter.add.f32 [tilespmem:s29], [sflag:$0x4], $0x80, s18, s26, $0xb8;
	[tilespmem:$0xE400] =	vst v63  }
0x88: {  	s9 =	sadd.s32 $0xFFFFFFFF, s7;
	_ =	swait.ge [sflag:s31], $0x1000  }
0x89: {  	p0 =	sle.s32 s9, $0x0;
	[sflag:s31] =	ssyncset.done $0x0  }
0x8a: {  	s11 =	simm.s32 @p0 $0x4;
	[sflag:s31] =	ssyncadd.s32 $0xFFFFF000  }
0x8b: {  	p1 =	sne.s32 s7, $0x1;
	s14 =	simm.s32 @!p0 $0x4;
	_ =	swait.ge @p0 [sflag:s11], $0x1000  }
0x8c: {  	s15 =	simm.s32 @!p0 $0x20;
	s12 =	simm.s32 @!p0 $0x2000;
	[sflag:s11] =	ssyncset.done @p0 $0x0  }
.Ltmp5:
0x8d: {  	[sflag:s11] =	ssyncadd.s32 @p0 $0xFFFFF000;
	s11 =	simm.s32 @!p0 $0x100;
	(pc) =	sbr.rel @!p1 .LBB2_5-.Ltmp5, $4  }
0x8e: {  	[tilespmem:s12], [sflag:$0x1] =	stream.indirect.gather @!p0 [hbm4b:s4+s15], $0x80, s11, s15, $0xb8;
	[tilespmem:$0xE400] =	vst v63  }
0x8f: {  	s13 =	simm.s32 $0x180;
	_ =	swait.ge @!p0 [sflag:s14], $0x1000  }
0x90: {  	s16 =	simm.s32 @!p0 $0x3000;
	s11 =	simm.s32 $0x1;
	[sflag:s14] =	ssyncset.done @!p0 $0x0  }
0x91: {  	s12 =	simm.s32 $0x1180;
	[sflag:s14] =	ssyncadd.s32 @!p0 $0xFFFFF000;
	s14 =	simm.s32 $0x280  }
.LBB2_4:
0x92: {  	[tilespmem:s16], [sflag:$0x2] =	stream.indirect.gather @!p0 [hbm4b:s4+s15], $0x80, s13, s15, $0xb8;
	[tilespmem:$0xE400] =	vst v63  }
0x93: {  	s15 =	smov.u32 s11;
	s11 =	sadd.s32 $0x1, s11;
	_ =	swait.ge [sflag:s25], $0x1000  }
0x94: {  	s13 =	smov.u32 s14;
	p1 =	sne.s32 s7, s11;
	[sflag:s25] =	ssyncset.done $0x0  }
0x95: {  	s16 =	sadd.s32 $0xFFFFFF80, s12;
	[sflag:s25] =	ssyncadd.s32 $0xFFFFF000  }
0x96: {  	[spmem:s1] =	stream.indirect.scatter.add.f32 [tilespmem:s22], [sflag:$0x3], $0x80, s16, s26, $0xb8;
	[tilespmem:$0xE400] =	vst v63  }
0x97: {  	_ =	swait.ge [sflag:s30], $0x1000  }
0x98: {  	[sflag:s30] =	ssyncset.done $0x0  }
0x99: {  	[sflag:s30] =	ssyncadd.s32 $0xFFFFF000  }
0x9a: {  	[spmem:s1] =	stream.indirect.scatter.add.f32 [tilespmem:s29], [sflag:$0x4], $0x80, s12, s26, $0xb8;
	[tilespmem:$0xE400] =	vst v63  }
0x9b: {  	_ =	swait.ge [sflag:s31], $0x1000  }
0x9c: {  	p0 =	sge.s32 s15, s9;
	[sflag:s31] =	ssyncset.done $0x0  }
0x9d: {  	s16 =	simm.s32 @p0 $0x4;
	[sflag:s31] =	ssyncadd.s32 $0xFFFFF000  }
0x9e: {  	s17 =	simm.s32 @!p0 $0x4;
	_ =	swait.ge @p0 [sflag:s16], $0x1000  }
0x9f: {  	s15 =	simm.s32 @!p0 $0x20;
	s18 =	simm.s32 @!p0 $0x2000;
	[sflag:s16] =	ssyncset.done @p0 $0x0  }
.Ltmp6:
0xa0: {  	[sflag:s16] =	ssyncadd.s32 @p0 $0xFFFFF000;
	s16 =	sadd.s32 @!p0 $0xFFFFFF80, s14;
	(pc) =	sbr.rel @p1 .LBB2_4-.Ltmp6, $4  }
0xa1: {  	[tilespmem:s18], [sflag:$0x1] =	stream.indirect.gather @!p0 [hbm4b:s4+s15], $0x80, s16, s15, $0xb8;
	[tilespmem:$0xE400] =	vst v63  }
0xa2: {  	_ =	swait.ge @!p0 [sflag:s17], $0x1000  }
0xa3: {  	s12 =	sadd.s32 $0x100, s12;
	[sflag:s17] =	ssyncset.done @!p0 $0x0  }
0xa4: {  	s14 =	sadd.s32 $0x100, s14;
	s16 =	simm.s32 @!p0 $0x3000;
	[sflag:s17] =	ssyncadd.s32 @!p0 $0xFFFFF000  }
.Ltmp7:
0xa5: {  	_ = 	snop;
	(pc) =	sbr.rel .LBB2_5-.Ltmp7, $1  }
0xa6: {  	_ =	sdelay $0x3  }
.LBB2_8:
0xa7: {  	_ =	sfence.sel $0x180000  }
0xa8: {  	[bflag:$0x0] =	sbarrier.arrive $0xFFFF  }
0xa9: {  	_ =	strace $0x9000004D  }
0xaa: {  	s0 =	stileid.u32;
	[bflag:$0x2] =	sbarrier.arrive $0xFFFF  }
0xab: {  	p0 =	sne.s32 s0, $0x0;
	s0 =	rddreg [dreg:$0x2]  }
0xac: {  	s0 =	sadd.s32 @!p0 $0x100000, s0  }
0xad: {  	[sflag:s0] =	ssyncadd.tile.s32 @!p0 $0x1;
	_ =	shalt  }
.Lfunc_end2:
_tile_overlayer_lowered:
.L_overlay_start_2:
0xae: {  	(tag) =	ssettag $0x2  }
0xaf: {  	s0 =	rddreg [dreg:$0x0];
	s2 =	stileid.u32  }
0xb0: {  	s1 =	rddreg [dreg:$0x1];
	p0 =	sne.s32 s2, $0x0  }
0xb1: {  	s3 =	rddreg [dreg:$0x2];
	[bflag:$0x3] =	sbarrier.arrive $0xFFFF;
	s2 =	simm.s32 @!p0 $0x1C05  }
0xb2: {  	[timem:s3], [sflag:s2] =	dma.local @!p0 [hbm:s0], s1  }
0xb3: {  	s0 =	simm.s32 @!p0 $0x5  }
0xb4: {  	_ =	swait.ge @!p0 [sflag:s0], s1  }
0xb5: {  	s1 =	ssub.s32 @!p0 $0x0, s1;
	[sflag:s0] =	ssyncset.done @!p0 $0x0  }
0xb6: {  	[sflag:s0] =	ssyncadd.s32 @!p0 s1  }
0xb7: {  	[bflag:$0x3] =	sbarrier.arrive $0xFFFF  }
0xb8: {  	_ =	shalt  }

// kernel: kernel.24.cloned.1.call-start
scs
__scs_entry_jumppad:
0x0: {  	(pc) =	sbr.rel $0x88, $3  }
0x1: {  	(tag) =	ssettag $0x0;
	lr =	simm.s32 $0x1  }
0x2: {  	[smem:$0x3F98] =	sst lr;
	_ =	strace $0xD0000000  }
0x3: {  	_ = 	snop  }
0x4: {  	_ = 	snop  }
0x5: {  	_ = 	snop  }
0x6: {  	_ = 	snop  }
0x7: {  	_ = 	snop  }
__scs_overlays_trampoline_lowered:
0x8: {  	[smem:$0x3FA7] =	sst s0  }
0x9: {  	[smem:$0x3FA8] =	sst s1  }
0xa: {  	[smem:$0x3FA9] =	sst s2  }
0xb: {  	[smem:$0x3FAA] =	sst s3  }
0xc: {  	[smem:$0x3FAB] =	sst s4  }
0xd: {  	[smem:$0x3FAC] =	sst s5  }
0xe: {  	[smem:$0x3FAD] =	sst s6  }
0xf: {  	[smem:$0x3FAE] =	sst s7  }
0x10: {  	[smem:$0x3FAF] =	sst s8  }
0x11: {  	[smem:$0x3FB0] =	sst s9;
	s0 =	simm.s32 @!p0 $0x0  }
0x12: {  	s1 =	sld [smem:$0x3F96];
	s0 =	simm.s32 @p0 $0x1  }
0x13: {  	[smem:$0x3FB1] =	sst s0;
	s0 =	simm.s32 @!p1 $0x0  }
0x14: {  	s2 =	sld [smem:$0x3F95];
	s0 =	simm.s32 @p1 $0x1  }
0x15: {  	[smem:$0x3FB2] =	sst s0;
	s0 =	simm.s32 @!p2 $0x0  }
0x16: {  	s3 =	sld [smem:$0x3FDB];
	s0 =	simm.s32 @p2 $0x1  }
0x17: {  	s4 =	simm.s32 $0x1BF5;
	[smem:$0x3FB4] =	sst s0  }
0x18: {  	s0 =	sld [smem:$0x3F97];
	_ =	swait.ge [sflag:s4], $0x0  }
0x19: {  	s7 =	sld [smem:$0x3F98]  }
0x1a: {  	s8 =	sadd.s32 $0xFFFFE003, lr  }
0x1b: {  	s9 =	sadd.s32 $0xFFFFFEF7, lr;
	s5 =	simm.s32 $0xFFFFFFFF;
	p2 =	slt.u32 s8, $0xFFFFF086  }
0x1c: {  	p1 =	slt.u32 s9, $0xF7A;
	s5 =	simm.s32 @!p2 $0x0  }
0x1d: {  	s5 =	simm.s32 @p1 $0x1;
	p0 =	seq.s32 s7, s2  }
0x1e: {  	s7 =	smul.u32 @!p0 $0xF7A, s2;
	p2 =	seq.s32 @!p0 s5, $0x0  }
0x1f: {  	s9 =	smul.u32 $0xF7A, s1;
	s8 =	simm.s32 @!p0 $0x1BF5;
	p2 =	por !p2, p0  }
0x20: {  	[sflag:s8] =	ssyncset.s32 @!p0 $0xFFFFF086;
	s6 =	sadd.s32 @!p0 s3, s7;
	s7 =	simm.s32 @!p0 $0x108  }
0x21: {  	s3 =	sadd.s32 s3, s9;
	s6 =	sadd.s32 @!p0 $0x88, s6;
	s7 =	simm.s32 @p2 $0x1082  }
0x22: {  	[simem:s7], [sflag:s8] =	dma.local @!p0 [hbm:s6], $0xF7A  }
0x23: {  	s9 =	sor.u32 $0xD0000000, s2;
	s6 =	simm.s32 $0x108;
	_ =	swait.ge @!p0 [sflag:s8], $0x0  }
0x24: {  	s3 =	sadd.s32 $0x88, s3;
	s6 =	simm.s32 @!p1 $0x1082;
	[sflag:s4] =	ssyncset.s32 $0xFFFFF086  }
0x25: {  	[simem:s6], [sflag:s4] =	dma.local [hbm:s3], $0xF7A  }
0x26: {  	[smem:$0x3F98] =	sst s1;
	(tag) =	ssettag s2;
	_ =	strace s9  }
0x27: {  	s1 =	sld [smem:$0x3FA8]  }
0x28: {  	s2 =	sld [smem:$0x3FA9]  }
0x29: {  	s4 =	sld [smem:$0x3FAB]  }
0x2a: {  	p0 =	seq.s32 s5, $0x0;
	s5 =	sld [smem:$0x3FAC]  }
0x2b: {  	s6 =	sld [smem:$0x3FAD]  }
0x2c: {  	s7 =	sld [smem:$0x3FAE]  }
0x2d: {  	s3 =	simm.s32 $0x108;
	s8 =	sld [smem:$0x3FAF]  }
0x2e: {  	s3 =	simm.s32 @!p0 $0x1082;
	s9 =	sld [smem:$0x3FB0]  }
0x2f: {  	lr =	sadd.s32 s0, s3;
	s0 =	sld [smem:$0x3FA7]  }
0x30: {  	s3 =	sld [smem:$0x3FAA]  }
0x31: {  	[smem:$0x3FB3] =	sst s10  }
0x32: {  	s10 =	sld [smem:$0x3FB1];
	_ =	sdelay $0x3  }
0x33: {  	p0 =	seq.s32 s10, $0x1;
	s10 =	sld [smem:$0x3FB3];
	_ =	sdelay $0x3  }
0x34: {  	[smem:$0x3FB3] =	sst s10  }
0x35: {  	s10 =	sld [smem:$0x3FB2];
	_ =	sdelay $0x3  }
0x36: {  	p1 =	seq.s32 s10, $0x1;
	s10 =	sld [smem:$0x3FB3];
	_ =	sdelay $0x3  }
0x37: {  	[smem:$0x3FB3] =	sst s10  }
0x38: {  	s10 =	sld [smem:$0x3FB4]  }
0x39: {  	_ = 	snop;
	(pc) =	sbr.ind lr, $3  }
0x3a: {  	_ = 	snop  }
0x3b: {  	_ = 	snop  }
0x3c: {  	p2 =	seq.s32 s10, $0x1;
	s10 =	sld [smem:$0x3FB3]  }
0x3d: {  	_ =	shalt  }
0x3e: {  	_ =	shalt  }
0x3f: {  	_ =	shalt  }
0x40: {  	_ =	shalt  }
0x41: {  	_ =	shalt  }
0x42: {  	_ =	shalt  }
0x43: {  	_ =	shalt  }
0x44: {  	_ =	shalt  }
0x45: {  	_ =	shalt  }
0x46: {  	_ =	shalt  }
0x47: {  	_ =	shalt  }
0x48: {  	_ =	shalt  }
0x49: {  	_ =	shalt  }
0x4a: {  	_ =	shalt  }
0x4b: {  	_ =	shalt  }
0x4c: {  	_ =	shalt  }
0x4d: {  	_ =	shalt  }
0x4e: {  	_ =	shalt  }
0x4f: {  	_ =	shalt  }
0x50: {  	_ =	shalt  }
0x51: {  	_ =	shalt  }
0x52: {  	_ =	shalt  }
0x53: {  	_ =	shalt  }
0x54: {  	_ =	shalt  }
0x55: {  	_ =	shalt  }
0x56: {  	_ =	shalt  }
0x57: {  	_ =	shalt  }
0x58: {  	_ =	shalt  }
0x59: {  	_ =	shalt  }
0x5a: {  	_ =	shalt  }
0x5b: {  	_ =	shalt  }
0x5c: {  	_ =	shalt  }
0x5d: {  	_ =	shalt  }
0x5e: {  	_ =	shalt  }
0x5f: {  	_ =	shalt  }
0x60: {  	_ =	shalt  }
0x61: {  	_ =	shalt  }
0x62: {  	_ =	shalt  }
0x63: {  	_ =	shalt  }
0x64: {  	_ =	shalt  }
0x65: {  	_ =	shalt  }
0x66: {  	_ =	shalt  }
0x67: {  	_ =	shalt  }
0x68: {  	_ =	shalt  }
0x69: {  	_ =	shalt  }
0x6a: {  	_ =	shalt  }
0x6b: {  	_ =	shalt  }
0x6c: {  	_ =	shalt  }
0x6d: {  	_ =	shalt  }
0x6e: {  	_ =	shalt  }
0x6f: {  	_ =	shalt  }
0x70: {  	_ =	shalt  }
0x71: {  	_ =	shalt  }
0x72: {  	_ =	shalt  }
0x73: {  	_ =	shalt  }
0x74: {  	_ =	shalt  }
0x75: {  	_ =	shalt  }
0x76: {  	_ =	shalt  }
0x77: {  	_ =	shalt  }
0x78: {  	_ =	shalt  }
0x79: {  	_ =	shalt  }
0x7a: {  	_ =	shalt  }
0x7b: {  	_ =	shalt  }
0x7c: {  	_ =	shalt  }
0x7d: {  	_ =	shalt  }
0x7e: {  	_ =	shalt  }
0x7f: {  	_ =	shalt  }
0x80: {  	_ =	shalt  }
0x81: {  	_ =	shalt  }
0x82: {  	_ =	shalt  }
0x83: {  	_ =	shalt  }
0x84: {  	_ =	shalt  }
0x85: {  	_ =	shalt  }
0x86: {  	_ =	shalt  }
0x87: {  	_ =	shalt  }
.Lfunc_end0:
.L_simem_size_0:
called_computation.3_lowered:
.L_overlay_start_0:
0x88: {  	s0 =	sld [smem:$0x3FD9]  }
0x89: {  	s1 =	sld [smem:$0x3FFE];
	_ =	sdelay $0x3  }
0x8a: {  	s0 =	sadd.s32 s1, s0  }
0x8b: {  	[smem:$0x3FBF] =	sst s0  }
0x8c: {  	_ = 	snop  }
0x8d: {  	s0 =	sld [smem:$0x3FD0];
	(tm) =	ssettm $0x1  }
0x8e: {  	s16 =	sld [smem:$0x3FFB];
	_ =	sdelay $0x3  }
0x8f: {  	_ =	strace s16  }
0x90: {  	s1 =	sld [smem:$0x3FFC];
	_ =	sdelay $0x3  }
0x91: {  	_ =	strace s1  }
0x92: {  	s1 =	sld [smem:$0x3FFD];
	_ =	sdelay $0x3  }
0x93: {  	_ =	strace s1  }
0x94: {  	_ =	strace $0x8FFFFFFF  }
0x95: {  	s17 =	sld [smem:$0x3FDB];
	_ =	sdelay $0x1  }
0x96: {  	s2 =	simm.s32 $_scs_section_size  }
0x97: {  	s3 =	simm.s32 $_size__tile_overlayer_lowered;
	s4 =	simm.s32 $_tile_overlayer_lowered  }
0x98: {  	s20 =	simm.s32 $0x1BFF;
	s19 =	sshll.u32 s4, $0x1;
	s1 =	sadd.s32 s2, s17  }
0x99: {  	s5 =	simm.s32 $0x0;
	s18 =	sshll.u32 s3, $0x1;
	s3 =	sadd.s32 s19, s1  }
0x9a: {  	[timem:s5], [sflag:s20] =	dma.local [hbm:s3], s18  }
0x9b: {  	_ =	swait.ge [sflag:s20], s18  }
0x9c: {  	s2 =	ssub.s32 $0x0, s18;
	[sflag:s20] =	ssyncset.done $0x0  }
0x9d: {  	[sflag:s20] =	ssyncadd.s32 s2;
	_ =	sdelay $0x1  }
0x9e: {  	s21 =	simm.s32 $0x1B8B  }
0x9f: {  	_ =	swait.ge [sflag:s21], $0x1  }
0xa0: {  	[sflag:s21] =	ssyncset.done $0x0  }
0xa1: {  	s23 =	simm.s32 $0x1B8E;
	s22 =	sld [smem:$0x3FFE];
	[sflag:s21] =	ssyncadd.s32 $0xFFFFFFFF  }
0xa2: {  	s24 =	simm.s32 $execute0_lowered;
	[smem:$0x3FD2] =	sst s23  }
0xa3: {  	s3 =	sshll.u32 s24, $0x1;
	_ =	strace $0x8000004F;
	[dreg:$0x1] =	wrdreg $0xFFFFFFFF  }
0xa4: {  	s25 =	simm.s32 $_size_execute0_lowered;
	s1 =	sadd.s32 s1, s3;
	[dreg:$0x0] =	wrdreg $0x0  }
0xa5: {  	s3 =	sshll.u32 s25, $0x1;
	[dreg:$0x2] =	wrdreg s1  }
0xa6: {  	[dreg:$0x3] =	wrdreg s3  }
0xa7: {  	[dreg:$0x4] =	wrdreg $0xC0  }
0xa8: {  	_ =	task [dreg:s5], $0x5FFFF  }
0xa9: {  	[dreg:$0x1] =	wrdreg $0xFFFFFFFF  }
0xaa: {  	[dreg:$0x0] =	wrdreg $0x60  }
0xab: {  	[dreg:$0x2] =	wrdreg s22  }
0xac: {  	[dreg:$0x3] =	wrdreg s0  }
0xad: {  	[dreg:$0x4] =	wrdreg $0x9  }
0xae: {  	_ =	task.clear_ibuf [dreg:s5], $0x5FFFF;
	_ =	strace $0x9000004F  }
0xaf: {  	s26 =	simm.s32 $0x9;
	_ =	strace $0x80000051  }
0xb0: {  	_ =	swait.ge [sflag:s26], $0x1  }
0xb1: {  	[sflag:s26] =	ssyncadd.s32 $0xFFFFFFFF  }
0xb2: {  	_ =	strace $0x90000051  }
0xb3: {  	_ =	sfence  }
0xb4: {  	s28 =	sld [smem:$0x0];
	_ =	sdelay $0x1  }
0xb5: {  	s29 =	srdreg.scid  }
0xb6: {  	s30 =	sshll.u32 s29, $0xD;
	s31 =	sshrl.u32 s29, $0x2  }
0xb7: {  	s2 =	sand.u32 $0x4000, s30;
	s1 =	sand.u32 $0x1, s29;
	s0 =	sadd.s32 s31, s28  }
0xb8: {  	s1 =	sor.u32 s2, s1;
	s0 =	sshll.u32 s0, $0x11  }
0xb9: {  	s0 =	sor.u32 s0, s1  }
0xba: {  	s0 =	sadd.s32 $0x8F2B, s0  }
0xbb: {  	[sflag:s0] =	ssyncadd.remote.s32 $0x1  }
0xbc: {  	_ =	sfence.sel $0xFFFF  }
0xbd: {  	[dreg:$0x0] =	wrdreg $0xFFFFFFFF;
	(pc) =	sbr.abs _section_cstart, $3  }
0xbe: {  	[dreg:$0x1] =	wrdreg $0xFFFFFFFF  }
0xbf: {  	_ =	task.clear_ibuf [dreg:s5], $0x2FFFF;
	_ =	strace $0x9FFFFFFF  }
0xc0: {  	(tm) =	ssettm $0x7FFFFFFF  }
0xc1: {  	_ =	shalt  }
tec
execute0_lowered:
.L_overlay_start_1:
0x0: {  	(tag) =	ssettag $0x1  }
0x1: {  	s3 =	rddreg [dreg:$0x0]  }
0x2: {  	s1 =	rddreg [dreg:$0x1]  }
0x3: {  	s0 =	rddreg [dreg:$0x2];
	s4 =	simm.s32 $0x0  }
0x4: {  	s5 =	simm.s32 $0x800;
	[smem:$0x7FF] =	sst s4  }
0x5: {  	s6 =	simm.s32 $0x1;
	s2 =	sadd.s32 $0x27C00, s3;
	_ =	strace $0x80000050  }
0x6: {  	[tilespmem:s5], [sflag:$0x1] =	stream.linear.gather [hbm4b:s2+s4], $0x5000, $0x38;
	[tilespmem:$0x17000] =	vst v63  }
0x7: {  	_ =	swait.ge [sflag:s6], $0x5000  }
0x8: {  	[sflag:s6] =	ssyncset.done $0x0  }
0x9: {  	s26 =	simm.s32 $0xA800;
	[sflag:s6] =	ssyncadd.s32 $0xFFFFB000  }
0xa: {  	[tilespmem:s26], [sflag:$0x1] =	stream.linear.gather [hbm4b:s2+s4], $0x5000, $0x38;
	[tilespmem:$0x17000] =	vst v63  }
0xb: {  	_ =	swait.ge [sflag:s6], $0x5000  }
0xc: {  	[sflag:s6] =	ssyncset.done $0x0  }
0xd: {  	s29 =	simm.s32 $0x5800;
	s28 =	sadd.s32 $0x27200, s3;
	[sflag:s6] =	ssyncadd.s32 $0xFFFFB000  }
0xe: {  	[tilespmem:s29], [sflag:$0x1] =	stream.linear.gather [hbm4b:s28+s4], $0x5000, $0x38;
	[tilespmem:$0x17000] =	vst v63  }
0xf: {  	_ =	swait.ge [sflag:s6], $0x5000  }
0x10: {  	[sflag:s6] =	ssyncset.done $0x0  }
0x11: {  	s30 =	simm.s32 $0xF800;
	s9 =	simm.s32 $0x14800;
	[sflag:s6] =	ssyncadd.s32 $0xFFFFB000  }
0x12: {  	[tilespmem:s30], [sflag:$0x1] =	stream.linear.gather [hbm4b:s28+s4], $0x5000, $0x38;
	[tilespmem:$0x17000] =	vst v63  }
0x13: {  	s11 =	simm.s32 $0x80;
	s12 =	simm.s32 $0x400;
	_ =	swait.ge [sflag:s6], $0x5000  }
0x14: {  	s14 =	simm.s32 $0x0;
	s15 =	simm.s32 $0x0;
	[sflag:s6] =	ssyncset.done $0x0  }
0x15: {  	s13 =	simm.s32 $0x0;
	s31 =	sadd.s32 $0x28600, s3;
	[sflag:s6] =	ssyncadd.s32 $0xFFFFB000  }
0x16: {  	[tilespmem:s9], [sflag:$0x1] =	stream.linear.gather [hbm4b:s31+s4], $0x2800, $0x38;
	[tilespmem:$0x17000] =	vst v63  }
0x17: {  	s7 =	sadd.s32 $0xC5200, s3;
	s8 =	sadd.s32 $0xD1200, s3;
	_ =	swait.ge [sflag:s6], $0x2800  }
0x18: {  	s5 =	sadd.s32 $0x5400, s3;
	s2 =	stileid.u32;
	[sflag:s6] =	ssyncset.done $0x0  }
0x19: {  	v0 =	vimm.f32 $1.000000000e+00;
	v1 =	vimm.s32 $0x0;
	s3 =	sadd.s32 $0x19400, s3;
	s10 =	smul.u32 $0x6000, s2;
	[sflag:s6] =	ssyncadd.s32 $0xFFFFD800  }
.LBB2_1:
0x1a: {  	s16 =	sshll.u32 s13, $0xA  }
0x1b: {  	s17 =	sshll.u32 s13, $0x7;
	s16 =	sand.u32 $0x6000, s16  }
0x1c: {  	s17 =	sand.u32 $0x380, s17;
	s16 =	sadd.s32 s10, s16  }
0x1d: {  	s16 =	sor.u32 s17, s16  }
0x1e: {  	s16 =	sshrl.u32 s16, $0x3  }
0x1f: {  	s28 =	sadd.s32 s7, s16  }
0x20: {  	[tilespmem:s4], [sflag:$0x1] =	stream.strided.gather [hbm4b:s28+s11], $0x400, s12, s11, $0x38;
	[tilespmem:$0x17000] =	vst v63  }
0x21: {  	_ =	swait.ge [sflag:s6], $0x400  }
0x22: {  	[sflag:s6] =	ssyncset.done $0x0  }
0x23: {  	s16 =	sadd.s32 s8, s16;
	[sflag:s6] =	ssyncadd.s32 $0xFFFFFC00  }
0x24: {  	[tilespmem:s12], [sflag:$0x1] =	stream.strided.gather [hbm4b:s16+s11], $0x400, s12, s11, $0x38;
	[tilespmem:$0x17000] =	vst v63  }
0x25: {  	_ =	swait.ge [sflag:s6], $0x400  }
0x26: {  	[sflag:s6] =	ssyncset.done $0x0  }
0x27: {  	s29 =	simm.s32 $0x0;
	[sflag:s6] =	ssyncadd.s32 $0xFFFFFC00  }
0x28: {  	v2 =	vld [tilespmem:s29+$0x400];
	_ =	sdelay $0x4  }
0x29: {  	vm0 =	vlt.s32 v2, $0x1388;
	v3 =	vadd.s32 $0xFFFFEC78, v2  }
0x2a: {  	vm1 =	vlt.u32 v3, $0x1388;
	v4 =	vsel vm0, $0x1, v1  }
0x2b: {  	v5 =	vsel vm1, $0x1, v1;
	(xrf0) =	vadd.scan.msk.s32 $0xffff, v4  }
0x2c: {  	(xrf0) =	vadd.scan.msk.s32 $0xffff, v5  }
0x2d: {  	v4 =	vld [tilespmem:s29+$0x0];
	_ =	sdelay $0x3  }
0x2e: {  	v5, _, _ =	vpop (xrf0)  }
0x2f: {  	[tilespmem:s15+$0x800] =	vst.msk vm0, v4;
	(v2sf) =	vpush v5, $0xF;
	v5, _, _ =	vpop (xrf0)  }
0x30: {  	[tilespmem:s15+$0x5800] =	vst.msk vm0, v2;
	(v2sf) =	vpush v5, $0xF  }
0x31: {  	[tilespmem:s14+$0xA800] =	vst.msk vm1, v4  }
0x32: {  	[tilespmem:s14+$0xF800] =	vst.msk vm1, v3  }
0x33: {  	s30 =	simm.s32 $0x10;
	[tilespmem:v2+s9+$0x0] =	vst.idx.add.f32.msk $0xffff, v0  }
0x34: {  	v2 =	vld [tilespmem:s30+$0x400];
	_ =	sdelay $0x4  }
0x35: {  	vm1 =	vlt.s32 v2, $0x1388;
	v3 =	vadd.s32 $0xFFFFEC78, v2  }
0x36: {  	vm0 =	vlt.u32 v3, $0x1388;
	v4 =	vsel vm1, $0x1, v1  }
0x37: {  	v5 =	vsel vm0, $0x1, v1;
	(xrf0) =	vadd.scan.msk.s32 $0xffff, v4  }
0x38: {  	v4 =	vld [tilespmem:s30+$0x0];
	(xrf0) =	vadd.scan.msk.s32 $0xffff, v5;
	_ =	sdelay $0x1  }
0x39: {  	s31 =	spop (v2sf)  }
0x3a: {  	s16 =	simm.s32 $0x80;
	s15 =	sadd.s32 s15, s31;
	s17 =	spop (v2sf)  }
.LBB2_2:
0x3b: {  	p0 =	sne.s32 s16, $0xFC0  }
0x3c: {  	[tilespmem:s15+$0x800] =	vst.msk vm1, v4;
	v5, _, _ =	vpop (xrf0);
	s14 =	sadd.s32 s14, s17;
	s17 =	smov.u32 s16;
	s16 =	sadd.s32 $0x40, s16  }
0x3d: {  	[tilespmem:s15+$0x5800] =	vst.msk vm1, v2;
	(v2sf) =	vpush v5, $0xF;
	v5, _, _ =	vpop (xrf0)  }
0x3e: {  	[tilespmem:s14+$0xA800] =	vst.msk vm0, v4;
	(v2sf) =	vpush v5, $0xF  }
0x3f: {  	[tilespmem:s14+$0xF800] =	vst.msk vm0, v3  }
0x40: {  	s17 =	sshra.s32 s17, $0x2;
	[tilespmem:v2+s9+$0x0] =	vst.idx.add.f32.msk $0xffff, v0  }
0x41: {  	v2 =	vld [tilespmem:s17+$0x400];
	_ =	sdelay $0x4  }
0x42: {  	vm1 =	vlt.s32 v2, $0x1388;
	v3 =	vadd.s32 $0xFFFFEC78, v2  }
0x43: {  	vm0 =	vlt.u32 v3, $0x1388;
	v4 =	vsel vm1, $0x1, v1  }
0x44: {  	v5 =	vsel vm0, $0x1, v1;
	(xrf0) =	vadd.scan.msk.s32 $0xffff, v4  }
.Ltmp0:
0x45: {  	v4 =	vld [tilespmem:s17+$0x0];
	(xrf0) =	vadd.scan.msk.s32 $0xffff, v5;
	(pc) =	sbr.rel @p0 .LBB2_2-.Ltmp0, $3  }
0x46: {  	_ =	sdelay $0x1  }
0x47: {  	s17 =	spop (v2sf)  }
0x48: {  	s15 =	sadd.s32 s15, s17;
	s17 =	spop (v2sf)  }
0x49: {  	v5, _, _ =	vpop (xrf0)  }
0x4a: {  	(v2sf) =	vpush v5, $0xF;
	v63, _, _ =	vpop (xrf0)  }
0x4b: {  	(v2sf) =	vpush v63, $0xF;
	_ =	sdelay $0x9  }
0x4c: {  	s13 =	sadd.s32 $0x1, s13  }
0x4d: {  	p0 =	sne.s32 s13, $0x14  }
.Ltmp1:
0x4e: {  	[tilespmem:s15+$0x800] =	vst.msk vm1, v4;
	(pc) =	sbr.rel @p0 .LBB2_1-.Ltmp1, $4  }
0x4f: {  	s14 =	sadd.s32 s14, s17;
	[tilespmem:s15+$0x5800] =	vst.msk vm1, v2  }
0x50: {  	[tilespmem:s14+$0xA800] =	vst.msk vm0, v4;
	s16 =	spop (v2sf)  }
0x51: {  	[tilespmem:s14+$0xF800] =	vst.msk vm0, v3;
	s31 =	spop (v2sf)  }
0x52: {  	[tilespmem:v2+s9+$0x0] =	vst.idx.add.f32.msk $0xffff, v0;
	s15 =	sadd.s32 s15, s16;
	s14 =	sadd.s32 s14, s31  }
0x53: {  	s4 =	sshrl.u32 s2, $0x3  }
0x54: {  	s7 =	sshll.u32 s2, $0x7;
	s6 =	smul.u32 $0x28000, s4  }
0x55: {  	s7 =	sand.u32 $0x380, s7  }
0x56: {  	s6 =	sor.u32 s7, s6  }
0x57: {  	s10 =	simm.s32 $0x80;
	s11 =	simm.s32 $0x400;
	s8 =	sshrl.u32 s6, $0x3  }
0x58: {  	s12 =	simm.s32 $0x800;
	s23 =	simm.s32 $0x1;
	s9 =	sadd.s32 s1, s8  }
0x59: {  	[hbm4b:s9+s10] =	stream.strided.scatter [tilespmem:s12], [sflag:$0x1], $0x5000, s11, s10, $0x38;
	[tilespmem:$0x17000] =	vst v63  }
0x5a: {  	_ =	swait.ge [sflag:s23], $0x5000  }
0x5b: {  	[sflag:s23] =	ssyncset.done $0x0  }
0x5c: {  	s24 =	simm.s32 $0x5800;
	s8 =	sadd.s32 s5, s8;
	[sflag:s23] =	ssyncadd.s32 $0xFFFFB000  }
0x5d: {  	[hbm4b:s8+s10] =	stream.strided.scatter [tilespmem:s24], [sflag:$0x1], $0x5000, s11, s10, $0x38;
	[tilespmem:$0x17000] =	vst v63  }
0x5e: {  	s6 =	sadd.s32 $0x50000, s6;
	_ =	swait.ge [sflag:s23], $0x5000  }
0x5f: {  	s6 =	sshrl.u32 s6, $0x3;
	[sflag:s23] =	ssyncset.done $0x0  }
0x60: {  	s26 =	simm.s32 $0xA800;
	s25 =	sadd.s32 s1, s6;
	[sflag:s23] =	ssyncadd.s32 $0xFFFFB000  }
0x61: {  	[hbm4b:s25+s10] =	stream.strided.scatter [tilespmem:s26], [sflag:$0x1], $0x5000, s11, s10, $0x38;
	[tilespmem:$0x17000] =	vst v63  }
0x62: {  	_ =	swait.ge [sflag:s23], $0x5000  }
0x63: {  	s29 =	simm.s32 $0xF800;
	[sflag:s23] =	ssyncset.done $0x0  }
0x64: {  	s4 =	smul.u32 $0x14000, s4;
	s28 =	sadd.s32 s5, s6;
	[sflag:s23] =	ssyncadd.s32 $0xFFFFB000  }
0x65: {  	[hbm4b:s28+s10] =	stream.strided.scatter [tilespmem:s29], [sflag:$0x1], $0x5000, s11, s10, $0x38;
	[tilespmem:$0x17000] =	vst v63  }
0x66: {  	s30 =	sor.u32 s7, s4;
	_ =	swait.ge [sflag:s23], $0x5000  }
0x67: {  	s1 =	sshrl.u32 s30, $0x3;
	[sflag:s23] =	ssyncset.done $0x0  }
0x68: {  	s31 =	simm.s32 $0x14800;
	s1 =	sadd.s32 s3, s1;
	[sflag:s23] =	ssyncadd.s32 $0xFFFFB000  }
0x69: {  	[hbm4b:s1+s10] =	stream.strided.scatter [tilespmem:s31], [sflag:$0x1], $0x2800, s11, s10, $0x38;
	[tilespmem:$0x17000] =	vst v63  }
0x6a: {  	_ =	swait.ge [sflag:s23], $0x2800  }
0x6b: {  	[sflag:s23] =	ssyncset.done $0x0  }
0x6c: {  	[sflag:s23] =	ssyncadd.s32 $0xFFFFD800  }
0x6d: {  	_ =	sfence.sel $0x180000  }
0x6e: {  	[bflag:$0x0] =	sbarrier.arrive $0xFFFF  }
0x6f: {  	p0 =	sne.s32 s2, $0x0;
	_ =	strace $0x90000050  }
0x70: {  	s0 =	sadd.s32 @!p0 $0x100000, s0;
	[bflag:$0x2] =	sbarrier.arrive $0xFFFF  }
0x71: {  	[sflag:s0] =	ssyncadd.tile.s32 @!p0 $0x1;
	_ =	shalt  }
.Lfunc_end2:
_tile_overlayer_lowered:
.L_overlay_start_2:
0x72: {  	(tag) =	ssettag $0x2  }
0x73: {  	s0 =	rddreg [dreg:$0x0];
	s2 =	stileid.u32  }
0x74: {  	s1 =	rddreg [dreg:$0x1];
	p0 =	sne.s32 s2, $0x0  }
0x75: {  	s3 =	rddreg [dreg:$0x2];
	[bflag:$0x3] =	sbarrier.arrive $0xFFFF;
	s2 =	simm.s32 @!p0 $0x1C01  }
0x76: {  	[timem:s3], [sflag:s2] =	dma.local @!p0 [hbm:s0], s1  }
0x77: {  	s0 =	simm.s32 @!p0 $0x1  }
0x78: {  	_ =	swait.ge @!p0 [sflag:s0], s1  }
0x79: {  	s1 =	ssub.s32 @!p0 $0x0, s1;
	[sflag:s0] =	ssyncset.done @!p0 $0x0  }
0x7a: {  	[sflag:s0] =	ssyncadd.s32 @!p0 s1  }
0x7b: {  	[bflag:$0x3] =	sbarrier.arrive $0xFFFF  }
0x7c: {  	_ =	shalt  }

// kernel: kernel.27.cloned.1.call-start
scs
__scs_entry_jumppad:
0x0: {  	(pc) =	sbr.rel $0x88, $3  }
0x1: {  	(tag) =	ssettag $0x0;
	lr =	simm.s32 $0x1  }
0x2: {  	[smem:$0x3F98] =	sst lr;
	_ =	strace $0xD0000000  }
0x3: {  	_ = 	snop  }
0x4: {  	_ = 	snop  }
0x5: {  	_ = 	snop  }
0x6: {  	_ = 	snop  }
0x7: {  	_ = 	snop  }
__scs_overlays_trampoline_lowered:
0x8: {  	[smem:$0x3FA7] =	sst s0  }
0x9: {  	[smem:$0x3FA8] =	sst s1  }
0xa: {  	[smem:$0x3FA9] =	sst s2  }
0xb: {  	[smem:$0x3FAA] =	sst s3  }
0xc: {  	[smem:$0x3FAB] =	sst s4  }
0xd: {  	[smem:$0x3FAC] =	sst s5  }
0xe: {  	[smem:$0x3FAD] =	sst s6  }
0xf: {  	[smem:$0x3FAE] =	sst s7  }
0x10: {  	[smem:$0x3FAF] =	sst s8  }
0x11: {  	[smem:$0x3FB0] =	sst s9;
	s0 =	simm.s32 @!p0 $0x0  }
0x12: {  	s1 =	sld [smem:$0x3F96];
	s0 =	simm.s32 @p0 $0x1  }
0x13: {  	[smem:$0x3FB1] =	sst s0;
	s0 =	simm.s32 @!p1 $0x0  }
0x14: {  	s2 =	sld [smem:$0x3F95];
	s0 =	simm.s32 @p1 $0x1  }
0x15: {  	[smem:$0x3FB2] =	sst s0;
	s0 =	simm.s32 @!p2 $0x0  }
0x16: {  	s3 =	sld [smem:$0x3FDB];
	s0 =	simm.s32 @p2 $0x1  }
0x17: {  	s4 =	simm.s32 $0x1BF5;
	[smem:$0x3FB4] =	sst s0  }
0x18: {  	s0 =	sld [smem:$0x3F97];
	_ =	swait.ge [sflag:s4], $0x0  }
0x19: {  	s7 =	sld [smem:$0x3F98]  }
0x1a: {  	s8 =	sadd.s32 $0xFFFFE003, lr  }
0x1b: {  	s9 =	sadd.s32 $0xFFFFFEF7, lr;
	s5 =	simm.s32 $0xFFFFFFFF;
	p2 =	slt.u32 s8, $0xFFFFF086  }
0x1c: {  	p1 =	slt.u32 s9, $0xF7A;
	s5 =	simm.s32 @!p2 $0x0  }
0x1d: {  	s5 =	simm.s32 @p1 $0x1;
	p0 =	seq.s32 s7, s2  }
0x1e: {  	s7 =	smul.u32 @!p0 $0xF7A, s2;
	p2 =	seq.s32 @!p0 s5, $0x0  }
0x1f: {  	s9 =	smul.u32 $0xF7A, s1;
	s8 =	simm.s32 @!p0 $0x1BF5;
	p2 =	por !p2, p0  }
0x20: {  	[sflag:s8] =	ssyncset.s32 @!p0 $0xFFFFF086;
	s6 =	sadd.s32 @!p0 s3, s7;
	s7 =	simm.s32 @!p0 $0x108  }
0x21: {  	s3 =	sadd.s32 s3, s9;
	s6 =	sadd.s32 @!p0 $0x88, s6;
	s7 =	simm.s32 @p2 $0x1082  }
0x22: {  	[simem:s7], [sflag:s8] =	dma.local @!p0 [hbm:s6], $0xF7A  }
0x23: {  	s9 =	sor.u32 $0xD0000000, s2;
	s6 =	simm.s32 $0x108;
	_ =	swait.ge @!p0 [sflag:s8], $0x0  }
0x24: {  	s3 =	sadd.s32 $0x88, s3;
	s6 =	simm.s32 @!p1 $0x1082;
	[sflag:s4] =	ssyncset.s32 $0xFFFFF086  }
0x25: {  	[simem:s6], [sflag:s4] =	dma.local [hbm:s3], $0xF7A  }
0x26: {  	[smem:$0x3F98] =	sst s1;
	(tag) =	ssettag s2;
	_ =	strace s9  }
0x27: {  	s1 =	sld [smem:$0x3FA8]  }
0x28: {  	s2 =	sld [smem:$0x3FA9]  }
0x29: {  	s4 =	sld [smem:$0x3FAB]  }
0x2a: {  	p0 =	seq.s32 s5, $0x0;
	s5 =	sld [smem:$0x3FAC]  }
0x2b: {  	s6 =	sld [smem:$0x3FAD]  }
0x2c: {  	s7 =	sld [smem:$0x3FAE]  }
0x2d: {  	s3 =	simm.s32 $0x108;
	s8 =	sld [smem:$0x3FAF]  }
0x2e: {  	s3 =	simm.s32 @!p0 $0x1082;
	s9 =	sld [smem:$0x3FB0]  }
0x2f: {  	lr =	sadd.s32 s0, s3;
	s0 =	sld [smem:$0x3FA7]  }
0x30: {  	s3 =	sld [smem:$0x3FAA]  }
0x31: {  	[smem:$0x3FB3] =	sst s10  }
0x32: {  	s10 =	sld [smem:$0x3FB1];
	_ =	sdelay $0x3  }
0x33: {  	p0 =	seq.s32 s10, $0x1;
	s10 =	sld [smem:$0x3FB3];
	_ =	sdelay $0x3  }
0x34: {  	[smem:$0x3FB3] =	sst s10  }
0x35: {  	s10 =	sld [smem:$0x3FB2];
	_ =	sdelay $0x3  }
0x36: {  	p1 =	seq.s32 s10, $0x1;
	s10 =	sld [smem:$0x3FB3];
	_ =	sdelay $0x3  }
0x37: {  	[smem:$0x3FB3] =	sst s10  }
0x38: {  	s10 =	sld [smem:$0x3FB4]  }
0x39: {  	_ = 	snop;
	(pc) =	sbr.ind lr, $3  }
0x3a: {  	_ = 	snop  }
0x3b: {  	_ = 	snop  }
0x3c: {  	p2 =	seq.s32 s10, $0x1;
	s10 =	sld [smem:$0x3FB3]  }
0x3d: {  	_ =	shalt  }
0x3e: {  	_ =	shalt  }
0x3f: {  	_ =	shalt  }
0x40: {  	_ =	shalt  }
0x41: {  	_ =	shalt  }
0x42: {  	_ =	shalt  }
0x43: {  	_ =	shalt  }
0x44: {  	_ =	shalt  }
0x45: {  	_ =	shalt  }
0x46: {  	_ =	shalt  }
0x47: {  	_ =	shalt  }
0x48: {  	_ =	shalt  }
0x49: {  	_ =	shalt  }
0x4a: {  	_ =	shalt  }
0x4b: {  	_ =	shalt  }
0x4c: {  	_ =	shalt  }
0x4d: {  	_ =	shalt  }
0x4e: {  	_ =	shalt  }
0x4f: {  	_ =	shalt  }
0x50: {  	_ =	shalt  }
0x51: {  	_ =	shalt  }
0x52: {  	_ =	shalt  }
0x53: {  	_ =	shalt  }
0x54: {  	_ =	shalt  }
0x55: {  	_ =	shalt  }
0x56: {  	_ =	shalt  }
0x57: {  	_ =	shalt  }
0x58: {  	_ =	shalt  }
0x59: {  	_ =	shalt  }
0x5a: {  	_ =	shalt  }
0x5b: {  	_ =	shalt  }
0x5c: {  	_ =	shalt  }
0x5d: {  	_ =	shalt  }
0x5e: {  	_ =	shalt  }
0x5f: {  	_ =	shalt  }
0x60: {  	_ =	shalt  }
0x61: {  	_ =	shalt  }
0x62: {  	_ =	shalt  }
0x63: {  	_ =	shalt  }
0x64: {  	_ =	shalt  }
0x65: {  	_ =	shalt  }
0x66: {  	_ =	shalt  }
0x67: {  	_ =	shalt  }
0x68: {  	_ =	shalt  }
0x69: {  	_ =	shalt  }
0x6a: {  	_ =	shalt  }
0x6b: {  	_ =	shalt  }
0x6c: {  	_ =	shalt  }
0x6d: {  	_ =	shalt  }
0x6e: {  	_ =	shalt  }
0x6f: {  	_ =	shalt  }
0x70: {  	_ =	shalt  }
0x71: {  	_ =	shalt  }
0x72: {  	_ =	shalt  }
0x73: {  	_ =	shalt  }
0x74: {  	_ =	shalt  }
0x75: {  	_ =	shalt  }
0x76: {  	_ =	shalt  }
0x77: {  	_ =	shalt  }
0x78: {  	_ =	shalt  }
0x79: {  	_ =	shalt  }
0x7a: {  	_ =	shalt  }
0x7b: {  	_ =	shalt  }
0x7c: {  	_ =	shalt  }
0x7d: {  	_ =	shalt  }
0x7e: {  	_ =	shalt  }
0x7f: {  	_ =	shalt  }
0x80: {  	_ =	shalt  }
0x81: {  	_ =	shalt  }
0x82: {  	_ =	shalt  }
0x83: {  	_ =	shalt  }
0x84: {  	_ =	shalt  }
0x85: {  	_ =	shalt  }
0x86: {  	_ =	shalt  }
0x87: {  	_ =	shalt  }
.Lfunc_end0:
.L_simem_size_0:
called_computation.4_lowered:
.L_overlay_start_0:
0x88: {  	s2 =	sld [smem:$0x3FD9]  }
0x89: {  	s3 =	sld [smem:$0x3FFE];
	_ =	sdelay $0x1  }
0x8a: {  	s1 =	srdreg.scid  }
0x8b: {  	s0 =	sand.u32 $0x1, s1  }
0x8c: {  	s17 =	sshll.u32 s0, $0xA;
	s2 =	sadd.s32 s3, s2  }
0x8d: {  	s2 =	sadd.s32 s2, s17  }
0x8e: {  	[smem:$0x3FBF] =	sst s2  }
0x8f: {  	_ = 	snop  }
0x90: {  	s2 =	sld [smem:$0x3FD0];
	(tm) =	ssettm $0x1  }
0x91: {  	s18 =	sld [smem:$0x3FFB];
	_ =	sdelay $0x3  }
0x92: {  	_ =	strace s18  }
0x93: {  	s3 =	sld [smem:$0x3FFC];
	_ =	sdelay $0x3  }
0x94: {  	_ =	strace s3  }
0x95: {  	s3 =	sld [smem:$0x3FFD];
	_ =	sdelay $0x3  }
0x96: {  	_ =	strace s3  }
0x97: {  	_ =	strace $0x8FFFFFFF  }
0x98: {  	s19 =	sld [smem:$0x3FDB];
	_ =	sdelay $0x1  }
0x99: {  	s4 =	simm.s32 $_scs_section_size  }
0x9a: {  	s5 =	simm.s32 $_size__tile_overlayer_lowered;
	s6 =	simm.s32 $_tile_overlayer_lowered  }
0x9b: {  	s22 =	simm.s32 $0x1BFF;
	s21 =	sshll.u32 s6, $0x1;
	s3 =	sadd.s32 s4, s19  }
0x9c: {  	s7 =	simm.s32 $0x0;
	s20 =	sshll.u32 s5, $0x1;
	s5 =	sadd.s32 s21, s3  }
0x9d: {  	[timem:s7], [sflag:s22] =	dma.local [hbm:s5], s20  }
0x9e: {  	_ =	swait.ge [sflag:s22], s20  }
0x9f: {  	s4 =	ssub.s32 $0x0, s20;
	[sflag:s22] =	ssyncset.done $0x0  }
0xa0: {  	[sflag:s22] =	ssyncadd.s32 s4;
	_ =	sdelay $0x1  }
0xa1: {  	s23 =	simm.s32 $0x1B8B  }
0xa2: {  	_ =	swait.ge [sflag:s23], $0x1  }
0xa3: {  	[sflag:s23] =	ssyncset.done $0x0  }
0xa4: {  	s25 =	simm.s32 $0x1B8E;
	s24 =	sld [smem:$0x3FFE];
	[sflag:s23] =	ssyncadd.s32 $0xFFFFFFFF  }
0xa5: {  	s26 =	simm.s32 $execute0_lowered;
	[smem:$0x3FD2] =	sst s25  }
0xa6: {  	s5 =	sshll.u32 s26, $0x1;
	_ =	strace $0x80000052;
	[dreg:$0x1] =	wrdreg $0xFFFFFFFF  }
0xa7: {  	s28 =	simm.s32 $_size_execute0_lowered;
	s3 =	sadd.s32 s3, s5;
	[dreg:$0x0] =	wrdreg $0x0  }
0xa8: {  	s5 =	sshll.u32 s28, $0x1;
	[dreg:$0x2] =	wrdreg s3  }
0xa9: {  	[dreg:$0x3] =	wrdreg s5  }
0xaa: {  	[dreg:$0x4] =	wrdreg $0xC0  }
0xab: {  	_ =	task [dreg:s7], $0x5FFFF  }
0xac: {  	[dreg:$0x1] =	wrdreg $0xFFFFFFFF  }
0xad: {  	[dreg:$0x0] =	wrdreg $0x60  }
0xae: {  	[dreg:$0x2] =	wrdreg s24  }
0xaf: {  	[dreg:$0x3] =	wrdreg s2  }
0xb0: {  	[dreg:$0x4] =	wrdreg $0x40000  }
0xb1: {  	[dreg:$0x5] =	wrdreg $0x9  }
0xb2: {  	_ =	task.clear_ibuf [dreg:s7], $0x6FFFF;
	_ =	strace $0x90000052  }
0xb3: {  	s29 =	simm.s32 $0x9;
	_ =	strace $0x80000054  }
0xb4: {  	_ =	swait.ge [sflag:s29], $0x1  }
0xb5: {  	[sflag:s29] =	ssyncadd.s32 $0xFFFFFFFF  }
0xb6: {  	_ =	strace $0x90000054  }
0xb7: {  	_ =	sfence  }
0xb8: {  	s30 =	sld [smem:$0x0];
	_ =	sdelay $0x2  }
0xb9: {  	s31 =	sshll.u32 s1, $0xD;
	s1 =	sshrl.u32 s1, $0x2  }
0xba: {  	s3 =	sand.u32 $0x4000, s31;
	s1 =	sadd.s32 s1, s30  }
0xbb: {  	s0 =	sor.u32 s3, s0;
	s1 =	sshll.u32 s1, $0x11  }
0xbc: {  	s0 =	sor.u32 s1, s0  }
0xbd: {  	s0 =	sadd.s32 $0x8F2B, s0  }
0xbe: {  	[sflag:s0] =	ssyncadd.remote.s32 $0x1  }
0xbf: {  	_ =	sfence.sel $0xFFFF  }
0xc0: {  	[dreg:$0x0] =	wrdreg $0xFFFFFFFF;
	(pc) =	sbr.abs _section_cstart, $3  }
0xc1: {  	[dreg:$0x1] =	wrdreg $0xFFFFFFFF  }
0xc2: {  	_ =	task.clear_ibuf [dreg:s7], $0x2FFFF;
	_ =	strace $0x9FFFFFFF  }
0xc3: {  	(tm) =	ssettm $0x7FFFFFFF  }
tec
execute0_lowered:
.L_overlay_start_1:
0x0: {  	(tag) =	ssettag $0x1  }
0x1: {  	s0 =	rddreg [dreg:$0x0]  }
0x2: {  	s1 =	rddreg [dreg:$0x1]  }
0x3: {  	s2 =	rddreg [dreg:$0x2];
	s3 =	simm.s32 $0x0;
	s4 =	srdreg.scid  }
0x4: {  	s12 =	stileid.u32;
	s28 =	simm.s32 $0x80;
	s29 =	simm.s32 $0x3000  }
0x5: {  	s30 =	simm.s32 $0x2;
	s31 =	simm.s32 $0x3;
	[smem:$0x7FF] =	sst s3  }
0x6: {  	s7 =	sand.u32 $0x1, s4;
	s8 =	smul.u32 $0x29000, s12;
	s4 =	sadd.s32 $0x28E00, s0  }
0x7: {  	s5 =	sadd.s32 $0xC5200, s0;
	s6 =	sadd.s32 $0x115200, s0;
	s0 =	sadd.s32 $0x28C00, s0  }
0x8: {  	s19 =	smul.u32 $0xA400, s12;
	s18 =	ssub.s32 $0x2, s7;
	s8 =	sshrl.u32 s8, $0x2  }
0x9: {  	_ =	strace $0x80000053;
	s11 =	sshrl.u32 s18, $0x1;
	s8 =	sadd.s32 s8, s2  }
0xa: {  	[dreg:$0x4] =	wrdreg s0;
	s0 =	ssub.s32 s18, s11;
	s20 =	sadd.s32 $0xA000, s8  }
0xb: {  	s12 =	smul.u32 $0x14000, s12;
	s0 =	smax.u32 s0, $0x1;
	[dreg:$0x5] =	wrdreg s20  }
0xc: {  	s10 =	smul.u32 $0xA4000, s7;
	s21 =	sadd.s32 $0x1000, s8;
	[dreg:$0x7] =	wrdreg s0  }
0xd: {  	s9 =	smul.u32 $0x140000, s7;
	s22 =	sadd.s32 $0x2000, s8;
	[dreg:$0x8] =	wrdreg s21  }
0xe: {  	s7 =	sadd.s32 s19, s10;
	s23 =	sadd.s32 $0x3000, s8;
	[dreg:$0x9] =	wrdreg s22  }
0xf: {  	s10 =	sadd.s32 s12, s9;
	s24 =	sadd.s32 $0x4000, s8;
	[dreg:$0xa] =	wrdreg s23  }
0x10: {  	s7 =	sshrl.u32 s7, $0x3;
	s25 =	sadd.s32 $0x5000, s8;
	[dreg:$0xb] =	wrdreg s24  }
.Ltmp0:
0x11: {  	s26 =	sadd.s32 $0x6000, s8;
	[dreg:$0xc] =	wrdreg s25;
	(pc) =	sbr.rel .LBB2_1-.Ltmp0, $4  }
0x12: {  	v0 =	vlaneseq.u32;
	s19 =	sadd.s32 $0x7000, s8;
	s1 =	sadd.s32 s1, s7;
	[dreg:$0xd] =	wrdreg s26  }
0x13: {  	v0 =	vmul.u32 $0x80, v0;
	s20 =	sadd.s32 $0x8000, s8;
	s21 =	sadd.s32 $0x9000, s8;
	s22 =	simm.s32 $0x2000  }
0x14: {  	s23 =	simm.s32 $0x5;
	s24 =	simm.s32 $0x1000;
	s25 =	simm.s32 $0x1  }
0x15: {  	v2 =	vimm.s32 $0x0;
	v1 =	vor.u32 $0x800, v0;
	s26 =	simm.s32 $0x20;
	s0 =	simm.s32 $0x0;
	[dreg:$0x6] =	wrdreg s1  }
.LBB2_7:
0x16: {  	s1 =	stileid.u32  }
0x17: {  	[bflag:$0x0] =	sbarrier.arrive $0xFFFF;
	s1 =	sshll.u32 s1, $0x6  }
0x18: {  	s7 =	sshrl.u32 s8, $0x3;
	s9 =	rddreg [dreg:$0x6];
	s1 =	sor.u32 $0x1C05, s1  }
0x19: {  	[hbm:s9], [sflag:s1] =	dma.local [spmem:s7], $0x1480  }
0x1a: {  	_ =	swait.ge [sflag:s23], $0x1480  }
0x1b: {  	s0 =	sadd.s32 $0x1, s0;
	s18 =	rddreg [dreg:$0x7]  }
0x1c: {  	p0 =	sne.s32 s0, s18  }
.Ltmp1:
0x1d: {  	_ = 	snop;
	(pc) =	sbr.rel @!p0 .LBB2_8-.Ltmp1, $3  }
0x1e: {  	_ =	sdelay $0x1  }
0x1f: {  	[sflag:s23] =	ssyncset.done $0x0  }
0x20: {  	[sflag:s23] =	ssyncadd.s32 $0xFFFFEB80  }
.LBB2_1:
0x21: {  	s1 =	rddreg [dreg:$0x4]  }
0x22: {  	[tilespmem:s22], [sflag:$0x5] =	stream.linear.gather [hbm4b:s1+s3], $0x1000, $0x38;
	[tilespmem:$0xE400] =	vst v63  }
0x23: {  	_ =	swait.ge [sflag:s23], $0x1000  }
0x24: {  	[sflag:s23] =	ssyncset.done $0x0  }
0x25: {  	[sflag:s23] =	ssyncadd.s32 $0xFFFFF000  }
0x26: {  	[spmem:s8] =	stream.linear.scatter [tilespmem:s22], [sflag:$0x5], $0x1000, $0x38;
	[tilespmem:$0xE400] =	vst v63  }
0x27: {  	_ =	swait.ge [sflag:s23], $0x1000  }
0x28: {  	[sflag:s23] =	ssyncset.done $0x0  }
0x29: {  	s12 =	rddreg [dreg:$0x8];
	[sflag:s23] =	ssyncadd.s32 $0xFFFFF000  }
0x2a: {  	[spmem:s12] =	stream.linear.scatter [tilespmem:s22], [sflag:$0x5], $0x1000, $0x38;
	[tilespmem:$0xE400] =	vst v63  }
0x2b: {  	_ =	swait.ge [sflag:s23], $0x1000  }
0x2c: {  	[sflag:s23] =	ssyncset.done $0x0  }
0x2d: {  	s13 =	rddreg [dreg:$0x9];
	[sflag:s23] =	ssyncadd.s32 $0xFFFFF000  }
0x2e: {  	[spmem:s13] =	stream.linear.scatter [tilespmem:s22], [sflag:$0x5], $0x1000, $0x38;
	[tilespmem:$0xE400] =	vst v63  }
0x2f: {  	_ =	swait.ge [sflag:s23], $0x1000  }
0x30: {  	[sflag:s23] =	ssyncset.done $0x0  }
0x31: {  	s14 =	rddreg [dreg:$0xa];
	[sflag:s23] =	ssyncadd.s32 $0xFFFFF000  }
0x32: {  	[spmem:s14] =	stream.linear.scatter [tilespmem:s22], [sflag:$0x5], $0x1000, $0x38;
	[tilespmem:$0xE400] =	vst v63  }
0x33: {  	_ =	swait.ge [sflag:s23], $0x1000  }
0x34: {  	[sflag:s23] =	ssyncset.done $0x0  }
0x35: {  	s15 =	rddreg [dreg:$0xb];
	[sflag:s23] =	ssyncadd.s32 $0xFFFFF000  }
0x36: {  	[spmem:s15] =	stream.linear.scatter [tilespmem:s22], [sflag:$0x5], $0x1000, $0x38;
	[tilespmem:$0xE400] =	vst v63  }
0x37: {  	_ =	swait.ge [sflag:s23], $0x1000  }
0x38: {  	[sflag:s23] =	ssyncset.done $0x0  }
0x39: {  	s16 =	rddreg [dreg:$0xc];
	[sflag:s23] =	ssyncadd.s32 $0xFFFFF000  }
0x3a: {  	[spmem:s16] =	stream.linear.scatter [tilespmem:s22], [sflag:$0x5], $0x1000, $0x38;
	[tilespmem:$0xE400] =	vst v63  }
0x3b: {  	_ =	swait.ge [sflag:s23], $0x1000  }
0x3c: {  	[sflag:s23] =	ssyncset.done $0x0  }
0x3d: {  	s17 =	rddreg [dreg:$0xd];
	[sflag:s23] =	ssyncadd.s32 $0xFFFFF000  }
0x3e: {  	[spmem:s17] =	stream.linear.scatter [tilespmem:s22], [sflag:$0x5], $0x1000, $0x38;
	[tilespmem:$0xE400] =	vst v63  }
0x3f: {  	_ =	swait.ge [sflag:s23], $0x1000  }
0x40: {  	[sflag:s23] =	ssyncset.done $0x0  }
0x41: {  	[sflag:s23] =	ssyncadd.s32 $0xFFFFF000  }
0x42: {  	[spmem:s19] =	stream.linear.scatter [tilespmem:s22], [sflag:$0x5], $0x1000, $0x38;
	[tilespmem:$0xE400] =	vst v63  }
0x43: {  	_ =	swait.ge [sflag:s23], $0x1000  }
0x44: {  	[sflag:s23] =	ssyncset.done $0x0  }
0x45: {  	[sflag:s23] =	ssyncadd.s32 $0xFFFFF000  }
0x46: {  	[spmem:s20] =	stream.linear.scatter [tilespmem:s22], [sflag:$0x5], $0x1000, $0x38;
	[tilespmem:$0xE400] =	vst v63  }
0x47: {  	_ =	swait.ge [sflag:s23], $0x1000  }
0x48: {  	[sflag:s23] =	ssyncset.done $0x0  }
0x49: {  	[sflag:s23] =	ssyncadd.s32 $0xFFFFF000  }
0x4a: {  	[spmem:s21] =	stream.linear.scatter [tilespmem:s22], [sflag:$0x5], $0x1000, $0x38;
	[tilespmem:$0xE400] =	vst v63  }
0x4b: {  	_ =	swait.ge [sflag:s23], $0x1000  }
0x4c: {  	[sflag:s23] =	ssyncset.done $0x0  }
0x4d: {  	s18 =	rddreg [dreg:$0x5];
	[sflag:s23] =	ssyncadd.s32 $0xFFFFF000  }
0x4e: {  	[spmem:s18] =	stream.linear.scatter [tilespmem:s22], [sflag:$0x5], $0x400, $0x38;
	[tilespmem:$0xE400] =	vst v63  }
.Ltmp2:
0x4f: {  	_ =	swait.ge [sflag:s23], $0x400;
	(pc) =	sbr.rel .LBB2_2-.Ltmp2, $4  }
0x50: {  	[sflag:s23] =	ssyncset.done $0x0  }
0x51: {  	[sflag:s23] =	ssyncadd.s32 $0xFFFFFC00  }
0x52: {  	[bflag:$0x0] =	sbarrier.arrive $0xFFFF  }
0x53: {  	s1 =	simm.s32 $0x0  }
.LBB2_5:
0x54: {  	[tilespmem:s16], [sflag:$0x2] =	stream.indirect.gather @!p0 [hbm4b:s4+s15], $0x80, s13, s15, $0xb8;
	[tilespmem:$0xE400] =	vst v63  }
.LBB2_6:
0x55: {  	s1 =	sadd.s32 $0x1, s1  }
0x56: {  	p0 =	sne.s32 s1, $0x14  }
.Ltmp3:
0x57: {  	_ = 	snop;
	(pc) =	sbr.rel @!p0 .LBB2_7-.Ltmp3, $1  }
0x58: {  	_ =	sdelay $0x3  }
.LBB2_2:
0x59: {  	s7 =	sshll.u32 s1, $0xC  }
0x5a: {  	s7 =	sadd.s32 s7, s10  }
0x5b: {  	s7 =	sshrl.u32 s7, $0x3  }
0x5c: {  	s9 =	sadd.s32 s5, s7  }
0x5d: {  	[tilespmem:s3], [sflag:$0x5] =	stream.linear.gather [hbm4b:s9+s3], $0x1000, $0x38;
	[tilespmem:$0xE400] =	vst v63  }
0x5e: {  	_ =	swait.ge [sflag:s23], $0x1000  }
0x5f: {  	[sflag:s23] =	ssyncset.done $0x0  }
0x60: {  	s7 =	sadd.s32 s6, s7;
	[sflag:s23] =	ssyncadd.s32 $0xFFFFF000  }
0x61: {  	[tilespmem:s24], [sflag:$0x5] =	stream.linear.gather [hbm4b:s7+s3], $0x1000, $0x38;
	[tilespmem:$0xE400] =	vst v63  }
0x62: {  	_ =	swait.ge [sflag:s23], $0x1000  }
0x63: {  	[sflag:s23] =	ssyncset.done $0x0  }
0x64: {  	[sflag:s23] =	ssyncadd.s32 $0xFFFFF000  }
0x65: {  	v3 =	vld.idx.msk [tilespmem:v0+s24+$0x0], $0xffff  }
0x66: {  	v4 =	vld.idx.msk [tilespmem:v1+s24+$0x0], $0xffff;
	_ =	sdelay $0x3  }
0x67: {  	vm0 =	vlt.s32 v3, $0x1388  }
0x68: {  	vm15 =	vlt.s32 v4, $0x1388;
	v3 =	vsel vm0, $0x1, v2  }
0x69: {  	(xrf0) =	vadd.scan.msk.s32 $0xffff, v3;
	v3 =	vsel vm15, $0x1, v2  }
0x6a: {  	(xrf0) =	vadd.scan.msk.s32 $0xffff, v3;
	_ =	sdelay $0x4  }
0x6b: {  	v3, _, _ =	vpop (xrf0)  }
0x6c: {  	(v2sf) =	vpush v3, $0xF;
	v3, _, _ =	vpop (xrf0)  }
0x6d: {  	(v2sf) =	vpush v3, $0xF;
	_ =	sdelay $0xd  }
0x6e: {  	s15 =	spop (v2sf)  }
0x6f: {  	s16 =	spop (v2sf)  }
0x70: {  	s7 =	sadd.s32 s15, s16  }
0x71: {  	s9 =	sadd.s32 $0x1, s7;
	p0 =	slt.u32 s7, $0x7FFFFFFF;
	s7 =	simm.s32 $0x1  }
0x72: {  	s7 =	simm.s32 @!p0 $0x0;
	s11 =	sshra.s32 s9, $0x1F  }
0x73: {  	s17 =	sand.u32 $0x1, s9;
	s7 =	sadd.s32 s7, s11  }
0x74: {  	p1 =	seq.s32 s17, $0x1;
	p6 =	sne.s32 s7, $0x1  }
0x75: {  	s18 =	sshrl.u32 s9, $0x1F;
	p0 =	por !p6, !p1  }
0x76: {  	s7 =	sadd.s32 s18, s9;
	s9 =	simm.s32 $0x1;
	p0 =	por !p0, !p0  }
0x77: {  	s7 =	sshra.s32 s7, $0x1;
	s9 =	simm.s32 @!p0 $0x0  }
0x78: {  	s7 =	ssub.s32 s7, s9  }
0x79: {  	p0 =	slt.s32 s7, $0x1  }
.Ltmp4:
0x7a: {  	_ = 	snop;
	(pc) =	sbr.rel @p0 .LBB2_6-.Ltmp4, $1  }
0x7b: {  	_ =	sdelay $0x3  }
0x7c: {  	s9 =	simm.s32 $0x0  }
0x7d: {  	[tilespmem:s22], [sflag:$0x1] =	stream.indirect.gather [hbm4b:s4+s26], $0x80, s9, s26, $0xb8;
	[tilespmem:$0xE400] =	vst v63  }
0x7e: {  	_ = 	snop  }
0x7f: {  	[tilespmem:s29], [sflag:$0x2] =	stream.indirect.gather [hbm4b:s4+s26], $0x80, s28, s26, $0xb8;
	[tilespmem:$0xE400] =	vst v63  }
0x80: {  	_ =	swait.ge [sflag:s25], $0x1000  }
0x81: {  	[sflag:s25] =	ssyncset.done $0x0  }
0x82: {  	s17 =	simm.s32 $0x1000;
	[sflag:s25] =	ssyncadd.s32 $0xFFFFF000  }
0x83: {  	[spmem:s2] =	stream.indirect.scatter.add.f32 [tilespmem:s22], [sflag:$0x3], $0x80, s17, s26, $0xb8;
	[tilespmem:$0xE400] =	vst v63  }
0x84: {  	_ =	swait.ge [sflag:s30], $0x1000  }
0x85: {  	[sflag:s30] =	ssyncset.done $0x0  }
0x86: {  	s18 =	simm.s32 $0x1080;
	[sflag:s30] =	ssyncadd.s32 $0xFFFFF000  }
0x87: {  	[spmem:s2] =	stream.indirect.scatter.add.f32 [tilespmem:s29], [sflag:$0x4], $0x80, s18, s26, $0xb8;
	[tilespmem:$0xE400] =	vst v63  }
0x88: {  	s9 =	sadd.s32 $0xFFFFFFFF, s7;
	_ =	swait.ge [sflag:s31], $0x1000  }
0x89: {  	p0 =	sle.s32 s9, $0x0;
	[sflag:s31] =	ssyncset.done $0x0  }
0x8a: {  	s11 =	simm.s32 @p0 $0x4;
	[sflag:s31] =	ssyncadd.s32 $0xFFFFF000  }
0x8b: {  	p1 =	sne.s32 s7, $0x1;
	s14 =	simm.s32 @!p0 $0x4;
	_ =	swait.ge @p0 [sflag:s11], $0x1000  }
0x8c: {  	s15 =	simm.s32 @!p0 $0x20;
	s12 =	simm.s32 @!p0 $0x2000;
	[sflag:s11] =	ssyncset.done @p0 $0x0  }
.Ltmp5:
0x8d: {  	[sflag:s11] =	ssyncadd.s32 @p0 $0xFFFFF000;
	s11 =	simm.s32 @!p0 $0x100;
	(pc) =	sbr.rel @!p1 .LBB2_5-.Ltmp5, $4  }
0x8e: {  	[tilespmem:s12], [sflag:$0x1] =	stream.indirect.gather @!p0 [hbm4b:s4+s15], $0x80, s11, s15, $0xb8;
	[tilespmem:$0xE400] =	vst v63  }
0x8f: {  	s13 =	simm.s32 $0x180;
	_ =	swait.ge @!p0 [sflag:s14], $0x1000  }
0x90: {  	s16 =	simm.s32 @!p0 $0x3000;
	s11 =	simm.s32 $0x1;
	[sflag:s14] =	ssyncset.done @!p0 $0x0  }
0x91: {  	s12 =	simm.s32 $0x1180;
	[sflag:s14] =	ssyncadd.s32 @!p0 $0xFFFFF000;
	s14 =	simm.s32 $0x280  }
.LBB2_4:
0x92: {  	[tilespmem:s16], [sflag:$0x2] =	stream.indirect.gather @!p0 [hbm4b:s4+s15], $0x80, s13, s15, $0xb8;
	[tilespmem:$0xE400] =	vst v63  }
0x93: {  	s15 =	smov.u32 s11;
	s11 =	sadd.s32 $0x1, s11;
	_ =	swait.ge [sflag:s25], $0x1000  }
0x94: {  	s13 =	smov.u32 s14;
	p1 =	sne.s32 s7, s11;
	[sflag:s25] =	ssyncset.done $0x0  }
0x95: {  	s16 =	sadd.s32 $0xFFFFFF80, s12;
	[sflag:s25] =	ssyncadd.s32 $0xFFFFF000  }
0x96: {  	[spmem:s2] =	stream.indirect.scatter.add.f32 [tilespmem:s22], [sflag:$0x3], $0x80, s16, s26, $0xb8;
	[tilespmem:$0xE400] =	vst v63  }
0x97: {  	_ =	swait.ge [sflag:s30], $0x1000  }
0x98: {  	[sflag:s30] =	ssyncset.done $0x0  }
0x99: {  	[sflag:s30] =	ssyncadd.s32 $0xFFFFF000  }
0x9a: {  	[spmem:s2] =	stream.indirect.scatter.add.f32 [tilespmem:s29], [sflag:$0x4], $0x80, s12, s26, $0xb8;
	[tilespmem:$0xE400] =	vst v63  }
0x9b: {  	_ =	swait.ge [sflag:s31], $0x1000  }
0x9c: {  	p0 =	sge.s32 s15, s9;
	[sflag:s31] =	ssyncset.done $0x0  }
0x9d: {  	s16 =	simm.s32 @p0 $0x4;
	[sflag:s31] =	ssyncadd.s32 $0xFFFFF000  }
0x9e: {  	s17 =	simm.s32 @!p0 $0x4;
	_ =	swait.ge @p0 [sflag:s16], $0x1000  }
0x9f: {  	s15 =	simm.s32 @!p0 $0x20;
	s18 =	simm.s32 @!p0 $0x2000;
	[sflag:s16] =	ssyncset.done @p0 $0x0  }
.Ltmp6:
0xa0: {  	[sflag:s16] =	ssyncadd.s32 @p0 $0xFFFFF000;
	s16 =	sadd.s32 @!p0 $0xFFFFFF80, s14;
	(pc) =	sbr.rel @p1 .LBB2_4-.Ltmp6, $4  }
0xa1: {  	[tilespmem:s18], [sflag:$0x1] =	stream.indirect.gather @!p0 [hbm4b:s4+s15], $0x80, s16, s15, $0xb8;
	[tilespmem:$0xE400] =	vst v63  }
0xa2: {  	_ =	swait.ge @!p0 [sflag:s17], $0x1000  }
0xa3: {  	s12 =	sadd.s32 $0x100, s12;
	[sflag:s17] =	ssyncset.done @!p0 $0x0  }
0xa4: {  	s14 =	sadd.s32 $0x100, s14;
	s16 =	simm.s32 @!p0 $0x3000;
	[sflag:s17] =	ssyncadd.s32 @!p0 $0xFFFFF000  }
.Ltmp7:
0xa5: {  	_ = 	snop;
	(pc) =	sbr.rel .LBB2_5-.Ltmp7, $1  }
0xa6: {  	_ =	sdelay $0x3  }
.LBB2_8:
0xa7: {  	_ =	sfence.sel $0x180000  }
0xa8: {  	[bflag:$0x0] =	sbarrier.arrive $0xFFFF  }
0xa9: {  	_ =	strace $0x90000053  }
0xaa: {  	s0 =	stileid.u32;
	[bflag:$0x2] =	sbarrier.arrive $0xFFFF  }
0xab: {  	p0 =	sne.s32 s0, $0x0;
	s0 =	rddreg [dreg:$0x3]  }
0xac: {  	s0 =	sadd.s32 @!p0 $0x100000, s0  }
0xad: {  	[sflag:s0] =	ssyncadd.tile.s32 @!p0 $0x1;
	_ =	shalt  }
.Lfunc_end2:
_tile_overlayer_lowered:
.L_overlay_start_2:
0xae: {  	(tag) =	ssettag $0x2  }
0xaf: {  	s0 =	rddreg [dreg:$0x0];
	s2 =	stileid.u32  }
0xb0: {  	s1 =	rddreg [dreg:$0x1];
	p0 =	sne.s32 s2, $0x0  }
0xb1: {  	s3 =	rddreg [dreg:$0x2];
	[bflag:$0x3] =	sbarrier.arrive $0xFFFF;
	s2 =	simm.s32 @!p0 $0x1C05  }
0xb2: {  	[timem:s3], [sflag:s2] =	dma.local @!p0 [hbm:s0], s1  }
0xb3: {  	s0 =	simm.s32 @!p0 $0x5  }
0xb4: {  	_ =	swait.ge @!p0 [sflag:s0], s1  }
0xb5: {  	s1 =	ssub.s32 @!p0 $0x0, s1;
	[sflag:s0] =	ssyncset.done @!p0 $0x0  }
0xb6: {  	[sflag:s0] =	ssyncadd.s32 @!p0 s1  }
0xb7: {  	[bflag:$0x3] =	sbarrier.arrive $0xFFFF  }
0xb8: {  	_ =	shalt  }

// kernel: kernel.30.cloned.1.call-start
scs
__scs_entry_jumppad:
0x0: {  	(pc) =	sbr.rel $0x88, $3  }
0x1: {  	(tag) =	ssettag $0x0;
	lr =	simm.s32 $0x1  }
0x2: {  	[smem:$0x3F98] =	sst lr;
	_ =	strace $0xD0000000  }
0x3: {  	_ = 	snop  }
0x4: {  	_ = 	snop  }
0x5: {  	_ = 	snop  }
0x6: {  	_ = 	snop  }
0x7: {  	_ = 	snop  }
__scs_overlays_trampoline_lowered:
0x8: {  	[smem:$0x3FA7] =	sst s0  }
0x9: {  	[smem:$0x3FA8] =	sst s1  }
0xa: {  	[smem:$0x3FA9] =	sst s2  }
0xb: {  	[smem:$0x3FAA] =	sst s3  }
0xc: {  	[smem:$0x3FAB] =	sst s4  }
0xd: {  	[smem:$0x3FAC] =	sst s5  }
0xe: {  	[smem:$0x3FAD] =	sst s6  }
0xf: {  	[smem:$0x3FAE] =	sst s7  }
0x10: {  	[smem:$0x3FAF] =	sst s8  }
0x11: {  	[smem:$0x3FB0] =	sst s9;
	s0 =	simm.s32 @!p0 $0x0  }
0x12: {  	s1 =	sld [smem:$0x3F96];
	s0 =	simm.s32 @p0 $0x1  }
0x13: {  	[smem:$0x3FB1] =	sst s0;
	s0 =	simm.s32 @!p1 $0x0  }
0x14: {  	s2 =	sld [smem:$0x3F95];
	s0 =	simm.s32 @p1 $0x1  }
0x15: {  	[smem:$0x3FB2] =	sst s0;
	s0 =	simm.s32 @!p2 $0x0  }
0x16: {  	s3 =	sld [smem:$0x3FDB];
	s0 =	simm.s32 @p2 $0x1  }
0x17: {  	s4 =	simm.s32 $0x1BF5;
	[smem:$0x3FB4] =	sst s0  }
0x18: {  	s0 =	sld [smem:$0x3F97];
	_ =	swait.ge [sflag:s4], $0x0  }
0x19: {  	s7 =	sld [smem:$0x3F98]  }
0x1a: {  	s8 =	sadd.s32 $0xFFFFE003, lr  }
0x1b: {  	s9 =	sadd.s32 $0xFFFFFEF7, lr;
	s5 =	simm.s32 $0xFFFFFFFF;
	p2 =	slt.u32 s8, $0xFFFFF086  }
0x1c: {  	p1 =	slt.u32 s9, $0xF7A;
	s5 =	simm.s32 @!p2 $0x0  }
0x1d: {  	s5 =	simm.s32 @p1 $0x1;
	p0 =	seq.s32 s7, s2  }
0x1e: {  	s7 =	smul.u32 @!p0 $0xF7A, s2;
	p2 =	seq.s32 @!p0 s5, $0x0  }
0x1f: {  	s9 =	smul.u32 $0xF7A, s1;
	s8 =	simm.s32 @!p0 $0x1BF5;
	p2 =	por !p2, p0  }
0x20: {  	[sflag:s8] =	ssyncset.s32 @!p0 $0xFFFFF086;
	s6 =	sadd.s32 @!p0 s3, s7;
	s7 =	simm.s32 @!p0 $0x108  }
0x21: {  	s3 =	sadd.s32 s3, s9;
	s6 =	sadd.s32 @!p0 $0x88, s6;
	s7 =	simm.s32 @p2 $0x1082  }
0x22: {  	[simem:s7], [sflag:s8] =	dma.local @!p0 [hbm:s6], $0xF7A  }
0x23: {  	s9 =	sor.u32 $0xD0000000, s2;
	s6 =	simm.s32 $0x108;
	_ =	swait.ge @!p0 [sflag:s8], $0x0  }
0x24: {  	s3 =	sadd.s32 $0x88, s3;
	s6 =	simm.s32 @!p1 $0x1082;
	[sflag:s4] =	ssyncset.s32 $0xFFFFF086  }
0x25: {  	[simem:s6], [sflag:s4] =	dma.local [hbm:s3], $0xF7A  }
0x26: {  	[smem:$0x3F98] =	sst s1;
	(tag) =	ssettag s2;
	_ =	strace s9  }
0x27: {  	s1 =	sld [smem:$0x3FA8]  }
0x28: {  	s2 =	sld [smem:$0x3FA9]  }
0x29: {  	s4 =	sld [smem:$0x3FAB]  }
0x2a: {  	p0 =	seq.s32 s5, $0x0;
	s5 =	sld [smem:$0x3FAC]  }
0x2b: {  	s6 =	sld [smem:$0x3FAD]  }
0x2c: {  	s7 =	sld [smem:$0x3FAE]  }
0x2d: {  	s3 =	simm.s32 $0x108;
	s8 =	sld [smem:$0x3FAF]  }
0x2e: {  	s3 =	simm.s32 @!p0 $0x1082;
	s9 =	sld [smem:$0x3FB0]  }
0x2f: {  	lr =	sadd.s32 s0, s3;
	s0 =	sld [smem:$0x3FA7]  }
0x30: {  	s3 =	sld [smem:$0x3FAA]  }
0x31: {  	[smem:$0x3FB3] =	sst s10  }
0x32: {  	s10 =	sld [smem:$0x3FB1];
	_ =	sdelay $0x3  }
0x33: {  	p0 =	seq.s32 s10, $0x1;
	s10 =	sld [smem:$0x3FB3];
	_ =	sdelay $0x3  }
0x34: {  	[smem:$0x3FB3] =	sst s10  }
0x35: {  	s10 =	sld [smem:$0x3FB2];
	_ =	sdelay $0x3  }
0x36: {  	p1 =	seq.s32 s10, $0x1;
	s10 =	sld [smem:$0x3FB3];
	_ =	sdelay $0x3  }
0x37: {  	[smem:$0x3FB3] =	sst s10  }
0x38: {  	s10 =	sld [smem:$0x3FB4]  }
0x39: {  	_ = 	snop;
	(pc) =	sbr.ind lr, $3  }
0x3a: {  	_ = 	snop  }
0x3b: {  	_ = 	snop  }
0x3c: {  	p2 =	seq.s32 s10, $0x1;
	s10 =	sld [smem:$0x3FB3]  }
0x3d: {  	_ =	shalt  }
0x3e: {  	_ =	shalt  }
0x3f: {  	_ =	shalt  }
0x40: {  	_ =	shalt  }
0x41: {  	_ =	shalt  }
0x42: {  	_ =	shalt  }
0x43: {  	_ =	shalt  }
0x44: {  	_ =	shalt  }
0x45: {  	_ =	shalt  }
0x46: {  	_ =	shalt  }
0x47: {  	_ =	shalt  }
0x48: {  	_ =	shalt  }
0x49: {  	_ =	shalt  }
0x4a: {  	_ =	shalt  }
0x4b: {  	_ =	shalt  }
0x4c: {  	_ =	shalt  }
0x4d: {  	_ =	shalt  }
0x4e: {  	_ =	shalt  }
0x4f: {  	_ =	shalt  }
0x50: {  	_ =	shalt  }
0x51: {  	_ =	shalt  }
0x52: {  	_ =	shalt  }
0x53: {  	_ =	shalt  }
0x54: {  	_ =	shalt  }
0x55: {  	_ =	shalt  }
0x56: {  	_ =	shalt  }
0x57: {  	_ =	shalt  }
0x58: {  	_ =	shalt  }
0x59: {  	_ =	shalt  }
0x5a: {  	_ =	shalt  }
0x5b: {  	_ =	shalt  }
0x5c: {  	_ =	shalt  }
0x5d: {  	_ =	shalt  }
0x5e: {  	_ =	shalt  }
0x5f: {  	_ =	shalt  }
0x60: {  	_ =	shalt  }
0x61: {  	_ =	shalt  }
0x62: {  	_ =	shalt  }
0x63: {  	_ =	shalt  }
0x64: {  	_ =	shalt  }
0x65: {  	_ =	shalt  }
0x66: {  	_ =	shalt  }
0x67: {  	_ =	shalt  }
0x68: {  	_ =	shalt  }
0x69: {  	_ =	shalt  }
0x6a: {  	_ =	shalt  }
0x6b: {  	_ =	shalt  }
0x6c: {  	_ =	shalt  }
0x6d: {  	_ =	shalt  }
0x6e: {  	_ =	shalt  }
0x6f: {  	_ =	shalt  }
0x70: {  	_ =	shalt  }
0x71: {  	_ =	shalt  }
0x72: {  	_ =	shalt  }
0x73: {  	_ =	shalt  }
0x74: {  	_ =	shalt  }
0x75: {  	_ =	shalt  }
0x76: {  	_ =	shalt  }
0x77: {  	_ =	shalt  }
0x78: {  	_ =	shalt  }
0x79: {  	_ =	shalt  }
0x7a: {  	_ =	shalt  }
0x7b: {  	_ =	shalt  }
0x7c: {  	_ =	shalt  }
0x7d: {  	_ =	shalt  }
0x7e: {  	_ =	shalt  }
0x7f: {  	_ =	shalt  }
0x80: {  	_ =	shalt  }
0x81: {  	_ =	shalt  }
0x82: {  	_ =	shalt  }
0x83: {  	_ =	shalt  }
0x84: {  	_ =	shalt  }
0x85: {  	_ =	shalt  }
0x86: {  	_ =	shalt  }
0x87: {  	_ =	shalt  }
.Lfunc_end0:
.L_simem_size_0:
called_computation.5_lowered:
.L_overlay_start_0:
0x88: {  	s2 =	sld [smem:$0x3FD9]  }
0x89: {  	s3 =	sld [smem:$0x3FFE];
	_ =	sdelay $0x1  }
0x8a: {  	s1 =	srdreg.scid  }
0x8b: {  	s0 =	sand.u32 $0x1, s1  }
0x8c: {  	s17 =	sshll.u32 s0, $0xA;
	s2 =	sadd.s32 s3, s2  }
0x8d: {  	s2 =	sadd.s32 s2, s17  }
0x8e: {  	[smem:$0x3FBF] =	sst s2  }
0x8f: {  	_ = 	snop  }
0x90: {  	s2 =	sld [smem:$0x3FD0];
	(tm) =	ssettm $0x1  }
0x91: {  	s18 =	sld [smem:$0x3FFB];
	_ =	sdelay $0x3  }
0x92: {  	_ =	strace s18  }
0x93: {  	s3 =	sld [smem:$0x3FFC];
	_ =	sdelay $0x3  }
0x94: {  	_ =	strace s3  }
0x95: {  	s3 =	sld [smem:$0x3FFD];
	_ =	sdelay $0x3  }
0x96: {  	_ =	strace s3  }
0x97: {  	_ =	strace $0x8FFFFFFF  }
0x98: {  	s19 =	sld [smem:$0x3FDB];
	_ =	sdelay $0x1  }
0x99: {  	s4 =	simm.s32 $_scs_section_size  }
0x9a: {  	s5 =	simm.s32 $_size__tile_overlayer_lowered;
	s6 =	simm.s32 $_tile_overlayer_lowered  }
0x9b: {  	s22 =	simm.s32 $0x1BFF;
	s21 =	sshll.u32 s6, $0x1;
	s3 =	sadd.s32 s4, s19  }
0x9c: {  	s7 =	simm.s32 $0x0;
	s20 =	sshll.u32 s5, $0x1;
	s5 =	sadd.s32 s21, s3  }
0x9d: {  	[timem:s7], [sflag:s22] =	dma.local [hbm:s5], s20  }
0x9e: {  	_ =	swait.ge [sflag:s22], s20  }
0x9f: {  	s4 =	ssub.s32 $0x0, s20;
	[sflag:s22] =	ssyncset.done $0x0  }
0xa0: {  	[sflag:s22] =	ssyncadd.s32 s4;
	_ =	sdelay $0x1  }
0xa1: {  	s23 =	simm.s32 $0x1B8B  }
0xa2: {  	_ =	swait.ge [sflag:s23], $0x1  }
0xa3: {  	[sflag:s23] =	ssyncset.done $0x0  }
0xa4: {  	s25 =	simm.s32 $0x1B8E;
	s24 =	sld [smem:$0x3FFE];
	[sflag:s23] =	ssyncadd.s32 $0xFFFFFFFF  }
0xa5: {  	s26 =	simm.s32 $execute0_lowered;
	[smem:$0x3FD2] =	sst s25  }
0xa6: {  	s5 =	sshll.u32 s26, $0x1;
	_ =	strace $0x80000055;
	[dreg:$0x1] =	wrdreg $0xFFFFFFFF  }
0xa7: {  	s28 =	simm.s32 $_size_execute0_lowered;
	s3 =	sadd.s32 s3, s5;
	[dreg:$0x0] =	wrdreg $0x0  }
0xa8: {  	s5 =	sshll.u32 s28, $0x1;
	[dreg:$0x2] =	wrdreg s3  }
0xa9: {  	[dreg:$0x3] =	wrdreg s5  }
0xaa: {  	[dreg:$0x4] =	wrdreg $0xC0  }
0xab: {  	_ =	task [dreg:s7], $0x5FFFF  }
0xac: {  	[dreg:$0x1] =	wrdreg $0xFFFFFFFF  }
0xad: {  	[dreg:$0x0] =	wrdreg $0x60  }
0xae: {  	[dreg:$0x2] =	wrdreg s24  }
0xaf: {  	[dreg:$0x3] =	wrdreg s2  }
0xb0: {  	[dreg:$0x4] =	wrdreg $0x40000  }
0xb1: {  	[dreg:$0x5] =	wrdreg $0x9  }
0xb2: {  	_ =	task.clear_ibuf [dreg:s7], $0x6FFFF;
	_ =	strace $0x90000055  }
0xb3: {  	s29 =	simm.s32 $0x9;
	_ =	strace $0x80000057  }
0xb4: {  	_ =	swait.ge [sflag:s29], $0x1  }
0xb5: {  	[sflag:s29] =	ssyncadd.s32 $0xFFFFFFFF  }
0xb6: {  	_ =	strace $0x90000057  }
0xb7: {  	_ =	sfence  }
0xb8: {  	s30 =	sld [smem:$0x0];
	_ =	sdelay $0x2  }
0xb9: {  	s31 =	sshll.u32 s1, $0xD;
	s1 =	sshrl.u32 s1, $0x2  }
0xba: {  	s3 =	sand.u32 $0x4000, s31;
	s1 =	sadd.s32 s1, s30  }
0xbb: {  	s0 =	sor.u32 s3, s0;
	s1 =	sshll.u32 s1, $0x11  }
0xbc: {  	s0 =	sor.u32 s1, s0  }
0xbd: {  	s0 =	sadd.s32 $0x8F2B, s0  }
0xbe: {  	[sflag:s0] =	ssyncadd.remote.s32 $0x1  }
0xbf: {  	_ =	sfence.sel $0xFFFF  }
0xc0: {  	[dreg:$0x0] =	wrdreg $0xFFFFFFFF;
	(pc) =	sbr.abs _section_cstart, $3  }
0xc1: {  	[dreg:$0x1] =	wrdreg $0xFFFFFFFF  }
0xc2: {  	_ =	task.clear_ibuf [dreg:s7], $0x2FFFF;
	_ =	strace $0x9FFFFFFF  }
0xc3: {  	(tm) =	ssettm $0x7FFFFFFF  }
tec
execute0_lowered:
.L_overlay_start_1:
0x0: {  	(tag) =	ssettag $0x1  }
0x1: {  	s0 =	rddreg [dreg:$0x0]  }
0x2: {  	s1 =	rddreg [dreg:$0x1]  }
0x3: {  	s2 =	rddreg [dreg:$0x2];
	s3 =	simm.s32 $0x0;
	s4 =	srdreg.scid  }
0x4: {  	s12 =	stileid.u32;
	s28 =	simm.s32 $0x80;
	s29 =	simm.s32 $0x3000  }
0x5: {  	s30 =	simm.s32 $0x2;
	s31 =	simm.s32 $0x3;
	[smem:$0x7FF] =	sst s3  }
0x6: {  	s7 =	sand.u32 $0x1, s4;
	s8 =	smul.u32 $0x29000, s12;
	s4 =	sadd.s32 $0x28E00, s0  }
0x7: {  	s5 =	sadd.s32 $0xC5200, s0;
	s6 =	sadd.s32 $0x115200, s0;
	s0 =	sadd.s32 $0x28C00, s0  }
0x8: {  	s19 =	smul.u32 $0xA400, s12;
	s18 =	ssub.s32 $0x2, s7;
	s8 =	sshrl.u32 s8, $0x2  }
0x9: {  	_ =	strace $0x80000056;
	s11 =	sshrl.u32 s18, $0x1;
	s8 =	sadd.s32 s8, s2  }
0xa: {  	[dreg:$0x4] =	wrdreg s0;
	s0 =	ssub.s32 s18, s11;
	s20 =	sadd.s32 $0xA000, s8  }
0xb: {  	s12 =	smul.u32 $0x14000, s12;
	s0 =	smax.u32 s0, $0x1;
	[dreg:$0x5] =	wrdreg s20  }
0xc: {  	s10 =	smul.u32 $0xA4000, s7;
	s21 =	sadd.s32 $0x1000, s8;
	[dreg:$0x7] =	wrdreg s0  }
0xd: {  	s9 =	smul.u32 $0x140000, s7;
	s22 =	sadd.s32 $0x2000, s8;
	[dreg:$0x8] =	wrdreg s21  }
0xe: {  	s7 =	sadd.s32 s19, s10;
	s23 =	sadd.s32 $0x3000, s8;
	[dreg:$0x9] =	wrdreg s22  }
0xf: {  	s10 =	sadd.s32 s12, s9;
	s24 =	sadd.s32 $0x4000, s8;
	[dreg:$0xa] =	wrdreg s23  }
0x10: {  	s7 =	sshrl.u32 s7, $0x3;
	s25 =	sadd.s32 $0x5000, s8;
	[dreg:$0xb] =	wrdreg s24  }
.Ltmp0:
0x11: {  	s26 =	sadd.s32 $0x6000, s8;
	[dreg:$0xc] =	wrdreg s25;
	(pc) =	sbr.rel .LBB2_1-.Ltmp0, $4  }
0x12: {  	v0 =	vlaneseq.u32;
	s19 =	sadd.s32 $0x7000, s8;
	s1 =	sadd.s32 s1, s7;
	[dreg:$0xd] =	wrdreg s26  }
0x13: {  	v0 =	vmul.u32 $0x80, v0;
	s20 =	sadd.s32 $0x8000, s8;
	s21 =	sadd.s32 $0x9000, s8;
	s22 =	simm.s32 $0x2000  }
0x14: {  	s23 =	simm.s32 $0x5;
	s24 =	simm.s32 $0x1000;
	s25 =	simm.s32 $0x1  }
0x15: {  	v2 =	vimm.s32 $0x0;
	v1 =	vor.u32 $0x800, v0;
	s26 =	simm.s32 $0x20;
	s0 =	simm.s32 $0x0;
	[dreg:$0x6] =	wrdreg s1  }
.LBB2_7:
0x16: {  	s1 =	stileid.u32  }
0x17: {  	[bflag:$0x0] =	sbarrier.arrive $0xFFFF;
	s1 =	sshll.u32 s1, $0x6  }
0x18: {  	s7 =	sshrl.u32 s8, $0x3;
	s9 =	rddreg [dreg:$0x6];
	s1 =	sor.u32 $0x1C05, s1  }
0x19: {  	[hbm:s9], [sflag:s1] =	dma.local [spmem:s7], $0x1480  }
0x1a: {  	_ =	swait.ge [sflag:s23], $0x1480  }
0x1b: {  	s0 =	sadd.s32 $0x1, s0;
	s18 =	rddreg [dreg:$0x7]  }
0x1c: {  	p0 =	sne.s32 s0, s18  }
.Ltmp1:
0x1d: {  	_ = 	snop;
	(pc) =	sbr.rel @!p0 .LBB2_8-.Ltmp1, $3  }
0x1e: {  	_ =	sdelay $0x1  }
0x1f: {  	[sflag:s23] =	ssyncset.done $0x0  }
0x20: {  	[sflag:s23] =	ssyncadd.s32 $0xFFFFEB80  }
.LBB2_1:
0x21: {  	s1 =	rddreg [dreg:$0x4]  }
0x22: {  	[tilespmem:s22], [sflag:$0x5] =	stream.linear.gather [hbm4b:s1+s3], $0x1000, $0x38;
	[tilespmem:$0xE400] =	vst v63  }
0x23: {  	_ =	swait.ge [sflag:s23], $0x1000  }
0x24: {  	[sflag:s23] =	ssyncset.done $0x0  }
0x25: {  	[sflag:s23] =	ssyncadd.s32 $0xFFFFF000  }
0x26: {  	[spmem:s8] =	stream.linear.scatter [tilespmem:s22], [sflag:$0x5], $0x1000, $0x38;
	[tilespmem:$0xE400] =	vst v63  }
0x27: {  	_ =	swait.ge [sflag:s23], $0x1000  }
0x28: {  	[sflag:s23] =	ssyncset.done $0x0  }
0x29: {  	s12 =	rddreg [dreg:$0x8];
	[sflag:s23] =	ssyncadd.s32 $0xFFFFF000  }
0x2a: {  	[spmem:s12] =	stream.linear.scatter [tilespmem:s22], [sflag:$0x5], $0x1000, $0x38;
	[tilespmem:$0xE400] =	vst v63  }
0x2b: {  	_ =	swait.ge [sflag:s23], $0x1000  }
0x2c: {  	[sflag:s23] =	ssyncset.done $0x0  }
0x2d: {  	s13 =	rddreg [dreg:$0x9];
	[sflag:s23] =	ssyncadd.s32 $0xFFFFF000  }
0x2e: {  	[spmem:s13] =	stream.linear.scatter [tilespmem:s22], [sflag:$0x5], $0x1000, $0x38;
	[tilespmem:$0xE400] =	vst v63  }
0x2f: {  	_ =	swait.ge [sflag:s23], $0x1000  }
0x30: {  	[sflag:s23] =	ssyncset.done $0x0  }
0x31: {  	s14 =	rddreg [dreg:$0xa];
	[sflag:s23] =	ssyncadd.s32 $0xFFFFF000  }
0x32: {  	[spmem:s14] =	stream.linear.scatter [tilespmem:s22], [sflag:$0x5], $0x1000, $0x38;
	[tilespmem:$0xE400] =	vst v63  }
0x33: {  	_ =	swait.ge [sflag:s23], $0x1000  }
0x34: {  	[sflag:s23] =	ssyncset.done $0x0  }
0x35: {  	s15 =	rddreg [dreg:$0xb];
	[sflag:s23] =	ssyncadd.s32 $0xFFFFF000  }
0x36: {  	[spmem:s15] =	stream.linear.scatter [tilespmem:s22], [sflag:$0x5], $0x1000, $0x38;
	[tilespmem:$0xE400] =	vst v63  }
0x37: {  	_ =	swait.ge [sflag:s23], $0x1000  }
0x38: {  	[sflag:s23] =	ssyncset.done $0x0  }
0x39: {  	s16 =	rddreg [dreg:$0xc];
	[sflag:s23] =	ssyncadd.s32 $0xFFFFF000  }
0x3a: {  	[spmem:s16] =	stream.linear.scatter [tilespmem:s22], [sflag:$0x5], $0x1000, $0x38;
	[tilespmem:$0xE400] =	vst v63  }
0x3b: {  	_ =	swait.ge [sflag:s23], $0x1000  }
0x3c: {  	[sflag:s23] =	ssyncset.done $0x0  }
0x3d: {  	s17 =	rddreg [dreg:$0xd];
	[sflag:s23] =	ssyncadd.s32 $0xFFFFF000  }
0x3e: {  	[spmem:s17] =	stream.linear.scatter [tilespmem:s22], [sflag:$0x5], $0x1000, $0x38;
	[tilespmem:$0xE400] =	vst v63  }
0x3f: {  	_ =	swait.ge [sflag:s23], $0x1000  }
0x40: {  	[sflag:s23] =	ssyncset.done $0x0  }
0x41: {  	[sflag:s23] =	ssyncadd.s32 $0xFFFFF000  }
0x42: {  	[spmem:s19] =	stream.linear.scatter [tilespmem:s22], [sflag:$0x5], $0x1000, $0x38;
	[tilespmem:$0xE400] =	vst v63  }
0x43: {  	_ =	swait.ge [sflag:s23], $0x1000  }
0x44: {  	[sflag:s23] =	ssyncset.done $0x0  }
0x45: {  	[sflag:s23] =	ssyncadd.s32 $0xFFFFF000  }
0x46: {  	[spmem:s20] =	stream.linear.scatter [tilespmem:s22], [sflag:$0x5], $0x1000, $0x38;
	[tilespmem:$0xE400] =	vst v63  }
0x47: {  	_ =	swait.ge [sflag:s23], $0x1000  }
0x48: {  	[sflag:s23] =	ssyncset.done $0x0  }
0x49: {  	[sflag:s23] =	ssyncadd.s32 $0xFFFFF000  }
0x4a: {  	[spmem:s21] =	stream.linear.scatter [tilespmem:s22], [sflag:$0x5], $0x1000, $0x38;
	[tilespmem:$0xE400] =	vst v63  }
0x4b: {  	_ =	swait.ge [sflag:s23], $0x1000  }
0x4c: {  	[sflag:s23] =	ssyncset.done $0x0  }
0x4d: {  	s18 =	rddreg [dreg:$0x5];
	[sflag:s23] =	ssyncadd.s32 $0xFFFFF000  }
0x4e: {  	[spmem:s18] =	stream.linear.scatter [tilespmem:s22], [sflag:$0x5], $0x400, $0x38;
	[tilespmem:$0xE400] =	vst v63  }
.Ltmp2:
0x4f: {  	_ =	swait.ge [sflag:s23], $0x400;
	(pc) =	sbr.rel .LBB2_2-.Ltmp2, $4  }
0x50: {  	[sflag:s23] =	ssyncset.done $0x0  }
0x51: {  	[sflag:s23] =	ssyncadd.s32 $0xFFFFFC00  }
0x52: {  	[bflag:$0x0] =	sbarrier.arrive $0xFFFF  }
0x53: {  	s1 =	simm.s32 $0x0  }
.LBB2_5:
0x54: {  	[tilespmem:s16], [sflag:$0x2] =	stream.indirect.gather @!p0 [hbm4b:s4+s15], $0x80, s13, s15, $0xb8;
	[tilespmem:$0xE400] =	vst v63  }
.LBB2_6:
0x55: {  	s1 =	sadd.s32 $0x1, s1  }
0x56: {  	p0 =	sne.s32 s1, $0x14  }
.Ltmp3:
0x57: {  	_ = 	snop;
	(pc) =	sbr.rel @!p0 .LBB2_7-.Ltmp3, $1  }
0x58: {  	_ =	sdelay $0x3  }
.LBB2_2:
0x59: {  	s7 =	sshll.u32 s1, $0xC  }
0x5a: {  	s7 =	sadd.s32 s7, s10  }
0x5b: {  	s7 =	sshrl.u32 s7, $0x3  }
0x5c: {  	s9 =	sadd.s32 s5, s7  }
0x5d: {  	[tilespmem:s3], [sflag:$0x5] =	stream.linear.gather [hbm4b:s9+s3], $0x1000, $0x38;
	[tilespmem:$0xE400] =	vst v63  }
0x5e: {  	_ =	swait.ge [sflag:s23], $0x1000  }
0x5f: {  	[sflag:s23] =	ssyncset.done $0x0  }
0x60: {  	s7 =	sadd.s32 s6, s7;
	[sflag:s23] =	ssyncadd.s32 $0xFFFFF000  }
0x61: {  	[tilespmem:s24], [sflag:$0x5] =	stream.linear.gather [hbm4b:s7+s3], $0x1000, $0x38;
	[tilespmem:$0xE400] =	vst v63  }
0x62: {  	_ =	swait.ge [sflag:s23], $0x1000  }
0x63: {  	[sflag:s23] =	ssyncset.done $0x0  }
0x64: {  	[sflag:s23] =	ssyncadd.s32 $0xFFFFF000  }
0x65: {  	v3 =	vld.idx.msk [tilespmem:v0+s24+$0x0], $0xffff  }
0x66: {  	v4 =	vld.idx.msk [tilespmem:v1+s24+$0x0], $0xffff;
	_ =	sdelay $0x3  }
0x67: {  	vm0 =	vlt.s32 v3, $0x1388  }
0x68: {  	vm15 =	vlt.s32 v4, $0x1388;
	v3 =	vsel vm0, $0x1, v2  }
0x69: {  	(xrf0) =	vadd.scan.msk.s32 $0xffff, v3;
	v3 =	vsel vm15, $0x1, v2  }
0x6a: {  	(xrf0) =	vadd.scan.msk.s32 $0xffff, v3;
	_ =	sdelay $0x4  }
0x6b: {  	v3, _, _ =	vpop (xrf0)  }
0x6c: {  	(v2sf) =	vpush v3, $0xF;
	v3, _, _ =	vpop (xrf0)  }
0x6d: {  	(v2sf) =	vpush v3, $0xF;
	_ =	sdelay $0xd  }
0x6e: {  	s15 =	spop (v2sf)  }
0x6f: {  	s16 =	spop (v2sf)  }
0x70: {  	s7 =	sadd.s32 s15, s16  }
0x71: {  	s9 =	sadd.s32 $0x1, s7;
	p0 =	slt.u32 s7, $0x7FFFFFFF;
	s7 =	simm.s32 $0x1  }
0x72: {  	s7 =	simm.s32 @!p0 $0x0;
	s11 =	sshra.s32 s9, $0x1F  }
0x73: {  	s17 =	sand.u32 $0x1, s9;
	s7 =	sadd.s32 s7, s11  }
0x74: {  	p1 =	seq.s32 s17, $0x1;
	p6 =	sne.s32 s7, $0x1  }
0x75: {  	s18 =	sshrl.u32 s9, $0x1F;
	p0 =	por !p6, !p1  }
0x76: {  	s7 =	sadd.s32 s18, s9;
	s9 =	simm.s32 $0x1;
	p0 =	por !p0, !p0  }
0x77: {  	s7 =	sshra.s32 s7, $0x1;
	s9 =	simm.s32 @!p0 $0x0  }
0x78: {  	s7 =	ssub.s32 s7, s9  }
0x79: {  	p0 =	slt.s32 s7, $0x1  }
.Ltmp4:
0x7a: {  	_ = 	snop;
	(pc) =	sbr.rel @p0 .LBB2_6-.Ltmp4, $1  }
0x7b: {  	_ =	sdelay $0x3  }
0x7c: {  	s9 =	simm.s32 $0x0  }
0x7d: {  	[tilespmem:s22], [sflag:$0x1] =	stream.indirect.gather [hbm4b:s4+s26], $0x80, s9, s26, $0xb8;
	[tilespmem:$0xE400] =	vst v63  }
0x7e: {  	_ = 	snop  }
0x7f: {  	[tilespmem:s29], [sflag:$0x2] =	stream.indirect.gather [hbm4b:s4+s26], $0x80, s28, s26, $0xb8;
	[tilespmem:$0xE400] =	vst v63  }
0x80: {  	_ =	swait.ge [sflag:s25], $0x1000  }
0x81: {  	[sflag:s25] =	ssyncset.done $0x0  }
0x82: {  	s17 =	simm.s32 $0x1000;
	[sflag:s25] =	ssyncadd.s32 $0xFFFFF000  }
0x83: {  	[spmem:s2] =	stream.indirect.scatter.add.f32 [tilespmem:s22], [sflag:$0x3], $0x80, s17, s26, $0xb8;
	[tilespmem:$0xE400] =	vst v63  }
0x84: {  	_ =	swait.ge [sflag:s30], $0x1000  }
0x85: {  	[sflag:s30] =	ssyncset.done $0x0  }
0x86: {  	s18 =	simm.s32 $0x1080;
	[sflag:s30] =	ssyncadd.s32 $0xFFFFF000  }
0x87: {  	[spmem:s2] =	stream.indirect.scatter.add.f32 [tilespmem:s29], [sflag:$0x4], $0x80, s18, s26, $0xb8;
	[tilespmem:$0xE400] =	vst v63  }
0x88: {  	s9 =	sadd.s32 $0xFFFFFFFF, s7;
	_ =	swait.ge [sflag:s31], $0x1000  }
0x89: {  	p0 =	sle.s32 s9, $0x0;
	[sflag:s31] =	ssyncset.done $0x0  }
0x8a: {  	s11 =	simm.s32 @p0 $0x4;
	[sflag:s31] =	ssyncadd.s32 $0xFFFFF000  }
0x8b: {  	p1 =	sne.s32 s7, $0x1;
	s14 =	simm.s32 @!p0 $0x4;
	_ =	swait.ge @p0 [sflag:s11], $0x1000  }
0x8c: {  	s15 =	simm.s32 @!p0 $0x20;
	s12 =	simm.s32 @!p0 $0x2000;
	[sflag:s11] =	ssyncset.done @p0 $0x0  }
.Ltmp5:
0x8d: {  	[sflag:s11] =	ssyncadd.s32 @p0 $0xFFFFF000;
	s11 =	simm.s32 @!p0 $0x100;
	(pc) =	sbr.rel @!p1 .LBB2_5-.Ltmp5, $4  }
0x8e: {  	[tilespmem:s12], [sflag:$0x1] =	stream.indirect.gather @!p0 [hbm4b:s4+s15], $0x80, s11, s15, $0xb8;
	[tilespmem:$0xE400] =	vst v63  }
0x8f: {  	s13 =	simm.s32 $0x180;
	_ =	swait.ge @!p0 [sflag:s14], $0x1000  }
0x90: {  	s16 =	simm.s32 @!p0 $0x3000;
	s11 =	simm.s32 $0x1;
	[sflag:s14] =	ssyncset.done @!p0 $0x0  }
0x91: {  	s12 =	simm.s32 $0x1180;
	[sflag:s14] =	ssyncadd.s32 @!p0 $0xFFFFF000;
	s14 =	simm.s32 $0x280  }
.LBB2_4:
0x92: {  	[tilespmem:s16], [sflag:$0x2] =	stream.indirect.gather @!p0 [hbm4b:s4+s15], $0x80, s13, s15, $0xb8;
	[tilespmem:$0xE400] =	vst v63  }
0x93: {  	s15 =	smov.u32 s11;
	s11 =	sadd.s32 $0x1, s11;
	_ =	swait.ge [sflag:s25], $0x1000  }
0x94: {  	s13 =	smov.u32 s14;
	p1 =	sne.s32 s7, s11;
	[sflag:s25] =	ssyncset.done $0x0  }
0x95: {  	s16 =	sadd.s32 $0xFFFFFF80, s12;
	[sflag:s25] =	ssyncadd.s32 $0xFFFFF000  }
0x96: {  	[spmem:s2] =	stream.indirect.scatter.add.f32 [tilespmem:s22], [sflag:$0x3], $0x80, s16, s26, $0xb8;
	[tilespmem:$0xE400] =	vst v63  }
0x97: {  	_ =	swait.ge [sflag:s30], $0x1000  }
0x98: {  	[sflag:s30] =	ssyncset.done $0x0  }
0x99: {  	[sflag:s30] =	ssyncadd.s32 $0xFFFFF000  }
0x9a: {  	[spmem:s2] =	stream.indirect.scatter.add.f32 [tilespmem:s29], [sflag:$0x4], $0x80, s12, s26, $0xb8;
	[tilespmem:$0xE400] =	vst v63  }
0x9b: {  	_ =	swait.ge [sflag:s31], $0x1000  }
0x9c: {  	p0 =	sge.s32 s15, s9;
	[sflag:s31] =	ssyncset.done $0x0  }
0x9d: {  	s16 =	simm.s32 @p0 $0x4;
	[sflag:s31] =	ssyncadd.s32 $0xFFFFF000  }
0x9e: {  	s17 =	simm.s32 @!p0 $0x4;
	_ =	swait.ge @p0 [sflag:s16], $0x1000  }
0x9f: {  	s15 =	simm.s32 @!p0 $0x20;
	s18 =	simm.s32 @!p0 $0x2000;
	[sflag:s16] =	ssyncset.done @p0 $0x0  }
.Ltmp6:
0xa0: {  	[sflag:s16] =	ssyncadd.s32 @p0 $0xFFFFF000;
	s16 =	sadd.s32 @!p0 $0xFFFFFF80, s14;
	(pc) =	sbr.rel @p1 .LBB2_4-.Ltmp6, $4  }
0xa1: {  	[tilespmem:s18], [sflag:$0x1] =	stream.indirect.gather @!p0 [hbm4b:s4+s15], $0x80, s16, s15, $0xb8;
	[tilespmem:$0xE400] =	vst v63  }
0xa2: {  	_ =	swait.ge @!p0 [sflag:s17], $0x1000  }
0xa3: {  	s12 =	sadd.s32 $0x100, s12;
	[sflag:s17] =	ssyncset.done @!p0 $0x0  }
0xa4: {  	s14 =	sadd.s32 $0x100, s14;
	s16 =	simm.s32 @!p0 $0x3000;
	[sflag:s17] =	ssyncadd.s32 @!p0 $0xFFFFF000  }
.Ltmp7:
0xa5: {  	_ = 	snop;
	(pc) =	sbr.rel .LBB2_5-.Ltmp7, $1  }
0xa6: {  	_ =	sdelay $0x3  }
.LBB2_8:
0xa7: {  	_ =	sfence.sel $0x180000  }
0xa8: {  	[bflag:$0x0] =	sbarrier.arrive $0xFFFF  }
0xa9: {  	_ =	strace $0x90000056  }
0xaa: {  	s0 =	stileid.u32;
	[bflag:$0x2] =	sbarrier.arrive $0xFFFF  }
0xab: {  	p0 =	sne.s32 s0, $0x0;
	s0 =	rddreg [dreg:$0x3]  }
0xac: {  	s0 =	sadd.s32 @!p0 $0x100000, s0  }
0xad: {  	[sflag:s0] =	ssyncadd.tile.s32 @!p0 $0x1;
	_ =	shalt  }
.Lfunc_end2:
_tile_overlayer_lowered:
.L_overlay_start_2:
0xae: {  	(tag) =	ssettag $0x2  }
0xaf: {  	s0 =	rddreg [dreg:$0x0];
	s2 =	stileid.u32  }
0xb0: {  	s1 =	rddreg [dreg:$0x1];
	p0 =	sne.s32 s2, $0x0  }
0xb1: {  	s3 =	rddreg [dreg:$0x2];
	[bflag:$0x3] =	sbarrier.arrive $0xFFFF;
	s2 =	simm.s32 @!p0 $0x1C05  }
0xb2: {  	[timem:s3], [sflag:s2] =	dma.local @!p0 [hbm:s0], s1  }
0xb3: {  	s0 =	simm.s32 @!p0 $0x5  }
0xb4: {  	_ =	swait.ge @!p0 [sflag:s0], s1  }
0xb5: {  	s1 =	ssub.s32 @!p0 $0x0, s1;
	[sflag:s0] =	ssyncset.done @!p0 $0x0  }
0xb6: {  	[sflag:s0] =	ssyncadd.s32 @!p0 s1  }
0xb7: {  	[bflag:$0x3] =	sbarrier.arrive $0xFFFF  }
0xb8: {  	_ =	shalt  }

</sc_bundles>
